<compile_context>
chip_gen: v7x
topology: tpu7x:2x2x1
jax: 0.10.2.dev20260603
libtpu: 0.0.44.dev20260713+nightly
codegen_flags: <defaults>
</compile_context>

<pallas_src>
import jax
import jax.numpy as jnp
from jax import lax
from jax.experimental import pallas as pl
from jax.experimental.pallas import tpu as pltpu
from jax.experimental.pallas import tpu_sc as plsc

RES1 = 513
CH = 32
NPTS = 262144
HW = RES1 * RES1
LAST = RES1 - 1

L = 16
NC, NS = 2, 16
NW = NC * NS
PPW = NPTS // NW
B = 64
NCHUNK = PPW // B

PLANE_AXES = ((0, 1), (1, 2), (0, 2))


def _tri_plane_body(xyz, table, out,
                    xyzv0, xyzv1, w0, w1, idx0, idx1, rows0, rows1,
                    outv0, outv1,
                    semg0, semg1, semx0, semx1, semo0, semo1):
    xyzv = (xyzv0, xyzv1)
    wv = (w0, w1)
    idxv = (idx0, idx1)
    rowsv = (rows0, rows1)
    outv = (outv0, outv1)
    semg = (semg0, semg1)
    semx = (semx0, semx1)
    semo = (semo0, semo1)

    wid = lax.axis_index("s") * NC + lax.axis_index("c")
    wbase = wid * PPW

    def phase_a(q):
        @plsc.parallel_loop(0, B // L, 1, unroll=2)
        def idx_body(g):
            sl = pl.ds(g * L, L)
            rvec = g * L + lax.iota(jnp.int32, L)
            i0s, i1s = [], []
            for d in range(3):
                v = plsc.load_gather(
                    xyzv[q], [rvec, jnp.full((L,), d, jnp.int32)])
                f = jnp.clip((v + 1.0) * (0.5 * LAST), 0.0, float(LAST))
                i0 = f.astype(jnp.int32)
                wv[q][d, sl] = f - i0.astype(jnp.float32)
                i0s.append(i0)
                i1s.append(jnp.minimum(i0 + 1, LAST))
            for p, (a, b) in enumerate(PLANE_AXES):
                r0 = i0s[b] * RES1 + (p * HW)
                r1 = i1s[b] * RES1 + (p * HW)
                idxv[q][4 * p + 0, sl] = r0 + i0s[a]
                idxv[q][4 * p + 1, sl] = r0 + i1s[a]
                idxv[q][4 * p + 2, sl] = r1 + i0s[a]
                idxv[q][4 * p + 3, sl] = r1 + i1s[a]

    def gather_copies(q, table_ref):
        return [
            pltpu.make_async_copy(
                table_ref.at[idxv[q].at[j]], rowsv[q].at[j], semg[q])
            for j in range(12)
        ]

    def blend(q):
        @plsc.parallel_loop(0, B, 1, unroll=4)
        def _pt(t):
            tvec = jnp.full((L,), t, jnp.int32)
            w = [
                plsc.load_gather(
                    wv[q], [jnp.full((L,), d, jnp.int32), tvec])
                for d in range(3)
            ]
            for p, (a, b) in enumerate(PLANE_AXES):
                wa = w[a]
                wb = w[b]
                for h in range(CH // L):
                    cs = pl.ds(h * L, L)
                    v00 = rowsv[q][4 * p + 0, t, cs]
                    v01 = rowsv[q][4 * p + 1, t, cs]
                    v10 = rowsv[q][4 * p + 2, t, cs]
                    v11 = rowsv[q][4 * p + 3, t, cs]
                    top = v00 + wa * (v01 - v00)
                    bot = v10 + wa * (v11 - v10)
                    outv[q][t, pl.ds(p * CH + h * L, L)] = (
                        top + wb * (bot - top))

    pltpu.sync_copy(xyz.at[pl.ds(wbase, B)], xyzv[0])
    phase_a(0)
    for cp in gather_copies(0, table):
        cp.start()
    pltpu.async_copy(xyz.at[pl.ds(wbase + B, B)], xyzv[1], semx[1])

    def one_chunk(k, par):
        opar = 1 - par

        @pl.when(k + 1 < NCHUNK)
        def _():
            pltpu.make_async_copy(
                xyz.at[pl.ds(wbase + (k + 1) * B, B)], xyzv[opar],
                semx[opar]).wait()
            phase_a(opar)
            for cp in gather_copies(opar, table):
                cp.start()

        @pl.when(k + 2 < NCHUNK)
        def _():
            pltpu.async_copy(
                xyz.at[pl.ds(wbase + (k + 2) * B, B)], xyzv[par], semx[par])

        for cp in gather_copies(par, table):
            cp.wait()

        blend(par)

        @pl.when(k >= 2)
        def _():
            pltpu.make_async_copy(
                outv[par], out.at[pl.ds(wbase + (k - 2) * B, B)],
                semo[par]).wait()

        pltpu.async_copy(
            outv[par], out.at[pl.ds(wbase + k * B, B)], semo[par])

    def pair_body(k2, carry):
        one_chunk(2 * k2, 0)
        one_chunk(2 * k2 + 1, 1)
        return carry

    lax.fori_loop(0, NCHUNK // 2, pair_body, 0, unroll=False)

    pltpu.make_async_copy(
        outv[0], out.at[pl.ds(wbase + (NCHUNK - 2) * B, B)], semo[0]).wait()
    pltpu.make_async_copy(
        outv[1], out.at[pl.ds(wbase + (NCHUNK - 1) * B, B)], semo[1]).wait()


@jax.jit
def _tri_plane_sc(xyz, table):
    mesh = plsc.VectorSubcoreMesh(core_axis_name="c", subcore_axis_name="s")
    return pl.kernel(
        _tri_plane_body,
        mesh=mesh,
        compiler_params=pltpu.CompilerParams(
            needs_layout_passes=False, use_tc_tiling_on_sc=False,
            disable_bounds_checks=True),
        out_type=jax.ShapeDtypeStruct((NPTS, 3 * CH), jnp.float32),
        scratch_types=[
            pltpu.VMEM((B, 3), jnp.float32),
            pltpu.VMEM((B, 3), jnp.float32),
            pltpu.VMEM((3, B), jnp.float32),
            pltpu.VMEM((3, B), jnp.float32),
            pltpu.VMEM((12, B), jnp.int32),
            pltpu.VMEM((12, B), jnp.int32),
            pltpu.VMEM((12, B, CH), jnp.float32),
            pltpu.VMEM((12, B, CH), jnp.float32),
            pltpu.VMEM((B, 3 * CH), jnp.float32),
            pltpu.VMEM((B, 3 * CH), jnp.float32),
            pltpu.SemaphoreType.DMA,
            pltpu.SemaphoreType.DMA,
            pltpu.SemaphoreType.DMA,
            pltpu.SemaphoreType.DMA,
            pltpu.SemaphoreType.DMA,
            pltpu.SemaphoreType.DMA,
        ],
    )(xyz, table)


def kernel(xyz, xy, yz, xz):
    table = (
        jnp.stack([xy, yz, xz])
        .transpose(0, 2, 3, 1)
        .reshape(3 * HW, CH)
    )
    return _tri_plane_sc(xyz, table)

# --- scband reference (transcript-rebuilt; emitter-appended) ---
"""Pipeline reference for scband-tri-plane-embedding-63934883168881 (READ-ONLY COPY).

The authoritative reference and input builder live on the scoring server;
editing this copy changes nothing except your own understanding.
"""

import jax, jax.numpy as jnp
import numpy as np

RES = 512
CH = 32
N = 262144


def setup_inputs(seed: int = 0) -> dict:
    key = jax.random.key(seed)
    k1, k2, k3, k4 = jax.random.split(key, 4)
    xyz = jax.random.uniform(k1, (N, 3), dtype=jnp.float32)
    xy = jax.random.normal(k2, (CH, RES + 1, RES + 1), dtype=jnp.float32) * 0.01
    yz = jax.random.normal(k3, (CH, RES + 1, RES + 1), dtype=jnp.float32) * 0.01
    xz = jax.random.normal(k4, (CH, RES + 1, RES + 1), dtype=jnp.float32) * 0.01
    return {"xyz": xyz, "xy": xy, "yz": yz, "xz": xz}


def _grid_sample_bilinear(plane, coords):
    # plane: [C, H, W]; coords: [N, 2] with (x, y) in [-1, 1]
    # Faithful to F.grid_sample(align_corners=True, padding_mode='border', mode='bilinear')
    C, H, W = plane.shape
    x = (coords[:, 0] + 1.0) * 0.5 * (W - 1)
    y = (coords[:, 1] + 1.0) * 0.5 * (H - 1)
    # border padding: clip source coordinates to valid range
    x = jnp.clip(x, 0.0, float(W - 1))
    y = jnp.clip(y, 0.0, float(H - 1))
    x0 = jnp.floor(x)
    y0 = jnp.floor(y)
    wx = (x - x0)[:, None]
    wy = (y - y0)[:, None]
    x0i = x0.astype(jnp.int32)
    y0i = y0.astype(jnp.int32)
    x1i = jnp.minimum(x0i + 1, W - 1)
    y1i = jnp.minimum(y0i + 1, H - 1)
    p = jnp.transpose(plane, (1, 2, 0))  # [H, W, C]
    v00 = p[y0i, x0i]
    v01 = p[y0i, x1i]
    v10 = p[y1i, x0i]
    v11 = p[y1i, x1i]
    out = (v00 * (1.0 - wx) * (1.0 - wy)
           + v01 * wx * (1.0 - wy)
           + v10 * (1.0 - wx) * wy
           + v11 * wx * wy)
    return out  # [N, C]


def reference(xyz, xy, yz, xz):
    fxy = _grid_sample_bilinear(xy, xyz[:, jnp.array([0, 1])])
    fyz = _grid_sample_bilinear(yz, xyz[:, jnp.array([1, 2])])
    fxz = _grid_sample_bilinear(xz, xyz[:, jnp.array([0, 2])])
    return jnp.concatenate([fxy, fyz, fxz], axis=-1)

if __name__ == "__main__":
    import jax
    _d = setup_inputs()
    print(jax.jit(kernel)(*tuple(_d.values())))

</pallas_src>

<mosaic_0001>
#map = affine_map<(d0, d1) -> (0, 0)>
module attributes {stable_mosaic.version = 14 : i64} {
  func.func @_tri_plane_body(%arg0: i32, %arg1: i32, %arg2: memref<262144x3xf32, #tpu.memory_space<hbm>>, %arg3: memref<789507x32xf32, #tpu.memory_space<hbm>>, %arg4: memref<262144x96xf32, #tpu.memory_space<hbm>>, %arg5: memref<64x3xf32, #tpu.memory_space<vmem>>, %arg6: memref<64x3xf32, #tpu.memory_space<vmem>>, %arg7: memref<3x64xf32, #tpu.memory_space<vmem>>, %arg8: memref<3x64xf32, #tpu.memory_space<vmem>>, %arg9: memref<12x64xi32, #tpu.memory_space<vmem>>, %arg10: memref<12x64xi32, #tpu.memory_space<vmem>>, %arg11: memref<12x64x32xf32, #tpu.memory_space<vmem>>, %arg12: memref<12x64x32xf32, #tpu.memory_space<vmem>>, %arg13: memref<64x96xf32, #tpu.memory_space<vmem>>, %arg14: memref<64x96xf32, #tpu.memory_space<vmem>>, %arg15: memref<!tpu.dma_semaphore, #tpu.memory_space<semaphore_mem>>, %arg16: memref<!tpu.dma_semaphore, #tpu.memory_space<semaphore_mem>>, %arg17: memref<!tpu.dma_semaphore, #tpu.memory_space<semaphore_mem>>, %arg18: memref<!tpu.dma_semaphore, #tpu.memory_space<semaphore_mem>>, %arg19: memref<!tpu.dma_semaphore, #tpu.memory_space<semaphore_mem>>, %arg20: memref<!tpu.dma_semaphore, #tpu.memory_space<semaphore_mem>>) attributes {dimension_semantics = [#tpu.dimension_semantics<core_parallel>, #tpu.dimension_semantics<subcore_parallel>], iteration_bounds = array<i64: 2, 16>, scalar_prefetch = 0 : i64, scratch_operands = 16 : i64, tpu.core_type = #tpu.core_type<sc_vector_subcore>, window_params = [{transform_indices = #map}, {transform_indices = #map}, {transform_indices = #map}]} {
    %mul3A = arith.constant 2 : i32
    %mul3A_0 = arith.muli %arg1, %mul3A : i32
    %add3A = arith.addi %mul3A_0, %arg0 : i32
    %mul3A_1 = arith.constant 8192 : i32
    %mul3A_2 = arith.muli %add3A, %mul3A_1 : i32
    "tpu.region"() ({
      %run_scoped3A = tpu.sem_alloc : memref<!tpu.dma_semaphore, #tpu.memory_space<semaphore_mem>>
      %dma_start3A_170 = arith.constant 0 : i32
      %dma_start3A_171 = tpu.memref_slice %arg2[%mul3A_2, %dma_start3A_170] : memref<262144x3xf32, #tpu.memory_space<hbm>> -> memref<64x3xf32, #tpu.memory_space<hbm>>
      %dma_start3A_172 = arith.constant 0 : i32
      %dma_start3A_173 = tpu.memref_slice %arg2[%mul3A_2, %dma_start3A_172] : memref<262144x3xf32, #tpu.memory_space<hbm>> -> memref<64x3xf32, #tpu.memory_space<hbm>>
      tpu.enqueue_dma source(%dma_start3A_173 : memref<64x3xf32, #tpu.memory_space<hbm>>) target(%arg5 : memref<64x3xf32, #tpu.memory_space<vmem>>) target_semaphore(%run_scoped3A : memref<!tpu.dma_semaphore, #tpu.memory_space<semaphore_mem>>)
      %dma_wait3A_174 = arith.constant 0 : i32
      %dma_wait3A_175 = tpu.memref_slice %arg2[%mul3A_2, %dma_wait3A_174] : memref<262144x3xf32, #tpu.memory_space<hbm>> -> memref<64x3xf32, #tpu.memory_space<hbm>>
      %dma_wait3A_176 = arith.constant 0 : i32
      %dma_wait3A_177 = tpu.memref_slice %arg2[%mul3A_2, %dma_wait3A_176] : memref<262144x3xf32, #tpu.memory_space<hbm>> -> memref<64x3xf32, #tpu.memory_space<hbm>>
      tpu.wait_dma2 semaphore(%run_scoped3A : memref<!tpu.dma_semaphore, #tpu.memory_space<semaphore_mem>>) src(%dma_wait3A_177 : memref<64x3xf32, #tpu.memory_space<hbm>>) dst(%arg5 : memref<64x3xf32, #tpu.memory_space<vmem>>)
      tpu.yield
    }) : () -> ()
    %parallel_loop3A = arith.constant 0 : i32
    %parallel_loop3A_3 = arith.constant 4 : i32
    %parallel_loop3A_4 = arith.constant 1 : i32
    scf.for %parallel_loop3A_170 = %parallel_loop3A to %parallel_loop3A_3 step %parallel_loop3A_4  : i32 {
      %parallel_loop3A_171 = arith.constant 16 : i32
      %parallel_loop3A_172 = arith.muli %parallel_loop3A_170, %parallel_loop3A_171 : i32
      %parallel_loop3A_173 = arith.constant 16 : i32
      %parallel_loop3A_174 = arith.muli %parallel_loop3A_170, %parallel_loop3A_173 : i32
      %parallel_loop3A_175 = tpu.iota {dimensions = array<i32: 0>} : vector<16xi32>
      %parallel_loop3A_176 = vector.broadcast %parallel_loop3A_174 : i32 to vector<16xi32>
      %parallel_loop3A_177 = arith.addi %parallel_loop3A_176, %parallel_loop3A_175 : vector<16xi32>
      %parallel_loop3A_178 = arith.constant 0 : i32
      %parallel_loop3A_179 = vector.broadcast %parallel_loop3A_178 : i32 to vector<16xi32>
      %parallel_loop3A_180 = tpu.vector_load_idx %arg5[%parallel_loop3A_177, %parallel_loop3A_179] : memref<64x3xf32, #tpu.memory_space<vmem>>[vector<16xi32>, vector<16xi32>], vector<16xf32>,
      %parallel_loop3A_181 = arith.constant 1.000000e+00 : f32
      %parallel_loop3A_182 = vector.broadcast %parallel_loop3A_181 : f32 to vector<16xf32>
      %parallel_loop3A_183 = arith.addf %parallel_loop3A_180, %parallel_loop3A_182 : vector<16xf32>
      %parallel_loop3A_184 = arith.constant 2.560000e+02 : f32
      %parallel_loop3A_185 = vector.broadcast %parallel_loop3A_184 : f32 to vector<16xf32>
      %parallel_loop3A_186 = arith.mulf %parallel_loop3A_183, %parallel_loop3A_185 : vector<16xf32>
      %parallel_loop3A_187 = arith.constant 0.000000e+00 : f32
      %parallel_loop3A_188 = arith.constant 5.120000e+02 : f32
      %parallel_loop3A_189 = vector.broadcast %parallel_loop3A_187 : f32 to vector<16xf32>
      %parallel_loop3A_190 = arith.maximumf %parallel_loop3A_189, %parallel_loop3A_186 : vector<16xf32>
      %parallel_loop3A_191 = vector.broadcast %parallel_loop3A_188 : f32 to vector<16xf32>
      %parallel_loop3A_192 = arith.minimumf %parallel_loop3A_191, %parallel_loop3A_190 : vector<16xf32>
      %parallel_loop3A_193 = arith.fptosi %parallel_loop3A_192 : vector<16xf32> to vector<16xi32>
      %parallel_loop3A_194 = arith.sitofp %parallel_loop3A_193 : vector<16xi32> to vector<16xf32>
      %parallel_loop3A_195 = arith.subf %parallel_loop3A_192, %parallel_loop3A_194 : vector<16xf32>
      %parallel_loop3A_196 = arith.constant 0 : i32
      %parallel_loop3A_197 = arith.index_cast %parallel_loop3A_196 : i32 to index
      %parallel_loop3A_198 = arith.index_cast %parallel_loop3A_172 : i32 to index
      %parallel_loop3A_199 = tpu.vector_load %arg7[%parallel_loop3A_197, %parallel_loop3A_198] {strides = array<i32>} : memref<3x64xf32, #tpu.memory_space<vmem>>, vector<16xf32>,
      tpu.vector_store %arg7[%parallel_loop3A_197, %parallel_loop3A_198], %parallel_loop3A_195 {strides = array<i32>} : memref<3x64xf32, #tpu.memory_space<vmem>>, vector<16xf32>,
      %parallel_loop3A_200 = arith.constant 1 : i32
      %parallel_loop3A_201 = vector.broadcast %parallel_loop3A_200 : i32 to vector<16xi32>
      %parallel_loop3A_202 = arith.addi %parallel_loop3A_193, %parallel_loop3A_201 : vector<16xi32>
      %parallel_loop3A_203 = arith.constant 512 : i32
      %parallel_loop3A_204 = vector.broadcast %parallel_loop3A_203 : i32 to vector<16xi32>
      %parallel_loop3A_205 = arith.minsi %parallel_loop3A_202, %parallel_loop3A_204 : vector<16xi32>
      %parallel_loop3A_206 = arith.constant 1 : i32
      %parallel_loop3A_207 = vector.broadcast %parallel_loop3A_206 : i32 to vector<16xi32>
      %parallel_loop3A_208 = tpu.vector_load_idx %arg5[%parallel_loop3A_177, %parallel_loop3A_207] : memref<64x3xf32, #tpu.memory_space<vmem>>[vector<16xi32>, vector<16xi32>], vector<16xf32>,
      %parallel_loop3A_209 = arith.constant 1.000000e+00 : f32
      %parallel_loop3A_210 = vector.broadcast %parallel_loop3A_209 : f32 to vector<16xf32>
      %parallel_loop3A_211 = arith.addf %parallel_loop3A_208, %parallel_loop3A_210 : vector<16xf32>
      %parallel_loop3A_212 = arith.constant 2.560000e+02 : f32
      %parallel_loop3A_213 = vector.broadcast %parallel_loop3A_212 : f32 to vector<16xf32>
      %parallel_loop3A_214 = arith.mulf %parallel_loop3A_211, %parallel_loop3A_213 : vector<16xf32>
      %parallel_loop3A_215 = arith.constant 0.000000e+00 : f32
      %parallel_loop3A_216 = arith.constant 5.120000e+02 : f32
      %parallel_loop3A_217 = vector.broadcast %parallel_loop3A_215 : f32 to vector<16xf32>
      %parallel_loop3A_218 = arith.maximumf %parallel_loop3A_217, %parallel_loop3A_214 : vector<16xf32>
      %parallel_loop3A_219 = vector.broadcast %parallel_loop3A_216 : f32 to vector<16xf32>
      %parallel_loop3A_220 = arith.minimumf %parallel_loop3A_219, %parallel_loop3A_218 : vector<16xf32>
      %parallel_loop3A_221 = arith.fptosi %parallel_loop3A_220 : vector<16xf32> to vector<16xi32>
      %parallel_loop3A_222 = arith.sitofp %parallel_loop3A_221 : vector<16xi32> to vector<16xf32>
      %parallel_loop3A_223 = arith.subf %parallel_loop3A_220, %parallel_loop3A_222 : vector<16xf32>
      %parallel_loop3A_224 = arith.constant 1 : i32
      %parallel_loop3A_225 = arith.index_cast %parallel_loop3A_224 : i32 to index
      %parallel_loop3A_226 = arith.index_cast %parallel_loop3A_172 : i32 to index
      %parallel_loop3A_227 = tpu.vector_load %arg7[%parallel_loop3A_225, %parallel_loop3A_226] {strides = array<i32>} : memref<3x64xf32, #tpu.memory_space<vmem>>, vector<16xf32>,
      tpu.vector_store %arg7[%parallel_loop3A_225, %parallel_loop3A_226], %parallel_loop3A_223 {strides = array<i32>} : memref<3x64xf32, #tpu.memory_space<vmem>>, vector<16xf32>,
      %parallel_loop3A_228 = arith.constant 1 : i32
      %parallel_loop3A_229 = vector.broadcast %parallel_loop3A_228 : i32 to vector<16xi32>
      %parallel_loop3A_230 = arith.addi %parallel_loop3A_221, %parallel_loop3A_229 : vector<16xi32>
      %parallel_loop3A_231 = arith.constant 512 : i32
      %parallel_loop3A_232 = vector.broadcast %parallel_loop3A_231 : i32 to vector<16xi32>
      %parallel_loop3A_233 = arith.minsi %parallel_loop3A_230, %parallel_loop3A_232 : vector<16xi32>
      %parallel_loop3A_234 = arith.constant 2 : i32
      %parallel_loop3A_235 = vector.broadcast %parallel_loop3A_234 : i32 to vector<16xi32>
      %parallel_loop3A_236 = tpu.vector_load_idx %arg5[%parallel_loop3A_177, %parallel_loop3A_235] : memref<64x3xf32, #tpu.memory_space<vmem>>[vector<16xi32>, vector<16xi32>], vector<16xf32>,
      %parallel_loop3A_237 = arith.constant 1.000000e+00 : f32
      %parallel_loop3A_238 = vector.broadcast %parallel_loop3A_237 : f32 to vector<16xf32>
      %parallel_loop3A_239 = arith.addf %parallel_loop3A_236, %parallel_loop3A_238 : vector<16xf32>
      %parallel_loop3A_240 = arith.constant 2.560000e+02 : f32
      %parallel_loop3A_241 = vector.broadcast %parallel_loop3A_240 : f32 to vector<16xf32>
      %parallel_loop3A_242 = arith.mulf %parallel_loop3A_239, %parallel_loop3A_241 : vector<16xf32>
      %parallel_loop3A_243 = arith.constant 0.000000e+00 : f32
      %parallel_loop3A_244 = arith.constant 5.120000e+02 : f32
      %parallel_loop3A_245 = vector.broadcast %parallel_loop3A_243 : f32 to vector<16xf32>
      %parallel_loop3A_246 = arith.maximumf %parallel_loop3A_245, %parallel_loop3A_242 : vector<16xf32>
      %parallel_loop3A_247 = vector.broadcast %parallel_loop3A_244 : f32 to vector<16xf32>
      %parallel_loop3A_248 = arith.minimumf %parallel_loop3A_247, %parallel_loop3A_246 : vector<16xf32>
      %parallel_loop3A_249 = arith.fptosi %parallel_loop3A_248 : vector<16xf32> to vector<16xi32>
      %parallel_loop3A_250 = arith.sitofp %parallel_loop3A_249 : vector<16xi32> to vector<16xf32>
      %parallel_loop3A_251 = arith.subf %parallel_loop3A_248, %parallel_loop3A_250 : vector<16xf32>
      %parallel_loop3A_252 = arith.constant 2 : i32
      %parallel_loop3A_253 = arith.index_cast %parallel_loop3A_252 : i32 to index
      %parallel_loop3A_254 = arith.index_cast %parallel_loop3A_172 : i32 to index
      %parallel_loop3A_255 = tpu.vector_load %arg7[%parallel_loop3A_253, %parallel_loop3A_254] {strides = array<i32>} : memref<3x64xf32, #tpu.memory_space<vmem>>, vector<16xf32>,
      tpu.vector_store %arg7[%parallel_loop3A_253, %parallel_loop3A_254], %parallel_loop3A_251 {strides = array<i32>} : memref<3x64xf32, #tpu.memory_space<vmem>>, vector<16xf32>,
      %parallel_loop3A_256 = arith.constant 1 : i32
      %parallel_loop3A_257 = vector.broadcast %parallel_loop3A_256 : i32 to vector<16xi32>
      %parallel_loop3A_258 = arith.addi %parallel_loop3A_249, %parallel_loop3A_257 : vector<16xi32>
      %parallel_loop3A_259 = arith.constant 512 : i32
      %parallel_loop3A_260 = vector.broadcast %parallel_loop3A_259 : i32 to vector<16xi32>
      %parallel_loop3A_261 = arith.minsi %parallel_loop3A_258, %parallel_loop3A_260 : vector<16xi32>
      %parallel_loop3A_262 = arith.constant 513 : i32
      %parallel_loop3A_263 = vector.broadcast %parallel_loop3A_262 : i32 to vector<16xi32>
      %parallel_loop3A_264 = arith.muli %parallel_loop3A_221, %parallel_loop3A_263 : vector<16xi32>
      %parallel_loop3A_265 = arith.constant 0 : i32
      %parallel_loop3A_266 = vector.broadcast %parallel_loop3A_265 : i32 to vector<16xi32>
      %parallel_loop3A_267 = arith.addi %parallel_loop3A_264, %parallel_loop3A_266 : vector<16xi32>
      %parallel_loop3A_268 = arith.constant 513 : i32
      %parallel_loop3A_269 = vector.broadcast %parallel_loop3A_268 : i32 to vector<16xi32>
      %parallel_loop3A_270 = arith.muli %parallel_loop3A_233, %parallel_loop3A_269 : vector<16xi32>
      %parallel_loop3A_271 = arith.constant 0 : i32
      %parallel_loop3A_272 = vector.broadcast %parallel_loop3A_271 : i32 to vector<16xi32>
      %parallel_loop3A_273 = arith.addi %parallel_loop3A_270, %parallel_loop3A_272 : vector<16xi32>
      %parallel_loop3A_274 = arith.addi %parallel_loop3A_267, %parallel_loop3A_193 : vector<16xi32>
      %parallel_loop3A_275 = arith.constant 0 : i32
      %parallel_loop3A_276 = arith.index_cast %parallel_loop3A_275 : i32 to index
      %parallel_loop3A_277 = arith.index_cast %parallel_loop3A_172 : i32 to index
      %parallel_loop3A_278 = tpu.vector_load %arg9[%parallel_loop3A_276, %parallel_loop3A_277] {strides = array<i32>} : memref<12x64xi32, #tpu.memory_space<vmem>>, vector<16xi32>,
      tpu.vector_store %arg9[%parallel_loop3A_276, %parallel_loop3A_277], %parallel_loop3A_274 {strides = array<i32>} : memref<12x64xi32, #tpu.memory_space<vmem>>, vector<16xi32>,
      %parallel_loop3A_279 = arith.addi %parallel_loop3A_267, %parallel_loop3A_205 : vector<16xi32>
      %parallel_loop3A_280 = arith.constant 1 : i32
      %parallel_loop3A_281 = arith.index_cast %parallel_loop3A_280 : i32 to index
      %parallel_loop3A_282 = arith.index_cast %parallel_loop3A_172 : i32 to index
      %parallel_loop3A_283 = tpu.vector_load %arg9[%parallel_loop3A_281, %parallel_loop3A_282] {strides = array<i32>} : memref<12x64xi32, #tpu.memory_space<vmem>>, vector<16xi32>,
      tpu.vector_store %arg9[%parallel_loop3A_281, %parallel_loop3A_282], %parallel_loop3A_279 {strides = array<i32>} : memref<12x64xi32, #tpu.memory_space<vmem>>, vector<16xi32>,
      %parallel_loop3A_284 = arith.addi %parallel_loop3A_273, %parallel_loop3A_193 : vector<16xi32>
      %parallel_loop3A_285 = arith.constant 2 : i32
      %parallel_loop3A_286 = arith.index_cast %parallel_loop3A_285 : i32 to index
      %parallel_loop3A_287 = arith.index_cast %parallel_loop3A_172 : i32 to index
      %parallel_loop3A_288 = tpu.vector_load %arg9[%parallel_loop3A_286, %parallel_loop3A_287] {strides = array<i32>} : memref<12x64xi32, #tpu.memory_space<vmem>>, vector<16xi32>,
      tpu.vector_store %arg9[%parallel_loop3A_286, %parallel_loop3A_287], %parallel_loop3A_284 {strides = array<i32>} : memref<12x64xi32, #tpu.memory_space<vmem>>, vector<16xi32>,
      %parallel_loop3A_289 = arith.addi %parallel_loop3A_273, %parallel_loop3A_205 : vector<16xi32>
      %parallel_loop3A_290 = arith.constant 3 : i32
      %parallel_loop3A_291 = arith.index_cast %parallel_loop3A_290 : i32 to index
      %parallel_loop3A_292 = arith.index_cast %parallel_loop3A_172 : i32 to index
      %parallel_loop3A_293 = tpu.vector_load %arg9[%parallel_loop3A_291, %parallel_loop3A_292] {strides = array<i32>} : memref<12x64xi32, #tpu.memory_space<vmem>>, vector<16xi32>,
      tpu.vector_store %arg9[%parallel_loop3A_291, %parallel_loop3A_292], %parallel_loop3A_289 {strides = array<i32>} : memref<12x64xi32, #tpu.memory_space<vmem>>, vector<16xi32>,
      %parallel_loop3A_294 = arith.constant 513 : i32
      %parallel_loop3A_295 = vector.broadcast %parallel_loop3A_294 : i32 to vector<16xi32>
      %parallel_loop3A_296 = arith.muli %parallel_loop3A_249, %parallel_loop3A_295 : vector<16xi32>
      %parallel_loop3A_297 = arith.constant 263169 : i32
      %parallel_loop3A_298 = vector.broadcast %parallel_loop3A_297 : i32 to vector<16xi32>
      %parallel_loop3A_299 = arith.addi %parallel_loop3A_296, %parallel_loop3A_298 : vector<16xi32>
      %parallel_loop3A_300 = arith.constant 513 : i32
      %parallel_loop3A_301 = vector.broadcast %parallel_loop3A_300 : i32 to vector<16xi32>
      %parallel_loop3A_302 = arith.muli %parallel_loop3A_261, %parallel_loop3A_301 : vector<16xi32>
      %parallel_loop3A_303 = arith.constant 263169 : i32
      %parallel_loop3A_304 = vector.broadcast %parallel_loop3A_303 : i32 to vector<16xi32>
      %parallel_loop3A_305 = arith.addi %parallel_loop3A_302, %parallel_loop3A_304 : vector<16xi32>
      %parallel_loop3A_306 = arith.addi %parallel_loop3A_299, %parallel_loop3A_221 : vector<16xi32>
      %parallel_loop3A_307 = arith.constant 4 : i32
      %parallel_loop3A_308 = arith.index_cast %parallel_loop3A_307 : i32 to index
      %parallel_loop3A_309 = arith.index_cast %parallel_loop3A_172 : i32 to index
      %parallel_loop3A_310 = tpu.vector_load %arg9[%parallel_loop3A_308, %parallel_loop3A_309] {strides = array<i32>} : memref<12x64xi32, #tpu.memory_space<vmem>>, vector<16xi32>,
      tpu.vector_store %arg9[%parallel_loop3A_308, %parallel_loop3A_309], %parallel_loop3A_306 {strides = array<i32>} : memref<12x64xi32, #tpu.memory_space<vmem>>, vector<16xi32>,
      %parallel_loop3A_311 = arith.addi %parallel_loop3A_299, %parallel_loop3A_233 : vector<16xi32>
      %parallel_loop3A_312 = arith.constant 5 : i32
      %parallel_loop3A_313 = arith.index_cast %parallel_loop3A_312 : i32 to index
      %parallel_loop3A_314 = arith.index_cast %parallel_loop3A_172 : i32 to index
      %parallel_loop3A_315 = tpu.vector_load %arg9[%parallel_loop3A_313, %parallel_loop3A_314] {strides = array<i32>} : memref<12x64xi32, #tpu.memory_space<vmem>>, vector<16xi32>,
      tpu.vector_store %arg9[%parallel_loop3A_313, %parallel_loop3A_314], %parallel_loop3A_311 {strides = array<i32>} : memref<12x64xi32, #tpu.memory_space<vmem>>, vector<16xi32>,
      %parallel_loop3A_316 = arith.addi %parallel_loop3A_305, %parallel_loop3A_221 : vector<16xi32>
      %parallel_loop3A_317 = arith.constant 6 : i32
      %parallel_loop3A_318 = arith.index_cast %parallel_loop3A_317 : i32 to index
      %parallel_loop3A_319 = arith.index_cast %parallel_loop3A_172 : i32 to index
      %parallel_loop3A_320 = tpu.vector_load %arg9[%parallel_loop3A_318, %parallel_loop3A_319] {strides = array<i32>} : memref<12x64xi32, #tpu.memory_space<vmem>>, vector<16xi32>,
      tpu.vector_store %arg9[%parallel_loop3A_318, %parallel_loop3A_319], %parallel_loop3A_316 {strides = array<i32>} : memref<12x64xi32, #tpu.memory_space<vmem>>, vector<16xi32>,
      %parallel_loop3A_321 = arith.addi %parallel_loop3A_305, %parallel_loop3A_233 : vector<16xi32>
      %parallel_loop3A_322 = arith.constant 7 : i32
      %parallel_loop3A_323 = arith.index_cast %parallel_loop3A_322 : i32 to index
      %parallel_loop3A_324 = arith.index_cast %parallel_loop3A_172 : i32 to index
      %parallel_loop3A_325 = tpu.vector_load %arg9[%parallel_loop3A_323, %parallel_loop3A_324] {strides = array<i32>} : memref<12x64xi32, #tpu.memory_space<vmem>>, vector<16xi32>,
      tpu.vector_store %arg9[%parallel_loop3A_323, %parallel_loop3A_324], %parallel_loop3A_321 {strides = array<i32>} : memref<12x64xi32, #tpu.memory_space<vmem>>, vector<16xi32>,
      %parallel_loop3A_326 = arith.constant 513 : i32
      %parallel_loop3A_327 = vector.broadcast %parallel_loop3A_326 : i32 to vector<16xi32>
      %parallel_loop3A_328 = arith.muli %parallel_loop3A_249, %parallel_loop3A_327 : vector<16xi32>
      %parallel_loop3A_329 = arith.constant 526338 : i32
      %parallel_loop3A_330 = vector.broadcast %parallel_loop3A_329 : i32 to vector<16xi32>
      %parallel_loop3A_331 = arith.addi %parallel_loop3A_328, %parallel_loop3A_330 : vector<16xi32>
      %parallel_loop3A_332 = arith.constant 513 : i32
      %parallel_loop3A_333 = vector.broadcast %parallel_loop3A_332 : i32 to vector<16xi32>
      %parallel_loop3A_334 = arith.muli %parallel_loop3A_261, %parallel_loop3A_333 : vector<16xi32>
      %parallel_loop3A_335 = arith.constant 526338 : i32
      %parallel_loop3A_336 = vector.broadcast %parallel_loop3A_335 : i32 to vector<16xi32>
      %parallel_loop3A_337 = arith.addi %parallel_loop3A_334, %parallel_loop3A_336 : vector<16xi32>
      %parallel_loop3A_338 = arith.addi %parallel_loop3A_331, %parallel_loop3A_193 : vector<16xi32>
      %parallel_loop3A_339 = arith.constant 8 : i32
      %parallel_loop3A_340 = arith.index_cast %parallel_loop3A_339 : i32 to index
      %parallel_loop3A_341 = arith.index_cast %parallel_loop3A_172 : i32 to index
      %parallel_loop3A_342 = tpu.vector_load %arg9[%parallel_loop3A_340, %parallel_loop3A_341] {strides = array<i32>} : memref<12x64xi32, #tpu.memory_space<vmem>>, vector<16xi32>,
      tpu.vector_store %arg9[%parallel_loop3A_340, %parallel_loop3A_341], %parallel_loop3A_338 {strides = array<i32>} : memref<12x64xi32, #tpu.memory_space<vmem>>, vector<16xi32>,
      %parallel_loop3A_343 = arith.addi %parallel_loop3A_331, %parallel_loop3A_205 : vector<16xi32>
      %parallel_loop3A_344 = arith.constant 9 : i32
      %parallel_loop3A_345 = arith.index_cast %parallel_loop3A_344 : i32 to index
      %parallel_loop3A_346 = arith.index_cast %parallel_loop3A_172 : i32 to index
      %parallel_loop3A_347 = tpu.vector_load %arg9[%parallel_loop3A_345, %parallel_loop3A_346] {strides = array<i32>} : memref<12x64xi32, #tpu.memory_space<vmem>>, vector<16xi32>,
      tpu.vector_store %arg9[%parallel_loop3A_345, %parallel_loop3A_346], %parallel_loop3A_343 {strides = array<i32>} : memref<12x64xi32, #tpu.memory_space<vmem>>, vector<16xi32>,
      %parallel_loop3A_348 = arith.addi %parallel_loop3A_337, %parallel_loop3A_193 : vector<16xi32>
      %parallel_loop3A_349 = arith.constant 10 : i32
      %parallel_loop3A_350 = arith.index_cast %parallel_loop3A_349 : i32 to index
      %parallel_loop3A_351 = arith.index_cast %parallel_loop3A_172 : i32 to index
      %parallel_loop3A_352 = tpu.vector_load %arg9[%parallel_loop3A_350, %parallel_loop3A_351] {strides = array<i32>} : memref<12x64xi32, #tpu.memory_space<vmem>>, vector<16xi32>,
      tpu.vector_store %arg9[%parallel_loop3A_350, %parallel_loop3A_351], %parallel_loop3A_348 {strides = array<i32>} : memref<12x64xi32, #tpu.memory_space<vmem>>, vector<16xi32>,
      %parallel_loop3A_353 = arith.addi %parallel_loop3A_337, %parallel_loop3A_205 : vector<16xi32>
      %parallel_loop3A_354 = arith.constant 11 : i32
      %parallel_loop3A_355 = arith.index_cast %parallel_loop3A_354 : i32 to index
      %parallel_loop3A_356 = arith.index_cast %parallel_loop3A_172 : i32 to index
      %parallel_loop3A_357 = tpu.vector_load %arg9[%parallel_loop3A_355, %parallel_loop3A_356] {strides = array<i32>} : memref<12x64xi32, #tpu.memory_space<vmem>>, vector<16xi32>,
      tpu.vector_store %arg9[%parallel_loop3A_355, %parallel_loop3A_356], %parallel_loop3A_353 {strides = array<i32>} : memref<12x64xi32, #tpu.memory_space<vmem>>, vector<16xi32>,
    } {sc.loop_unroll_factor = 2 : i64, sc.parallel_access}
    %dma_start3A = arith.constant 0 : i32
    %dma_start3A_5 = arith.constant 0 : i32
    %dma_start3A_6 = arith.constant 0 : i32
    %dma_start3A_7 = arith.constant 0 : i32
    %dma_start3A_8 = tpu.memref_slice %arg11[%dma_start3A_5, %dma_start3A_6, %dma_start3A_7] : memref<12x64x32xf32, #tpu.memory_space<vmem>> -> memref<1x64x32xf32, #tpu.memory_space<vmem>>
    %dma_start3A_9 = tpu.memref_squeeze %dma_start3A_8 : memref<1x64x32xf32, #tpu.memory_space<vmem>> -> memref<64x32xf32, #tpu.memory_space<vmem>>
    %dma_start3A_10 = arith.constant 0 : i32
    %dma_start3A_11 = tpu.memref_slice %arg9[%dma_start3A, %dma_start3A_10] : memref<12x64xi32, #tpu.memory_space<vmem>> -> memref<1x64xi32, #tpu.memory_space<vmem>>
    %dma_start3A_12 = tpu.memref_squeeze %dma_start3A_11 : memref<1x64xi32, #tpu.memory_space<vmem>> -> memref<64xi32, #tpu.memory_space<vmem>>
    %dma_start3A_13 = arith.constant 0 : i32
    %dma_start3A_14 = arith.constant 0 : i32
    %dma_start3A_15 = tpu.memref_slice %arg3[%dma_start3A_13, %dma_start3A_14] : memref<789507x32xf32, #tpu.memory_space<hbm>> -> memref<789507x32xf32, #tpu.memory_space<hbm>>
    tpu.enqueue_indirect_dma source(%dma_start3A_15 : memref<789507x32xf32, #tpu.memory_space<hbm>>) target(%dma_start3A_9 : memref<64x32xf32, #tpu.memory_space<vmem>>) offsets(%dma_start3A_12 : memref<64xi32, #tpu.memory_space<vmem>>) semaphore(%arg15 : memref<!tpu.dma_semaphore, #tpu.memory_space<semaphore_mem>>)
    %dma_start3A_16 = arith.constant 1 : i32
    %dma_start3A_17 = arith.constant 1 : i32
    %dma_start3A_18 = arith.constant 0 : i32
    %dma_start3A_19 = arith.constant 0 : i32
    %dma_start3A_20 = tpu.memref_slice %arg11[%dma_start3A_17, %dma_start3A_18, %dma_start3A_19] : memref<12x64x32xf32, #tpu.memory_space<vmem>> -> memref<1x64x32xf32, #tpu.memory_space<vmem>>
    %dma_start3A_21 = tpu.memref_squeeze %dma_start3A_20 : memref<1x64x32xf32, #tpu.memory_space<vmem>> -> memref<64x32xf32, #tpu.memory_space<vmem>>
    %dma_start3A_22 = arith.constant 0 : i32
    %dma_start3A_23 = tpu.memref_slice %arg9[%dma_start3A_16, %dma_start3A_22] : memref<12x64xi32, #tpu.memory_space<vmem>> -> memref<1x64xi32, #tpu.memory_space<vmem>>
    %dma_start3A_24 = tpu.memref_squeeze %dma_start3A_23 : memref<1x64xi32, #tpu.memory_space<vmem>> -> memref<64xi32, #tpu.memory_space<vmem>>
    %dma_start3A_25 = arith.constant 0 : i32
    %dma_start3A_26 = arith.constant 0 : i32
    %dma_start3A_27 = tpu.memref_slice %arg3[%dma_start3A_25, %dma_start3A_26] : memref<789507x32xf32, #tpu.memory_space<hbm>> -> memref<789507x32xf32, #tpu.memory_space<hbm>>
    tpu.enqueue_indirect_dma source(%dma_start3A_27 : memref<789507x32xf32, #tpu.memory_space<hbm>>) target(%dma_start3A_21 : memref<64x32xf32, #tpu.memory_space<vmem>>) offsets(%dma_start3A_24 : memref<64xi32, #tpu.memory_space<vmem>>) semaphore(%arg15 : memref<!tpu.dma_semaphore, #tpu.memory_space<semaphore_mem>>)
    %dma_start3A_28 = arith.constant 2 : i32
    %dma_start3A_29 = arith.constant 2 : i32
    %dma_start3A_30 = arith.constant 0 : i32
    %dma_start3A_31 = arith.constant 0 : i32
    %dma_start3A_32 = tpu.memref_slice %arg11[%dma_start3A_29, %dma_start3A_30, %dma_start3A_31] : memref<12x64x32xf32, #tpu.memory_space<vmem>> -> memref<1x64x32xf32, #tpu.memory_space<vmem>>
    %dma_start3A_33 = tpu.memref_squeeze %dma_start3A_32 : memref<1x64x32xf32, #tpu.memory_space<vmem>> -> memref<64x32xf32, #tpu.memory_space<vmem>>
    %dma_start3A_34 = arith.constant 0 : i32
    %dma_start3A_35 = tpu.memref_slice %arg9[%dma_start3A_28, %dma_start3A_34] : memref<12x64xi32, #tpu.memory_space<vmem>> -> memref<1x64xi32, #tpu.memory_space<vmem>>
    %dma_start3A_36 = tpu.memref_squeeze %dma_start3A_35 : memref<1x64xi32, #tpu.memory_space<vmem>> -> memref<64xi32, #tpu.memory_space<vmem>>
    %dma_start3A_37 = arith.constant 0 : i32
    %dma_start3A_38 = arith.constant 0 : i32
    %dma_start3A_39 = tpu.memref_slice %arg3[%dma_start3A_37, %dma_start3A_38] : memref<789507x32xf32, #tpu.memory_space<hbm>> -> memref<789507x32xf32, #tpu.memory_space<hbm>>
    tpu.enqueue_indirect_dma source(%dma_start3A_39 : memref<789507x32xf32, #tpu.memory_space<hbm>>) target(%dma_start3A_33 : memref<64x32xf32, #tpu.memory_space<vmem>>) offsets(%dma_start3A_36 : memref<64xi32, #tpu.memory_space<vmem>>) semaphore(%arg15 : memref<!tpu.dma_semaphore, #tpu.memory_space<semaphore_mem>>)
    %dma_start3A_40 = arith.constant 3 : i32
    %dma_start3A_41 = arith.constant 3 : i32
    %dma_start3A_42 = arith.constant 0 : i32
    %dma_start3A_43 = arith.constant 0 : i32
    %dma_start3A_44 = tpu.memref_slice %arg11[%dma_start3A_41, %dma_start3A_42, %dma_start3A_43] : memref<12x64x32xf32, #tpu.memory_space<vmem>> -> memref<1x64x32xf32, #tpu.memory_space<vmem>>
    %dma_start3A_45 = tpu.memref_squeeze %dma_start3A_44 : memref<1x64x32xf32, #tpu.memory_space<vmem>> -> memref<64x32xf32, #tpu.memory_space<vmem>>
    %dma_start3A_46 = arith.constant 0 : i32
    %dma_start3A_47 = tpu.memref_slice %arg9[%dma_start3A_40, %dma_start3A_46] : memref<12x64xi32, #tpu.memory_space<vmem>> -> memref<1x64xi32, #tpu.memory_space<vmem>>
    %dma_start3A_48 = tpu.memref_squeeze %dma_start3A_47 : memref<1x64xi32, #tpu.memory_space<vmem>> -> memref<64xi32, #tpu.memory_space<vmem>>
    %dma_start3A_49 = arith.constant 0 : i32
    %dma_start3A_50 = arith.constant 0 : i32
    %dma_start3A_51 = tpu.memref_slice %arg3[%dma_start3A_49, %dma_start3A_50] : memref<789507x32xf32, #tpu.memory_space<hbm>> -> memref<789507x32xf32, #tpu.memory_space<hbm>>
    tpu.enqueue_indirect_dma source(%dma_start3A_51 : memref<789507x32xf32, #tpu.memory_space<hbm>>) target(%dma_start3A_45 : memref<64x32xf32, #tpu.memory_space<vmem>>) offsets(%dma_start3A_48 : memref<64xi32, #tpu.memory_space<vmem>>) semaphore(%arg15 : memref<!tpu.dma_semaphore, #tpu.memory_space<semaphore_mem>>)
    %dma_start3A_52 = arith.constant 4 : i32
    %dma_start3A_53 = arith.constant 4 : i32
    %dma_start3A_54 = arith.constant 0 : i32
    %dma_start3A_55 = arith.constant 0 : i32
    %dma_start3A_56 = tpu.memref_slice %arg11[%dma_start3A_53, %dma_start3A_54, %dma_start3A_55] : memref<12x64x32xf32, #tpu.memory_space<vmem>> -> memref<1x64x32xf32, #tpu.memory_space<vmem>>
    %dma_start3A_57 = tpu.memref_squeeze %dma_start3A_56 : memref<1x64x32xf32, #tpu.memory_space<vmem>> -> memref<64x32xf32, #tpu.memory_space<vmem>>
    %dma_start3A_58 = arith.constant 0 : i32
    %dma_start3A_59 = tpu.memref_slice %arg9[%dma_start3A_52, %dma_start3A_58] : memref<12x64xi32, #tpu.memory_space<vmem>> -> memref<1x64xi32, #tpu.memory_space<vmem>>
    %dma_start3A_60 = tpu.memref_squeeze %dma_start3A_59 : memref<1x64xi32, #tpu.memory_space<vmem>> -> memref<64xi32, #tpu.memory_space<vmem>>
    %dma_start3A_61 = arith.constant 0 : i32
    %dma_start3A_62 = arith.constant 0 : i32
    %dma_start3A_63 = tpu.memref_slice %arg3[%dma_start3A_61, %dma_start3A_62] : memref<789507x32xf32, #tpu.memory_space<hbm>> -> memref<789507x32xf32, #tpu.memory_space<hbm>>
    tpu.enqueue_indirect_dma source(%dma_start3A_63 : memref<789507x32xf32, #tpu.memory_space<hbm>>) target(%dma_start3A_57 : memref<64x32xf32, #tpu.memory_space<vmem>>) offsets(%dma_start3A_60 : memref<64xi32, #tpu.memory_space<vmem>>) semaphore(%arg15 : memref<!tpu.dma_semaphore, #tpu.memory_space<semaphore_mem>>)
    %dma_start3A_64 = arith.constant 5 : i32
    %dma_start3A_65 = arith.constant 5 : i32
    %dma_start3A_66 = arith.constant 0 : i32
    %dma_start3A_67 = arith.constant 0 : i32
    %dma_start3A_68 = tpu.memref_slice %arg11[%dma_start3A_65, %dma_start3A_66, %dma_start3A_67] : memref<12x64x32xf32, #tpu.memory_space<vmem>> -> memref<1x64x32xf32, #tpu.memory_space<vmem>>
    %dma_start3A_69 = tpu.memref_squeeze %dma_start3A_68 : memref<1x64x32xf32, #tpu.memory_space<vmem>> -> memref<64x32xf32, #tpu.memory_space<vmem>>
    %dma_start3A_70 = arith.constant 0 : i32
    %dma_start3A_71 = tpu.memref_slice %arg9[%dma_start3A_64, %dma_start3A_70] : memref<12x64xi32, #tpu.memory_space<vmem>> -> memref<1x64xi32, #tpu.memory_space<vmem>>
    %dma_start3A_72 = tpu.memref_squeeze %dma_start3A_71 : memref<1x64xi32, #tpu.memory_space<vmem>> -> memref<64xi32, #tpu.memory_space<vmem>>
    %dma_start3A_73 = arith.constant 0 : i32
    %dma_start3A_74 = arith.constant 0 : i32
    %dma_start3A_75 = tpu.memref_slice %arg3[%dma_start3A_73, %dma_start3A_74] : memref<789507x32xf32, #tpu.memory_space<hbm>> -> memref<789507x32xf32, #tpu.memory_space<hbm>>
    tpu.enqueue_indirect_dma source(%dma_start3A_75 : memref<789507x32xf32, #tpu.memory_space<hbm>>) target(%dma_start3A_69 : memref<64x32xf32, #tpu.memory_space<vmem>>) offsets(%dma_start3A_72 : memref<64xi32, #tpu.memory_space<vmem>>) semaphore(%arg15 : memref<!tpu.dma_semaphore, #tpu.memory_space<semaphore_mem>>)
    %dma_start3A_76 = arith.constant 6 : i32
    %dma_start3A_77 = arith.constant 6 : i32
    %dma_start3A_78 = arith.constant 0 : i32
    %dma_start3A_79 = arith.constant 0 : i32
    %dma_start3A_80 = tpu.memref_slice %arg11[%dma_start3A_77, %dma_start3A_78, %dma_start3A_79] : memref<12x64x32xf32, #tpu.memory_space<vmem>> -> memref<1x64x32xf32, #tpu.memory_space<vmem>>
    %dma_start3A_81 = tpu.memref_squeeze %dma_start3A_80 : memref<1x64x32xf32, #tpu.memory_space<vmem>> -> memref<64x32xf32, #tpu.memory_space<vmem>>
    %dma_start3A_82 = arith.constant 0 : i32
    %dma_start3A_83 = tpu.memref_slice %arg9[%dma_start3A_76, %dma_start3A_82] : memref<12x64xi32, #tpu.memory_space<vmem>> -> memref<1x64xi32, #tpu.memory_space<vmem>>
    %dma_start3A_84 = tpu.memref_squeeze %dma_start3A_83 : memref<1x64xi32, #tpu.memory_space<vmem>> -> memref<64xi32, #tpu.memory_space<vmem>>
    %dma_start3A_85 = arith.constant 0 : i32
    %dma_start3A_86 = arith.constant 0 : i32
    %dma_start3A_87 = tpu.memref_slice %arg3[%dma_start3A_85, %dma_start3A_86] : memref<789507x32xf32, #tpu.memory_space<hbm>> -> memref<789507x32xf32, #tpu.memory_space<hbm>>
    tpu.enqueue_indirect_dma source(%dma_start3A_87 : memref<789507x32xf32, #tpu.memory_space<hbm>>) target(%dma_start3A_81 : memref<64x32xf32, #tpu.memory_space<vmem>>) offsets(%dma_start3A_84 : memref<64xi32, #tpu.memory_space<vmem>>) semaphore(%arg15 : memref<!tpu.dma_semaphore, #tpu.memory_space<semaphore_mem>>)
    %dma_start3A_88 = arith.constant 7 : i32
    %dma_start3A_89 = arith.constant 7 : i32
    %dma_start3A_90 = arith.constant 0 : i32
    %dma_start3A_91 = arith.constant 0 : i32
    %dma_start3A_92 = tpu.memref_slice %arg11[%dma_start3A_89, %dma_start3A_90, %dma_start3A_91] : memref<12x64x32xf32, #tpu.memory_space<vmem>> -> memref<1x64x32xf32, #tpu.memory_space<vmem>>
    %dma_start3A_93 = tpu.memref_squeeze %dma_start3A_92 : memref<1x64x32xf32, #tpu.memory_space<vmem>> -> memref<64x32xf32, #tpu.memory_space<vmem>>
    %dma_start3A_94 = arith.constant 0 : i32
    %dma_start3A_95 = tpu.memref_slice %arg9[%dma_start3A_88, %dma_start3A_94] : memref<12x64xi32, #tpu.memory_space<vmem>> -> memref<1x64xi32, #tpu.memory_space<vmem>>
    %dma_start3A_96 = tpu.memref_squeeze %dma_start3A_95 : memref<1x64xi32, #tpu.memory_space<vmem>> -> memref<64xi32, #tpu.memory_space<vmem>>
    %dma_start3A_97 = arith.constant 0 : i32
    %dma_start3A_98 = arith.constant 0 : i32
    %dma_start3A_99 = tpu.memref_slice %arg3[%dma_start3A_97, %dma_start3A_98] : memref<789507x32xf32, #tpu.memory_space<hbm>> -> memref<789507x32xf32, #tpu.memory_space<hbm>>
    tpu.enqueue_indirect_dma source(%dma_start3A_99 : memref<789507x32xf32, #tpu.memory_space<hbm>>) target(%dma_start3A_93 : memref<64x32xf32, #tpu.memory_space<vmem>>) offsets(%dma_start3A_96 : memref<64xi32, #tpu.memory_space<vmem>>) semaphore(%arg15 : memref<!tpu.dma_semaphore, #tpu.memory_space<semaphore_mem>>)
    %dma_start3A_100 = arith.constant 8 : i32
    %dma_start3A_101 = arith.constant 8 : i32
    %dma_start3A_102 = arith.constant 0 : i32
    %dma_start3A_103 = arith.constant 0 : i32
    %dma_start3A_104 = tpu.memref_slice %arg11[%dma_start3A_101, %dma_start3A_102, %dma_start3A_103] : memref<12x64x32xf32, #tpu.memory_space<vmem>> -> memref<1x64x32xf32, #tpu.memory_space<vmem>>
    %dma_start3A_105 = tpu.memref_squeeze %dma_start3A_104 : memref<1x64x32xf32, #tpu.memory_space<vmem>> -> memref<64x32xf32, #tpu.memory_space<vmem>>
    %dma_start3A_106 = arith.constant 0 : i32
    %dma_start3A_107 = tpu.memref_slice %arg9[%dma_start3A_100, %dma_start3A_106] : memref<12x64xi32, #tpu.memory_space<vmem>> -> memref<1x64xi32, #tpu.memory_space<vmem>>
    %dma_start3A_108 = tpu.memref_squeeze %dma_start3A_107 : memref<1x64xi32, #tpu.memory_space<vmem>> -> memref<64xi32, #tpu.memory_space<vmem>>
    %dma_start3A_109 = arith.constant 0 : i32
    %dma_start3A_110 = arith.constant 0 : i32
    %dma_start3A_111 = tpu.memref_slice %arg3[%dma_start3A_109, %dma_start3A_110] : memref<789507x32xf32, #tpu.memory_space<hbm>> -> memref<789507x32xf32, #tpu.memory_space<hbm>>
    tpu.enqueue_indirect_dma source(%dma_start3A_111 : memref<789507x32xf32, #tpu.memory_space<hbm>>) target(%dma_start3A_105 : memref<64x32xf32, #tpu.memory_space<vmem>>) offsets(%dma_start3A_108 : memref<64xi32, #tpu.memory_space<vmem>>) semaphore(%arg15 : memref<!tpu.dma_semaphore, #tpu.memory_space<semaphore_mem>>)
    %dma_start3A_112 = arith.constant 9 : i32
    %dma_start3A_113 = arith.constant 9 : i32
    %dma_start3A_114 = arith.constant 0 : i32
    %dma_start3A_115 = arith.constant 0 : i32
    %dma_start3A_116 = tpu.memref_slice %arg11[%dma_start3A_113, %dma_start3A_114, %dma_start3A_115] : memref<12x64x32xf32, #tpu.memory_space<vmem>> -> memref<1x64x32xf32, #tpu.memory_space<vmem>>
    %dma_start3A_117 = tpu.memref_squeeze %dma_start3A_116 : memref<1x64x32xf32, #tpu.memory_space<vmem>> -> memref<64x32xf32, #tpu.memory_space<vmem>>
    %dma_start3A_118 = arith.constant 0 : i32
    %dma_start3A_119 = tpu.memref_slice %arg9[%dma_start3A_112, %dma_start3A_118] : memref<12x64xi32, #tpu.memory_space<vmem>> -> memref<1x64xi32, #tpu.memory_space<vmem>>
    %dma_start3A_120 = tpu.memref_squeeze %dma_start3A_119 : memref<1x64xi32, #tpu.memory_space<vmem>> -> memref<64xi32, #tpu.memory_space<vmem>>
    %dma_start3A_121 = arith.constant 0 : i32
    %dma_start3A_122 = arith.constant 0 : i32
    %dma_start3A_123 = tpu.memref_slice %arg3[%dma_start3A_121, %dma_start3A_122] : memref<789507x32xf32, #tpu.memory_space<hbm>> -> memref<789507x32xf32, #tpu.memory_space<hbm>>
    tpu.enqueue_indirect_dma source(%dma_start3A_123 : memref<789507x32xf32, #tpu.memory_space<hbm>>) target(%dma_start3A_117 : memref<64x32xf32, #tpu.memory_space<vmem>>) offsets(%dma_start3A_120 : memref<64xi32, #tpu.memory_space<vmem>>) semaphore(%arg15 : memref<!tpu.dma_semaphore, #tpu.memory_space<semaphore_mem>>)
    %dma_start3A_124 = arith.constant 10 : i32
    %dma_start3A_125 = arith.constant 10 : i32
    %dma_start3A_126 = arith.constant 0 : i32
    %dma_start3A_127 = arith.constant 0 : i32
    %dma_start3A_128 = tpu.memref_slice %arg11[%dma_start3A_125, %dma_start3A_126, %dma_start3A_127] : memref<12x64x32xf32, #tpu.memory_space<vmem>> -> memref<1x64x32xf32, #tpu.memory_space<vmem>>
    %dma_start3A_129 = tpu.memref_squeeze %dma_start3A_128 : memref<1x64x32xf32, #tpu.memory_space<vmem>> -> memref<64x32xf32, #tpu.memory_space<vmem>>
    %dma_start3A_130 = arith.constant 0 : i32
    %dma_start3A_131 = tpu.memref_slice %arg9[%dma_start3A_124, %dma_start3A_130] : memref<12x64xi32, #tpu.memory_space<vmem>> -> memref<1x64xi32, #tpu.memory_space<vmem>>
    %dma_start3A_132 = tpu.memref_squeeze %dma_start3A_131 : memref<1x64xi32, #tpu.memory_space<vmem>> -> memref<64xi32, #tpu.memory_space<vmem>>
    %dma_start3A_133 = arith.constant 0 : i32
    %dma_start3A_134 = arith.constant 0 : i32
    %dma_start3A_135 = tpu.memref_slice %arg3[%dma_start3A_133, %dma_start3A_134] : memref<789507x32xf32, #tpu.memory_space<hbm>> -> memref<789507x32xf32, #tpu.memory_space<hbm>>
    tpu.enqueue_indirect_dma source(%dma_start3A_135 : memref<789507x32xf32, #tpu.memory_space<hbm>>) target(%dma_start3A_129 : memref<64x32xf32, #tpu.memory_space<vmem>>) offsets(%dma_start3A_132 : memref<64xi32, #tpu.memory_space<vmem>>) semaphore(%arg15 : memref<!tpu.dma_semaphore, #tpu.memory_space<semaphore_mem>>)
    %dma_start3A_136 = arith.constant 11 : i32
    %dma_start3A_137 = arith.constant 11 : i32
    %dma_start3A_138 = arith.constant 0 : i32
    %dma_start3A_139 = arith.constant 0 : i32
    %dma_start3A_140 = tpu.memref_slice %arg11[%dma_start3A_137, %dma_start3A_138, %dma_start3A_139] : memref<12x64x32xf32, #tpu.memory_space<vmem>> -> memref<1x64x32xf32, #tpu.memory_space<vmem>>
    %dma_start3A_141 = tpu.memref_squeeze %dma_start3A_140 : memref<1x64x32xf32, #tpu.memory_space<vmem>> -> memref<64x32xf32, #tpu.memory_space<vmem>>
    %dma_start3A_142 = arith.constant 0 : i32
    %dma_start3A_143 = tpu.memref_slice %arg9[%dma_start3A_136, %dma_start3A_142] : memref<12x64xi32, #tpu.memory_space<vmem>> -> memref<1x64xi32, #tpu.memory_space<vmem>>
    %dma_start3A_144 = tpu.memref_squeeze %dma_start3A_143 : memref<1x64xi32, #tpu.memory_space<vmem>> -> memref<64xi32, #tpu.memory_space<vmem>>
    %dma_start3A_145 = arith.constant 0 : i32
    %dma_start3A_146 = arith.constant 0 : i32
    %dma_start3A_147 = tpu.memref_slice %arg3[%dma_start3A_145, %dma_start3A_146] : memref<789507x32xf32, #tpu.memory_space<hbm>> -> memref<789507x32xf32, #tpu.memory_space<hbm>>
    tpu.enqueue_indirect_dma source(%dma_start3A_147 : memref<789507x32xf32, #tpu.memory_space<hbm>>) target(%dma_start3A_141 : memref<64x32xf32, #tpu.memory_space<vmem>>) offsets(%dma_start3A_144 : memref<64xi32, #tpu.memory_space<vmem>>) semaphore(%arg15 : memref<!tpu.dma_semaphore, #tpu.memory_space<semaphore_mem>>)
    %add3A_148 = arith.constant 64 : i32
    %add3A_149 = arith.addi %mul3A_2, %add3A_148 : i32
    %dma_start3A_150 = arith.constant 0 : i32
    %dma_start3A_151 = tpu.memref_slice %arg2[%add3A_149, %dma_start3A_150] : memref<262144x3xf32, #tpu.memory_space<hbm>> -> memref<64x3xf32, #tpu.memory_space<hbm>>
    %dma_start3A_152 = arith.constant 0 : i32
    %dma_start3A_153 = tpu.memref_slice %arg2[%add3A_149, %dma_start3A_152] : memref<262144x3xf32, #tpu.memory_space<hbm>> -> memref<64x3xf32, #tpu.memory_space<hbm>>
    tpu.enqueue_dma source(%dma_start3A_153 : memref<64x3xf32, #tpu.memory_space<hbm>>) target(%arg6 : memref<64x3xf32, #tpu.memory_space<vmem>>) target_semaphore(%arg18 : memref<!tpu.dma_semaphore, #tpu.memory_space<semaphore_mem>>)
    %scan3A = arith.constant 0 : i32
    %scan3A_154 = arith.constant 0 : i32
    %scan3A_155 = arith.constant 64 : i32
    %scan3A_156 = arith.addi %scan3A_154, %scan3A_155 : i32
    %scan3A_157 = arith.constant 1 : i32
    scf.for %scan3A_170 = %scan3A_154 to %scan3A_156 step %scan3A_157  : i32 {
      %mul3A_171 = arith.constant 2 : i32
      %mul3A_172 = arith.muli %mul3A_171, %scan3A_170 : i32
      %add3A_173 = arith.constant 1 : i32
      %add3A_174 = arith.addi %mul3A_172, %add3A_173 : i32
      %lt3A = arith.constant 128 : i32
      %lt3A_175 = arith.cmpi slt, %add3A_174, %lt3A : i32
      %convert_element_type3A = arith.extui %lt3A_175 : i1 to i32
      %cond3A = arith.constant 0 : i32
      %cond3A_176 = arith.cmpi ne, %convert_element_type3A, %cond3A : i32
      scf.if %cond3A_176 {
        %add3A_519 = arith.constant 1 : i32
        %add3A_520 = arith.addi %mul3A_172, %add3A_519 : i32
        %mul3A_521 = arith.constant 64 : i32
        %mul3A_522 = arith.muli %add3A_520, %mul3A_521 : i32
        %add3A_523 = arith.addi %mul3A_2, %mul3A_522 : i32
        %dma_wait3A_524 = arith.constant 0 : i32
        %dma_wait3A_525 = tpu.memref_slice %arg2[%add3A_523, %dma_wait3A_524] : memref<262144x3xf32, #tpu.memory_space<hbm>> -> memref<64x3xf32, #tpu.memory_space<hbm>>
        %dma_wait3A_526 = arith.constant 0 : i32
        %dma_wait3A_527 = tpu.memref_slice %arg2[%add3A_523, %dma_wait3A_526] : memref<262144x3xf32, #tpu.memory_space<hbm>> -> memref<64x3xf32, #tpu.memory_space<hbm>>
        tpu.wait_dma2 semaphore(%arg18 : memref<!tpu.dma_semaphore, #tpu.memory_space<semaphore_mem>>) src(%dma_wait3A_527 : memref<64x3xf32, #tpu.memory_space<hbm>>) dst(%arg6 : memref<64x3xf32, #tpu.memory_space<vmem>>)
        %parallel_loop3A_528 = arith.constant 0 : i32
        %parallel_loop3A_529 = arith.constant 4 : i32
        %parallel_loop3A_530 = arith.constant 1 : i32
        scf.for %parallel_loop3A_675 = %parallel_loop3A_528 to %parallel_loop3A_529 step %parallel_loop3A_530  : i32 {
          %parallel_loop3A_676 = arith.constant 16 : i32
          %parallel_loop3A_677 = arith.muli %parallel_loop3A_675, %parallel_loop3A_676 : i32
          %parallel_loop3A_678 = arith.constant 16 : i32
          %parallel_loop3A_679 = arith.muli %parallel_loop3A_675, %parallel_loop3A_678 : i32
          %parallel_loop3A_680 = tpu.iota {dimensions = array<i32: 0>} : vector<16xi32>
          %parallel_loop3A_681 = vector.broadcast %parallel_loop3A_679 : i32 to vector<16xi32>
          %parallel_loop3A_682 = arith.addi %parallel_loop3A_681, %parallel_loop3A_680 : vector<16xi32>
          %parallel_loop3A_683 = arith.constant 0 : i32
          %parallel_loop3A_684 = vector.broadcast %parallel_loop3A_683 : i32 to vector<16xi32>
          %parallel_loop3A_685 = tpu.vector_load_idx %arg6[%parallel_loop3A_682, %parallel_loop3A_684] : memref<64x3xf32, #tpu.memory_space<vmem>>[vector<16xi32>, vector<16xi32>], vector<16xf32>,
          %parallel_loop3A_686 = arith.constant 1.000000e+00 : f32
          %parallel_loop3A_687 = vector.broadcast %parallel_loop3A_686 : f32 to vector<16xf32>
          %parallel_loop3A_688 = arith.addf %parallel_loop3A_685, %parallel_loop3A_687 : vector<16xf32>
          %parallel_loop3A_689 = arith.constant 2.560000e+02 : f32
          %parallel_loop3A_690 = vector.broadcast %parallel_loop3A_689 : f32 to vector<16xf32>
          %parallel_loop3A_691 = arith.mulf %parallel_loop3A_688, %parallel_loop3A_690 : vector<16xf32>
          %parallel_loop3A_692 = arith.constant 0.000000e+00 : f32
          %parallel_loop3A_693 = arith.constant 5.120000e+02 : f32
          %parallel_loop3A_694 = vector.broadcast %parallel_loop3A_692 : f32 to vector<16xf32>
          %parallel_loop3A_695 = arith.maximumf %parallel_loop3A_694, %parallel_loop3A_691 : vector<16xf32>
          %parallel_loop3A_696 = vector.broadcast %parallel_loop3A_693 : f32 to vector<16xf32>
          %parallel_loop3A_697 = arith.minimumf %parallel_loop3A_696, %parallel_loop3A_695 : vector<16xf32>
          %parallel_loop3A_698 = arith.fptosi %parallel_loop3A_697 : vector<16xf32> to vector<16xi32>
          %parallel_loop3A_699 = arith.sitofp %parallel_loop3A_698 : vector<16xi32> to vector<16xf32>
          %parallel_loop3A_700 = arith.subf %parallel_loop3A_697, %parallel_loop3A_699 : vector<16xf32>
          %parallel_loop3A_701 = arith.constant 0 : i32
          %parallel_loop3A_702 = arith.index_cast %parallel_loop3A_701 : i32 to index
          %parallel_loop3A_703 = arith.index_cast %parallel_loop3A_677 : i32 to index
          %parallel_loop3A_704 = tpu.vector_load %arg8[%parallel_loop3A_702, %parallel_loop3A_703] {strides = array<i32>} : memref<3x64xf32, #tpu.memory_space<vmem>>, vector<16xf32>,
          tpu.vector_store %arg8[%parallel_loop3A_702, %parallel_loop3A_703], %parallel_loop3A_700 {strides = array<i32>} : memref<3x64xf32, #tpu.memory_space<vmem>>, vector<16xf32>,
          %parallel_loop3A_705 = arith.constant 1 : i32
          %parallel_loop3A_706 = vector.broadcast %parallel_loop3A_705 : i32 to vector<16xi32>
          %parallel_loop3A_707 = arith.addi %parallel_loop3A_698, %parallel_loop3A_706 : vector<16xi32>
          %parallel_loop3A_708 = arith.constant 512 : i32
          %parallel_loop3A_709 = vector.broadcast %parallel_loop3A_708 : i32 to vector<16xi32>
          %parallel_loop3A_710 = arith.minsi %parallel_loop3A_707, %parallel_loop3A_709 : vector<16xi32>
          %parallel_loop3A_711 = arith.constant 1 : i32
          %parallel_loop3A_712 = vector.broadcast %parallel_loop3A_711 : i32 to vector<16xi32>
          %parallel_loop3A_713 = tpu.vector_load_idx %arg6[%parallel_loop3A_682, %parallel_loop3A_712] : memref<64x3xf32, #tpu.memory_space<vmem>>[vector<16xi32>, vector<16xi32>], vector<16xf32>,
          %parallel_loop3A_714 = arith.constant 1.000000e+00 : f32
          %parallel_loop3A_715 = vector.broadcast %parallel_loop3A_714 : f32 to vector<16xf32>
          %parallel_loop3A_716 = arith.addf %parallel_loop3A_713, %parallel_loop3A_715 : vector<16xf32>
          %parallel_loop3A_717 = arith.constant 2.560000e+02 : f32
          %parallel_loop3A_718 = vector.broadcast %parallel_loop3A_717 : f32 to vector<16xf32>
          %parallel_loop3A_719 = arith.mulf %parallel_loop3A_716, %parallel_loop3A_718 : vector<16xf32>
          %parallel_loop3A_720 = arith.constant 0.000000e+00 : f32
          %parallel_loop3A_721 = arith.constant 5.120000e+02 : f32
          %parallel_loop3A_722 = vector.broadcast %parallel_loop3A_720 : f32 to vector<16xf32>
          %parallel_loop3A_723 = arith.maximumf %parallel_loop3A_722, %parallel_loop3A_719 : vector<16xf32>
          %parallel_loop3A_724 = vector.broadcast %parallel_loop3A_721 : f32 to vector<16xf32>
          %parallel_loop3A_725 = arith.minimumf %parallel_loop3A_724, %parallel_loop3A_723 : vector<16xf32>
          %parallel_loop3A_726 = arith.fptosi %parallel_loop3A_725 : vector<16xf32> to vector<16xi32>
          %parallel_loop3A_727 = arith.sitofp %parallel_loop3A_726 : vector<16xi32> to vector<16xf32>
          %parallel_loop3A_728 = arith.subf %parallel_loop3A_725, %parallel_loop3A_727 : vector<16xf32>
          %parallel_loop3A_729 = arith.constant 1 : i32
          %parallel_loop3A_730 = arith.index_cast %parallel_loop3A_729 : i32 to index
          %parallel_loop3A_731 = arith.index_cast %parallel_loop3A_677 : i32 to index
          %parallel_loop3A_732 = tpu.vector_load %arg8[%parallel_loop3A_730, %parallel_loop3A_731] {strides = array<i32>} : memref<3x64xf32, #tpu.memory_space<vmem>>, vector<16xf32>,
          tpu.vector_store %arg8[%parallel_loop3A_730, %parallel_loop3A_731], %parallel_loop3A_728 {strides = array<i32>} : memref<3x64xf32, #tpu.memory_space<vmem>>, vector<16xf32>,
          %parallel_loop3A_733 = arith.constant 1 : i32
          %parallel_loop3A_734 = vector.broadcast %parallel_loop3A_733 : i32 to vector<16xi32>
          %parallel_loop3A_735 = arith.addi %parallel_loop3A_726, %parallel_loop3A_734 : vector<16xi32>
          %parallel_loop3A_736 = arith.constant 512 : i32
          %parallel_loop3A_737 = vector.broadcast %parallel_loop3A_736 : i32 to vector<16xi32>
          %parallel_loop3A_738 = arith.minsi %parallel_loop3A_735, %parallel_loop3A_737 : vector<16xi32>
          %parallel_loop3A_739 = arith.constant 2 : i32
          %parallel_loop3A_740 = vector.broadcast %parallel_loop3A_739 : i32 to vector<16xi32>
          %parallel_loop3A_741 = tpu.vector_load_idx %arg6[%parallel_loop3A_682, %parallel_loop3A_740] : memref<64x3xf32, #tpu.memory_space<vmem>>[vector<16xi32>, vector<16xi32>], vector<16xf32>,
          %parallel_loop3A_742 = arith.constant 1.000000e+00 : f32
          %parallel_loop3A_743 = vector.broadcast %parallel_loop3A_742 : f32 to vector<16xf32>
          %parallel_loop3A_744 = arith.addf %parallel_loop3A_741, %parallel_loop3A_743 : vector<16xf32>
          %parallel_loop3A_745 = arith.constant 2.560000e+02 : f32
          %parallel_loop3A_746 = vector.broadcast %parallel_loop3A_745 : f32 to vector<16xf32>
          %parallel_loop3A_747 = arith.mulf %parallel_loop3A_744, %parallel_loop3A_746 : vector<16xf32>
          %parallel_loop3A_748 = arith.constant 0.000000e+00 : f32
          %parallel_loop3A_749 = arith.constant 5.120000e+02 : f32
          %parallel_loop3A_750 = vector.broadcast %parallel_loop3A_748 : f32 to vector<16xf32>
          %parallel_loop3A_751 = arith.maximumf %parallel_loop3A_750, %parallel_loop3A_747 : vector<16xf32>
          %parallel_loop3A_752 = vector.broadcast %parallel_loop3A_749 : f32 to vector<16xf32>
          %parallel_loop3A_753 = arith.minimumf %parallel_loop3A_752, %parallel_loop3A_751 : vector<16xf32>
          %parallel_loop3A_754 = arith.fptosi %parallel_loop3A_753 : vector<16xf32> to vector<16xi32>
          %parallel_loop3A_755 = arith.sitofp %parallel_loop3A_754 : vector<16xi32> to vector<16xf32>
          %parallel_loop3A_756 = arith.subf %parallel_loop3A_753, %parallel_loop3A_755 : vector<16xf32>
          %parallel_loop3A_757 = arith.constant 2 : i32
          %parallel_loop3A_758 = arith.index_cast %parallel_loop3A_757 : i32 to index
          %parallel_loop3A_759 = arith.index_cast %parallel_loop3A_677 : i32 to index
          %parallel_loop3A_760 = tpu.vector_load %arg8[%parallel_loop3A_758, %parallel_loop3A_759] {strides = array<i32>} : memref<3x64xf32, #tpu.memory_space<vmem>>, vector<16xf32>,
          tpu.vector_store %arg8[%parallel_loop3A_758, %parallel_loop3A_759], %parallel_loop3A_756 {strides = array<i32>} : memref<3x64xf32, #tpu.memory_space<vmem>>, vector<16xf32>,
          %parallel_loop3A_761 = arith.constant 1 : i32
          %parallel_loop3A_762 = vector.broadcast %parallel_loop3A_761 : i32 to vector<16xi32>
          %parallel_loop3A_763 = arith.addi %parallel_loop3A_754, %parallel_loop3A_762 : vector<16xi32>
          %parallel_loop3A_764 = arith.constant 512 : i32
          %parallel_loop3A_765 = vector.broadcast %parallel_loop3A_764 : i32 to vector<16xi32>
          %parallel_loop3A_766 = arith.minsi %parallel_loop3A_763, %parallel_loop3A_765 : vector<16xi32>
          %parallel_loop3A_767 = arith.constant 513 : i32
          %parallel_loop3A_768 = vector.broadcast %parallel_loop3A_767 : i32 to vector<16xi32>
          %parallel_loop3A_769 = arith.muli %parallel_loop3A_726, %parallel_loop3A_768 : vector<16xi32>
          %parallel_loop3A_770 = arith.constant 0 : i32
          %parallel_loop3A_771 = vector.broadcast %parallel_loop3A_770 : i32 to vector<16xi32>
          %parallel_loop3A_772 = arith.addi %parallel_loop3A_769, %parallel_loop3A_771 : vector<16xi32>
          %parallel_loop3A_773 = arith.constant 513 : i32
          %parallel_loop3A_774 = vector.broadcast %parallel_loop3A_773 : i32 to vector<16xi32>
          %parallel_loop3A_775 = arith.muli %parallel_loop3A_738, %parallel_loop3A_774 : vector<16xi32>
          %parallel_loop3A_776 = arith.constant 0 : i32
          %parallel_loop3A_777 = vector.broadcast %parallel_loop3A_776 : i32 to vector<16xi32>
          %parallel_loop3A_778 = arith.addi %parallel_loop3A_775, %parallel_loop3A_777 : vector<16xi32>
          %parallel_loop3A_779 = arith.addi %parallel_loop3A_772, %parallel_loop3A_698 : vector<16xi32>
          %parallel_loop3A_780 = arith.constant 0 : i32
          %parallel_loop3A_781 = arith.index_cast %parallel_loop3A_780 : i32 to index
          %parallel_loop3A_782 = arith.index_cast %parallel_loop3A_677 : i32 to index
          %parallel_loop3A_783 = tpu.vector_load %arg10[%parallel_loop3A_781, %parallel_loop3A_782] {strides = array<i32>} : memref<12x64xi32, #tpu.memory_space<vmem>>, vector<16xi32>,
          tpu.vector_store %arg10[%parallel_loop3A_781, %parallel_loop3A_782], %parallel_loop3A_779 {strides = array<i32>} : memref<12x64xi32, #tpu.memory_space<vmem>>, vector<16xi32>,
          %parallel_loop3A_784 = arith.addi %parallel_loop3A_772, %parallel_loop3A_710 : vector<16xi32>
          %parallel_loop3A_785 = arith.constant 1 : i32
          %parallel_loop3A_786 = arith.index_cast %parallel_loop3A_785 : i32 to index
          %parallel_loop3A_787 = arith.index_cast %parallel_loop3A_677 : i32 to index
          %parallel_loop3A_788 = tpu.vector_load %arg10[%parallel_loop3A_786, %parallel_loop3A_787] {strides = array<i32>} : memref<12x64xi32, #tpu.memory_space<vmem>>, vector<16xi32>,
          tpu.vector_store %arg10[%parallel_loop3A_786, %parallel_loop3A_787], %parallel_loop3A_784 {strides = array<i32>} : memref<12x64xi32, #tpu.memory_space<vmem>>, vector<16xi32>,
          %parallel_loop3A_789 = arith.addi %parallel_loop3A_778, %parallel_loop3A_698 : vector<16xi32>
          %parallel_loop3A_790 = arith.constant 2 : i32
          %parallel_loop3A_791 = arith.index_cast %parallel_loop3A_790 : i32 to index
          %parallel_loop3A_792 = arith.index_cast %parallel_loop3A_677 : i32 to index
          %parallel_loop3A_793 = tpu.vector_load %arg10[%parallel_loop3A_791, %parallel_loop3A_792] {strides = array<i32>} : memref<12x64xi32, #tpu.memory_space<vmem>>, vector<16xi32>,
          tpu.vector_store %arg10[%parallel_loop3A_791, %parallel_loop3A_792], %parallel_loop3A_789 {strides = array<i32>} : memref<12x64xi32, #tpu.memory_space<vmem>>, vector<16xi32>,
          %parallel_loop3A_794 = arith.addi %parallel_loop3A_778, %parallel_loop3A_710 : vector<16xi32>
          %parallel_loop3A_795 = arith.constant 3 : i32
          %parallel_loop3A_796 = arith.index_cast %parallel_loop3A_795 : i32 to index
          %parallel_loop3A_797 = arith.index_cast %parallel_loop3A_677 : i32 to index
          %parallel_loop3A_798 = tpu.vector_load %arg10[%parallel_loop3A_796, %parallel_loop3A_797] {strides = array<i32>} : memref<12x64xi32, #tpu.memory_space<vmem>>, vector<16xi32>,
          tpu.vector_store %arg10[%parallel_loop3A_796, %parallel_loop3A_797], %parallel_loop3A_794 {strides = array<i32>} : memref<12x64xi32, #tpu.memory_space<vmem>>, vector<16xi32>,
          %parallel_loop3A_799 = arith.constant 513 : i32
          %parallel_loop3A_800 = vector.broadcast %parallel_loop3A_799 : i32 to vector<16xi32>
          %parallel_loop3A_801 = arith.muli %parallel_loop3A_754, %parallel_loop3A_800 : vector<16xi32>
          %parallel_loop3A_802 = arith.constant 263169 : i32
          %parallel_loop3A_803 = vector.broadcast %parallel_loop3A_802 : i32 to vector<16xi32>
          %parallel_loop3A_804 = arith.addi %parallel_loop3A_801, %parallel_loop3A_803 : vector<16xi32>
          %parallel_loop3A_805 = arith.constant 513 : i32
          %parallel_loop3A_806 = vector.broadcast %parallel_loop3A_805 : i32 to vector<16xi32>
          %parallel_loop3A_807 = arith.muli %parallel_loop3A_766, %parallel_loop3A_806 : vector<16xi32>
          %parallel_loop3A_808 = arith.constant 263169 : i32
          %parallel_loop3A_809 = vector.broadcast %parallel_loop3A_808 : i32 to vector<16xi32>
          %parallel_loop3A_810 = arith.addi %parallel_loop3A_807, %parallel_loop3A_809 : vector<16xi32>
          %parallel_loop3A_811 = arith.addi %parallel_loop3A_804, %parallel_loop3A_726 : vector<16xi32>
          %parallel_loop3A_812 = arith.constant 4 : i32
          %parallel_loop3A_813 = arith.index_cast %parallel_loop3A_812 : i32 to index
          %parallel_loop3A_814 = arith.index_cast %parallel_loop3A_677 : i32 to index
          %parallel_loop3A_815 = tpu.vector_load %arg10[%parallel_loop3A_813, %parallel_loop3A_814] {strides = array<i32>} : memref<12x64xi32, #tpu.memory_space<vmem>>, vector<16xi32>,
          tpu.vector_store %arg10[%parallel_loop3A_813, %parallel_loop3A_814], %parallel_loop3A_811 {strides = array<i32>} : memref<12x64xi32, #tpu.memory_space<vmem>>, vector<16xi32>,
          %parallel_loop3A_816 = arith.addi %parallel_loop3A_804, %parallel_loop3A_738 : vector<16xi32>
          %parallel_loop3A_817 = arith.constant 5 : i32
          %parallel_loop3A_818 = arith.index_cast %parallel_loop3A_817 : i32 to index
          %parallel_loop3A_819 = arith.index_cast %parallel_loop3A_677 : i32 to index
          %parallel_loop3A_820 = tpu.vector_load %arg10[%parallel_loop3A_818, %parallel_loop3A_819] {strides = array<i32>} : memref<12x64xi32, #tpu.memory_space<vmem>>, vector<16xi32>,
          tpu.vector_store %arg10[%parallel_loop3A_818, %parallel_loop3A_819], %parallel_loop3A_816 {strides = array<i32>} : memref<12x64xi32, #tpu.memory_space<vmem>>, vector<16xi32>,
          %parallel_loop3A_821 = arith.addi %parallel_loop3A_810, %parallel_loop3A_726 : vector<16xi32>
          %parallel_loop3A_822 = arith.constant 6 : i32
          %parallel_loop3A_823 = arith.index_cast %parallel_loop3A_822 : i32 to index
          %parallel_loop3A_824 = arith.index_cast %parallel_loop3A_677 : i32 to index
          %parallel_loop3A_825 = tpu.vector_load %arg10[%parallel_loop3A_823, %parallel_loop3A_824] {strides = array<i32>} : memref<12x64xi32, #tpu.memory_space<vmem>>, vector<16xi32>,
          tpu.vector_store %arg10[%parallel_loop3A_823, %parallel_loop3A_824], %parallel_loop3A_821 {strides = array<i32>} : memref<12x64xi32, #tpu.memory_space<vmem>>, vector<16xi32>,
          %parallel_loop3A_826 = arith.addi %parallel_loop3A_810, %parallel_loop3A_738 : vector<16xi32>
          %parallel_loop3A_827 = arith.constant 7 : i32
          %parallel_loop3A_828 = arith.index_cast %parallel_loop3A_827 : i32 to index
          %parallel_loop3A_829 = arith.index_cast %parallel_loop3A_677 : i32 to index
          %parallel_loop3A_830 = tpu.vector_load %arg10[%parallel_loop3A_828, %parallel_loop3A_829] {strides = array<i32>} : memref<12x64xi32, #tpu.memory_space<vmem>>, vector<16xi32>,
          tpu.vector_store %arg10[%parallel_loop3A_828, %parallel_loop3A_829], %parallel_loop3A_826 {strides = array<i32>} : memref<12x64xi32, #tpu.memory_space<vmem>>, vector<16xi32>,
          %parallel_loop3A_831 = arith.constant 513 : i32
          %parallel_loop3A_832 = vector.broadcast %parallel_loop3A_831 : i32 to vector<16xi32>
          %parallel_loop3A_833 = arith.muli %parallel_loop3A_754, %parallel_loop3A_832 : vector<16xi32>
          %parallel_loop3A_834 = arith.constant 526338 : i32
          %parallel_loop3A_835 = vector.broadcast %parallel_loop3A_834 : i32 to vector<16xi32>
          %parallel_loop3A_836 = arith.addi %parallel_loop3A_833, %parallel_loop3A_835 : vector<16xi32>
          %parallel_loop3A_837 = arith.constant 513 : i32
          %parallel_loop3A_838 = vector.broadcast %parallel_loop3A_837 : i32 to vector<16xi32>
          %parallel_loop3A_839 = arith.muli %parallel_loop3A_766, %parallel_loop3A_838 : vector<16xi32>
          %parallel_loop3A_840 = arith.constant 526338 : i32
          %parallel_loop3A_841 = vector.broadcast %parallel_loop3A_840 : i32 to vector<16xi32>
          %parallel_loop3A_842 = arith.addi %parallel_loop3A_839, %parallel_loop3A_841 : vector<16xi32>
          %parallel_loop3A_843 = arith.addi %parallel_loop3A_836, %parallel_loop3A_698 : vector<16xi32>
          %parallel_loop3A_844 = arith.constant 8 : i32
          %parallel_loop3A_845 = arith.index_cast %parallel_loop3A_844 : i32 to index
          %parallel_loop3A_846 = arith.index_cast %parallel_loop3A_677 : i32 to index
          %parallel_loop3A_847 = tpu.vector_load %arg10[%parallel_loop3A_845, %parallel_loop3A_846] {strides = array<i32>} : memref<12x64xi32, #tpu.memory_space<vmem>>, vector<16xi32>,
          tpu.vector_store %arg10[%parallel_loop3A_845, %parallel_loop3A_846], %parallel_loop3A_843 {strides = array<i32>} : memref<12x64xi32, #tpu.memory_space<vmem>>, vector<16xi32>,
          %parallel_loop3A_848 = arith.addi %parallel_loop3A_836, %parallel_loop3A_710 : vector<16xi32>
          %parallel_loop3A_849 = arith.constant 9 : i32
          %parallel_loop3A_850 = arith.index_cast %parallel_loop3A_849 : i32 to index
          %parallel_loop3A_851 = arith.index_cast %parallel_loop3A_677 : i32 to index
          %parallel_loop3A_852 = tpu.vector_load %arg10[%parallel_loop3A_850, %parallel_loop3A_851] {strides = array<i32>} : memref<12x64xi32, #tpu.memory_space<vmem>>, vector<16xi32>,
          tpu.vector_store %arg10[%parallel_loop3A_850, %parallel_loop3A_851], %parallel_loop3A_848 {strides = array<i32>} : memref<12x64xi32, #tpu.memory_space<vmem>>, vector<16xi32>,
          %parallel_loop3A_853 = arith.addi %parallel_loop3A_842, %parallel_loop3A_698 : vector<16xi32>
          %parallel_loop3A_854 = arith.constant 10 : i32
          %parallel_loop3A_855 = arith.index_cast %parallel_loop3A_854 : i32 to index
          %parallel_loop3A_856 = arith.index_cast %parallel_loop3A_677 : i32 to index
          %parallel_loop3A_857 = tpu.vector_load %arg10[%parallel_loop3A_855, %parallel_loop3A_856] {strides = array<i32>} : memref<12x64xi32, #tpu.memory_space<vmem>>, vector<16xi32>,
          tpu.vector_store %arg10[%parallel_loop3A_855, %parallel_loop3A_856], %parallel_loop3A_853 {strides = array<i32>} : memref<12x64xi32, #tpu.memory_space<vmem>>, vector<16xi32>,
          %parallel_loop3A_858 = arith.addi %parallel_loop3A_842, %parallel_loop3A_710 : vector<16xi32>
          %parallel_loop3A_859 = arith.constant 11 : i32
          %parallel_loop3A_860 = arith.index_cast %parallel_loop3A_859 : i32 to index
          %parallel_loop3A_861 = arith.index_cast %parallel_loop3A_677 : i32 to index
          %parallel_loop3A_862 = tpu.vector_load %arg10[%parallel_loop3A_860, %parallel_loop3A_861] {strides = array<i32>} : memref<12x64xi32, #tpu.memory_space<vmem>>, vector<16xi32>,
          tpu.vector_store %arg10[%parallel_loop3A_860, %parallel_loop3A_861], %parallel_loop3A_858 {strides = array<i32>} : memref<12x64xi32, #tpu.memory_space<vmem>>, vector<16xi32>,
        } {sc.loop_unroll_factor = 2 : i64, sc.parallel_access}
        %dma_start3A_531 = arith.constant 0 : i32
        %dma_start3A_532 = arith.constant 0 : i32
        %dma_start3A_533 = arith.constant 0 : i32
        %dma_start3A_534 = arith.constant 0 : i32
        %dma_start3A_535 = tpu.memref_slice %arg12[%dma_start3A_532, %dma_start3A_533, %dma_start3A_534] : memref<12x64x32xf32, #tpu.memory_space<vmem>> -> memref<1x64x32xf32, #tpu.memory_space<vmem>>
        %dma_start3A_536 = tpu.memref_squeeze %dma_start3A_535 : memref<1x64x32xf32, #tpu.memory_space<vmem>> -> memref<64x32xf32, #tpu.memory_space<vmem>>
        %dma_start3A_537 = arith.constant 0 : i32
        %dma_start3A_538 = tpu.memref_slice %arg10[%dma_start3A_531, %dma_start3A_537] : memref<12x64xi32, #tpu.memory_space<vmem>> -> memref<1x64xi32, #tpu.memory_space<vmem>>
        %dma_start3A_539 = tpu.memref_squeeze %dma_start3A_538 : memref<1x64xi32, #tpu.memory_space<vmem>> -> memref<64xi32, #tpu.memory_space<vmem>>
        %dma_start3A_540 = arith.constant 0 : i32
        %dma_start3A_541 = arith.constant 0 : i32
        %dma_start3A_542 = tpu.memref_slice %arg3[%dma_start3A_540, %dma_start3A_541] : memref<789507x32xf32, #tpu.memory_space<hbm>> -> memref<789507x32xf32, #tpu.memory_space<hbm>>
        tpu.enqueue_indirect_dma source(%dma_start3A_542 : memref<789507x32xf32, #tpu.memory_space<hbm>>) target(%dma_start3A_536 : memref<64x32xf32, #tpu.memory_space<vmem>>) offsets(%dma_start3A_539 : memref<64xi32, #tpu.memory_space<vmem>>) semaphore(%arg16 : memref<!tpu.dma_semaphore, #tpu.memory_space<semaphore_mem>>)
        %dma_start3A_543 = arith.constant 1 : i32
        %dma_start3A_544 = arith.constant 1 : i32
        %dma_start3A_545 = arith.constant 0 : i32
        %dma_start3A_546 = arith.constant 0 : i32
        %dma_start3A_547 = tpu.memref_slice %arg12[%dma_start3A_544, %dma_start3A_545, %dma_start3A_546] : memref<12x64x32xf32, #tpu.memory_space<vmem>> -> memref<1x64x32xf32, #tpu.memory_space<vmem>>
        %dma_start3A_548 = tpu.memref_squeeze %dma_start3A_547 : memref<1x64x32xf32, #tpu.memory_space<vmem>> -> memref<64x32xf32, #tpu.memory_space<vmem>>
        %dma_start3A_549 = arith.constant 0 : i32
        %dma_start3A_550 = tpu.memref_slice %arg10[%dma_start3A_543, %dma_start3A_549] : memref<12x64xi32, #tpu.memory_space<vmem>> -> memref<1x64xi32, #tpu.memory_space<vmem>>
        %dma_start3A_551 = tpu.memref_squeeze %dma_start3A_550 : memref<1x64xi32, #tpu.memory_space<vmem>> -> memref<64xi32, #tpu.memory_space<vmem>>
        %dma_start3A_552 = arith.constant 0 : i32
        %dma_start3A_553 = arith.constant 0 : i32
        %dma_start3A_554 = tpu.memref_slice %arg3[%dma_start3A_552, %dma_start3A_553] : memref<789507x32xf32, #tpu.memory_space<hbm>> -> memref<789507x32xf32, #tpu.memory_space<hbm>>
        tpu.enqueue_indirect_dma source(%dma_start3A_554 : memref<789507x32xf32, #tpu.memory_space<hbm>>) target(%dma_start3A_548 : memref<64x32xf32, #tpu.memory_space<vmem>>) offsets(%dma_start3A_551 : memref<64xi32, #tpu.memory_space<vmem>>) semaphore(%arg16 : memref<!tpu.dma_semaphore, #tpu.memory_space<semaphore_mem>>)
        %dma_start3A_555 = arith.constant 2 : i32
        %dma_start3A_556 = arith.constant 2 : i32
        %dma_start3A_557 = arith.constant 0 : i32
        %dma_start3A_558 = arith.constant 0 : i32
        %dma_start3A_559 = tpu.memref_slice %arg12[%dma_start3A_556, %dma_start3A_557, %dma_start3A_558] : memref<12x64x32xf32, #tpu.memory_space<vmem>> -> memref<1x64x32xf32, #tpu.memory_space<vmem>>
        %dma_start3A_560 = tpu.memref_squeeze %dma_start3A_559 : memref<1x64x32xf32, #tpu.memory_space<vmem>> -> memref<64x32xf32, #tpu.memory_space<vmem>>
        %dma_start3A_561 = arith.constant 0 : i32
        %dma_start3A_562 = tpu.memref_slice %arg10[%dma_start3A_555, %dma_start3A_561] : memref<12x64xi32, #tpu.memory_space<vmem>> -> memref<1x64xi32, #tpu.memory_space<vmem>>
        %dma_start3A_563 = tpu.memref_squeeze %dma_start3A_562 : memref<1x64xi32, #tpu.memory_space<vmem>> -> memref<64xi32, #tpu.memory_space<vmem>>
        %dma_start3A_564 = arith.constant 0 : i32
        %dma_start3A_565 = arith.constant 0 : i32
        %dma_start3A_566 = tpu.memref_slice %arg3[%dma_start3A_564, %dma_start3A_565] : memref<789507x32xf32, #tpu.memory_space<hbm>> -> memref<789507x32xf32, #tpu.memory_space<hbm>>
        tpu.enqueue_indirect_dma source(%dma_start3A_566 : memref<789507x32xf32, #tpu.memory_space<hbm>>) target(%dma_start3A_560 : memref<64x32xf32, #tpu.memory_space<vmem>>) offsets(%dma_start3A_563 : memref<64xi32, #tpu.memory_space<vmem>>) semaphore(%arg16 : memref<!tpu.dma_semaphore, #tpu.memory_space<semaphore_mem>>)
        %dma_start3A_567 = arith.constant 3 : i32
        %dma_start3A_568 = arith.constant 3 : i32
        %dma_start3A_569 = arith.constant 0 : i32
        %dma_start3A_570 = arith.constant 0 : i32
        %dma_start3A_571 = tpu.memref_slice %arg12[%dma_start3A_568, %dma_start3A_569, %dma_start3A_570] : memref<12x64x32xf32, #tpu.memory_space<vmem>> -> memref<1x64x32xf32, #tpu.memory_space<vmem>>
        %dma_start3A_572 = tpu.memref_squeeze %dma_start3A_571 : memref<1x64x32xf32, #tpu.memory_space<vmem>> -> memref<64x32xf32, #tpu.memory_space<vmem>>
        %dma_start3A_573 = arith.constant 0 : i32
        %dma_start3A_574 = tpu.memref_slice %arg10[%dma_start3A_567, %dma_start3A_573] : memref<12x64xi32, #tpu.memory_space<vmem>> -> memref<1x64xi32, #tpu.memory_space<vmem>>
        %dma_start3A_575 = tpu.memref_squeeze %dma_start3A_574 : memref<1x64xi32, #tpu.memory_space<vmem>> -> memref<64xi32, #tpu.memory_space<vmem>>
        %dma_start3A_576 = arith.constant 0 : i32
        %dma_start3A_577 = arith.constant 0 : i32
        %dma_start3A_578 = tpu.memref_slice %arg3[%dma_start3A_576, %dma_start3A_577] : memref<789507x32xf32, #tpu.memory_space<hbm>> -> memref<789507x32xf32, #tpu.memory_space<hbm>>
        tpu.enqueue_indirect_dma source(%dma_start3A_578 : memref<789507x32xf32, #tpu.memory_space<hbm>>) target(%dma_start3A_572 : memref<64x32xf32, #tpu.memory_space<vmem>>) offsets(%dma_start3A_575 : memref<64xi32, #tpu.memory_space<vmem>>) semaphore(%arg16 : memref<!tpu.dma_semaphore, #tpu.memory_space<semaphore_mem>>)
        %dma_start3A_579 = arith.constant 4 : i32
        %dma_start3A_580 = arith.constant 4 : i32
        %dma_start3A_581 = arith.constant 0 : i32
        %dma_start3A_582 = arith.constant 0 : i32
        %dma_start3A_583 = tpu.memref_slice %arg12[%dma_start3A_580, %dma_start3A_581, %dma_start3A_582] : memref<12x64x32xf32, #tpu.memory_space<vmem>> -> memref<1x64x32xf32, #tpu.memory_space<vmem>>
        %dma_start3A_584 = tpu.memref_squeeze %dma_start3A_583 : memref<1x64x32xf32, #tpu.memory_space<vmem>> -> memref<64x32xf32, #tpu.memory_space<vmem>>
        %dma_start3A_585 = arith.constant 0 : i32
        %dma_start3A_586 = tpu.memref_slice %arg10[%dma_start3A_579, %dma_start3A_585] : memref<12x64xi32, #tpu.memory_space<vmem>> -> memref<1x64xi32, #tpu.memory_space<vmem>>
        %dma_start3A_587 = tpu.memref_squeeze %dma_start3A_586 : memref<1x64xi32, #tpu.memory_space<vmem>> -> memref<64xi32, #tpu.memory_space<vmem>>
        %dma_start3A_588 = arith.constant 0 : i32
        %dma_start3A_589 = arith.constant 0 : i32
        %dma_start3A_590 = tpu.memref_slice %arg3[%dma_start3A_588, %dma_start3A_589] : memref<789507x32xf32, #tpu.memory_space<hbm>> -> memref<789507x32xf32, #tpu.memory_space<hbm>>
        tpu.enqueue_indirect_dma source(%dma_start3A_590 : memref<789507x32xf32, #tpu.memory_space<hbm>>) target(%dma_start3A_584 : memref<64x32xf32, #tpu.memory_space<vmem>>) offsets(%dma_start3A_587 : memref<64xi32, #tpu.memory_space<vmem>>) semaphore(%arg16 : memref<!tpu.dma_semaphore, #tpu.memory_space<semaphore_mem>>)
        %dma_start3A_591 = arith.constant 5 : i32
        %dma_start3A_592 = arith.constant 5 : i32
        %dma_start3A_593 = arith.constant 0 : i32
        %dma_start3A_594 = arith.constant 0 : i32
        %dma_start3A_595 = tpu.memref_slice %arg12[%dma_start3A_592, %dma_start3A_593, %dma_start3A_594] : memref<12x64x32xf32, #tpu.memory_space<vmem>> -> memref<1x64x32xf32, #tpu.memory_space<vmem>>
        %dma_start3A_596 = tpu.memref_squeeze %dma_start3A_595 : memref<1x64x32xf32, #tpu.memory_space<vmem>> -> memref<64x32xf32, #tpu.memory_space<vmem>>
        %dma_start3A_597 = arith.constant 0 : i32
        %dma_start3A_598 = tpu.memref_slice %arg10[%dma_start3A_591, %dma_start3A_597] : memref<12x64xi32, #tpu.memory_space<vmem>> -> memref<1x64xi32, #tpu.memory_space<vmem>>
        %dma_start3A_599 = tpu.memref_squeeze %dma_start3A_598 : memref<1x64xi32, #tpu.memory_space<vmem>> -> memref<64xi32, #tpu.memory_space<vmem>>
        %dma_start3A_600 = arith.constant 0 : i32
        %dma_start3A_601 = arith.constant 0 : i32
        %dma_start3A_602 = tpu.memref_slice %arg3[%dma_start3A_600, %dma_start3A_601] : memref<789507x32xf32, #tpu.memory_space<hbm>> -> memref<789507x32xf32, #tpu.memory_space<hbm>>
        tpu.enqueue_indirect_dma source(%dma_start3A_602 : memref<789507x32xf32, #tpu.memory_space<hbm>>) target(%dma_start3A_596 : memref<64x32xf32, #tpu.memory_space<vmem>>) offsets(%dma_start3A_599 : memref<64xi32, #tpu.memory_space<vmem>>) semaphore(%arg16 : memref<!tpu.dma_semaphore, #tpu.memory_space<semaphore_mem>>)
        %dma_start3A_603 = arith.constant 6 : i32
        %dma_start3A_604 = arith.constant 6 : i32
        %dma_start3A_605 = arith.constant 0 : i32
        %dma_start3A_606 = arith.constant 0 : i32
        %dma_start3A_607 = tpu.memref_slice %arg12[%dma_start3A_604, %dma_start3A_605, %dma_start3A_606] : memref<12x64x32xf32, #tpu.memory_space<vmem>> -> memref<1x64x32xf32, #tpu.memory_space<vmem>>
        %dma_start3A_608 = tpu.memref_squeeze %dma_start3A_607 : memref<1x64x32xf32, #tpu.memory_space<vmem>> -> memref<64x32xf32, #tpu.memory_space<vmem>>
        %dma_start3A_609 = arith.constant 0 : i32
        %dma_start3A_610 = tpu.memref_slice %arg10[%dma_start3A_603, %dma_start3A_609] : memref<12x64xi32, #tpu.memory_space<vmem>> -> memref<1x64xi32, #tpu.memory_space<vmem>>
        %dma_start3A_611 = tpu.memref_squeeze %dma_start3A_610 : memref<1x64xi32, #tpu.memory_space<vmem>> -> memref<64xi32, #tpu.memory_space<vmem>>
        %dma_start3A_612 = arith.constant 0 : i32
        %dma_start3A_613 = arith.constant 0 : i32
        %dma_start3A_614 = tpu.memref_slice %arg3[%dma_start3A_612, %dma_start3A_613] : memref<789507x32xf32, #tpu.memory_space<hbm>> -> memref<789507x32xf32, #tpu.memory_space<hbm>>
        tpu.enqueue_indirect_dma source(%dma_start3A_614 : memref<789507x32xf32, #tpu.memory_space<hbm>>) target(%dma_start3A_608 : memref<64x32xf32, #tpu.memory_space<vmem>>) offsets(%dma_start3A_611 : memref<64xi32, #tpu.memory_space<vmem>>) semaphore(%arg16 : memref<!tpu.dma_semaphore, #tpu.memory_space<semaphore_mem>>)
        %dma_start3A_615 = arith.constant 7 : i32
        %dma_start3A_616 = arith.constant 7 : i32
        %dma_start3A_617 = arith.constant 0 : i32
        %dma_start3A_618 = arith.constant 0 : i32
        %dma_start3A_619 = tpu.memref_slice %arg12[%dma_start3A_616, %dma_start3A_617, %dma_start3A_618] : memref<12x64x32xf32, #tpu.memory_space<vmem>> -> memref<1x64x32xf32, #tpu.memory_space<vmem>>
        %dma_start3A_620 = tpu.memref_squeeze %dma_start3A_619 : memref<1x64x32xf32, #tpu.memory_space<vmem>> -> memref<64x32xf32, #tpu.memory_space<vmem>>
        %dma_start3A_621 = arith.constant 0 : i32
        %dma_start3A_622 = tpu.memref_slice %arg10[%dma_start3A_615, %dma_start3A_621] : memref<12x64xi32, #tpu.memory_space<vmem>> -> memref<1x64xi32, #tpu.memory_space<vmem>>
        %dma_start3A_623 = tpu.memref_squeeze %dma_start3A_622 : memref<1x64xi32, #tpu.memory_space<vmem>> -> memref<64xi32, #tpu.memory_space<vmem>>
        %dma_start3A_624 = arith.constant 0 : i32
        %dma_start3A_625 = arith.constant 0 : i32
        %dma_start3A_626 = tpu.memref_slice %arg3[%dma_start3A_624, %dma_start3A_625] : memref<789507x32xf32, #tpu.memory_space<hbm>> -> memref<789507x32xf32, #tpu.memory_space<hbm>>
        tpu.enqueue_indirect_dma source(%dma_start3A_626 : memref<789507x32xf32, #tpu.memory_space<hbm>>) target(%dma_start3A_620 : memref<64x32xf32, #tpu.memory_space<vmem>>) offsets(%dma_start3A_623 : memref<64xi32, #tpu.memory_space<vmem>>) semaphore(%arg16 : memref<!tpu.dma_semaphore, #tpu.memory_space<semaphore_mem>>)
        %dma_start3A_627 = arith.constant 8 : i32
        %dma_start3A_628 = arith.constant 8 : i32
        %dma_start3A_629 = arith.constant 0 : i32
        %dma_start3A_630 = arith.constant 0 : i32
        %dma_start3A_631 = tpu.memref_slice %arg12[%dma_start3A_628, %dma_start3A_629, %dma_start3A_630] : memref<12x64x32xf32, #tpu.memory_space<vmem>> -> memref<1x64x32xf32, #tpu.memory_space<vmem>>
        %dma_start3A_632 = tpu.memref_squeeze %dma_start3A_631 : memref<1x64x32xf32, #tpu.memory_space<vmem>> -> memref<64x32xf32, #tpu.memory_space<vmem>>
        %dma_start3A_633 = arith.constant 0 : i32
        %dma_start3A_634 = tpu.memref_slice %arg10[%dma_start3A_627, %dma_start3A_633] : memref<12x64xi32, #tpu.memory_space<vmem>> -> memref<1x64xi32, #tpu.memory_space<vmem>>
        %dma_start3A_635 = tpu.memref_squeeze %dma_start3A_634 : memref<1x64xi32, #tpu.memory_space<vmem>> -> memref<64xi32, #tpu.memory_space<vmem>>
        %dma_start3A_636 = arith.constant 0 : i32
        %dma_start3A_637 = arith.constant 0 : i32
        %dma_start3A_638 = tpu.memref_slice %arg3[%dma_start3A_636, %dma_start3A_637] : memref<789507x32xf32, #tpu.memory_space<hbm>> -> memref<789507x32xf32, #tpu.memory_space<hbm>>
        tpu.enqueue_indirect_dma source(%dma_start3A_638 : memref<789507x32xf32, #tpu.memory_space<hbm>>) target(%dma_start3A_632 : memref<64x32xf32, #tpu.memory_space<vmem>>) offsets(%dma_start3A_635 : memref<64xi32, #tpu.memory_space<vmem>>) semaphore(%arg16 : memref<!tpu.dma_semaphore, #tpu.memory_space<semaphore_mem>>)
        %dma_start3A_639 = arith.constant 9 : i32
        %dma_start3A_640 = arith.constant 9 : i32
        %dma_start3A_641 = arith.constant 0 : i32
        %dma_start3A_642 = arith.constant 0 : i32
        %dma_start3A_643 = tpu.memref_slice %arg12[%dma_start3A_640, %dma_start3A_641, %dma_start3A_642] : memref<12x64x32xf32, #tpu.memory_space<vmem>> -> memref<1x64x32xf32, #tpu.memory_space<vmem>>
        %dma_start3A_644 = tpu.memref_squeeze %dma_start3A_643 : memref<1x64x32xf32, #tpu.memory_space<vmem>> -> memref<64x32xf32, #tpu.memory_space<vmem>>
        %dma_start3A_645 = arith.constant 0 : i32
        %dma_start3A_646 = tpu.memref_slice %arg10[%dma_start3A_639, %dma_start3A_645] : memref<12x64xi32, #tpu.memory_space<vmem>> -> memref<1x64xi32, #tpu.memory_space<vmem>>
        %dma_start3A_647 = tpu.memref_squeeze %dma_start3A_646 : memref<1x64xi32, #tpu.memory_space<vmem>> -> memref<64xi32, #tpu.memory_space<vmem>>
        %dma_start3A_648 = arith.constant 0 : i32
        %dma_start3A_649 = arith.constant 0 : i32
        %dma_start3A_650 = tpu.memref_slice %arg3[%dma_start3A_648, %dma_start3A_649] : memref<789507x32xf32, #tpu.memory_space<hbm>> -> memref<789507x32xf32, #tpu.memory_space<hbm>>
        tpu.enqueue_indirect_dma source(%dma_start3A_650 : memref<789507x32xf32, #tpu.memory_space<hbm>>) target(%dma_start3A_644 : memref<64x32xf32, #tpu.memory_space<vmem>>) offsets(%dma_start3A_647 : memref<64xi32, #tpu.memory_space<vmem>>) semaphore(%arg16 : memref<!tpu.dma_semaphore, #tpu.memory_space<semaphore_mem>>)
        %dma_start3A_651 = arith.constant 10 : i32
        %dma_start3A_652 = arith.constant 10 : i32
        %dma_start3A_653 = arith.constant 0 : i32
        %dma_start3A_654 = arith.constant 0 : i32
        %dma_start3A_655 = tpu.memref_slice %arg12[%dma_start3A_652, %dma_start3A_653, %dma_start3A_654] : memref<12x64x32xf32, #tpu.memory_space<vmem>> -> memref<1x64x32xf32, #tpu.memory_space<vmem>>
        %dma_start3A_656 = tpu.memref_squeeze %dma_start3A_655 : memref<1x64x32xf32, #tpu.memory_space<vmem>> -> memref<64x32xf32, #tpu.memory_space<vmem>>
        %dma_start3A_657 = arith.constant 0 : i32
        %dma_start3A_658 = tpu.memref_slice %arg10[%dma_start3A_651, %dma_start3A_657] : memref<12x64xi32, #tpu.memory_space<vmem>> -> memref<1x64xi32, #tpu.memory_space<vmem>>
        %dma_start3A_659 = tpu.memref_squeeze %dma_start3A_658 : memref<1x64xi32, #tpu.memory_space<vmem>> -> memref<64xi32, #tpu.memory_space<vmem>>
        %dma_start3A_660 = arith.constant 0 : i32
        %dma_start3A_661 = arith.constant 0 : i32
        %dma_start3A_662 = tpu.memref_slice %arg3[%dma_start3A_660, %dma_start3A_661] : memref<789507x32xf32, #tpu.memory_space<hbm>> -> memref<789507x32xf32, #tpu.memory_space<hbm>>
        tpu.enqueue_indirect_dma source(%dma_start3A_662 : memref<789507x32xf32, #tpu.memory_space<hbm>>) target(%dma_start3A_656 : memref<64x32xf32, #tpu.memory_space<vmem>>) offsets(%dma_start3A_659 : memref<64xi32, #tpu.memory_space<vmem>>) semaphore(%arg16 : memref<!tpu.dma_semaphore, #tpu.memory_space<semaphore_mem>>)
        %dma_start3A_663 = arith.constant 11 : i32
        %dma_start3A_664 = arith.constant 11 : i32
        %dma_start3A_665 = arith.constant 0 : i32
        %dma_start3A_666 = arith.constant 0 : i32
        %dma_start3A_667 = tpu.memref_slice %arg12[%dma_start3A_664, %dma_start3A_665, %dma_start3A_666] : memref<12x64x32xf32, #tpu.memory_space<vmem>> -> memref<1x64x32xf32, #tpu.memory_space<vmem>>
        %dma_start3A_668 = tpu.memref_squeeze %dma_start3A_667 : memref<1x64x32xf32, #tpu.memory_space<vmem>> -> memref<64x32xf32, #tpu.memory_space<vmem>>
        %dma_start3A_669 = arith.constant 0 : i32
        %dma_start3A_670 = tpu.memref_slice %arg10[%dma_start3A_663, %dma_start3A_669] : memref<12x64xi32, #tpu.memory_space<vmem>> -> memref<1x64xi32, #tpu.memory_space<vmem>>
        %dma_start3A_671 = tpu.memref_squeeze %dma_start3A_670 : memref<1x64xi32, #tpu.memory_space<vmem>> -> memref<64xi32, #tpu.memory_space<vmem>>
        %dma_start3A_672 = arith.constant 0 : i32
        %dma_start3A_673 = arith.constant 0 : i32
        %dma_start3A_674 = tpu.memref_slice %arg3[%dma_start3A_672, %dma_start3A_673] : memref<789507x32xf32, #tpu.memory_space<hbm>> -> memref<789507x32xf32, #tpu.memory_space<hbm>>
        tpu.enqueue_indirect_dma source(%dma_start3A_674 : memref<789507x32xf32, #tpu.memory_space<hbm>>) target(%dma_start3A_668 : memref<64x32xf32, #tpu.memory_space<vmem>>) offsets(%dma_start3A_671 : memref<64xi32, #tpu.memory_space<vmem>>) semaphore(%arg16 : memref<!tpu.dma_semaphore, #tpu.memory_space<semaphore_mem>>)
      } else {
      }
      %add3A_177 = arith.constant 2 : i32
      %add3A_178 = arith.addi %mul3A_172, %add3A_177 : i32
      %lt3A_179 = arith.constant 128 : i32
      %lt3A_180 = arith.cmpi slt, %add3A_178, %lt3A_179 : i32
      %convert_element_type3A_181 = arith.extui %lt3A_180 : i1 to i32
      %cond3A_182 = arith.constant 0 : i32
      %cond3A_183 = arith.cmpi ne, %convert_element_type3A_181, %cond3A_182 : i32
      scf.if %cond3A_183 {
        %add3A_519 = arith.constant 2 : i32
        %add3A_520 = arith.addi %mul3A_172, %add3A_519 : i32
        %mul3A_521 = arith.constant 64 : i32
        %mul3A_522 = arith.muli %add3A_520, %mul3A_521 : i32
        %add3A_523 = arith.addi %mul3A_2, %mul3A_522 : i32
        %dma_start3A_524 = arith.constant 0 : i32
        %dma_start3A_525 = tpu.memref_slice %arg2[%add3A_523, %dma_start3A_524] : memref<262144x3xf32, #tpu.memory_space<hbm>> -> memref<64x3xf32, #tpu.memory_space<hbm>>
        %dma_start3A_526 = arith.constant 0 : i32
        %dma_start3A_527 = tpu.memref_slice %arg2[%add3A_523, %dma_start3A_526] : memref<262144x3xf32, #tpu.memory_space<hbm>> -> memref<64x3xf32, #tpu.memory_space<hbm>>
        tpu.enqueue_dma source(%dma_start3A_527 : memref<64x3xf32, #tpu.memory_space<hbm>>) target(%arg5 : memref<64x3xf32, #tpu.memory_space<vmem>>) target_semaphore(%arg17 : memref<!tpu.dma_semaphore, #tpu.memory_space<semaphore_mem>>)
      } else {
      }
      %dma_wait3A_184 = arith.constant 0 : i32
      %dma_wait3A_185 = arith.constant 0 : i32
      %dma_wait3A_186 = arith.constant 0 : i32
      %dma_wait3A_187 = arith.constant 0 : i32
      %dma_wait3A_188 = tpu.memref_slice %arg11[%dma_wait3A_185, %dma_wait3A_186, %dma_wait3A_187] : memref<12x64x32xf32, #tpu.memory_space<vmem>> -> memref<1x64x32xf32, #tpu.memory_space<vmem>>
      %dma_wait3A_189 = tpu.memref_squeeze %dma_wait3A_188 : memref<1x64x32xf32, #tpu.memory_space<vmem>> -> memref<64x32xf32, #tpu.memory_space<vmem>>
      %dma_wait3A_190 = arith.constant 0 : i32
      %dma_wait3A_191 = tpu.memref_slice %arg9[%dma_wait3A_184, %dma_wait3A_190] : memref<12x64xi32, #tpu.memory_space<vmem>> -> memref<1x64xi32, #tpu.memory_space<vmem>>
      %dma_wait3A_192 = tpu.memref_squeeze %dma_wait3A_191 : memref<1x64xi32, #tpu.memory_space<vmem>> -> memref<64xi32, #tpu.memory_space<vmem>>
      %dma_wait3A_193 = arith.constant 0 : i32
      %dma_wait3A_194 = arith.constant 0 : i32
      %dma_wait3A_195 = tpu.memref_slice %arg3[%dma_wait3A_193, %dma_wait3A_194] : memref<789507x32xf32, #tpu.memory_space<hbm>> -> memref<789507x32xf32, #tpu.memory_space<hbm>>
      tpu.wait_indirect_dma semaphore(%arg15 : memref<!tpu.dma_semaphore, #tpu.memory_space<semaphore_mem>>) src(%dma_wait3A_195 : memref<789507x32xf32, #tpu.memory_space<hbm>>) dst(%dma_wait3A_189 : memref<64x32xf32, #tpu.memory_space<vmem>>)
      %dma_wait3A_196 = arith.constant 1 : i32
      %dma_wait3A_197 = arith.constant 1 : i32
      %dma_wait3A_198 = arith.constant 0 : i32
      %dma_wait3A_199 = arith.constant 0 : i32
      %dma_wait3A_200 = tpu.memref_slice %arg11[%dma_wait3A_197, %dma_wait3A_198, %dma_wait3A_199] : memref<12x64x32xf32, #tpu.memory_space<vmem>> -> memref<1x64x32xf32, #tpu.memory_space<vmem>>
      %dma_wait3A_201 = tpu.memref_squeeze %dma_wait3A_200 : memref<1x64x32xf32, #tpu.memory_space<vmem>> -> memref<64x32xf32, #tpu.memory_space<vmem>>
      %dma_wait3A_202 = arith.constant 0 : i32
      %dma_wait3A_203 = tpu.memref_slice %arg9[%dma_wait3A_196, %dma_wait3A_202] : memref<12x64xi32, #tpu.memory_space<vmem>> -> memref<1x64xi32, #tpu.memory_space<vmem>>
      %dma_wait3A_204 = tpu.memref_squeeze %dma_wait3A_203 : memref<1x64xi32, #tpu.memory_space<vmem>> -> memref<64xi32, #tpu.memory_space<vmem>>
      %dma_wait3A_205 = arith.constant 0 : i32
      %dma_wait3A_206 = arith.constant 0 : i32
      %dma_wait3A_207 = tpu.memref_slice %arg3[%dma_wait3A_205, %dma_wait3A_206] : memref<789507x32xf32, #tpu.memory_space<hbm>> -> memref<789507x32xf32, #tpu.memory_space<hbm>>
      tpu.wait_indirect_dma semaphore(%arg15 : memref<!tpu.dma_semaphore, #tpu.memory_space<semaphore_mem>>) src(%dma_wait3A_207 : memref<789507x32xf32, #tpu.memory_space<hbm>>) dst(%dma_wait3A_201 : memref<64x32xf32, #tpu.memory_space<vmem>>)
      %dma_wait3A_208 = arith.constant 2 : i32
      %dma_wait3A_209 = arith.constant 2 : i32
      %dma_wait3A_210 = arith.constant 0 : i32
      %dma_wait3A_211 = arith.constant 0 : i32
      %dma_wait3A_212 = tpu.memref_slice %arg11[%dma_wait3A_209, %dma_wait3A_210, %dma_wait3A_211] : memref<12x64x32xf32, #tpu.memory_space<vmem>> -> memref<1x64x32xf32, #tpu.memory_space<vmem>>
      %dma_wait3A_213 = tpu.memref_squeeze %dma_wait3A_212 : memref<1x64x32xf32, #tpu.memory_space<vmem>> -> memref<64x32xf32, #tpu.memory_space<vmem>>
      %dma_wait3A_214 = arith.constant 0 : i32
      %dma_wait3A_215 = tpu.memref_slice %arg9[%dma_wait3A_208, %dma_wait3A_214] : memref<12x64xi32, #tpu.memory_space<vmem>> -> memref<1x64xi32, #tpu.memory_space<vmem>>
      %dma_wait3A_216 = tpu.memref_squeeze %dma_wait3A_215 : memref<1x64xi32, #tpu.memory_space<vmem>> -> memref<64xi32, #tpu.memory_space<vmem>>
      %dma_wait3A_217 = arith.constant 0 : i32
      %dma_wait3A_218 = arith.constant 0 : i32
      %dma_wait3A_219 = tpu.memref_slice %arg3[%dma_wait3A_217, %dma_wait3A_218] : memref<789507x32xf32, #tpu.memory_space<hbm>> -> memref<789507x32xf32, #tpu.memory_space<hbm>>
      tpu.wait_indirect_dma semaphore(%arg15 : memref<!tpu.dma_semaphore, #tpu.memory_space<semaphore_mem>>) src(%dma_wait3A_219 : memref<789507x32xf32, #tpu.memory_space<hbm>>) dst(%dma_wait3A_213 : memref<64x32xf32, #tpu.memory_space<vmem>>)
      %dma_wait3A_220 = arith.constant 3 : i32
      %dma_wait3A_221 = arith.constant 3 : i32
      %dma_wait3A_222 = arith.constant 0 : i32
      %dma_wait3A_223 = arith.constant 0 : i32
      %dma_wait3A_224 = tpu.memref_slice %arg11[%dma_wait3A_221, %dma_wait3A_222, %dma_wait3A_223] : memref<12x64x32xf32, #tpu.memory_space<vmem>> -> memref<1x64x32xf32, #tpu.memory_space<vmem>>
      %dma_wait3A_225 = tpu.memref_squeeze %dma_wait3A_224 : memref<1x64x32xf32, #tpu.memory_space<vmem>> -> memref<64x32xf32, #tpu.memory_space<vmem>>
      %dma_wait3A_226 = arith.constant 0 : i32
      %dma_wait3A_227 = tpu.memref_slice %arg9[%dma_wait3A_220, %dma_wait3A_226] : memref<12x64xi32, #tpu.memory_space<vmem>> -> memref<1x64xi32, #tpu.memory_space<vmem>>
      %dma_wait3A_228 = tpu.memref_squeeze %dma_wait3A_227 : memref<1x64xi32, #tpu.memory_space<vmem>> -> memref<64xi32, #tpu.memory_space<vmem>>
      %dma_wait3A_229 = arith.constant 0 : i32
      %dma_wait3A_230 = arith.constant 0 : i32
      %dma_wait3A_231 = tpu.memref_slice %arg3[%dma_wait3A_229, %dma_wait3A_230] : memref<789507x32xf32, #tpu.memory_space<hbm>> -> memref<789507x32xf32, #tpu.memory_space<hbm>>
      tpu.wait_indirect_dma semaphore(%arg15 : memref<!tpu.dma_semaphore, #tpu.memory_space<semaphore_mem>>) src(%dma_wait3A_231 : memref<789507x32xf32, #tpu.memory_space<hbm>>) dst(%dma_wait3A_225 : memref<64x32xf32, #tpu.memory_space<vmem>>)
      %dma_wait3A_232 = arith.constant 4 : i32
      %dma_wait3A_233 = arith.constant 4 : i32
      %dma_wait3A_234 = arith.constant 0 : i32
      %dma_wait3A_235 = arith.constant 0 : i32
      %dma_wait3A_236 = tpu.memref_slice %arg11[%dma_wait3A_233, %dma_wait3A_234, %dma_wait3A_235] : memref<12x64x32xf32, #tpu.memory_space<vmem>> -> memref<1x64x32xf32, #tpu.memory_space<vmem>>
      %dma_wait3A_237 = tpu.memref_squeeze %dma_wait3A_236 : memref<1x64x32xf32, #tpu.memory_space<vmem>> -> memref<64x32xf32, #tpu.memory_space<vmem>>
      %dma_wait3A_238 = arith.constant 0 : i32
      %dma_wait3A_239 = tpu.memref_slice %arg9[%dma_wait3A_232, %dma_wait3A_238] : memref<12x64xi32, #tpu.memory_space<vmem>> -> memref<1x64xi32, #tpu.memory_space<vmem>>
      %dma_wait3A_240 = tpu.memref_squeeze %dma_wait3A_239 : memref<1x64xi32, #tpu.memory_space<vmem>> -> memref<64xi32, #tpu.memory_space<vmem>>
      %dma_wait3A_241 = arith.constant 0 : i32
      %dma_wait3A_242 = arith.constant 0 : i32
      %dma_wait3A_243 = tpu.memref_slice %arg3[%dma_wait3A_241, %dma_wait3A_242] : memref<789507x32xf32, #tpu.memory_space<hbm>> -> memref<789507x32xf32, #tpu.memory_space<hbm>>
      tpu.wait_indirect_dma semaphore(%arg15 : memref<!tpu.dma_semaphore, #tpu.memory_space<semaphore_mem>>) src(%dma_wait3A_243 : memref<789507x32xf32, #tpu.memory_space<hbm>>) dst(%dma_wait3A_237 : memref<64x32xf32, #tpu.memory_space<vmem>>)
      %dma_wait3A_244 = arith.constant 5 : i32
      %dma_wait3A_245 = arith.constant 5 : i32
      %dma_wait3A_246 = arith.constant 0 : i32
      %dma_wait3A_247 = arith.constant 0 : i32
      %dma_wait3A_248 = tpu.memref_slice %arg11[%dma_wait3A_245, %dma_wait3A_246, %dma_wait3A_247] : memref<12x64x32xf32, #tpu.memory_space<vmem>> -> memref<1x64x32xf32, #tpu.memory_space<vmem>>
      %dma_wait3A_249 = tpu.memref_squeeze %dma_wait3A_248 : memref<1x64x32xf32, #tpu.memory_space<vmem>> -> memref<64x32xf32, #tpu.memory_space<vmem>>
      %dma_wait3A_250 = arith.constant 0 : i32
      %dma_wait3A_251 = tpu.memref_slice %arg9[%dma_wait3A_244, %dma_wait3A_250] : memref<12x64xi32, #tpu.memory_space<vmem>> -> memref<1x64xi32, #tpu.memory_space<vmem>>
      %dma_wait3A_252 = tpu.memref_squeeze %dma_wait3A_251 : memref<1x64xi32, #tpu.memory_space<vmem>> -> memref<64xi32, #tpu.memory_space<vmem>>
      %dma_wait3A_253 = arith.constant 0 : i32
      %dma_wait3A_254 = arith.constant 0 : i32
      %dma_wait3A_255 = tpu.memref_slice %arg3[%dma_wait3A_253, %dma_wait3A_254] : memref<789507x32xf32, #tpu.memory_space<hbm>> -> memref<789507x32xf32, #tpu.memory_space<hbm>>
      tpu.wait_indirect_dma semaphore(%arg15 : memref<!tpu.dma_semaphore, #tpu.memory_space<semaphore_mem>>) src(%dma_wait3A_255 : memref<789507x32xf32, #tpu.memory_space<hbm>>) dst(%dma_wait3A_249 : memref<64x32xf32, #tpu.memory_space<vmem>>)
      %dma_wait3A_256 = arith.constant 6 : i32
      %dma_wait3A_257 = arith.constant 6 : i32
      %dma_wait3A_258 = arith.constant 0 : i32
      %dma_wait3A_259 = arith.constant 0 : i32
      %dma_wait3A_260 = tpu.memref_slice %arg11[%dma_wait3A_257, %dma_wait3A_258, %dma_wait3A_259] : memref<12x64x32xf32, #tpu.memory_space<vmem>> -> memref<1x64x32xf32, #tpu.memory_space<vmem>>
      %dma_wait3A_261 = tpu.memref_squeeze %dma_wait3A_260 : memref<1x64x32xf32, #tpu.memory_space<vmem>> -> memref<64x32xf32, #tpu.memory_space<vmem>>
      %dma_wait3A_262 = arith.constant 0 : i32
      %dma_wait3A_263 = tpu.memref_slice %arg9[%dma_wait3A_256, %dma_wait3A_262] : memref<12x64xi32, #tpu.memory_space<vmem>> -> memref<1x64xi32, #tpu.memory_space<vmem>>
      %dma_wait3A_264 = tpu.memref_squeeze %dma_wait3A_263 : memref<1x64xi32, #tpu.memory_space<vmem>> -> memref<64xi32, #tpu.memory_space<vmem>>
      %dma_wait3A_265 = arith.constant 0 : i32
      %dma_wait3A_266 = arith.constant 0 : i32
      %dma_wait3A_267 = tpu.memref_slice %arg3[%dma_wait3A_265, %dma_wait3A_266] : memref<789507x32xf32, #tpu.memory_space<hbm>> -> memref<789507x32xf32, #tpu.memory_space<hbm>>
      tpu.wait_indirect_dma semaphore(%arg15 : memref<!tpu.dma_semaphore, #tpu.memory_space<semaphore_mem>>) src(%dma_wait3A_267 : memref<789507x32xf32, #tpu.memory_space<hbm>>) dst(%dma_wait3A_261 : memref<64x32xf32, #tpu.memory_space<vmem>>)
      %dma_wait3A_268 = arith.constant 7 : i32
      %dma_wait3A_269 = arith.constant 7 : i32
      %dma_wait3A_270 = arith.constant 0 : i32
      %dma_wait3A_271 = arith.constant 0 : i32
      %dma_wait3A_272 = tpu.memref_slice %arg11[%dma_wait3A_269, %dma_wait3A_270, %dma_wait3A_271] : memref<12x64x32xf32, #tpu.memory_space<vmem>> -> memref<1x64x32xf32, #tpu.memory_space<vmem>>
      %dma_wait3A_273 = tpu.memref_squeeze %dma_wait3A_272 : memref<1x64x32xf32, #tpu.memory_space<vmem>> -> memref<64x32xf32, #tpu.memory_space<vmem>>
      %dma_wait3A_274 = arith.constant 0 : i32
      %dma_wait3A_275 = tpu.memref_slice %arg9[%dma_wait3A_268, %dma_wait3A_274] : memref<12x64xi32, #tpu.memory_space<vmem>> -> memref<1x64xi32, #tpu.memory_space<vmem>>
      %dma_wait3A_276 = tpu.memref_squeeze %dma_wait3A_275 : memref<1x64xi32, #tpu.memory_space<vmem>> -> memref<64xi32, #tpu.memory_space<vmem>>
      %dma_wait3A_277 = arith.constant 0 : i32
      %dma_wait3A_278 = arith.constant 0 : i32
      %dma_wait3A_279 = tpu.memref_slice %arg3[%dma_wait3A_277, %dma_wait3A_278] : memref<789507x32xf32, #tpu.memory_space<hbm>> -> memref<789507x32xf32, #tpu.memory_space<hbm>>
      tpu.wait_indirect_dma semaphore(%arg15 : memref<!tpu.dma_semaphore, #tpu.memory_space<semaphore_mem>>) src(%dma_wait3A_279 : memref<789507x32xf32, #tpu.memory_space<hbm>>) dst(%dma_wait3A_273 : memref<64x32xf32, #tpu.memory_space<vmem>>)
      %dma_wait3A_280 = arith.constant 8 : i32
      %dma_wait3A_281 = arith.constant 8 : i32
      %dma_wait3A_282 = arith.constant 0 : i32
      %dma_wait3A_283 = arith.constant 0 : i32
      %dma_wait3A_284 = tpu.memref_slice %arg11[%dma_wait3A_281, %dma_wait3A_282, %dma_wait3A_283] : memref<12x64x32xf32, #tpu.memory_space<vmem>> -> memref<1x64x32xf32, #tpu.memory_space<vmem>>
      %dma_wait3A_285 = tpu.memref_squeeze %dma_wait3A_284 : memref<1x64x32xf32, #tpu.memory_space<vmem>> -> memref<64x32xf32, #tpu.memory_space<vmem>>
      %dma_wait3A_286 = arith.constant 0 : i32
      %dma_wait3A_287 = tpu.memref_slice %arg9[%dma_wait3A_280, %dma_wait3A_286] : memref<12x64xi32, #tpu.memory_space<vmem>> -> memref<1x64xi32, #tpu.memory_space<vmem>>
      %dma_wait3A_288 = tpu.memref_squeeze %dma_wait3A_287 : memref<1x64xi32, #tpu.memory_space<vmem>> -> memref<64xi32, #tpu.memory_space<vmem>>
      %dma_wait3A_289 = arith.constant 0 : i32
      %dma_wait3A_290 = arith.constant 0 : i32
      %dma_wait3A_291 = tpu.memref_slice %arg3[%dma_wait3A_289, %dma_wait3A_290] : memref<789507x32xf32, #tpu.memory_space<hbm>> -> memref<789507x32xf32, #tpu.memory_space<hbm>>
      tpu.wait_indirect_dma semaphore(%arg15 : memref<!tpu.dma_semaphore, #tpu.memory_space<semaphore_mem>>) src(%dma_wait3A_291 : memref<789507x32xf32, #tpu.memory_space<hbm>>) dst(%dma_wait3A_285 : memref<64x32xf32, #tpu.memory_space<vmem>>)
      %dma_wait3A_292 = arith.constant 9 : i32
      %dma_wait3A_293 = arith.constant 9 : i32
      %dma_wait3A_294 = arith.constant 0 : i32
      %dma_wait3A_295 = arith.constant 0 : i32
      %dma_wait3A_296 = tpu.memref_slice %arg11[%dma_wait3A_293, %dma_wait3A_294, %dma_wait3A_295] : memref<12x64x32xf32, #tpu.memory_space<vmem>> -> memref<1x64x32xf32, #tpu.memory_space<vmem>>
      %dma_wait3A_297 = tpu.memref_squeeze %dma_wait3A_296 : memref<1x64x32xf32, #tpu.memory_space<vmem>> -> memref<64x32xf32, #tpu.memory_space<vmem>>
      %dma_wait3A_298 = arith.constant 0 : i32
      %dma_wait3A_299 = tpu.memref_slice %arg9[%dma_wait3A_292, %dma_wait3A_298] : memref<12x64xi32, #tpu.memory_space<vmem>> -> memref<1x64xi32, #tpu.memory_space<vmem>>
      %dma_wait3A_300 = tpu.memref_squeeze %dma_wait3A_299 : memref<1x64xi32, #tpu.memory_space<vmem>> -> memref<64xi32, #tpu.memory_space<vmem>>
      %dma_wait3A_301 = arith.constant 0 : i32
      %dma_wait3A_302 = arith.constant 0 : i32
      %dma_wait3A_303 = tpu.memref_slice %arg3[%dma_wait3A_301, %dma_wait3A_302] : memref<789507x32xf32, #tpu.memory_space<hbm>> -> memref<789507x32xf32, #tpu.memory_space<hbm>>
      tpu.wait_indirect_dma semaphore(%arg15 : memref<!tpu.dma_semaphore, #tpu.memory_space<semaphore_mem>>) src(%dma_wait3A_303 : memref<789507x32xf32, #tpu.memory_space<hbm>>) dst(%dma_wait3A_297 : memref<64x32xf32, #tpu.memory_space<vmem>>)
      %dma_wait3A_304 = arith.constant 10 : i32
      %dma_wait3A_305 = arith.constant 10 : i32
      %dma_wait3A_306 = arith.constant 0 : i32
      %dma_wait3A_307 = arith.constant 0 : i32
      %dma_wait3A_308 = tpu.memref_slice %arg11[%dma_wait3A_305, %dma_wait3A_306, %dma_wait3A_307] : memref<12x64x32xf32, #tpu.memory_space<vmem>> -> memref<1x64x32xf32, #tpu.memory_space<vmem>>
      %dma_wait3A_309 = tpu.memref_squeeze %dma_wait3A_308 : memref<1x64x32xf32, #tpu.memory_space<vmem>> -> memref<64x32xf32, #tpu.memory_space<vmem>>
      %dma_wait3A_310 = arith.constant 0 : i32
      %dma_wait3A_311 = tpu.memref_slice %arg9[%dma_wait3A_304, %dma_wait3A_310] : memref<12x64xi32, #tpu.memory_space<vmem>> -> memref<1x64xi32, #tpu.memory_space<vmem>>
      %dma_wait3A_312 = tpu.memref_squeeze %dma_wait3A_311 : memref<1x64xi32, #tpu.memory_space<vmem>> -> memref<64xi32, #tpu.memory_space<vmem>>
      %dma_wait3A_313 = arith.constant 0 : i32
      %dma_wait3A_314 = arith.constant 0 : i32
      %dma_wait3A_315 = tpu.memref_slice %arg3[%dma_wait3A_313, %dma_wait3A_314] : memref<789507x32xf32, #tpu.memory_space<hbm>> -> memref<789507x32xf32, #tpu.memory_space<hbm>>
      tpu.wait_indirect_dma semaphore(%arg15 : memref<!tpu.dma_semaphore, #tpu.memory_space<semaphore_mem>>) src(%dma_wait3A_315 : memref<789507x32xf32, #tpu.memory_space<hbm>>) dst(%dma_wait3A_309 : memref<64x32xf32, #tpu.memory_space<vmem>>)
      %dma_wait3A_316 = arith.constant 11 : i32
      %dma_wait3A_317 = arith.constant 11 : i32
      %dma_wait3A_318 = arith.constant 0 : i32
      %dma_wait3A_319 = arith.constant 0 : i32
      %dma_wait3A_320 = tpu.memref_slice %arg11[%dma_wait3A_317, %dma_wait3A_318, %dma_wait3A_319] : memref<12x64x32xf32, #tpu.memory_space<vmem>> -> memref<1x64x32xf32, #tpu.memory_space<vmem>>
      %dma_wait3A_321 = tpu.memref_squeeze %dma_wait3A_320 : memref<1x64x32xf32, #tpu.memory_space<vmem>> -> memref<64x32xf32, #tpu.memory_space<vmem>>
      %dma_wait3A_322 = arith.constant 0 : i32
      %dma_wait3A_323 = tpu.memref_slice %arg9[%dma_wait3A_316, %dma_wait3A_322] : memref<12x64xi32, #tpu.memory_space<vmem>> -> memref<1x64xi32, #tpu.memory_space<vmem>>
      %dma_wait3A_324 = tpu.memref_squeeze %dma_wait3A_323 : memref<1x64xi32, #tpu.memory_space<vmem>> -> memref<64xi32, #tpu.memory_space<vmem>>
      %dma_wait3A_325 = arith.constant 0 : i32
      %dma_wait3A_326 = arith.constant 0 : i32
      %dma_wait3A_327 = tpu.memref_slice %arg3[%dma_wait3A_325, %dma_wait3A_326] : memref<789507x32xf32, #tpu.memory_space<hbm>> -> memref<789507x32xf32, #tpu.memory_space<hbm>>
      tpu.wait_indirect_dma semaphore(%arg15 : memref<!tpu.dma_semaphore, #tpu.memory_space<semaphore_mem>>) src(%dma_wait3A_327 : memref<789507x32xf32, #tpu.memory_space<hbm>>) dst(%dma_wait3A_321 : memref<64x32xf32, #tpu.memory_space<vmem>>)
      %parallel_loop3A_328 = arith.constant 0 : i32
      %parallel_loop3A_329 = arith.constant 64 : i32
      %parallel_loop3A_330 = arith.constant 1 : i32
      scf.for %parallel_loop3A_519 = %parallel_loop3A_328 to %parallel_loop3A_329 step %parallel_loop3A_330  : i32 {
        %parallel_loop3A_520 = vector.broadcast %parallel_loop3A_519 : i32 to vector<16xi32>
        %parallel_loop3A_521 = arith.constant 0 : i32
        %parallel_loop3A_522 = vector.broadcast %parallel_loop3A_521 : i32 to vector<16xi32>
        %parallel_loop3A_523 = tpu.vector_load_idx %arg7[%parallel_loop3A_522, %parallel_loop3A_520] : memref<3x64xf32, #tpu.memory_space<vmem>>[vector<16xi32>, vector<16xi32>], vector<16xf32>,
        %parallel_loop3A_524 = arith.constant 1 : i32
        %parallel_loop3A_525 = vector.broadcast %parallel_loop3A_524 : i32 to vector<16xi32>
        %parallel_loop3A_526 = tpu.vector_load_idx %arg7[%parallel_loop3A_525, %parallel_loop3A_520] : memref<3x64xf32, #tpu.memory_space<vmem>>[vector<16xi32>, vector<16xi32>], vector<16xf32>,
        %parallel_loop3A_527 = arith.constant 2 : i32
        %parallel_loop3A_528 = vector.broadcast %parallel_loop3A_527 : i32 to vector<16xi32>
        %parallel_loop3A_529 = tpu.vector_load_idx %arg7[%parallel_loop3A_528, %parallel_loop3A_520] : memref<3x64xf32, #tpu.memory_space<vmem>>[vector<16xi32>, vector<16xi32>], vector<16xf32>,
        %parallel_loop3A_530 = arith.constant 0 : i32
        %parallel_loop3A_531 = arith.index_cast %parallel_loop3A_530 : i32 to index
        %parallel_loop3A_532 = arith.index_cast %parallel_loop3A_519 : i32 to index
        %parallel_loop3A_533 = arith.constant 0 : index
        %parallel_loop3A_534 = tpu.vector_load %arg11[%parallel_loop3A_531, %parallel_loop3A_532, %parallel_loop3A_533] {strides = array<i32>} : memref<12x64x32xf32, #tpu.memory_space<vmem>>, vector<16xf32>,
        %parallel_loop3A_535 = arith.constant 1 : i32
        %parallel_loop3A_536 = arith.index_cast %parallel_loop3A_535 : i32 to index
        %parallel_loop3A_537 = arith.index_cast %parallel_loop3A_519 : i32 to index
        %parallel_loop3A_538 = arith.constant 0 : index
        %parallel_loop3A_539 = tpu.vector_load %arg11[%parallel_loop3A_536, %parallel_loop3A_537, %parallel_loop3A_538] {strides = array<i32>} : memref<12x64x32xf32, #tpu.memory_space<vmem>>, vector<16xf32>,
        %parallel_loop3A_540 = arith.constant 2 : i32
        %parallel_loop3A_541 = arith.index_cast %parallel_loop3A_540 : i32 to index
        %parallel_loop3A_542 = arith.index_cast %parallel_loop3A_519 : i32 to index
        %parallel_loop3A_543 = arith.constant 0 : index
        %parallel_loop3A_544 = tpu.vector_load %arg11[%parallel_loop3A_541, %parallel_loop3A_542, %parallel_loop3A_543] {strides = array<i32>} : memref<12x64x32xf32, #tpu.memory_space<vmem>>, vector<16xf32>,
        %parallel_loop3A_545 = arith.constant 3 : i32
        %parallel_loop3A_546 = arith.index_cast %parallel_loop3A_545 : i32 to index
        %parallel_loop3A_547 = arith.index_cast %parallel_loop3A_519 : i32 to index
        %parallel_loop3A_548 = arith.constant 0 : index
        %parallel_loop3A_549 = tpu.vector_load %arg11[%parallel_loop3A_546, %parallel_loop3A_547, %parallel_loop3A_548] {strides = array<i32>} : memref<12x64x32xf32, #tpu.memory_space<vmem>>, vector<16xf32>,
        %parallel_loop3A_550 = arith.subf %parallel_loop3A_539, %parallel_loop3A_534 : vector<16xf32>
        %parallel_loop3A_551 = arith.mulf %parallel_loop3A_523, %parallel_loop3A_550 : vector<16xf32>
        %parallel_loop3A_552 = arith.addf %parallel_loop3A_534, %parallel_loop3A_551 : vector<16xf32>
        %parallel_loop3A_553 = arith.subf %parallel_loop3A_549, %parallel_loop3A_544 : vector<16xf32>
        %parallel_loop3A_554 = arith.mulf %parallel_loop3A_523, %parallel_loop3A_553 : vector<16xf32>
        %parallel_loop3A_555 = arith.addf %parallel_loop3A_544, %parallel_loop3A_554 : vector<16xf32>
        %parallel_loop3A_556 = arith.subf %parallel_loop3A_555, %parallel_loop3A_552 : vector<16xf32>
        %parallel_loop3A_557 = arith.mulf %parallel_loop3A_526, %parallel_loop3A_556 : vector<16xf32>
        %parallel_loop3A_558 = arith.addf %parallel_loop3A_552, %parallel_loop3A_557 : vector<16xf32>
        %parallel_loop3A_559 = arith.index_cast %parallel_loop3A_519 : i32 to index
        %parallel_loop3A_560 = arith.constant 0 : index
        %parallel_loop3A_561 = tpu.vector_load %arg13[%parallel_loop3A_559, %parallel_loop3A_560] {strides = array<i32>} : memref<64x96xf32, #tpu.memory_space<vmem>>, vector<16xf32>,
        tpu.vector_store %arg13[%parallel_loop3A_559, %parallel_loop3A_560], %parallel_loop3A_558 {strides = array<i32>} : memref<64x96xf32, #tpu.memory_space<vmem>>, vector<16xf32>,
        %parallel_loop3A_562 = arith.constant 0 : i32
        %parallel_loop3A_563 = arith.index_cast %parallel_loop3A_562 : i32 to index
        %parallel_loop3A_564 = arith.index_cast %parallel_loop3A_519 : i32 to index
        %parallel_loop3A_565 = arith.constant 16 : index
        %parallel_loop3A_566 = tpu.vector_load %arg11[%parallel_loop3A_563, %parallel_loop3A_564, %parallel_loop3A_565] {strides = array<i32>} : memref<12x64x32xf32, #tpu.memory_space<vmem>>, vector<16xf32>,
        %parallel_loop3A_567 = arith.constant 1 : i32
        %parallel_loop3A_568 = arith.index_cast %parallel_loop3A_567 : i32 to index
        %parallel_loop3A_569 = arith.index_cast %parallel_loop3A_519 : i32 to index
        %parallel_loop3A_570 = arith.constant 16 : index
        %parallel_loop3A_571 = tpu.vector_load %arg11[%parallel_loop3A_568, %parallel_loop3A_569, %parallel_loop3A_570] {strides = array<i32>} : memref<12x64x32xf32, #tpu.memory_space<vmem>>, vector<16xf32>,
        %parallel_loop3A_572 = arith.constant 2 : i32
        %parallel_loop3A_573 = arith.index_cast %parallel_loop3A_572 : i32 to index
        %parallel_loop3A_574 = arith.index_cast %parallel_loop3A_519 : i32 to index
        %parallel_loop3A_575 = arith.constant 16 : index
        %parallel_loop3A_576 = tpu.vector_load %arg11[%parallel_loop3A_573, %parallel_loop3A_574, %parallel_loop3A_575] {strides = array<i32>} : memref<12x64x32xf32, #tpu.memory_space<vmem>>, vector<16xf32>,
        %parallel_loop3A_577 = arith.constant 3 : i32
        %parallel_loop3A_578 = arith.index_cast %parallel_loop3A_577 : i32 to index
        %parallel_loop3A_579 = arith.index_cast %parallel_loop3A_519 : i32 to index
        %parallel_loop3A_580 = arith.constant 16 : index
        %parallel_loop3A_581 = tpu.vector_load %arg11[%parallel_loop3A_578, %parallel_loop3A_579, %parallel_loop3A_580] {strides = array<i32>} : memref<12x64x32xf32, #tpu.memory_space<vmem>>, vector<16xf32>,
        %parallel_loop3A_582 = arith.subf %parallel_loop3A_571, %parallel_loop3A_566 : vector<16xf32>
        %parallel_loop3A_583 = arith.mulf %parallel_loop3A_523, %parallel_loop3A_582 : vector<16xf32>
        %parallel_loop3A_584 = arith.addf %parallel_loop3A_566, %parallel_loop3A_583 : vector<16xf32>
        %parallel_loop3A_585 = arith.subf %parallel_loop3A_581, %parallel_loop3A_576 : vector<16xf32>
        %parallel_loop3A_586 = arith.mulf %parallel_loop3A_523, %parallel_loop3A_585 : vector<16xf32>
        %parallel_loop3A_587 = arith.addf %parallel_loop3A_576, %parallel_loop3A_586 : vector<16xf32>
        %parallel_loop3A_588 = arith.subf %parallel_loop3A_587, %parallel_loop3A_584 : vector<16xf32>
        %parallel_loop3A_589 = arith.mulf %parallel_loop3A_526, %parallel_loop3A_588 : vector<16xf32>
        %parallel_loop3A_590 = arith.addf %parallel_loop3A_584, %parallel_loop3A_589 : vector<16xf32>
        %parallel_loop3A_591 = arith.index_cast %parallel_loop3A_519 : i32 to index
        %parallel_loop3A_592 = arith.constant 16 : index
        %parallel_loop3A_593 = tpu.vector_load %arg13[%parallel_loop3A_591, %parallel_loop3A_592] {strides = array<i32>} : memref<64x96xf32, #tpu.memory_space<vmem>>, vector<16xf32>,
        tpu.vector_store %arg13[%parallel_loop3A_591, %parallel_loop3A_592], %parallel_loop3A_590 {strides = array<i32>} : memref<64x96xf32, #tpu.memory_space<vmem>>, vector<16xf32>,
        %parallel_loop3A_594 = arith.constant 4 : i32
        %parallel_loop3A_595 = arith.index_cast %parallel_loop3A_594 : i32 to index
        %parallel_loop3A_596 = arith.index_cast %parallel_loop3A_519 : i32 to index
        %parallel_loop3A_597 = arith.constant 0 : index
        %parallel_loop3A_598 = tpu.vector_load %arg11[%parallel_loop3A_595, %parallel_loop3A_596, %parallel_loop3A_597] {strides = array<i32>} : memref<12x64x32xf32, #tpu.memory_space<vmem>>, vector<16xf32>,
        %parallel_loop3A_599 = arith.constant 5 : i32
        %parallel_loop3A_600 = arith.index_cast %parallel_loop3A_599 : i32 to index
        %parallel_loop3A_601 = arith.index_cast %parallel_loop3A_519 : i32 to index
        %parallel_loop3A_602 = arith.constant 0 : index
        %parallel_loop3A_603 = tpu.vector_load %arg11[%parallel_loop3A_600, %parallel_loop3A_601, %parallel_loop3A_602] {strides = array<i32>} : memref<12x64x32xf32, #tpu.memory_space<vmem>>, vector<16xf32>,
        %parallel_loop3A_604 = arith.constant 6 : i32
        %parallel_loop3A_605 = arith.index_cast %parallel_loop3A_604 : i32 to index
        %parallel_loop3A_606 = arith.index_cast %parallel_loop3A_519 : i32 to index
        %parallel_loop3A_607 = arith.constant 0 : index
        %parallel_loop3A_608 = tpu.vector_load %arg11[%parallel_loop3A_605, %parallel_loop3A_606, %parallel_loop3A_607] {strides = array<i32>} : memref<12x64x32xf32, #tpu.memory_space<vmem>>, vector<16xf32>,
        %parallel_loop3A_609 = arith.constant 7 : i32
        %parallel_loop3A_610 = arith.index_cast %parallel_loop3A_609 : i32 to index
        %parallel_loop3A_611 = arith.index_cast %parallel_loop3A_519 : i32 to index
        %parallel_loop3A_612 = arith.constant 0 : index
        %parallel_loop3A_613 = tpu.vector_load %arg11[%parallel_loop3A_610, %parallel_loop3A_611, %parallel_loop3A_612] {strides = array<i32>} : memref<12x64x32xf32, #tpu.memory_space<vmem>>, vector<16xf32>,
        %parallel_loop3A_614 = arith.subf %parallel_loop3A_603, %parallel_loop3A_598 : vector<16xf32>
        %parallel_loop3A_615 = arith.mulf %parallel_loop3A_526, %parallel_loop3A_614 : vector<16xf32>
        %parallel_loop3A_616 = arith.addf %parallel_loop3A_598, %parallel_loop3A_615 : vector<16xf32>
        %parallel_loop3A_617 = arith.subf %parallel_loop3A_613, %parallel_loop3A_608 : vector<16xf32>
        %parallel_loop3A_618 = arith.mulf %parallel_loop3A_526, %parallel_loop3A_617 : vector<16xf32>
        %parallel_loop3A_619 = arith.addf %parallel_loop3A_608, %parallel_loop3A_618 : vector<16xf32>
        %parallel_loop3A_620 = arith.subf %parallel_loop3A_619, %parallel_loop3A_616 : vector<16xf32>
        %parallel_loop3A_621 = arith.mulf %parallel_loop3A_529, %parallel_loop3A_620 : vector<16xf32>
        %parallel_loop3A_622 = arith.addf %parallel_loop3A_616, %parallel_loop3A_621 : vector<16xf32>
        %parallel_loop3A_623 = arith.index_cast %parallel_loop3A_519 : i32 to index
        %parallel_loop3A_624 = arith.constant 32 : index
        %parallel_loop3A_625 = tpu.vector_load %arg13[%parallel_loop3A_623, %parallel_loop3A_624] {strides = array<i32>} : memref<64x96xf32, #tpu.memory_space<vmem>>, vector<16xf32>,
        tpu.vector_store %arg13[%parallel_loop3A_623, %parallel_loop3A_624], %parallel_loop3A_622 {strides = array<i32>} : memref<64x96xf32, #tpu.memory_space<vmem>>, vector<16xf32>,
        %parallel_loop3A_626 = arith.constant 4 : i32
        %parallel_loop3A_627 = arith.index_cast %parallel_loop3A_626 : i32 to index
        %parallel_loop3A_628 = arith.index_cast %parallel_loop3A_519 : i32 to index
        %parallel_loop3A_629 = arith.constant 16 : index
        %parallel_loop3A_630 = tpu.vector_load %arg11[%parallel_loop3A_627, %parallel_loop3A_628, %parallel_loop3A_629] {strides = array<i32>} : memref<12x64x32xf32, #tpu.memory_space<vmem>>, vector<16xf32>,
        %parallel_loop3A_631 = arith.constant 5 : i32
        %parallel_loop3A_632 = arith.index_cast %parallel_loop3A_631 : i32 to index
        %parallel_loop3A_633 = arith.index_cast %parallel_loop3A_519 : i32 to index
        %parallel_loop3A_634 = arith.constant 16 : index
        %parallel_loop3A_635 = tpu.vector_load %arg11[%parallel_loop3A_632, %parallel_loop3A_633, %parallel_loop3A_634] {strides = array<i32>} : memref<12x64x32xf32, #tpu.memory_space<vmem>>, vector<16xf32>,
        %parallel_loop3A_636 = arith.constant 6 : i32
        %parallel_loop3A_637 = arith.index_cast %parallel_loop3A_636 : i32 to index
        %parallel_loop3A_638 = arith.index_cast %parallel_loop3A_519 : i32 to index
        %parallel_loop3A_639 = arith.constant 16 : index
        %parallel_loop3A_640 = tpu.vector_load %arg11[%parallel_loop3A_637, %parallel_loop3A_638, %parallel_loop3A_639] {strides = array<i32>} : memref<12x64x32xf32, #tpu.memory_space<vmem>>, vector<16xf32>,
        %parallel_loop3A_641 = arith.constant 7 : i32
        %parallel_loop3A_642 = arith.index_cast %parallel_loop3A_641 : i32 to index
        %parallel_loop3A_643 = arith.index_cast %parallel_loop3A_519 : i32 to index
        %parallel_loop3A_644 = arith.constant 16 : index
        %parallel_loop3A_645 = tpu.vector_load %arg11[%parallel_loop3A_642, %parallel_loop3A_643, %parallel_loop3A_644] {strides = array<i32>} : memref<12x64x32xf32, #tpu.memory_space<vmem>>, vector<16xf32>,
        %parallel_loop3A_646 = arith.subf %parallel_loop3A_635, %parallel_loop3A_630 : vector<16xf32>
        %parallel_loop3A_647 = arith.mulf %parallel_loop3A_526, %parallel_loop3A_646 : vector<16xf32>
        %parallel_loop3A_648 = arith.addf %parallel_loop3A_630, %parallel_loop3A_647 : vector<16xf32>
        %parallel_loop3A_649 = arith.subf %parallel_loop3A_645, %parallel_loop3A_640 : vector<16xf32>
        %parallel_loop3A_650 = arith.mulf %parallel_loop3A_526, %parallel_loop3A_649 : vector<16xf32>
        %parallel_loop3A_651 = arith.addf %parallel_loop3A_640, %parallel_loop3A_650 : vector<16xf32>
        %parallel_loop3A_652 = arith.subf %parallel_loop3A_651, %parallel_loop3A_648 : vector<16xf32>
        %parallel_loop3A_653 = arith.mulf %parallel_loop3A_529, %parallel_loop3A_652 : vector<16xf32>
        %parallel_loop3A_654 = arith.addf %parallel_loop3A_648, %parallel_loop3A_653 : vector<16xf32>
        %parallel_loop3A_655 = arith.index_cast %parallel_loop3A_519 : i32 to index
        %parallel_loop3A_656 = arith.constant 48 : index
        %parallel_loop3A_657 = tpu.vector_load %arg13[%parallel_loop3A_655, %parallel_loop3A_656] {strides = array<i32>} : memref<64x96xf32, #tpu.memory_space<vmem>>, vector<16xf32>,
        tpu.vector_store %arg13[%parallel_loop3A_655, %parallel_loop3A_656], %parallel_loop3A_654 {strides = array<i32>} : memref<64x96xf32, #tpu.memory_space<vmem>>, vector<16xf32>,
        %parallel_loop3A_658 = arith.constant 8 : i32
        %parallel_loop3A_659 = arith.index_cast %parallel_loop3A_658 : i32 to index
        %parallel_loop3A_660 = arith.index_cast %parallel_loop3A_519 : i32 to index
        %parallel_loop3A_661 = arith.constant 0 : index
        %parallel_loop3A_662 = tpu.vector_load %arg11[%parallel_loop3A_659, %parallel_loop3A_660, %parallel_loop3A_661] {strides = array<i32>} : memref<12x64x32xf32, #tpu.memory_space<vmem>>, vector<16xf32>,
        %parallel_loop3A_663 = arith.constant 9 : i32
        %parallel_loop3A_664 = arith.index_cast %parallel_loop3A_663 : i32 to index
        %parallel_loop3A_665 = arith.index_cast %parallel_loop3A_519 : i32 to index
        %parallel_loop3A_666 = arith.constant 0 : index
        %parallel_loop3A_667 = tpu.vector_load %arg11[%parallel_loop3A_664, %parallel_loop3A_665, %parallel_loop3A_666] {strides = array<i32>} : memref<12x64x32xf32, #tpu.memory_space<vmem>>, vector<16xf32>,
        %parallel_loop3A_668 = arith.constant 10 : i32
        %parallel_loop3A_669 = arith.index_cast %parallel_loop3A_668 : i32 to index
        %parallel_loop3A_670 = arith.index_cast %parallel_loop3A_519 : i32 to index
        %parallel_loop3A_671 = arith.constant 0 : index
        %parallel_loop3A_672 = tpu.vector_load %arg11[%parallel_loop3A_669, %parallel_loop3A_670, %parallel_loop3A_671] {strides = array<i32>} : memref<12x64x32xf32, #tpu.memory_space<vmem>>, vector<16xf32>,
        %parallel_loop3A_673 = arith.constant 11 : i32
        %parallel_loop3A_674 = arith.index_cast %parallel_loop3A_673 : i32 to index
        %parallel_loop3A_675 = arith.index_cast %parallel_loop3A_519 : i32 to index
        %parallel_loop3A_676 = arith.constant 0 : index
        %parallel_loop3A_677 = tpu.vector_load %arg11[%parallel_loop3A_674, %parallel_loop3A_675, %parallel_loop3A_676] {strides = array<i32>} : memref<12x64x32xf32, #tpu.memory_space<vmem>>, vector<16xf32>,
        %parallel_loop3A_678 = arith.subf %parallel_loop3A_667, %parallel_loop3A_662 : vector<16xf32>
        %parallel_loop3A_679 = arith.mulf %parallel_loop3A_523, %parallel_loop3A_678 : vector<16xf32>
        %parallel_loop3A_680 = arith.addf %parallel_loop3A_662, %parallel_loop3A_679 : vector<16xf32>
        %parallel_loop3A_681 = arith.subf %parallel_loop3A_677, %parallel_loop3A_672 : vector<16xf32>
        %parallel_loop3A_682 = arith.mulf %parallel_loop3A_523, %parallel_loop3A_681 : vector<16xf32>
        %parallel_loop3A_683 = arith.addf %parallel_loop3A_672, %parallel_loop3A_682 : vector<16xf32>
        %parallel_loop3A_684 = arith.subf %parallel_loop3A_683, %parallel_loop3A_680 : vector<16xf32>
        %parallel_loop3A_685 = arith.mulf %parallel_loop3A_529, %parallel_loop3A_684 : vector<16xf32>
        %parallel_loop3A_686 = arith.addf %parallel_loop3A_680, %parallel_loop3A_685 : vector<16xf32>
        %parallel_loop3A_687 = arith.index_cast %parallel_loop3A_519 : i32 to index
        %parallel_loop3A_688 = arith.constant 64 : index
        %parallel_loop3A_689 = tpu.vector_load %arg13[%parallel_loop3A_687, %parallel_loop3A_688] {strides = array<i32>} : memref<64x96xf32, #tpu.memory_space<vmem>>, vector<16xf32>,
        tpu.vector_store %arg13[%parallel_loop3A_687, %parallel_loop3A_688], %parallel_loop3A_686 {strides = array<i32>} : memref<64x96xf32, #tpu.memory_space<vmem>>, vector<16xf32>,
        %parallel_loop3A_690 = arith.constant 8 : i32
        %parallel_loop3A_691 = arith.index_cast %parallel_loop3A_690 : i32 to index
        %parallel_loop3A_692 = arith.index_cast %parallel_loop3A_519 : i32 to index
        %parallel_loop3A_693 = arith.constant 16 : index
        %parallel_loop3A_694 = tpu.vector_load %arg11[%parallel_loop3A_691, %parallel_loop3A_692, %parallel_loop3A_693] {strides = array<i32>} : memref<12x64x32xf32, #tpu.memory_space<vmem>>, vector<16xf32>,
        %parallel_loop3A_695 = arith.constant 9 : i32
        %parallel_loop3A_696 = arith.index_cast %parallel_loop3A_695 : i32 to index
        %parallel_loop3A_697 = arith.index_cast %parallel_loop3A_519 : i32 to index
        %parallel_loop3A_698 = arith.constant 16 : index
        %parallel_loop3A_699 = tpu.vector_load %arg11[%parallel_loop3A_696, %parallel_loop3A_697, %parallel_loop3A_698] {strides = array<i32>} : memref<12x64x32xf32, #tpu.memory_space<vmem>>, vector<16xf32>,
        %parallel_loop3A_700 = arith.constant 10 : i32
        %parallel_loop3A_701 = arith.index_cast %parallel_loop3A_700 : i32 to index
        %parallel_loop3A_702 = arith.index_cast %parallel_loop3A_519 : i32 to index
        %parallel_loop3A_703 = arith.constant 16 : index
        %parallel_loop3A_704 = tpu.vector_load %arg11[%parallel_loop3A_701, %parallel_loop3A_702, %parallel_loop3A_703] {strides = array<i32>} : memref<12x64x32xf32, #tpu.memory_space<vmem>>, vector<16xf32>,
        %parallel_loop3A_705 = arith.constant 11 : i32
        %parallel_loop3A_706 = arith.index_cast %parallel_loop3A_705 : i32 to index
        %parallel_loop3A_707 = arith.index_cast %parallel_loop3A_519 : i32 to index
        %parallel_loop3A_708 = arith.constant 16 : index
        %parallel_loop3A_709 = tpu.vector_load %arg11[%parallel_loop3A_706, %parallel_loop3A_707, %parallel_loop3A_708] {strides = array<i32>} : memref<12x64x32xf32, #tpu.memory_space<vmem>>, vector<16xf32>,
        %parallel_loop3A_710 = arith.subf %parallel_loop3A_699, %parallel_loop3A_694 : vector<16xf32>
        %parallel_loop3A_711 = arith.mulf %parallel_loop3A_523, %parallel_loop3A_710 : vector<16xf32>
        %parallel_loop3A_712 = arith.addf %parallel_loop3A_694, %parallel_loop3A_711 : vector<16xf32>
        %parallel_loop3A_713 = arith.subf %parallel_loop3A_709, %parallel_loop3A_704 : vector<16xf32>
        %parallel_loop3A_714 = arith.mulf %parallel_loop3A_523, %parallel_loop3A_713 : vector<16xf32>
        %parallel_loop3A_715 = arith.addf %parallel_loop3A_704, %parallel_loop3A_714 : vector<16xf32>
        %parallel_loop3A_716 = arith.subf %parallel_loop3A_715, %parallel_loop3A_712 : vector<16xf32>
        %parallel_loop3A_717 = arith.mulf %parallel_loop3A_529, %parallel_loop3A_716 : vector<16xf32>
        %parallel_loop3A_718 = arith.addf %parallel_loop3A_712, %parallel_loop3A_717 : vector<16xf32>
        %parallel_loop3A_719 = arith.index_cast %parallel_loop3A_519 : i32 to index
        %parallel_loop3A_720 = arith.constant 80 : index
        %parallel_loop3A_721 = tpu.vector_load %arg13[%parallel_loop3A_719, %parallel_loop3A_720] {strides = array<i32>} : memref<64x96xf32, #tpu.memory_space<vmem>>, vector<16xf32>,
        tpu.vector_store %arg13[%parallel_loop3A_719, %parallel_loop3A_720], %parallel_loop3A_718 {strides = array<i32>} : memref<64x96xf32, #tpu.memory_space<vmem>>, vector<16xf32>,
      } {sc.loop_unroll_factor = 4 : i64, sc.parallel_access}
      %ge3A = arith.constant 2 : i32
      %ge3A_331 = arith.cmpi sge, %mul3A_172, %ge3A : i32
      %convert_element_type3A_332 = arith.extui %ge3A_331 : i1 to i32
      %cond3A_333 = arith.constant 0 : i32
      %cond3A_334 = arith.cmpi ne, %convert_element_type3A_332, %cond3A_333 : i32
      scf.if %cond3A_334 {
        %sub3A = arith.constant 2 : i32
        %sub3A_519 = arith.subi %mul3A_172, %sub3A : i32
        %mul3A_520 = arith.constant 64 : i32
        %mul3A_521 = arith.muli %sub3A_519, %mul3A_520 : i32
        %add3A_522 = arith.addi %mul3A_2, %mul3A_521 : i32
        %dma_wait3A_523 = arith.constant 0 : i32
        %dma_wait3A_524 = tpu.memref_slice %arg4[%add3A_522, %dma_wait3A_523] : memref<262144x96xf32, #tpu.memory_space<hbm>> -> memref<64x96xf32, #tpu.memory_space<hbm>>
        %dma_wait3A_525 = arith.constant 0 : i32
        %dma_wait3A_526 = tpu.memref_slice %arg4[%add3A_522, %dma_wait3A_525] : memref<262144x96xf32, #tpu.memory_space<hbm>> -> memref<64x96xf32, #tpu.memory_space<hbm>>
        tpu.wait_dma2 semaphore(%arg19 : memref<!tpu.dma_semaphore, #tpu.memory_space<semaphore_mem>>) src(%arg13 : memref<64x96xf32, #tpu.memory_space<vmem>>) dst(%dma_wait3A_526 : memref<64x96xf32, #tpu.memory_space<hbm>>)
      } else {
      }
      %mul3A_335 = arith.constant 64 : i32
      %mul3A_336 = arith.muli %mul3A_172, %mul3A_335 : i32
      %add3A_337 = arith.addi %mul3A_2, %mul3A_336 : i32
      %dma_start3A_338 = arith.constant 0 : i32
      %dma_start3A_339 = tpu.memref_slice %arg4[%add3A_337, %dma_start3A_338] : memref<262144x96xf32, #tpu.memory_space<hbm>> -> memref<64x96xf32, #tpu.memory_space<hbm>>
      %dma_start3A_340 = arith.constant 0 : i32
      %dma_start3A_341 = tpu.memref_slice %arg4[%add3A_337, %dma_start3A_340] : memref<262144x96xf32, #tpu.memory_space<hbm>> -> memref<64x96xf32, #tpu.memory_space<hbm>>
      tpu.enqueue_dma source(%arg13 : memref<64x96xf32, #tpu.memory_space<vmem>>) target(%dma_start3A_341 : memref<64x96xf32, #tpu.memory_space<hbm>>) target_semaphore(%arg19 : memref<!tpu.dma_semaphore, #tpu.memory_space<semaphore_mem>>)
      %mul3A_342 = arith.constant 2 : i32
      %mul3A_343 = arith.muli %mul3A_342, %scan3A_170 : i32
      %add3A_344 = arith.constant 1 : i32
      %add3A_345 = arith.addi %mul3A_343, %add3A_344 : i32
      %add3A_346 = arith.constant 1 : i32
      %add3A_347 = arith.addi %add3A_345, %add3A_346 : i32
      %lt3A_348 = arith.constant 128 : i32
      %lt3A_349 = arith.cmpi slt, %add3A_347, %lt3A_348 : i32
      %convert_element_type3A_350 = arith.extui %lt3A_349 : i1 to i32
      %cond3A_351 = arith.constant 0 : i32
      %cond3A_352 = arith.cmpi ne, %convert_element_type3A_350, %cond3A_351 : i32
      scf.if %cond3A_352 {
        %add3A_519 = arith.constant 1 : i32
        %add3A_520 = arith.addi %add3A_345, %add3A_519 : i32
        %mul3A_521 = arith.constant 64 : i32
        %mul3A_522 = arith.muli %add3A_520, %mul3A_521 : i32
        %add3A_523 = arith.addi %mul3A_2, %mul3A_522 : i32
        %dma_wait3A_524 = arith.constant 0 : i32
        %dma_wait3A_525 = tpu.memref_slice %arg2[%add3A_523, %dma_wait3A_524] : memref<262144x3xf32, #tpu.memory_space<hbm>> -> memref<64x3xf32, #tpu.memory_space<hbm>>
        %dma_wait3A_526 = arith.constant 0 : i32
        %dma_wait3A_527 = tpu.memref_slice %arg2[%add3A_523, %dma_wait3A_526] : memref<262144x3xf32, #tpu.memory_space<hbm>> -> memref<64x3xf32, #tpu.memory_space<hbm>>
        tpu.wait_dma2 semaphore(%arg17 : memref<!tpu.dma_semaphore, #tpu.memory_space<semaphore_mem>>) src(%dma_wait3A_527 : memref<64x3xf32, #tpu.memory_space<hbm>>) dst(%arg5 : memref<64x3xf32, #tpu.memory_space<vmem>>)
        %parallel_loop3A_528 = arith.constant 0 : i32
        %parallel_loop3A_529 = arith.constant 4 : i32
        %parallel_loop3A_530 = arith.constant 1 : i32
        scf.for %parallel_loop3A_675 = %parallel_loop3A_528 to %parallel_loop3A_529 step %parallel_loop3A_530  : i32 {
          %parallel_loop3A_676 = arith.constant 16 : i32
          %parallel_loop3A_677 = arith.muli %parallel_loop3A_675, %parallel_loop3A_676 : i32
          %parallel_loop3A_678 = arith.constant 16 : i32
          %parallel_loop3A_679 = arith.muli %parallel_loop3A_675, %parallel_loop3A_678 : i32
          %parallel_loop3A_680 = tpu.iota {dimensions = array<i32: 0>} : vector<16xi32>
          %parallel_loop3A_681 = vector.broadcast %parallel_loop3A_679 : i32 to vector<16xi32>
          %parallel_loop3A_682 = arith.addi %parallel_loop3A_681, %parallel_loop3A_680 : vector<16xi32>
          %parallel_loop3A_683 = arith.constant 0 : i32
          %parallel_loop3A_684 = vector.broadcast %parallel_loop3A_683 : i32 to vector<16xi32>
          %parallel_loop3A_685 = tpu.vector_load_idx %arg5[%parallel_loop3A_682, %parallel_loop3A_684] : memref<64x3xf32, #tpu.memory_space<vmem>>[vector<16xi32>, vector<16xi32>], vector<16xf32>,
          %parallel_loop3A_686 = arith.constant 1.000000e+00 : f32
          %parallel_loop3A_687 = vector.broadcast %parallel_loop3A_686 : f32 to vector<16xf32>
          %parallel_loop3A_688 = arith.addf %parallel_loop3A_685, %parallel_loop3A_687 : vector<16xf32>
          %parallel_loop3A_689 = arith.constant 2.560000e+02 : f32
          %parallel_loop3A_690 = vector.broadcast %parallel_loop3A_689 : f32 to vector<16xf32>
          %parallel_loop3A_691 = arith.mulf %parallel_loop3A_688, %parallel_loop3A_690 : vector<16xf32>
          %parallel_loop3A_692 = arith.constant 0.000000e+00 : f32
          %parallel_loop3A_693 = arith.constant 5.120000e+02 : f32
          %parallel_loop3A_694 = vector.broadcast %parallel_loop3A_692 : f32 to vector<16xf32>
          %parallel_loop3A_695 = arith.maximumf %parallel_loop3A_694, %parallel_loop3A_691 : vector<16xf32>
          %parallel_loop3A_696 = vector.broadcast %parallel_loop3A_693 : f32 to vector<16xf32>
          %parallel_loop3A_697 = arith.minimumf %parallel_loop3A_696, %parallel_loop3A_695 : vector<16xf32>
          %parallel_loop3A_698 = arith.fptosi %parallel_loop3A_697 : vector<16xf32> to vector<16xi32>
          %parallel_loop3A_699 = arith.sitofp %parallel_loop3A_698 : vector<16xi32> to vector<16xf32>
          %parallel_loop3A_700 = arith.subf %parallel_loop3A_697, %parallel_loop3A_699 : vector<16xf32>
          %parallel_loop3A_701 = arith.constant 0 : i32
          %parallel_loop3A_702 = arith.index_cast %parallel_loop3A_701 : i32 to index
          %parallel_loop3A_703 = arith.index_cast %parallel_loop3A_677 : i32 to index
          %parallel_loop3A_704 = tpu.vector_load %arg7[%parallel_loop3A_702, %parallel_loop3A_703] {strides = array<i32>} : memref<3x64xf32, #tpu.memory_space<vmem>>, vector<16xf32>,
          tpu.vector_store %arg7[%parallel_loop3A_702, %parallel_loop3A_703], %parallel_loop3A_700 {strides = array<i32>} : memref<3x64xf32, #tpu.memory_space<vmem>>, vector<16xf32>,
          %parallel_loop3A_705 = arith.constant 1 : i32
          %parallel_loop3A_706 = vector.broadcast %parallel_loop3A_705 : i32 to vector<16xi32>
          %parallel_loop3A_707 = arith.addi %parallel_loop3A_698, %parallel_loop3A_706 : vector<16xi32>
          %parallel_loop3A_708 = arith.constant 512 : i32
          %parallel_loop3A_709 = vector.broadcast %parallel_loop3A_708 : i32 to vector<16xi32>
          %parallel_loop3A_710 = arith.minsi %parallel_loop3A_707, %parallel_loop3A_709 : vector<16xi32>
          %parallel_loop3A_711 = arith.constant 1 : i32
          %parallel_loop3A_712 = vector.broadcast %parallel_loop3A_711 : i32 to vector<16xi32>
          %parallel_loop3A_713 = tpu.vector_load_idx %arg5[%parallel_loop3A_682, %parallel_loop3A_712] : memref<64x3xf32, #tpu.memory_space<vmem>>[vector<16xi32>, vector<16xi32>], vector<16xf32>,
          %parallel_loop3A_714 = arith.constant 1.000000e+00 : f32
          %parallel_loop3A_715 = vector.broadcast %parallel_loop3A_714 : f32 to vector<16xf32>
          %parallel_loop3A_716 = arith.addf %parallel_loop3A_713, %parallel_loop3A_715 : vector<16xf32>
          %parallel_loop3A_717 = arith.constant 2.560000e+02 : f32
          %parallel_loop3A_718 = vector.broadcast %parallel_loop3A_717 : f32 to vector<16xf32>
          %parallel_loop3A_719 = arith.mulf %parallel_loop3A_716, %parallel_loop3A_718 : vector<16xf32>
          %parallel_loop3A_720 = arith.constant 0.000000e+00 : f32
          %parallel_loop3A_721 = arith.constant 5.120000e+02 : f32
          %parallel_loop3A_722 = vector.broadcast %parallel_loop3A_720 : f32 to vector<16xf32>
          %parallel_loop3A_723 = arith.maximumf %parallel_loop3A_722, %parallel_loop3A_719 : vector<16xf32>
          %parallel_loop3A_724 = vector.broadcast %parallel_loop3A_721 : f32 to vector<16xf32>
          %parallel_loop3A_725 = arith.minimumf %parallel_loop3A_724, %parallel_loop3A_723 : vector<16xf32>
          %parallel_loop3A_726 = arith.fptosi %parallel_loop3A_725 : vector<16xf32> to vector<16xi32>
          %parallel_loop3A_727 = arith.sitofp %parallel_loop3A_726 : vector<16xi32> to vector<16xf32>
          %parallel_loop3A_728 = arith.subf %parallel_loop3A_725, %parallel_loop3A_727 : vector<16xf32>
          %parallel_loop3A_729 = arith.constant 1 : i32
          %parallel_loop3A_730 = arith.index_cast %parallel_loop3A_729 : i32 to index
          %parallel_loop3A_731 = arith.index_cast %parallel_loop3A_677 : i32 to index
          %parallel_loop3A_732 = tpu.vector_load %arg7[%parallel_loop3A_730, %parallel_loop3A_731] {strides = array<i32>} : memref<3x64xf32, #tpu.memory_space<vmem>>, vector<16xf32>,
          tpu.vector_store %arg7[%parallel_loop3A_730, %parallel_loop3A_731], %parallel_loop3A_728 {strides = array<i32>} : memref<3x64xf32, #tpu.memory_space<vmem>>, vector<16xf32>,
          %parallel_loop3A_733 = arith.constant 1 : i32
          %parallel_loop3A_734 = vector.broadcast %parallel_loop3A_733 : i32 to vector<16xi32>
          %parallel_loop3A_735 = arith.addi %parallel_loop3A_726, %parallel_loop3A_734 : vector<16xi32>
          %parallel_loop3A_736 = arith.constant 512 : i32
          %parallel_loop3A_737 = vector.broadcast %parallel_loop3A_736 : i32 to vector<16xi32>
          %parallel_loop3A_738 = arith.minsi %parallel_loop3A_735, %parallel_loop3A_737 : vector<16xi32>
          %parallel_loop3A_739 = arith.constant 2 : i32
          %parallel_loop3A_740 = vector.broadcast %parallel_loop3A_739 : i32 to vector<16xi32>
          %parallel_loop3A_741 = tpu.vector_load_idx %arg5[%parallel_loop3A_682, %parallel_loop3A_740] : memref<64x3xf32, #tpu.memory_space<vmem>>[vector<16xi32>, vector<16xi32>], vector<16xf32>,
          %parallel_loop3A_742 = arith.constant 1.000000e+00 : f32
          %parallel_loop3A_743 = vector.broadcast %parallel_loop3A_742 : f32 to vector<16xf32>
          %parallel_loop3A_744 = arith.addf %parallel_loop3A_741, %parallel_loop3A_743 : vector<16xf32>
          %parallel_loop3A_745 = arith.constant 2.560000e+02 : f32
          %parallel_loop3A_746 = vector.broadcast %parallel_loop3A_745 : f32 to vector<16xf32>
          %parallel_loop3A_747 = arith.mulf %parallel_loop3A_744, %parallel_loop3A_746 : vector<16xf32>
          %parallel_loop3A_748 = arith.constant 0.000000e+00 : f32
          %parallel_loop3A_749 = arith.constant 5.120000e+02 : f32
          %parallel_loop3A_750 = vector.broadcast %parallel_loop3A_748 : f32 to vector<16xf32>
          %parallel_loop3A_751 = arith.maximumf %parallel_loop3A_750, %parallel_loop3A_747 : vector<16xf32>
          %parallel_loop3A_752 = vector.broadcast %parallel_loop3A_749 : f32 to vector<16xf32>
          %parallel_loop3A_753 = arith.minimumf %parallel_loop3A_752, %parallel_loop3A_751 : vector<16xf32>
          %parallel_loop3A_754 = arith.fptosi %parallel_loop3A_753 : vector<16xf32> to vector<16xi32>
          %parallel_loop3A_755 = arith.sitofp %parallel_loop3A_754 : vector<16xi32> to vector<16xf32>
          %parallel_loop3A_756 = arith.subf %parallel_loop3A_753, %parallel_loop3A_755 : vector<16xf32>
          %parallel_loop3A_757 = arith.constant 2 : i32
          %parallel_loop3A_758 = arith.index_cast %parallel_loop3A_757 : i32 to index
          %parallel_loop3A_759 = arith.index_cast %parallel_loop3A_677 : i32 to index
          %parallel_loop3A_760 = tpu.vector_load %arg7[%parallel_loop3A_758, %parallel_loop3A_759] {strides = array<i32>} : memref<3x64xf32, #tpu.memory_space<vmem>>, vector<16xf32>,
          tpu.vector_store %arg7[%parallel_loop3A_758, %parallel_loop3A_759], %parallel_loop3A_756 {strides = array<i32>} : memref<3x64xf32, #tpu.memory_space<vmem>>, vector<16xf32>,
          %parallel_loop3A_761 = arith.constant 1 : i32
          %parallel_loop3A_762 = vector.broadcast %parallel_loop3A_761 : i32 to vector<16xi32>
          %parallel_loop3A_763 = arith.addi %parallel_loop3A_754, %parallel_loop3A_762 : vector<16xi32>
          %parallel_loop3A_764 = arith.constant 512 : i32
          %parallel_loop3A_765 = vector.broadcast %parallel_loop3A_764 : i32 to vector<16xi32>
          %parallel_loop3A_766 = arith.minsi %parallel_loop3A_763, %parallel_loop3A_765 : vector<16xi32>
          %parallel_loop3A_767 = arith.constant 513 : i32
          %parallel_loop3A_768 = vector.broadcast %parallel_loop3A_767 : i32 to vector<16xi32>
          %parallel_loop3A_769 = arith.muli %parallel_loop3A_726, %parallel_loop3A_768 : vector<16xi32>
          %parallel_loop3A_770 = arith.constant 0 : i32
          %parallel_loop3A_771 = vector.broadcast %parallel_loop3A_770 : i32 to vector<16xi32>
          %parallel_loop3A_772 = arith.addi %parallel_loop3A_769, %parallel_loop3A_771 : vector<16xi32>
          %parallel_loop3A_773 = arith.constant 513 : i32
          %parallel_loop3A_774 = vector.broadcast %parallel_loop3A_773 : i32 to vector<16xi32>
          %parallel_loop3A_775 = arith.muli %parallel_loop3A_738, %parallel_loop3A_774 : vector<16xi32>
          %parallel_loop3A_776 = arith.constant 0 : i32
          %parallel_loop3A_777 = vector.broadcast %parallel_loop3A_776 : i32 to vector<16xi32>
          %parallel_loop3A_778 = arith.addi %parallel_loop3A_775, %parallel_loop3A_777 : vector<16xi32>
          %parallel_loop3A_779 = arith.addi %parallel_loop3A_772, %parallel_loop3A_698 : vector<16xi32>
          %parallel_loop3A_780 = arith.constant 0 : i32
          %parallel_loop3A_781 = arith.index_cast %parallel_loop3A_780 : i32 to index
          %parallel_loop3A_782 = arith.index_cast %parallel_loop3A_677 : i32 to index
          %parallel_loop3A_783 = tpu.vector_load %arg9[%parallel_loop3A_781, %parallel_loop3A_782] {strides = array<i32>} : memref<12x64xi32, #tpu.memory_space<vmem>>, vector<16xi32>,
          tpu.vector_store %arg9[%parallel_loop3A_781, %parallel_loop3A_782], %parallel_loop3A_779 {strides = array<i32>} : memref<12x64xi32, #tpu.memory_space<vmem>>, vector<16xi32>,
          %parallel_loop3A_784 = arith.addi %parallel_loop3A_772, %parallel_loop3A_710 : vector<16xi32>
          %parallel_loop3A_785 = arith.constant 1 : i32
          %parallel_loop3A_786 = arith.index_cast %parallel_loop3A_785 : i32 to index
          %parallel_loop3A_787 = arith.index_cast %parallel_loop3A_677 : i32 to index
          %parallel_loop3A_788 = tpu.vector_load %arg9[%parallel_loop3A_786, %parallel_loop3A_787] {strides = array<i32>} : memref<12x64xi32, #tpu.memory_space<vmem>>, vector<16xi32>,
          tpu.vector_store %arg9[%parallel_loop3A_786, %parallel_loop3A_787], %parallel_loop3A_784 {strides = array<i32>} : memref<12x64xi32, #tpu.memory_space<vmem>>, vector<16xi32>,
          %parallel_loop3A_789 = arith.addi %parallel_loop3A_778, %parallel_loop3A_698 : vector<16xi32>
          %parallel_loop3A_790 = arith.constant 2 : i32
          %parallel_loop3A_791 = arith.index_cast %parallel_loop3A_790 : i32 to index
          %parallel_loop3A_792 = arith.index_cast %parallel_loop3A_677 : i32 to index
          %parallel_loop3A_793 = tpu.vector_load %arg9[%parallel_loop3A_791, %parallel_loop3A_792] {strides = array<i32>} : memref<12x64xi32, #tpu.memory_space<vmem>>, vector<16xi32>,
          tpu.vector_store %arg9[%parallel_loop3A_791, %parallel_loop3A_792], %parallel_loop3A_789 {strides = array<i32>} : memref<12x64xi32, #tpu.memory_space<vmem>>, vector<16xi32>,
          %parallel_loop3A_794 = arith.addi %parallel_loop3A_778, %parallel_loop3A_710 : vector<16xi32>
          %parallel_loop3A_795 = arith.constant 3 : i32
          %parallel_loop3A_796 = arith.index_cast %parallel_loop3A_795 : i32 to index
          %parallel_loop3A_797 = arith.index_cast %parallel_loop3A_677 : i32 to index
          %parallel_loop3A_798 = tpu.vector_load %arg9[%parallel_loop3A_796, %parallel_loop3A_797] {strides = array<i32>} : memref<12x64xi32, #tpu.memory_space<vmem>>, vector<16xi32>,
          tpu.vector_store %arg9[%parallel_loop3A_796, %parallel_loop3A_797], %parallel_loop3A_794 {strides = array<i32>} : memref<12x64xi32, #tpu.memory_space<vmem>>, vector<16xi32>,
          %parallel_loop3A_799 = arith.constant 513 : i32
          %parallel_loop3A_800 = vector.broadcast %parallel_loop3A_799 : i32 to vector<16xi32>
          %parallel_loop3A_801 = arith.muli %parallel_loop3A_754, %parallel_loop3A_800 : vector<16xi32>
          %parallel_loop3A_802 = arith.constant 263169 : i32
          %parallel_loop3A_803 = vector.broadcast %parallel_loop3A_802 : i32 to vector<16xi32>
          %parallel_loop3A_804 = arith.addi %parallel_loop3A_801, %parallel_loop3A_803 : vector<16xi32>
          %parallel_loop3A_805 = arith.constant 513 : i32
          %parallel_loop3A_806 = vector.broadcast %parallel_loop3A_805 : i32 to vector<16xi32>
          %parallel_loop3A_807 = arith.muli %parallel_loop3A_766, %parallel_loop3A_806 : vector<16xi32>
          %parallel_loop3A_808 = arith.constant 263169 : i32
          %parallel_loop3A_809 = vector.broadcast %parallel_loop3A_808 : i32 to vector<16xi32>
          %parallel_loop3A_810 = arith.addi %parallel_loop3A_807, %parallel_loop3A_809 : vector<16xi32>
          %parallel_loop3A_811 = arith.addi %parallel_loop3A_804, %parallel_loop3A_726 : vector<16xi32>
          %parallel_loop3A_812 = arith.constant 4 : i32
          %parallel_loop3A_813 = arith.index_cast %parallel_loop3A_812 : i32 to index
          %parallel_loop3A_814 = arith.index_cast %parallel_loop3A_677 : i32 to index
          %parallel_loop3A_815 = tpu.vector_load %arg9[%parallel_loop3A_813, %parallel_loop3A_814] {strides = array<i32>} : memref<12x64xi32, #tpu.memory_space<vmem>>, vector<16xi32>,
          tpu.vector_store %arg9[%parallel_loop3A_813, %parallel_loop3A_814], %parallel_loop3A_811 {strides = array<i32>} : memref<12x64xi32, #tpu.memory_space<vmem>>, vector<16xi32>,
          %parallel_loop3A_816 = arith.addi %parallel_loop3A_804, %parallel_loop3A_738 : vector<16xi32>
          %parallel_loop3A_817 = arith.constant 5 : i32
          %parallel_loop3A_818 = arith.index_cast %parallel_loop3A_817 : i32 to index
          %parallel_loop3A_819 = arith.index_cast %parallel_loop3A_677 : i32 to index
          %parallel_loop3A_820 = tpu.vector_load %arg9[%parallel_loop3A_818, %parallel_loop3A_819] {strides = array<i32>} : memref<12x64xi32, #tpu.memory_space<vmem>>, vector<16xi32>,
          tpu.vector_store %arg9[%parallel_loop3A_818, %parallel_loop3A_819], %parallel_loop3A_816 {strides = array<i32>} : memref<12x64xi32, #tpu.memory_space<vmem>>, vector<16xi32>,
          %parallel_loop3A_821 = arith.addi %parallel_loop3A_810, %parallel_loop3A_726 : vector<16xi32>
          %parallel_loop3A_822 = arith.constant 6 : i32
          %parallel_loop3A_823 = arith.index_cast %parallel_loop3A_822 : i32 to index
          %parallel_loop3A_824 = arith.index_cast %parallel_loop3A_677 : i32 to index
          %parallel_loop3A_825 = tpu.vector_load %arg9[%parallel_loop3A_823, %parallel_loop3A_824] {strides = array<i32>} : memref<12x64xi32, #tpu.memory_space<vmem>>, vector<16xi32>,
          tpu.vector_store %arg9[%parallel_loop3A_823, %parallel_loop3A_824], %parallel_loop3A_821 {strides = array<i32>} : memref<12x64xi32, #tpu.memory_space<vmem>>, vector<16xi32>,
          %parallel_loop3A_826 = arith.addi %parallel_loop3A_810, %parallel_loop3A_738 : vector<16xi32>
          %parallel_loop3A_827 = arith.constant 7 : i32
          %parallel_loop3A_828 = arith.index_cast %parallel_loop3A_827 : i32 to index
          %parallel_loop3A_829 = arith.index_cast %parallel_loop3A_677 : i32 to index
          %parallel_loop3A_830 = tpu.vector_load %arg9[%parallel_loop3A_828, %parallel_loop3A_829] {strides = array<i32>} : memref<12x64xi32, #tpu.memory_space<vmem>>, vector<16xi32>,
          tpu.vector_store %arg9[%parallel_loop3A_828, %parallel_loop3A_829], %parallel_loop3A_826 {strides = array<i32>} : memref<12x64xi32, #tpu.memory_space<vmem>>, vector<16xi32>,
          %parallel_loop3A_831 = arith.constant 513 : i32
          %parallel_loop3A_832 = vector.broadcast %parallel_loop3A_831 : i32 to vector<16xi32>
          %parallel_loop3A_833 = arith.muli %parallel_loop3A_754, %parallel_loop3A_832 : vector<16xi32>
          %parallel_loop3A_834 = arith.constant 526338 : i32
          %parallel_loop3A_835 = vector.broadcast %parallel_loop3A_834 : i32 to vector<16xi32>
          %parallel_loop3A_836 = arith.addi %parallel_loop3A_833, %parallel_loop3A_835 : vector<16xi32>
          %parallel_loop3A_837 = arith.constant 513 : i32
          %parallel_loop3A_838 = vector.broadcast %parallel_loop3A_837 : i32 to vector<16xi32>
          %parallel_loop3A_839 = arith.muli %parallel_loop3A_766, %parallel_loop3A_838 : vector<16xi32>
          %parallel_loop3A_840 = arith.constant 526338 : i32
          %parallel_loop3A_841 = vector.broadcast %parallel_loop3A_840 : i32 to vector<16xi32>
          %parallel_loop3A_842 = arith.addi %parallel_loop3A_839, %parallel_loop3A_841 : vector<16xi32>
          %parallel_loop3A_843 = arith.addi %parallel_loop3A_836, %parallel_loop3A_698 : vector<16xi32>
          %parallel_loop3A_844 = arith.constant 8 : i32
          %parallel_loop3A_845 = arith.index_cast %parallel_loop3A_844 : i32 to index
          %parallel_loop3A_846 = arith.index_cast %parallel_loop3A_677 : i32 to index
          %parallel_loop3A_847 = tpu.vector_load %arg9[%parallel_loop3A_845, %parallel_loop3A_846] {strides = array<i32>} : memref<12x64xi32, #tpu.memory_space<vmem>>, vector<16xi32>,
          tpu.vector_store %arg9[%parallel_loop3A_845, %parallel_loop3A_846], %parallel_loop3A_843 {strides = array<i32>} : memref<12x64xi32, #tpu.memory_space<vmem>>, vector<16xi32>,
          %parallel_loop3A_848 = arith.addi %parallel_loop3A_836, %parallel_loop3A_710 : vector<16xi32>
          %parallel_loop3A_849 = arith.constant 9 : i32
          %parallel_loop3A_850 = arith.index_cast %parallel_loop3A_849 : i32 to index
          %parallel_loop3A_851 = arith.index_cast %parallel_loop3A_677 : i32 to index
          %parallel_loop3A_852 = tpu.vector_load %arg9[%parallel_loop3A_850, %parallel_loop3A_851] {strides = array<i32>} : memref<12x64xi32, #tpu.memory_space<vmem>>, vector<16xi32>,
          tpu.vector_store %arg9[%parallel_loop3A_850, %parallel_loop3A_851], %parallel_loop3A_848 {strides = array<i32>} : memref<12x64xi32, #tpu.memory_space<vmem>>, vector<16xi32>,
          %parallel_loop3A_853 = arith.addi %parallel_loop3A_842, %parallel_loop3A_698 : vector<16xi32>
          %parallel_loop3A_854 = arith.constant 10 : i32
          %parallel_loop3A_855 = arith.index_cast %parallel_loop3A_854 : i32 to index
          %parallel_loop3A_856 = arith.index_cast %parallel_loop3A_677 : i32 to index
          %parallel_loop3A_857 = tpu.vector_load %arg9[%parallel_loop3A_855, %parallel_loop3A_856] {strides = array<i32>} : memref<12x64xi32, #tpu.memory_space<vmem>>, vector<16xi32>,
          tpu.vector_store %arg9[%parallel_loop3A_855, %parallel_loop3A_856], %parallel_loop3A_853 {strides = array<i32>} : memref<12x64xi32, #tpu.memory_space<vmem>>, vector<16xi32>,
          %parallel_loop3A_858 = arith.addi %parallel_loop3A_842, %parallel_loop3A_710 : vector<16xi32>
          %parallel_loop3A_859 = arith.constant 11 : i32
          %parallel_loop3A_860 = arith.index_cast %parallel_loop3A_859 : i32 to index
          %parallel_loop3A_861 = arith.index_cast %parallel_loop3A_677 : i32 to index
          %parallel_loop3A_862 = tpu.vector_load %arg9[%parallel_loop3A_860, %parallel_loop3A_861] {strides = array<i32>} : memref<12x64xi32, #tpu.memory_space<vmem>>, vector<16xi32>,
          tpu.vector_store %arg9[%parallel_loop3A_860, %parallel_loop3A_861], %parallel_loop3A_858 {strides = array<i32>} : memref<12x64xi32, #tpu.memory_space<vmem>>, vector<16xi32>,
        } {sc.loop_unroll_factor = 2 : i64, sc.parallel_access}
        %dma_start3A_531 = arith.constant 0 : i32
        %dma_start3A_532 = arith.constant 0 : i32
        %dma_start3A_533 = arith.constant 0 : i32
        %dma_start3A_534 = arith.constant 0 : i32
        %dma_start3A_535 = tpu.memref_slice %arg11[%dma_start3A_532, %dma_start3A_533, %dma_start3A_534] : memref<12x64x32xf32, #tpu.memory_space<vmem>> -> memref<1x64x32xf32, #tpu.memory_space<vmem>>
        %dma_start3A_536 = tpu.memref_squeeze %dma_start3A_535 : memref<1x64x32xf32, #tpu.memory_space<vmem>> -> memref<64x32xf32, #tpu.memory_space<vmem>>
        %dma_start3A_537 = arith.constant 0 : i32
        %dma_start3A_538 = tpu.memref_slice %arg9[%dma_start3A_531, %dma_start3A_537] : memref<12x64xi32, #tpu.memory_space<vmem>> -> memref<1x64xi32, #tpu.memory_space<vmem>>
        %dma_start3A_539 = tpu.memref_squeeze %dma_start3A_538 : memref<1x64xi32, #tpu.memory_space<vmem>> -> memref<64xi32, #tpu.memory_space<vmem>>
        %dma_start3A_540 = arith.constant 0 : i32
        %dma_start3A_541 = arith.constant 0 : i32
        %dma_start3A_542 = tpu.memref_slice %arg3[%dma_start3A_540, %dma_start3A_541] : memref<789507x32xf32, #tpu.memory_space<hbm>> -> memref<789507x32xf32, #tpu.memory_space<hbm>>
        tpu.enqueue_indirect_dma source(%dma_start3A_542 : memref<789507x32xf32, #tpu.memory_space<hbm>>) target(%dma_start3A_536 : memref<64x32xf32, #tpu.memory_space<vmem>>) offsets(%dma_start3A_539 : memref<64xi32, #tpu.memory_space<vmem>>) semaphore(%arg15 : memref<!tpu.dma_semaphore, #tpu.memory_space<semaphore_mem>>)
        %dma_start3A_543 = arith.constant 1 : i32
        %dma_start3A_544 = arith.constant 1 : i32
        %dma_start3A_545 = arith.constant 0 : i32
        %dma_start3A_546 = arith.constant 0 : i32
        %dma_start3A_547 = tpu.memref_slice %arg11[%dma_start3A_544, %dma_start3A_545, %dma_start3A_546] : memref<12x64x32xf32, #tpu.memory_space<vmem>> -> memref<1x64x32xf32, #tpu.memory_space<vmem>>
        %dma_start3A_548 = tpu.memref_squeeze %dma_start3A_547 : memref<1x64x32xf32, #tpu.memory_space<vmem>> -> memref<64x32xf32, #tpu.memory_space<vmem>>
        %dma_start3A_549 = arith.constant 0 : i32
        %dma_start3A_550 = tpu.memref_slice %arg9[%dma_start3A_543, %dma_start3A_549] : memref<12x64xi32, #tpu.memory_space<vmem>> -> memref<1x64xi32, #tpu.memory_space<vmem>>
        %dma_start3A_551 = tpu.memref_squeeze %dma_start3A_550 : memref<1x64xi32, #tpu.memory_space<vmem>> -> memref<64xi32, #tpu.memory_space<vmem>>
        %dma_start3A_552 = arith.constant 0 : i32
        %dma_start3A_553 = arith.constant 0 : i32
        %dma_start3A_554 = tpu.memref_slice %arg3[%dma_start3A_552, %dma_start3A_553] : memref<789507x32xf32, #tpu.memory_space<hbm>> -> memref<789507x32xf32, #tpu.memory_space<hbm>>
        tpu.enqueue_indirect_dma source(%dma_start3A_554 : memref<789507x32xf32, #tpu.memory_space<hbm>>) target(%dma_start3A_548 : memref<64x32xf32, #tpu.memory_space<vmem>>) offsets(%dma_start3A_551 : memref<64xi32, #tpu.memory_space<vmem>>) semaphore(%arg15 : memref<!tpu.dma_semaphore, #tpu.memory_space<semaphore_mem>>)
        %dma_start3A_555 = arith.constant 2 : i32
        %dma_start3A_556 = arith.constant 2 : i32
        %dma_start3A_557 = arith.constant 0 : i32
        %dma_start3A_558 = arith.constant 0 : i32
        %dma_start3A_559 = tpu.memref_slice %arg11[%dma_start3A_556, %dma_start3A_557, %dma_start3A_558] : memref<12x64x32xf32, #tpu.memory_space<vmem>> -> memref<1x64x32xf32, #tpu.memory_space<vmem>>
        %dma_start3A_560 = tpu.memref_squeeze %dma_start3A_559 : memref<1x64x32xf32, #tpu.memory_space<vmem>> -> memref<64x32xf32, #tpu.memory_space<vmem>>
        %dma_start3A_561 = arith.constant 0 : i32
        %dma_start3A_562 = tpu.memref_slice %arg9[%dma_start3A_555, %dma_start3A_561] : memref<12x64xi32, #tpu.memory_space<vmem>> -> memref<1x64xi32, #tpu.memory_space<vmem>>
        %dma_start3A_563 = tpu.memref_squeeze %dma_start3A_562 : memref<1x64xi32, #tpu.memory_space<vmem>> -> memref<64xi32, #tpu.memory_space<vmem>>
        %dma_start3A_564 = arith.constant 0 : i32
        %dma_start3A_565 = arith.constant 0 : i32
        %dma_start3A_566 = tpu.memref_slice %arg3[%dma_start3A_564, %dma_start3A_565] : memref<789507x32xf32, #tpu.memory_space<hbm>> -> memref<789507x32xf32, #tpu.memory_space<hbm>>
        tpu.enqueue_indirect_dma source(%dma_start3A_566 : memref<789507x32xf32, #tpu.memory_space<hbm>>) target(%dma_start3A_560 : memref<64x32xf32, #tpu.memory_space<vmem>>) offsets(%dma_start3A_563 : memref<64xi32, #tpu.memory_space<vmem>>) semaphore(%arg15 : memref<!tpu.dma_semaphore, #tpu.memory_space<semaphore_mem>>)
        %dma_start3A_567 = arith.constant 3 : i32
        %dma_start3A_568 = arith.constant 3 : i32
        %dma_start3A_569 = arith.constant 0 : i32
        %dma_start3A_570 = arith.constant 0 : i32
        %dma_start3A_571 = tpu.memref_slice %arg11[%dma_start3A_568, %dma_start3A_569, %dma_start3A_570] : memref<12x64x32xf32, #tpu.memory_space<vmem>> -> memref<1x64x32xf32, #tpu.memory_space<vmem>>
        %dma_start3A_572 = tpu.memref_squeeze %dma_start3A_571 : memref<1x64x32xf32, #tpu.memory_space<vmem>> -> memref<64x32xf32, #tpu.memory_space<vmem>>
        %dma_start3A_573 = arith.constant 0 : i32
        %dma_start3A_574 = tpu.memref_slice %arg9[%dma_start3A_567, %dma_start3A_573] : memref<12x64xi32, #tpu.memory_space<vmem>> -> memref<1x64xi32, #tpu.memory_space<vmem>>
        %dma_start3A_575 = tpu.memref_squeeze %dma_start3A_574 : memref<1x64xi32, #tpu.memory_space<vmem>> -> memref<64xi32, #tpu.memory_space<vmem>>
        %dma_start3A_576 = arith.constant 0 : i32
        %dma_start3A_577 = arith.constant 0 : i32
        %dma_start3A_578 = tpu.memref_slice %arg3[%dma_start3A_576, %dma_start3A_577] : memref<789507x32xf32, #tpu.memory_space<hbm>> -> memref<789507x32xf32, #tpu.memory_space<hbm>>
        tpu.enqueue_indirect_dma source(%dma_start3A_578 : memref<789507x32xf32, #tpu.memory_space<hbm>>) target(%dma_start3A_572 : memref<64x32xf32, #tpu.memory_space<vmem>>) offsets(%dma_start3A_575 : memref<64xi32, #tpu.memory_space<vmem>>) semaphore(%arg15 : memref<!tpu.dma_semaphore, #tpu.memory_space<semaphore_mem>>)
        %dma_start3A_579 = arith.constant 4 : i32
        %dma_start3A_580 = arith.constant 4 : i32
        %dma_start3A_581 = arith.constant 0 : i32
        %dma_start3A_582 = arith.constant 0 : i32
        %dma_start3A_583 = tpu.memref_slice %arg11[%dma_start3A_580, %dma_start3A_581, %dma_start3A_582] : memref<12x64x32xf32, #tpu.memory_space<vmem>> -> memref<1x64x32xf32, #tpu.memory_space<vmem>>
        %dma_start3A_584 = tpu.memref_squeeze %dma_start3A_583 : memref<1x64x32xf32, #tpu.memory_space<vmem>> -> memref<64x32xf32, #tpu.memory_space<vmem>>
        %dma_start3A_585 = arith.constant 0 : i32
        %dma_start3A_586 = tpu.memref_slice %arg9[%dma_start3A_579, %dma_start3A_585] : memref<12x64xi32, #tpu.memory_space<vmem>> -> memref<1x64xi32, #tpu.memory_space<vmem>>
        %dma_start3A_587 = tpu.memref_squeeze %dma_start3A_586 : memref<1x64xi32, #tpu.memory_space<vmem>> -> memref<64xi32, #tpu.memory_space<vmem>>
        %dma_start3A_588 = arith.constant 0 : i32
        %dma_start3A_589 = arith.constant 0 : i32
        %dma_start3A_590 = tpu.memref_slice %arg3[%dma_start3A_588, %dma_start3A_589] : memref<789507x32xf32, #tpu.memory_space<hbm>> -> memref<789507x32xf32, #tpu.memory_space<hbm>>
        tpu.enqueue_indirect_dma source(%dma_start3A_590 : memref<789507x32xf32, #tpu.memory_space<hbm>>) target(%dma_start3A_584 : memref<64x32xf32, #tpu.memory_space<vmem>>) offsets(%dma_start3A_587 : memref<64xi32, #tpu.memory_space<vmem>>) semaphore(%arg15 : memref<!tpu.dma_semaphore, #tpu.memory_space<semaphore_mem>>)
        %dma_start3A_591 = arith.constant 5 : i32
        %dma_start3A_592 = arith.constant 5 : i32
        %dma_start3A_593 = arith.constant 0 : i32
        %dma_start3A_594 = arith.constant 0 : i32
        %dma_start3A_595 = tpu.memref_slice %arg11[%dma_start3A_592, %dma_start3A_593, %dma_start3A_594] : memref<12x64x32xf32, #tpu.memory_space<vmem>> -> memref<1x64x32xf32, #tpu.memory_space<vmem>>
        %dma_start3A_596 = tpu.memref_squeeze %dma_start3A_595 : memref<1x64x32xf32, #tpu.memory_space<vmem>> -> memref<64x32xf32, #tpu.memory_space<vmem>>
        %dma_start3A_597 = arith.constant 0 : i32
        %dma_start3A_598 = tpu.memref_slice %arg9[%dma_start3A_591, %dma_start3A_597] : memref<12x64xi32, #tpu.memory_space<vmem>> -> memref<1x64xi32, #tpu.memory_space<vmem>>
        %dma_start3A_599 = tpu.memref_squeeze %dma_start3A_598 : memref<1x64xi32, #tpu.memory_space<vmem>> -> memref<64xi32, #tpu.memory_space<vmem>>
        %dma_start3A_600 = arith.constant 0 : i32
        %dma_start3A_601 = arith.constant 0 : i32
        %dma_start3A_602 = tpu.memref_slice %arg3[%dma_start3A_600, %dma_start3A_601] : memref<789507x32xf32, #tpu.memory_space<hbm>> -> memref<789507x32xf32, #tpu.memory_space<hbm>>
        tpu.enqueue_indirect_dma source(%dma_start3A_602 : memref<789507x32xf32, #tpu.memory_space<hbm>>) target(%dma_start3A_596 : memref<64x32xf32, #tpu.memory_space<vmem>>) offsets(%dma_start3A_599 : memref<64xi32, #tpu.memory_space<vmem>>) semaphore(%arg15 : memref<!tpu.dma_semaphore, #tpu.memory_space<semaphore_mem>>)
        %dma_start3A_603 = arith.constant 6 : i32
        %dma_start3A_604 = arith.constant 6 : i32
        %dma_start3A_605 = arith.constant 0 : i32
        %dma_start3A_606 = arith.constant 0 : i32
        %dma_start3A_607 = tpu.memref_slice %arg11[%dma_start3A_604, %dma_start3A_605, %dma_start3A_606] : memref<12x64x32xf32, #tpu.memory_space<vmem>> -> memref<1x64x32xf32, #tpu.memory_space<vmem>>
        %dma_start3A_608 = tpu.memref_squeeze %dma_start3A_607 : memref<1x64x32xf32, #tpu.memory_space<vmem>> -> memref<64x32xf32, #tpu.memory_space<vmem>>
        %dma_start3A_609 = arith.constant 0 : i32
        %dma_start3A_610 = tpu.memref_slice %arg9[%dma_start3A_603, %dma_start3A_609] : memref<12x64xi32, #tpu.memory_space<vmem>> -> memref<1x64xi32, #tpu.memory_space<vmem>>
        %dma_start3A_611 = tpu.memref_squeeze %dma_start3A_610 : memref<1x64xi32, #tpu.memory_space<vmem>> -> memref<64xi32, #tpu.memory_space<vmem>>
        %dma_start3A_612 = arith.constant 0 : i32
        %dma_start3A_613 = arith.constant 0 : i32
        %dma_start3A_614 = tpu.memref_slice %arg3[%dma_start3A_612, %dma_start3A_613] : memref<789507x32xf32, #tpu.memory_space<hbm>> -> memref<789507x32xf32, #tpu.memory_space<hbm>>
        tpu.enqueue_indirect_dma source(%dma_start3A_614 : memref<789507x32xf32, #tpu.memory_space<hbm>>) target(%dma_start3A_608 : memref<64x32xf32, #tpu.memory_space<vmem>>) offsets(%dma_start3A_611 : memref<64xi32, #tpu.memory_space<vmem>>) semaphore(%arg15 : memref<!tpu.dma_semaphore, #tpu.memory_space<semaphore_mem>>)
        %dma_start3A_615 = arith.constant 7 : i32
        %dma_start3A_616 = arith.constant 7 : i32
        %dma_start3A_617 = arith.constant 0 : i32
        %dma_start3A_618 = arith.constant 0 : i32
        %dma_start3A_619 = tpu.memref_slice %arg11[%dma_start3A_616, %dma_start3A_617, %dma_start3A_618] : memref<12x64x32xf32, #tpu.memory_space<vmem>> -> memref<1x64x32xf32, #tpu.memory_space<vmem>>
        %dma_start3A_620 = tpu.memref_squeeze %dma_start3A_619 : memref<1x64x32xf32, #tpu.memory_space<vmem>> -> memref<64x32xf32, #tpu.memory_space<vmem>>
        %dma_start3A_621 = arith.constant 0 : i32
        %dma_start3A_622 = tpu.memref_slice %arg9[%dma_start3A_615, %dma_start3A_621] : memref<12x64xi32, #tpu.memory_space<vmem>> -> memref<1x64xi32, #tpu.memory_space<vmem>>
        %dma_start3A_623 = tpu.memref_squeeze %dma_start3A_622 : memref<1x64xi32, #tpu.memory_space<vmem>> -> memref<64xi32, #tpu.memory_space<vmem>>
        %dma_start3A_624 = arith.constant 0 : i32
        %dma_start3A_625 = arith.constant 0 : i32
        %dma_start3A_626 = tpu.memref_slice %arg3[%dma_start3A_624, %dma_start3A_625] : memref<789507x32xf32, #tpu.memory_space<hbm>> -> memref<789507x32xf32, #tpu.memory_space<hbm>>
        tpu.enqueue_indirect_dma source(%dma_start3A_626 : memref<789507x32xf32, #tpu.memory_space<hbm>>) target(%dma_start3A_620 : memref<64x32xf32, #tpu.memory_space<vmem>>) offsets(%dma_start3A_623 : memref<64xi32, #tpu.memory_space<vmem>>) semaphore(%arg15 : memref<!tpu.dma_semaphore, #tpu.memory_space<semaphore_mem>>)
        %dma_start3A_627 = arith.constant 8 : i32
        %dma_start3A_628 = arith.constant 8 : i32
        %dma_start3A_629 = arith.constant 0 : i32
        %dma_start3A_630 = arith.constant 0 : i32
        %dma_start3A_631 = tpu.memref_slice %arg11[%dma_start3A_628, %dma_start3A_629, %dma_start3A_630] : memref<12x64x32xf32, #tpu.memory_space<vmem>> -> memref<1x64x32xf32, #tpu.memory_space<vmem>>
        %dma_start3A_632 = tpu.memref_squeeze %dma_start3A_631 : memref<1x64x32xf32, #tpu.memory_space<vmem>> -> memref<64x32xf32, #tpu.memory_space<vmem>>
        %dma_start3A_633 = arith.constant 0 : i32
        %dma_start3A_634 = tpu.memref_slice %arg9[%dma_start3A_627, %dma_start3A_633] : memref<12x64xi32, #tpu.memory_space<vmem>> -> memref<1x64xi32, #tpu.memory_space<vmem>>
        %dma_start3A_635 = tpu.memref_squeeze %dma_start3A_634 : memref<1x64xi32, #tpu.memory_space<vmem>> -> memref<64xi32, #tpu.memory_space<vmem>>
        %dma_start3A_636 = arith.constant 0 : i32
        %dma_start3A_637 = arith.constant 0 : i32
        %dma_start3A_638 = tpu.memref_slice %arg3[%dma_start3A_636, %dma_start3A_637] : memref<789507x32xf32, #tpu.memory_space<hbm>> -> memref<789507x32xf32, #tpu.memory_space<hbm>>
        tpu.enqueue_indirect_dma source(%dma_start3A_638 : memref<789507x32xf32, #tpu.memory_space<hbm>>) target(%dma_start3A_632 : memref<64x32xf32, #tpu.memory_space<vmem>>) offsets(%dma_start3A_635 : memref<64xi32, #tpu.memory_space<vmem>>) semaphore(%arg15 : memref<!tpu.dma_semaphore, #tpu.memory_space<semaphore_mem>>)
        %dma_start3A_639 = arith.constant 9 : i32
        %dma_start3A_640 = arith.constant 9 : i32
        %dma_start3A_641 = arith.constant 0 : i32
        %dma_start3A_642 = arith.constant 0 : i32
        %dma_start3A_643 = tpu.memref_slice %arg11[%dma_start3A_640, %dma_start3A_641, %dma_start3A_642] : memref<12x64x32xf32, #tpu.memory_space<vmem>> -> memref<1x64x32xf32, #tpu.memory_space<vmem>>
        %dma_start3A_644 = tpu.memref_squeeze %dma_start3A_643 : memref<1x64x32xf32, #tpu.memory_space<vmem>> -> memref<64x32xf32, #tpu.memory_space<vmem>>
        %dma_start3A_645 = arith.constant 0 : i32
        %dma_start3A_646 = tpu.memref_slice %arg9[%dma_start3A_639, %dma_start3A_645] : memref<12x64xi32, #tpu.memory_space<vmem>> -> memref<1x64xi32, #tpu.memory_space<vmem>>
        %dma_start3A_647 = tpu.memref_squeeze %dma_start3A_646 : memref<1x64xi32, #tpu.memory_space<vmem>> -> memref<64xi32, #tpu.memory_space<vmem>>
        %dma_start3A_648 = arith.constant 0 : i32
        %dma_start3A_649 = arith.constant 0 : i32
        %dma_start3A_650 = tpu.memref_slice %arg3[%dma_start3A_648, %dma_start3A_649] : memref<789507x32xf32, #tpu.memory_space<hbm>> -> memref<789507x32xf32, #tpu.memory_space<hbm>>
        tpu.enqueue_indirect_dma source(%dma_start3A_650 : memref<789507x32xf32, #tpu.memory_space<hbm>>) target(%dma_start3A_644 : memref<64x32xf32, #tpu.memory_space<vmem>>) offsets(%dma_start3A_647 : memref<64xi32, #tpu.memory_space<vmem>>) semaphore(%arg15 : memref<!tpu.dma_semaphore, #tpu.memory_space<semaphore_mem>>)
        %dma_start3A_651 = arith.constant 10 : i32
        %dma_start3A_652 = arith.constant 10 : i32
        %dma_start3A_653 = arith.constant 0 : i32
        %dma_start3A_654 = arith.constant 0 : i32
        %dma_start3A_655 = tpu.memref_slice %arg11[%dma_start3A_652, %dma_start3A_653, %dma_start3A_654] : memref<12x64x32xf32, #tpu.memory_space<vmem>> -> memref<1x64x32xf32, #tpu.memory_space<vmem>>
        %dma_start3A_656 = tpu.memref_squeeze %dma_start3A_655 : memref<1x64x32xf32, #tpu.memory_space<vmem>> -> memref<64x32xf32, #tpu.memory_space<vmem>>
        %dma_start3A_657 = arith.constant 0 : i32
        %dma_start3A_658 = tpu.memref_slice %arg9[%dma_start3A_651, %dma_start3A_657] : memref<12x64xi32, #tpu.memory_space<vmem>> -> memref<1x64xi32, #tpu.memory_space<vmem>>
        %dma_start3A_659 = tpu.memref_squeeze %dma_start3A_658 : memref<1x64xi32, #tpu.memory_space<vmem>> -> memref<64xi32, #tpu.memory_space<vmem>>
        %dma_start3A_660 = arith.constant 0 : i32
        %dma_start3A_661 = arith.constant 0 : i32
        %dma_start3A_662 = tpu.memref_slice %arg3[%dma_start3A_660, %dma_start3A_661] : memref<789507x32xf32, #tpu.memory_space<hbm>> -> memref<789507x32xf32, #tpu.memory_space<hbm>>
        tpu.enqueue_indirect_dma source(%dma_start3A_662 : memref<789507x32xf32, #tpu.memory_space<hbm>>) target(%dma_start3A_656 : memref<64x32xf32, #tpu.memory_space<vmem>>) offsets(%dma_start3A_659 : memref<64xi32, #tpu.memory_space<vmem>>) semaphore(%arg15 : memref<!tpu.dma_semaphore, #tpu.memory_space<semaphore_mem>>)
        %dma_start3A_663 = arith.constant 11 : i32
        %dma_start3A_664 = arith.constant 11 : i32
        %dma_start3A_665 = arith.constant 0 : i32
        %dma_start3A_666 = arith.constant 0 : i32
        %dma_start3A_667 = tpu.memref_slice %arg11[%dma_start3A_664, %dma_start3A_665, %dma_start3A_666] : memref<12x64x32xf32, #tpu.memory_space<vmem>> -> memref<1x64x32xf32, #tpu.memory_space<vmem>>
        %dma_start3A_668 = tpu.memref_squeeze %dma_start3A_667 : memref<1x64x32xf32, #tpu.memory_space<vmem>> -> memref<64x32xf32, #tpu.memory_space<vmem>>
        %dma_start3A_669 = arith.constant 0 : i32
        %dma_start3A_670 = tpu.memref_slice %arg9[%dma_start3A_663, %dma_start3A_669] : memref<12x64xi32, #tpu.memory_space<vmem>> -> memref<1x64xi32, #tpu.memory_space<vmem>>
        %dma_start3A_671 = tpu.memref_squeeze %dma_start3A_670 : memref<1x64xi32, #tpu.memory_space<vmem>> -> memref<64xi32, #tpu.memory_space<vmem>>
        %dma_start3A_672 = arith.constant 0 : i32
        %dma_start3A_673 = arith.constant 0 : i32
        %dma_start3A_674 = tpu.memref_slice %arg3[%dma_start3A_672, %dma_start3A_673] : memref<789507x32xf32, #tpu.memory_space<hbm>> -> memref<789507x32xf32, #tpu.memory_space<hbm>>
        tpu.enqueue_indirect_dma source(%dma_start3A_674 : memref<789507x32xf32, #tpu.memory_space<hbm>>) target(%dma_start3A_668 : memref<64x32xf32, #tpu.memory_space<vmem>>) offsets(%dma_start3A_671 : memref<64xi32, #tpu.memory_space<vmem>>) semaphore(%arg15 : memref<!tpu.dma_semaphore, #tpu.memory_space<semaphore_mem>>)
      } else {
      }
      %add3A_353 = arith.constant 2 : i32
      %add3A_354 = arith.addi %add3A_345, %add3A_353 : i32
      %lt3A_355 = arith.constant 128 : i32
      %lt3A_356 = arith.cmpi slt, %add3A_354, %lt3A_355 : i32
      %convert_element_type3A_357 = arith.extui %lt3A_356 : i1 to i32
      %cond3A_358 = arith.constant 0 : i32
      %cond3A_359 = arith.cmpi ne, %convert_element_type3A_357, %cond3A_358 : i32
      scf.if %cond3A_359 {
        %add3A_519 = arith.constant 2 : i32
        %add3A_520 = arith.addi %add3A_345, %add3A_519 : i32
        %mul3A_521 = arith.constant 64 : i32
        %mul3A_522 = arith.muli %add3A_520, %mul3A_521 : i32
        %add3A_523 = arith.addi %mul3A_2, %mul3A_522 : i32
        %dma_start3A_524 = arith.constant 0 : i32
        %dma_start3A_525 = tpu.memref_slice %arg2[%add3A_523, %dma_start3A_524] : memref<262144x3xf32, #tpu.memory_space<hbm>> -> memref<64x3xf32, #tpu.memory_space<hbm>>
        %dma_start3A_526 = arith.constant 0 : i32
        %dma_start3A_527 = tpu.memref_slice %arg2[%add3A_523, %dma_start3A_526] : memref<262144x3xf32, #tpu.memory_space<hbm>> -> memref<64x3xf32, #tpu.memory_space<hbm>>
        tpu.enqueue_dma source(%dma_start3A_527 : memref<64x3xf32, #tpu.memory_space<hbm>>) target(%arg6 : memref<64x3xf32, #tpu.memory_space<vmem>>) target_semaphore(%arg18 : memref<!tpu.dma_semaphore, #tpu.memory_space<semaphore_mem>>)
      } else {
      }
      %dma_wait3A_360 = arith.constant 0 : i32
      %dma_wait3A_361 = arith.constant 0 : i32
      %dma_wait3A_362 = arith.constant 0 : i32
      %dma_wait3A_363 = arith.constant 0 : i32
      %dma_wait3A_364 = tpu.memref_slice %arg12[%dma_wait3A_361, %dma_wait3A_362, %dma_wait3A_363] : memref<12x64x32xf32, #tpu.memory_space<vmem>> -> memref<1x64x32xf32, #tpu.memory_space<vmem>>
      %dma_wait3A_365 = tpu.memref_squeeze %dma_wait3A_364 : memref<1x64x32xf32, #tpu.memory_space<vmem>> -> memref<64x32xf32, #tpu.memory_space<vmem>>
      %dma_wait3A_366 = arith.constant 0 : i32
      %dma_wait3A_367 = tpu.memref_slice %arg10[%dma_wait3A_360, %dma_wait3A_366] : memref<12x64xi32, #tpu.memory_space<vmem>> -> memref<1x64xi32, #tpu.memory_space<vmem>>
      %dma_wait3A_368 = tpu.memref_squeeze %dma_wait3A_367 : memref<1x64xi32, #tpu.memory_space<vmem>> -> memref<64xi32, #tpu.memory_space<vmem>>
      %dma_wait3A_369 = arith.constant 0 : i32
      %dma_wait3A_370 = arith.constant 0 : i32
      %dma_wait3A_371 = tpu.memref_slice %arg3[%dma_wait3A_369, %dma_wait3A_370] : memref<789507x32xf32, #tpu.memory_space<hbm>> -> memref<789507x32xf32, #tpu.memory_space<hbm>>
      tpu.wait_indirect_dma semaphore(%arg16 : memref<!tpu.dma_semaphore, #tpu.memory_space<semaphore_mem>>) src(%dma_wait3A_371 : memref<789507x32xf32, #tpu.memory_space<hbm>>) dst(%dma_wait3A_365 : memref<64x32xf32, #tpu.memory_space<vmem>>)
      %dma_wait3A_372 = arith.constant 1 : i32
      %dma_wait3A_373 = arith.constant 1 : i32
      %dma_wait3A_374 = arith.constant 0 : i32
      %dma_wait3A_375 = arith.constant 0 : i32
      %dma_wait3A_376 = tpu.memref_slice %arg12[%dma_wait3A_373, %dma_wait3A_374, %dma_wait3A_375] : memref<12x64x32xf32, #tpu.memory_space<vmem>> -> memref<1x64x32xf32, #tpu.memory_space<vmem>>
      %dma_wait3A_377 = tpu.memref_squeeze %dma_wait3A_376 : memref<1x64x32xf32, #tpu.memory_space<vmem>> -> memref<64x32xf32, #tpu.memory_space<vmem>>
      %dma_wait3A_378 = arith.constant 0 : i32
      %dma_wait3A_379 = tpu.memref_slice %arg10[%dma_wait3A_372, %dma_wait3A_378] : memref<12x64xi32, #tpu.memory_space<vmem>> -> memref<1x64xi32, #tpu.memory_space<vmem>>
      %dma_wait3A_380 = tpu.memref_squeeze %dma_wait3A_379 : memref<1x64xi32, #tpu.memory_space<vmem>> -> memref<64xi32, #tpu.memory_space<vmem>>
      %dma_wait3A_381 = arith.constant 0 : i32
      %dma_wait3A_382 = arith.constant 0 : i32
      %dma_wait3A_383 = tpu.memref_slice %arg3[%dma_wait3A_381, %dma_wait3A_382] : memref<789507x32xf32, #tpu.memory_space<hbm>> -> memref<789507x32xf32, #tpu.memory_space<hbm>>
      tpu.wait_indirect_dma semaphore(%arg16 : memref<!tpu.dma_semaphore, #tpu.memory_space<semaphore_mem>>) src(%dma_wait3A_383 : memref<789507x32xf32, #tpu.memory_space<hbm>>) dst(%dma_wait3A_377 : memref<64x32xf32, #tpu.memory_space<vmem>>)
      %dma_wait3A_384 = arith.constant 2 : i32
      %dma_wait3A_385 = arith.constant 2 : i32
      %dma_wait3A_386 = arith.constant 0 : i32
      %dma_wait3A_387 = arith.constant 0 : i32
      %dma_wait3A_388 = tpu.memref_slice %arg12[%dma_wait3A_385, %dma_wait3A_386, %dma_wait3A_387] : memref<12x64x32xf32, #tpu.memory_space<vmem>> -> memref<1x64x32xf32, #tpu.memory_space<vmem>>
      %dma_wait3A_389 = tpu.memref_squeeze %dma_wait3A_388 : memref<1x64x32xf32, #tpu.memory_space<vmem>> -> memref<64x32xf32, #tpu.memory_space<vmem>>
      %dma_wait3A_390 = arith.constant 0 : i32
      %dma_wait3A_391 = tpu.memref_slice %arg10[%dma_wait3A_384, %dma_wait3A_390] : memref<12x64xi32, #tpu.memory_space<vmem>> -> memref<1x64xi32, #tpu.memory_space<vmem>>
      %dma_wait3A_392 = tpu.memref_squeeze %dma_wait3A_391 : memref<1x64xi32, #tpu.memory_space<vmem>> -> memref<64xi32, #tpu.memory_space<vmem>>
      %dma_wait3A_393 = arith.constant 0 : i32
      %dma_wait3A_394 = arith.constant 0 : i32
      %dma_wait3A_395 = tpu.memref_slice %arg3[%dma_wait3A_393, %dma_wait3A_394] : memref<789507x32xf32, #tpu.memory_space<hbm>> -> memref<789507x32xf32, #tpu.memory_space<hbm>>
      tpu.wait_indirect_dma semaphore(%arg16 : memref<!tpu.dma_semaphore, #tpu.memory_space<semaphore_mem>>) src(%dma_wait3A_395 : memref<789507x32xf32, #tpu.memory_space<hbm>>) dst(%dma_wait3A_389 : memref<64x32xf32, #tpu.memory_space<vmem>>)
      %dma_wait3A_396 = arith.constant 3 : i32
      %dma_wait3A_397 = arith.constant 3 : i32
      %dma_wait3A_398 = arith.constant 0 : i32
      %dma_wait3A_399 = arith.constant 0 : i32
      %dma_wait3A_400 = tpu.memref_slice %arg12[%dma_wait3A_397, %dma_wait3A_398, %dma_wait3A_399] : memref<12x64x32xf32, #tpu.memory_space<vmem>> -> memref<1x64x32xf32, #tpu.memory_space<vmem>>
      %dma_wait3A_401 = tpu.memref_squeeze %dma_wait3A_400 : memref<1x64x32xf32, #tpu.memory_space<vmem>> -> memref<64x32xf32, #tpu.memory_space<vmem>>
      %dma_wait3A_402 = arith.constant 0 : i32
      %dma_wait3A_403 = tpu.memref_slice %arg10[%dma_wait3A_396, %dma_wait3A_402] : memref<12x64xi32, #tpu.memory_space<vmem>> -> memref<1x64xi32, #tpu.memory_space<vmem>>
      %dma_wait3A_404 = tpu.memref_squeeze %dma_wait3A_403 : memref<1x64xi32, #tpu.memory_space<vmem>> -> memref<64xi32, #tpu.memory_space<vmem>>
      %dma_wait3A_405 = arith.constant 0 : i32
      %dma_wait3A_406 = arith.constant 0 : i32
      %dma_wait3A_407 = tpu.memref_slice %arg3[%dma_wait3A_405, %dma_wait3A_406] : memref<789507x32xf32, #tpu.memory_space<hbm>> -> memref<789507x32xf32, #tpu.memory_space<hbm>>
      tpu.wait_indirect_dma semaphore(%arg16 : memref<!tpu.dma_semaphore, #tpu.memory_space<semaphore_mem>>) src(%dma_wait3A_407 : memref<789507x32xf32, #tpu.memory_space<hbm>>) dst(%dma_wait3A_401 : memref<64x32xf32, #tpu.memory_space<vmem>>)
      %dma_wait3A_408 = arith.constant 4 : i32
      %dma_wait3A_409 = arith.constant 4 : i32
      %dma_wait3A_410 = arith.constant 0 : i32
      %dma_wait3A_411 = arith.constant 0 : i32
      %dma_wait3A_412 = tpu.memref_slice %arg12[%dma_wait3A_409, %dma_wait3A_410, %dma_wait3A_411] : memref<12x64x32xf32, #tpu.memory_space<vmem>> -> memref<1x64x32xf32, #tpu.memory_space<vmem>>
      %dma_wait3A_413 = tpu.memref_squeeze %dma_wait3A_412 : memref<1x64x32xf32, #tpu.memory_space<vmem>> -> memref<64x32xf32, #tpu.memory_space<vmem>>
      %dma_wait3A_414 = arith.constant 0 : i32
      %dma_wait3A_415 = tpu.memref_slice %arg10[%dma_wait3A_408, %dma_wait3A_414] : memref<12x64xi32, #tpu.memory_space<vmem>> -> memref<1x64xi32, #tpu.memory_space<vmem>>
      %dma_wait3A_416 = tpu.memref_squeeze %dma_wait3A_415 : memref<1x64xi32, #tpu.memory_space<vmem>> -> memref<64xi32, #tpu.memory_space<vmem>>
      %dma_wait3A_417 = arith.constant 0 : i32
      %dma_wait3A_418 = arith.constant 0 : i32
      %dma_wait3A_419 = tpu.memref_slice %arg3[%dma_wait3A_417, %dma_wait3A_418] : memref<789507x32xf32, #tpu.memory_space<hbm>> -> memref<789507x32xf32, #tpu.memory_space<hbm>>
      tpu.wait_indirect_dma semaphore(%arg16 : memref<!tpu.dma_semaphore, #tpu.memory_space<semaphore_mem>>) src(%dma_wait3A_419 : memref<789507x32xf32, #tpu.memory_space<hbm>>) dst(%dma_wait3A_413 : memref<64x32xf32, #tpu.memory_space<vmem>>)
      %dma_wait3A_420 = arith.constant 5 : i32
      %dma_wait3A_421 = arith.constant 5 : i32
      %dma_wait3A_422 = arith.constant 0 : i32
      %dma_wait3A_423 = arith.constant 0 : i32
      %dma_wait3A_424 = tpu.memref_slice %arg12[%dma_wait3A_421, %dma_wait3A_422, %dma_wait3A_423] : memref<12x64x32xf32, #tpu.memory_space<vmem>> -> memref<1x64x32xf32, #tpu.memory_space<vmem>>
      %dma_wait3A_425 = tpu.memref_squeeze %dma_wait3A_424 : memref<1x64x32xf32, #tpu.memory_space<vmem>> -> memref<64x32xf32, #tpu.memory_space<vmem>>
      %dma_wait3A_426 = arith.constant 0 : i32
      %dma_wait3A_427 = tpu.memref_slice %arg10[%dma_wait3A_420, %dma_wait3A_426] : memref<12x64xi32, #tpu.memory_space<vmem>> -> memref<1x64xi32, #tpu.memory_space<vmem>>
      %dma_wait3A_428 = tpu.memref_squeeze %dma_wait3A_427 : memref<1x64xi32, #tpu.memory_space<vmem>> -> memref<64xi32, #tpu.memory_space<vmem>>
      %dma_wait3A_429 = arith.constant 0 : i32
      %dma_wait3A_430 = arith.constant 0 : i32
      %dma_wait3A_431 = tpu.memref_slice %arg3[%dma_wait3A_429, %dma_wait3A_430] : memref<789507x32xf32, #tpu.memory_space<hbm>> -> memref<789507x32xf32, #tpu.memory_space<hbm>>
      tpu.wait_indirect_dma semaphore(%arg16 : memref<!tpu.dma_semaphore, #tpu.memory_space<semaphore_mem>>) src(%dma_wait3A_431 : memref<789507x32xf32, #tpu.memory_space<hbm>>) dst(%dma_wait3A_425 : memref<64x32xf32, #tpu.memory_space<vmem>>)
      %dma_wait3A_432 = arith.constant 6 : i32
      %dma_wait3A_433 = arith.constant 6 : i32
      %dma_wait3A_434 = arith.constant 0 : i32
      %dma_wait3A_435 = arith.constant 0 : i32
      %dma_wait3A_436 = tpu.memref_slice %arg12[%dma_wait3A_433, %dma_wait3A_434, %dma_wait3A_435] : memref<12x64x32xf32, #tpu.memory_space<vmem>> -> memref<1x64x32xf32, #tpu.memory_space<vmem>>
      %dma_wait3A_437 = tpu.memref_squeeze %dma_wait3A_436 : memref<1x64x32xf32, #tpu.memory_space<vmem>> -> memref<64x32xf32, #tpu.memory_space<vmem>>
      %dma_wait3A_438 = arith.constant 0 : i32
      %dma_wait3A_439 = tpu.memref_slice %arg10[%dma_wait3A_432, %dma_wait3A_438] : memref<12x64xi32, #tpu.memory_space<vmem>> -> memref<1x64xi32, #tpu.memory_space<vmem>>
      %dma_wait3A_440 = tpu.memref_squeeze %dma_wait3A_439 : memref<1x64xi32, #tpu.memory_space<vmem>> -> memref<64xi32, #tpu.memory_space<vmem>>
      %dma_wait3A_441 = arith.constant 0 : i32
      %dma_wait3A_442 = arith.constant 0 : i32
      %dma_wait3A_443 = tpu.memref_slice %arg3[%dma_wait3A_441, %dma_wait3A_442] : memref<789507x32xf32, #tpu.memory_space<hbm>> -> memref<789507x32xf32, #tpu.memory_space<hbm>>
      tpu.wait_indirect_dma semaphore(%arg16 : memref<!tpu.dma_semaphore, #tpu.memory_space<semaphore_mem>>) src(%dma_wait3A_443 : memref<789507x32xf32, #tpu.memory_space<hbm>>) dst(%dma_wait3A_437 : memref<64x32xf32, #tpu.memory_space<vmem>>)
      %dma_wait3A_444 = arith.constant 7 : i32
      %dma_wait3A_445 = arith.constant 7 : i32
      %dma_wait3A_446 = arith.constant 0 : i32
      %dma_wait3A_447 = arith.constant 0 : i32
      %dma_wait3A_448 = tpu.memref_slice %arg12[%dma_wait3A_445, %dma_wait3A_446, %dma_wait3A_447] : memref<12x64x32xf32, #tpu.memory_space<vmem>> -> memref<1x64x32xf32, #tpu.memory_space<vmem>>
      %dma_wait3A_449 = tpu.memref_squeeze %dma_wait3A_448 : memref<1x64x32xf32, #tpu.memory_space<vmem>> -> memref<64x32xf32, #tpu.memory_space<vmem>>
      %dma_wait3A_450 = arith.constant 0 : i32
      %dma_wait3A_451 = tpu.memref_slice %arg10[%dma_wait3A_444, %dma_wait3A_450] : memref<12x64xi32, #tpu.memory_space<vmem>> -> memref<1x64xi32, #tpu.memory_space<vmem>>
      %dma_wait3A_452 = tpu.memref_squeeze %dma_wait3A_451 : memref<1x64xi32, #tpu.memory_space<vmem>> -> memref<64xi32, #tpu.memory_space<vmem>>
      %dma_wait3A_453 = arith.constant 0 : i32
      %dma_wait3A_454 = arith.constant 0 : i32
      %dma_wait3A_455 = tpu.memref_slice %arg3[%dma_wait3A_453, %dma_wait3A_454] : memref<789507x32xf32, #tpu.memory_space<hbm>> -> memref<789507x32xf32, #tpu.memory_space<hbm>>
      tpu.wait_indirect_dma semaphore(%arg16 : memref<!tpu.dma_semaphore, #tpu.memory_space<semaphore_mem>>) src(%dma_wait3A_455 : memref<789507x32xf32, #tpu.memory_space<hbm>>) dst(%dma_wait3A_449 : memref<64x32xf32, #tpu.memory_space<vmem>>)
      %dma_wait3A_456 = arith.constant 8 : i32
      %dma_wait3A_457 = arith.constant 8 : i32
      %dma_wait3A_458 = arith.constant 0 : i32
      %dma_wait3A_459 = arith.constant 0 : i32
      %dma_wait3A_460 = tpu.memref_slice %arg12[%dma_wait3A_457, %dma_wait3A_458, %dma_wait3A_459] : memref<12x64x32xf32, #tpu.memory_space<vmem>> -> memref<1x64x32xf32, #tpu.memory_space<vmem>>
      %dma_wait3A_461 = tpu.memref_squeeze %dma_wait3A_460 : memref<1x64x32xf32, #tpu.memory_space<vmem>> -> memref<64x32xf32, #tpu.memory_space<vmem>>
      %dma_wait3A_462 = arith.constant 0 : i32
      %dma_wait3A_463 = tpu.memref_slice %arg10[%dma_wait3A_456, %dma_wait3A_462] : memref<12x64xi32, #tpu.memory_space<vmem>> -> memref<1x64xi32, #tpu.memory_space<vmem>>
      %dma_wait3A_464 = tpu.memref_squeeze %dma_wait3A_463 : memref<1x64xi32, #tpu.memory_space<vmem>> -> memref<64xi32, #tpu.memory_space<vmem>>
      %dma_wait3A_465 = arith.constant 0 : i32
      %dma_wait3A_466 = arith.constant 0 : i32
      %dma_wait3A_467 = tpu.memref_slice %arg3[%dma_wait3A_465, %dma_wait3A_466] : memref<789507x32xf32, #tpu.memory_space<hbm>> -> memref<789507x32xf32, #tpu.memory_space<hbm>>
      tpu.wait_indirect_dma semaphore(%arg16 : memref<!tpu.dma_semaphore, #tpu.memory_space<semaphore_mem>>) src(%dma_wait3A_467 : memref<789507x32xf32, #tpu.memory_space<hbm>>) dst(%dma_wait3A_461 : memref<64x32xf32, #tpu.memory_space<vmem>>)
      %dma_wait3A_468 = arith.constant 9 : i32
      %dma_wait3A_469 = arith.constant 9 : i32
      %dma_wait3A_470 = arith.constant 0 : i32
      %dma_wait3A_471 = arith.constant 0 : i32
      %dma_wait3A_472 = tpu.memref_slice %arg12[%dma_wait3A_469, %dma_wait3A_470, %dma_wait3A_471] : memref<12x64x32xf32, #tpu.memory_space<vmem>> -> memref<1x64x32xf32, #tpu.memory_space<vmem>>
      %dma_wait3A_473 = tpu.memref_squeeze %dma_wait3A_472 : memref<1x64x32xf32, #tpu.memory_space<vmem>> -> memref<64x32xf32, #tpu.memory_space<vmem>>
      %dma_wait3A_474 = arith.constant 0 : i32
      %dma_wait3A_475 = tpu.memref_slice %arg10[%dma_wait3A_468, %dma_wait3A_474] : memref<12x64xi32, #tpu.memory_space<vmem>> -> memref<1x64xi32, #tpu.memory_space<vmem>>
      %dma_wait3A_476 = tpu.memref_squeeze %dma_wait3A_475 : memref<1x64xi32, #tpu.memory_space<vmem>> -> memref<64xi32, #tpu.memory_space<vmem>>
      %dma_wait3A_477 = arith.constant 0 : i32
      %dma_wait3A_478 = arith.constant 0 : i32
      %dma_wait3A_479 = tpu.memref_slice %arg3[%dma_wait3A_477, %dma_wait3A_478] : memref<789507x32xf32, #tpu.memory_space<hbm>> -> memref<789507x32xf32, #tpu.memory_space<hbm>>
      tpu.wait_indirect_dma semaphore(%arg16 : memref<!tpu.dma_semaphore, #tpu.memory_space<semaphore_mem>>) src(%dma_wait3A_479 : memref<789507x32xf32, #tpu.memory_space<hbm>>) dst(%dma_wait3A_473 : memref<64x32xf32, #tpu.memory_space<vmem>>)
      %dma_wait3A_480 = arith.constant 10 : i32
      %dma_wait3A_481 = arith.constant 10 : i32
      %dma_wait3A_482 = arith.constant 0 : i32
      %dma_wait3A_483 = arith.constant 0 : i32
      %dma_wait3A_484 = tpu.memref_slice %arg12[%dma_wait3A_481, %dma_wait3A_482, %dma_wait3A_483] : memref<12x64x32xf32, #tpu.memory_space<vmem>> -> memref<1x64x32xf32, #tpu.memory_space<vmem>>
      %dma_wait3A_485 = tpu.memref_squeeze %dma_wait3A_484 : memref<1x64x32xf32, #tpu.memory_space<vmem>> -> memref<64x32xf32, #tpu.memory_space<vmem>>
      %dma_wait3A_486 = arith.constant 0 : i32
      %dma_wait3A_487 = tpu.memref_slice %arg10[%dma_wait3A_480, %dma_wait3A_486] : memref<12x64xi32, #tpu.memory_space<vmem>> -> memref<1x64xi32, #tpu.memory_space<vmem>>
      %dma_wait3A_488 = tpu.memref_squeeze %dma_wait3A_487 : memref<1x64xi32, #tpu.memory_space<vmem>> -> memref<64xi32, #tpu.memory_space<vmem>>
      %dma_wait3A_489 = arith.constant 0 : i32
      %dma_wait3A_490 = arith.constant 0 : i32
      %dma_wait3A_491 = tpu.memref_slice %arg3[%dma_wait3A_489, %dma_wait3A_490] : memref<789507x32xf32, #tpu.memory_space<hbm>> -> memref<789507x32xf32, #tpu.memory_space<hbm>>
      tpu.wait_indirect_dma semaphore(%arg16 : memref<!tpu.dma_semaphore, #tpu.memory_space<semaphore_mem>>) src(%dma_wait3A_491 : memref<789507x32xf32, #tpu.memory_space<hbm>>) dst(%dma_wait3A_485 : memref<64x32xf32, #tpu.memory_space<vmem>>)
      %dma_wait3A_492 = arith.constant 11 : i32
      %dma_wait3A_493 = arith.constant 11 : i32
      %dma_wait3A_494 = arith.constant 0 : i32
      %dma_wait3A_495 = arith.constant 0 : i32
      %dma_wait3A_496 = tpu.memref_slice %arg12[%dma_wait3A_493, %dma_wait3A_494, %dma_wait3A_495] : memref<12x64x32xf32, #tpu.memory_space<vmem>> -> memref<1x64x32xf32, #tpu.memory_space<vmem>>
      %dma_wait3A_497 = tpu.memref_squeeze %dma_wait3A_496 : memref<1x64x32xf32, #tpu.memory_space<vmem>> -> memref<64x32xf32, #tpu.memory_space<vmem>>
      %dma_wait3A_498 = arith.constant 0 : i32
      %dma_wait3A_499 = tpu.memref_slice %arg10[%dma_wait3A_492, %dma_wait3A_498] : memref<12x64xi32, #tpu.memory_space<vmem>> -> memref<1x64xi32, #tpu.memory_space<vmem>>
      %dma_wait3A_500 = tpu.memref_squeeze %dma_wait3A_499 : memref<1x64xi32, #tpu.memory_space<vmem>> -> memref<64xi32, #tpu.memory_space<vmem>>
      %dma_wait3A_501 = arith.constant 0 : i32
      %dma_wait3A_502 = arith.constant 0 : i32
      %dma_wait3A_503 = tpu.memref_slice %arg3[%dma_wait3A_501, %dma_wait3A_502] : memref<789507x32xf32, #tpu.memory_space<hbm>> -> memref<789507x32xf32, #tpu.memory_space<hbm>>
      tpu.wait_indirect_dma semaphore(%arg16 : memref<!tpu.dma_semaphore, #tpu.memory_space<semaphore_mem>>) src(%dma_wait3A_503 : memref<789507x32xf32, #tpu.memory_space<hbm>>) dst(%dma_wait3A_497 : memref<64x32xf32, #tpu.memory_space<vmem>>)
      %parallel_loop3A_504 = arith.constant 0 : i32
      %parallel_loop3A_505 = arith.constant 64 : i32
      %parallel_loop3A_506 = arith.constant 1 : i32
      scf.for %parallel_loop3A_519 = %parallel_loop3A_504 to %parallel_loop3A_505 step %parallel_loop3A_506  : i32 {
        %parallel_loop3A_520 = vector.broadcast %parallel_loop3A_519 : i32 to vector<16xi32>
        %parallel_loop3A_521 = arith.constant 0 : i32
        %parallel_loop3A_522 = vector.broadcast %parallel_loop3A_521 : i32 to vector<16xi32>
        %parallel_loop3A_523 = tpu.vector_load_idx %arg8[%parallel_loop3A_522, %parallel_loop3A_520] : memref<3x64xf32, #tpu.memory_space<vmem>>[vector<16xi32>, vector<16xi32>], vector<16xf32>,
        %parallel_loop3A_524 = arith.constant 1 : i32
        %parallel_loop3A_525 = vector.broadcast %parallel_loop3A_524 : i32 to vector<16xi32>
        %parallel_loop3A_526 = tpu.vector_load_idx %arg8[%parallel_loop3A_525, %parallel_loop3A_520] : memref<3x64xf32, #tpu.memory_space<vmem>>[vector<16xi32>, vector<16xi32>], vector<16xf32>,
        %parallel_loop3A_527 = arith.constant 2 : i32
        %parallel_loop3A_528 = vector.broadcast %parallel_loop3A_527 : i32 to vector<16xi32>
        %parallel_loop3A_529 = tpu.vector_load_idx %arg8[%parallel_loop3A_528, %parallel_loop3A_520] : memref<3x64xf32, #tpu.memory_space<vmem>>[vector<16xi32>, vector<16xi32>], vector<16xf32>,
        %parallel_loop3A_530 = arith.constant 0 : i32
        %parallel_loop3A_531 = arith.index_cast %parallel_loop3A_530 : i32 to index
        %parallel_loop3A_532 = arith.index_cast %parallel_loop3A_519 : i32 to index
        %parallel_loop3A_533 = arith.constant 0 : index
        %parallel_loop3A_534 = tpu.vector_load %arg12[%parallel_loop3A_531, %parallel_loop3A_532, %parallel_loop3A_533] {strides = array<i32>} : memref<12x64x32xf32, #tpu.memory_space<vmem>>, vector<16xf32>,
        %parallel_loop3A_535 = arith.constant 1 : i32
        %parallel_loop3A_536 = arith.index_cast %parallel_loop3A_535 : i32 to index
        %parallel_loop3A_537 = arith.index_cast %parallel_loop3A_519 : i32 to index
        %parallel_loop3A_538 = arith.constant 0 : index
        %parallel_loop3A_539 = tpu.vector_load %arg12[%parallel_loop3A_536, %parallel_loop3A_537, %parallel_loop3A_538] {strides = array<i32>} : memref<12x64x32xf32, #tpu.memory_space<vmem>>, vector<16xf32>,
        %parallel_loop3A_540 = arith.constant 2 : i32
        %parallel_loop3A_541 = arith.index_cast %parallel_loop3A_540 : i32 to index
        %parallel_loop3A_542 = arith.index_cast %parallel_loop3A_519 : i32 to index
        %parallel_loop3A_543 = arith.constant 0 : index
        %parallel_loop3A_544 = tpu.vector_load %arg12[%parallel_loop3A_541, %parallel_loop3A_542, %parallel_loop3A_543] {strides = array<i32>} : memref<12x64x32xf32, #tpu.memory_space<vmem>>, vector<16xf32>,
        %parallel_loop3A_545 = arith.constant 3 : i32
        %parallel_loop3A_546 = arith.index_cast %parallel_loop3A_545 : i32 to index
        %parallel_loop3A_547 = arith.index_cast %parallel_loop3A_519 : i32 to index
        %parallel_loop3A_548 = arith.constant 0 : index
        %parallel_loop3A_549 = tpu.vector_load %arg12[%parallel_loop3A_546, %parallel_loop3A_547, %parallel_loop3A_548] {strides = array<i32>} : memref<12x64x32xf32, #tpu.memory_space<vmem>>, vector<16xf32>,
        %parallel_loop3A_550 = arith.subf %parallel_loop3A_539, %parallel_loop3A_534 : vector<16xf32>
        %parallel_loop3A_551 = arith.mulf %parallel_loop3A_523, %parallel_loop3A_550 : vector<16xf32>
        %parallel_loop3A_552 = arith.addf %parallel_loop3A_534, %parallel_loop3A_551 : vector<16xf32>
        %parallel_loop3A_553 = arith.subf %parallel_loop3A_549, %parallel_loop3A_544 : vector<16xf32>
        %parallel_loop3A_554 = arith.mulf %parallel_loop3A_523, %parallel_loop3A_553 : vector<16xf32>
        %parallel_loop3A_555 = arith.addf %parallel_loop3A_544, %parallel_loop3A_554 : vector<16xf32>
        %parallel_loop3A_556 = arith.subf %parallel_loop3A_555, %parallel_loop3A_552 : vector<16xf32>
        %parallel_loop3A_557 = arith.mulf %parallel_loop3A_526, %parallel_loop3A_556 : vector<16xf32>
        %parallel_loop3A_558 = arith.addf %parallel_loop3A_552, %parallel_loop3A_557 : vector<16xf32>
        %parallel_loop3A_559 = arith.index_cast %parallel_loop3A_519 : i32 to index
        %parallel_loop3A_560 = arith.constant 0 : index
        %parallel_loop3A_561 = tpu.vector_load %arg14[%parallel_loop3A_559, %parallel_loop3A_560] {strides = array<i32>} : memref<64x96xf32, #tpu.memory_space<vmem>>, vector<16xf32>,
        tpu.vector_store %arg14[%parallel_loop3A_559, %parallel_loop3A_560], %parallel_loop3A_558 {strides = array<i32>} : memref<64x96xf32, #tpu.memory_space<vmem>>, vector<16xf32>,
        %parallel_loop3A_562 = arith.constant 0 : i32
        %parallel_loop3A_563 = arith.index_cast %parallel_loop3A_562 : i32 to index
        %parallel_loop3A_564 = arith.index_cast %parallel_loop3A_519 : i32 to index
        %parallel_loop3A_565 = arith.constant 16 : index
        %parallel_loop3A_566 = tpu.vector_load %arg12[%parallel_loop3A_563, %parallel_loop3A_564, %parallel_loop3A_565] {strides = array<i32>} : memref<12x64x32xf32, #tpu.memory_space<vmem>>, vector<16xf32>,
        %parallel_loop3A_567 = arith.constant 1 : i32
        %parallel_loop3A_568 = arith.index_cast %parallel_loop3A_567 : i32 to index
        %parallel_loop3A_569 = arith.index_cast %parallel_loop3A_519 : i32 to index
        %parallel_loop3A_570 = arith.constant 16 : index
        %parallel_loop3A_571 = tpu.vector_load %arg12[%parallel_loop3A_568, %parallel_loop3A_569, %parallel_loop3A_570] {strides = array<i32>} : memref<12x64x32xf32, #tpu.memory_space<vmem>>, vector<16xf32>,
        %parallel_loop3A_572 = arith.constant 2 : i32
        %parallel_loop3A_573 = arith.index_cast %parallel_loop3A_572 : i32 to index
        %parallel_loop3A_574 = arith.index_cast %parallel_loop3A_519 : i32 to index
        %parallel_loop3A_575 = arith.constant 16 : index
        %parallel_loop3A_576 = tpu.vector_load %arg12[%parallel_loop3A_573, %parallel_loop3A_574, %parallel_loop3A_575] {strides = array<i32>} : memref<12x64x32xf32, #tpu.memory_space<vmem>>, vector<16xf32>,
        %parallel_loop3A_577 = arith.constant 3 : i32
        %parallel_loop3A_578 = arith.index_cast %parallel_loop3A_577 : i32 to index
        %parallel_loop3A_579 = arith.index_cast %parallel_loop3A_519 : i32 to index
        %parallel_loop3A_580 = arith.constant 16 : index
        %parallel_loop3A_581 = tpu.vector_load %arg12[%parallel_loop3A_578, %parallel_loop3A_579, %parallel_loop3A_580] {strides = array<i32>} : memref<12x64x32xf32, #tpu.memory_space<vmem>>, vector<16xf32>,
        %parallel_loop3A_582 = arith.subf %parallel_loop3A_571, %parallel_loop3A_566 : vector<16xf32>
        %parallel_loop3A_583 = arith.mulf %parallel_loop3A_523, %parallel_loop3A_582 : vector<16xf32>
        %parallel_loop3A_584 = arith.addf %parallel_loop3A_566, %parallel_loop3A_583 : vector<16xf32>
        %parallel_loop3A_585 = arith.subf %parallel_loop3A_581, %parallel_loop3A_576 : vector<16xf32>
        %parallel_loop3A_586 = arith.mulf %parallel_loop3A_523, %parallel_loop3A_585 : vector<16xf32>
        %parallel_loop3A_587 = arith.addf %parallel_loop3A_576, %parallel_loop3A_586 : vector<16xf32>
        %parallel_loop3A_588 = arith.subf %parallel_loop3A_587, %parallel_loop3A_584 : vector<16xf32>
        %parallel_loop3A_589 = arith.mulf %parallel_loop3A_526, %parallel_loop3A_588 : vector<16xf32>
        %parallel_loop3A_590 = arith.addf %parallel_loop3A_584, %parallel_loop3A_589 : vector<16xf32>
        %parallel_loop3A_591 = arith.index_cast %parallel_loop3A_519 : i32 to index
        %parallel_loop3A_592 = arith.constant 16 : index
        %parallel_loop3A_593 = tpu.vector_load %arg14[%parallel_loop3A_591, %parallel_loop3A_592] {strides = array<i32>} : memref<64x96xf32, #tpu.memory_space<vmem>>, vector<16xf32>,
        tpu.vector_store %arg14[%parallel_loop3A_591, %parallel_loop3A_592], %parallel_loop3A_590 {strides = array<i32>} : memref<64x96xf32, #tpu.memory_space<vmem>>, vector<16xf32>,
        %parallel_loop3A_594 = arith.constant 4 : i32
        %parallel_loop3A_595 = arith.index_cast %parallel_loop3A_594 : i32 to index
        %parallel_loop3A_596 = arith.index_cast %parallel_loop3A_519 : i32 to index
        %parallel_loop3A_597 = arith.constant 0 : index
        %parallel_loop3A_598 = tpu.vector_load %arg12[%parallel_loop3A_595, %parallel_loop3A_596, %parallel_loop3A_597] {strides = array<i32>} : memref<12x64x32xf32, #tpu.memory_space<vmem>>, vector<16xf32>,
        %parallel_loop3A_599 = arith.constant 5 : i32
        %parallel_loop3A_600 = arith.index_cast %parallel_loop3A_599 : i32 to index
        %parallel_loop3A_601 = arith.index_cast %parallel_loop3A_519 : i32 to index
        %parallel_loop3A_602 = arith.constant 0 : index
        %parallel_loop3A_603 = tpu.vector_load %arg12[%parallel_loop3A_600, %parallel_loop3A_601, %parallel_loop3A_602] {strides = array<i32>} : memref<12x64x32xf32, #tpu.memory_space<vmem>>, vector<16xf32>,
        %parallel_loop3A_604 = arith.constant 6 : i32
        %parallel_loop3A_605 = arith.index_cast %parallel_loop3A_604 : i32 to index
        %parallel_loop3A_606 = arith.index_cast %parallel_loop3A_519 : i32 to index
        %parallel_loop3A_607 = arith.constant 0 : index
        %parallel_loop3A_608 = tpu.vector_load %arg12[%parallel_loop3A_605, %parallel_loop3A_606, %parallel_loop3A_607] {strides = array<i32>} : memref<12x64x32xf32, #tpu.memory_space<vmem>>, vector<16xf32>,
        %parallel_loop3A_609 = arith.constant 7 : i32
        %parallel_loop3A_610 = arith.index_cast %parallel_loop3A_609 : i32 to index
        %parallel_loop3A_611 = arith.index_cast %parallel_loop3A_519 : i32 to index
        %parallel_loop3A_612 = arith.constant 0 : index
        %parallel_loop3A_613 = tpu.vector_load %arg12[%parallel_loop3A_610, %parallel_loop3A_611, %parallel_loop3A_612] {strides = array<i32>} : memref<12x64x32xf32, #tpu.memory_space<vmem>>, vector<16xf32>,
        %parallel_loop3A_614 = arith.subf %parallel_loop3A_603, %parallel_loop3A_598 : vector<16xf32>
        %parallel_loop3A_615 = arith.mulf %parallel_loop3A_526, %parallel_loop3A_614 : vector<16xf32>
        %parallel_loop3A_616 = arith.addf %parallel_loop3A_598, %parallel_loop3A_615 : vector<16xf32>
        %parallel_loop3A_617 = arith.subf %parallel_loop3A_613, %parallel_loop3A_608 : vector<16xf32>
        %parallel_loop3A_618 = arith.mulf %parallel_loop3A_526, %parallel_loop3A_617 : vector<16xf32>
        %parallel_loop3A_619 = arith.addf %parallel_loop3A_608, %parallel_loop3A_618 : vector<16xf32>
        %parallel_loop3A_620 = arith.subf %parallel_loop3A_619, %parallel_loop3A_616 : vector<16xf32>
        %parallel_loop3A_621 = arith.mulf %parallel_loop3A_529, %parallel_loop3A_620 : vector<16xf32>
        %parallel_loop3A_622 = arith.addf %parallel_loop3A_616, %parallel_loop3A_621 : vector<16xf32>
        %parallel_loop3A_623 = arith.index_cast %parallel_loop3A_519 : i32 to index
        %parallel_loop3A_624 = arith.constant 32 : index
        %parallel_loop3A_625 = tpu.vector_load %arg14[%parallel_loop3A_623, %parallel_loop3A_624] {strides = array<i32>} : memref<64x96xf32, #tpu.memory_space<vmem>>, vector<16xf32>,
        tpu.vector_store %arg14[%parallel_loop3A_623, %parallel_loop3A_624], %parallel_loop3A_622 {strides = array<i32>} : memref<64x96xf32, #tpu.memory_space<vmem>>, vector<16xf32>,
        %parallel_loop3A_626 = arith.constant 4 : i32
        %parallel_loop3A_627 = arith.index_cast %parallel_loop3A_626 : i32 to index
        %parallel_loop3A_628 = arith.index_cast %parallel_loop3A_519 : i32 to index
        %parallel_loop3A_629 = arith.constant 16 : index
        %parallel_loop3A_630 = tpu.vector_load %arg12[%parallel_loop3A_627, %parallel_loop3A_628, %parallel_loop3A_629] {strides = array<i32>} : memref<12x64x32xf32, #tpu.memory_space<vmem>>, vector<16xf32>,
        %parallel_loop3A_631 = arith.constant 5 : i32
        %parallel_loop3A_632 = arith.index_cast %parallel_loop3A_631 : i32 to index
        %parallel_loop3A_633 = arith.index_cast %parallel_loop3A_519 : i32 to index
        %parallel_loop3A_634 = arith.constant 16 : index
        %parallel_loop3A_635 = tpu.vector_load %arg12[%parallel_loop3A_632, %parallel_loop3A_633, %parallel_loop3A_634] {strides = array<i32>} : memref<12x64x32xf32, #tpu.memory_space<vmem>>, vector<16xf32>,
        %parallel_loop3A_636 = arith.constant 6 : i32
        %parallel_loop3A_637 = arith.index_cast %parallel_loop3A_636 : i32 to index
        %parallel_loop3A_638 = arith.index_cast %parallel_loop3A_519 : i32 to index
        %parallel_loop3A_639 = arith.constant 16 : index
        %parallel_loop3A_640 = tpu.vector_load %arg12[%parallel_loop3A_637, %parallel_loop3A_638, %parallel_loop3A_639] {strides = array<i32>} : memref<12x64x32xf32, #tpu.memory_space<vmem>>, vector<16xf32>,
        %parallel_loop3A_641 = arith.constant 7 : i32
        %parallel_loop3A_642 = arith.index_cast %parallel_loop3A_641 : i32 to index
        %parallel_loop3A_643 = arith.index_cast %parallel_loop3A_519 : i32 to index
        %parallel_loop3A_644 = arith.constant 16 : index
        %parallel_loop3A_645 = tpu.vector_load %arg12[%parallel_loop3A_642, %parallel_loop3A_643, %parallel_loop3A_644] {strides = array<i32>} : memref<12x64x32xf32, #tpu.memory_space<vmem>>, vector<16xf32>,
        %parallel_loop3A_646 = arith.subf %parallel_loop3A_635, %parallel_loop3A_630 : vector<16xf32>
        %parallel_loop3A_647 = arith.mulf %parallel_loop3A_526, %parallel_loop3A_646 : vector<16xf32>
        %parallel_loop3A_648 = arith.addf %parallel_loop3A_630, %parallel_loop3A_647 : vector<16xf32>
        %parallel_loop3A_649 = arith.subf %parallel_loop3A_645, %parallel_loop3A_640 : vector<16xf32>
        %parallel_loop3A_650 = arith.mulf %parallel_loop3A_526, %parallel_loop3A_649 : vector<16xf32>
        %parallel_loop3A_651 = arith.addf %parallel_loop3A_640, %parallel_loop3A_650 : vector<16xf32>
        %parallel_loop3A_652 = arith.subf %parallel_loop3A_651, %parallel_loop3A_648 : vector<16xf32>
        %parallel_loop3A_653 = arith.mulf %parallel_loop3A_529, %parallel_loop3A_652 : vector<16xf32>
        %parallel_loop3A_654 = arith.addf %parallel_loop3A_648, %parallel_loop3A_653 : vector<16xf32>
        %parallel_loop3A_655 = arith.index_cast %parallel_loop3A_519 : i32 to index
        %parallel_loop3A_656 = arith.constant 48 : index
        %parallel_loop3A_657 = tpu.vector_load %arg14[%parallel_loop3A_655, %parallel_loop3A_656] {strides = array<i32>} : memref<64x96xf32, #tpu.memory_space<vmem>>, vector<16xf32>,
        tpu.vector_store %arg14[%parallel_loop3A_655, %parallel_loop3A_656], %parallel_loop3A_654 {strides = array<i32>} : memref<64x96xf32, #tpu.memory_space<vmem>>, vector<16xf32>,
        %parallel_loop3A_658 = arith.constant 8 : i32
        %parallel_loop3A_659 = arith.index_cast %parallel_loop3A_658 : i32 to index
        %parallel_loop3A_660 = arith.index_cast %parallel_loop3A_519 : i32 to index
        %parallel_loop3A_661 = arith.constant 0 : index
        %parallel_loop3A_662 = tpu.vector_load %arg12[%parallel_loop3A_659, %parallel_loop3A_660, %parallel_loop3A_661] {strides = array<i32>} : memref<12x64x32xf32, #tpu.memory_space<vmem>>, vector<16xf32>,
        %parallel_loop3A_663 = arith.constant 9 : i32
        %parallel_loop3A_664 = arith.index_cast %parallel_loop3A_663 : i32 to index
        %parallel_loop3A_665 = arith.index_cast %parallel_loop3A_519 : i32 to index
        %parallel_loop3A_666 = arith.constant 0 : index
        %parallel_loop3A_667 = tpu.vector_load %arg12[%parallel_loop3A_664, %parallel_loop3A_665, %parallel_loop3A_666] {strides = array<i32>} : memref<12x64x32xf32, #tpu.memory_space<vmem>>, vector<16xf32>,
        %parallel_loop3A_668 = arith.constant 10 : i32
        %parallel_loop3A_669 = arith.index_cast %parallel_loop3A_668 : i32 to index
        %parallel_loop3A_670 = arith.index_cast %parallel_loop3A_519 : i32 to index
        %parallel_loop3A_671 = arith.constant 0 : index
        %parallel_loop3A_672 = tpu.vector_load %arg12[%parallel_loop3A_669, %parallel_loop3A_670, %parallel_loop3A_671] {strides = array<i32>} : memref<12x64x32xf32, #tpu.memory_space<vmem>>, vector<16xf32>,
        %parallel_loop3A_673 = arith.constant 11 : i32
        %parallel_loop3A_674 = arith.index_cast %parallel_loop3A_673 : i32 to index
        %parallel_loop3A_675 = arith.index_cast %parallel_loop3A_519 : i32 to index
        %parallel_loop3A_676 = arith.constant 0 : index
        %parallel_loop3A_677 = tpu.vector_load %arg12[%parallel_loop3A_674, %parallel_loop3A_675, %parallel_loop3A_676] {strides = array<i32>} : memref<12x64x32xf32, #tpu.memory_space<vmem>>, vector<16xf32>,
        %parallel_loop3A_678 = arith.subf %parallel_loop3A_667, %parallel_loop3A_662 : vector<16xf32>
        %parallel_loop3A_679 = arith.mulf %parallel_loop3A_523, %parallel_loop3A_678 : vector<16xf32>
        %parallel_loop3A_680 = arith.addf %parallel_loop3A_662, %parallel_loop3A_679 : vector<16xf32>
        %parallel_loop3A_681 = arith.subf %parallel_loop3A_677, %parallel_loop3A_672 : vector<16xf32>
        %parallel_loop3A_682 = arith.mulf %parallel_loop3A_523, %parallel_loop3A_681 : vector<16xf32>
        %parallel_loop3A_683 = arith.addf %parallel_loop3A_672, %parallel_loop3A_682 : vector<16xf32>
        %parallel_loop3A_684 = arith.subf %parallel_loop3A_683, %parallel_loop3A_680 : vector<16xf32>
        %parallel_loop3A_685 = arith.mulf %parallel_loop3A_529, %parallel_loop3A_684 : vector<16xf32>
        %parallel_loop3A_686 = arith.addf %parallel_loop3A_680, %parallel_loop3A_685 : vector<16xf32>
        %parallel_loop3A_687 = arith.index_cast %parallel_loop3A_519 : i32 to index
        %parallel_loop3A_688 = arith.constant 64 : index
        %parallel_loop3A_689 = tpu.vector_load %arg14[%parallel_loop3A_687, %parallel_loop3A_688] {strides = array<i32>} : memref<64x96xf32, #tpu.memory_space<vmem>>, vector<16xf32>,
        tpu.vector_store %arg14[%parallel_loop3A_687, %parallel_loop3A_688], %parallel_loop3A_686 {strides = array<i32>} : memref<64x96xf32, #tpu.memory_space<vmem>>, vector<16xf32>,
        %parallel_loop3A_690 = arith.constant 8 : i32
        %parallel_loop3A_691 = arith.index_cast %parallel_loop3A_690 : i32 to index
        %parallel_loop3A_692 = arith.index_cast %parallel_loop3A_519 : i32 to index
        %parallel_loop3A_693 = arith.constant 16 : index
        %parallel_loop3A_694 = tpu.vector_load %arg12[%parallel_loop3A_691, %parallel_loop3A_692, %parallel_loop3A_693] {strides = array<i32>} : memref<12x64x32xf32, #tpu.memory_space<vmem>>, vector<16xf32>,
        %parallel_loop3A_695 = arith.constant 9 : i32
        %parallel_loop3A_696 = arith.index_cast %parallel_loop3A_695 : i32 to index
        %parallel_loop3A_697 = arith.index_cast %parallel_loop3A_519 : i32 to index
        %parallel_loop3A_698 = arith.constant 16 : index
        %parallel_loop3A_699 = tpu.vector_load %arg12[%parallel_loop3A_696, %parallel_loop3A_697, %parallel_loop3A_698] {strides = array<i32>} : memref<12x64x32xf32, #tpu.memory_space<vmem>>, vector<16xf32>,
        %parallel_loop3A_700 = arith.constant 10 : i32
        %parallel_loop3A_701 = arith.index_cast %parallel_loop3A_700 : i32 to index
        %parallel_loop3A_702 = arith.index_cast %parallel_loop3A_519 : i32 to index
        %parallel_loop3A_703 = arith.constant 16 : index
        %parallel_loop3A_704 = tpu.vector_load %arg12[%parallel_loop3A_701, %parallel_loop3A_702, %parallel_loop3A_703] {strides = array<i32>} : memref<12x64x32xf32, #tpu.memory_space<vmem>>, vector<16xf32>,
        %parallel_loop3A_705 = arith.constant 11 : i32
        %parallel_loop3A_706 = arith.index_cast %parallel_loop3A_705 : i32 to index
        %parallel_loop3A_707 = arith.index_cast %parallel_loop3A_519 : i32 to index
        %parallel_loop3A_708 = arith.constant 16 : index
        %parallel_loop3A_709 = tpu.vector_load %arg12[%parallel_loop3A_706, %parallel_loop3A_707, %parallel_loop3A_708] {strides = array<i32>} : memref<12x64x32xf32, #tpu.memory_space<vmem>>, vector<16xf32>,
        %parallel_loop3A_710 = arith.subf %parallel_loop3A_699, %parallel_loop3A_694 : vector<16xf32>
        %parallel_loop3A_711 = arith.mulf %parallel_loop3A_523, %parallel_loop3A_710 : vector<16xf32>
        %parallel_loop3A_712 = arith.addf %parallel_loop3A_694, %parallel_loop3A_711 : vector<16xf32>
        %parallel_loop3A_713 = arith.subf %parallel_loop3A_709, %parallel_loop3A_704 : vector<16xf32>
        %parallel_loop3A_714 = arith.mulf %parallel_loop3A_523, %parallel_loop3A_713 : vector<16xf32>
        %parallel_loop3A_715 = arith.addf %parallel_loop3A_704, %parallel_loop3A_714 : vector<16xf32>
        %parallel_loop3A_716 = arith.subf %parallel_loop3A_715, %parallel_loop3A_712 : vector<16xf32>
        %parallel_loop3A_717 = arith.mulf %parallel_loop3A_529, %parallel_loop3A_716 : vector<16xf32>
        %parallel_loop3A_718 = arith.addf %parallel_loop3A_712, %parallel_loop3A_717 : vector<16xf32>
        %parallel_loop3A_719 = arith.index_cast %parallel_loop3A_519 : i32 to index
        %parallel_loop3A_720 = arith.constant 80 : index
        %parallel_loop3A_721 = tpu.vector_load %arg14[%parallel_loop3A_719, %parallel_loop3A_720] {strides = array<i32>} : memref<64x96xf32, #tpu.memory_space<vmem>>, vector<16xf32>,
        tpu.vector_store %arg14[%parallel_loop3A_719, %parallel_loop3A_720], %parallel_loop3A_718 {strides = array<i32>} : memref<64x96xf32, #tpu.memory_space<vmem>>, vector<16xf32>,
      } {sc.loop_unroll_factor = 4 : i64, sc.parallel_access}
      %ge3A_507 = arith.constant 2 : i32
      %ge3A_508 = arith.cmpi sge, %add3A_345, %ge3A_507 : i32
      %convert_element_type3A_509 = arith.extui %ge3A_508 : i1 to i32
      %cond3A_510 = arith.constant 0 : i32
      %cond3A_511 = arith.cmpi ne, %convert_element_type3A_509, %cond3A_510 : i32
      scf.if %cond3A_511 {
        %sub3A = arith.constant 2 : i32
        %sub3A_519 = arith.subi %add3A_345, %sub3A : i32
        %mul3A_520 = arith.constant 64 : i32
        %mul3A_521 = arith.muli %sub3A_519, %mul3A_520 : i32
        %add3A_522 = arith.addi %mul3A_2, %mul3A_521 : i32
        %dma_wait3A_523 = arith.constant 0 : i32
        %dma_wait3A_524 = tpu.memref_slice %arg4[%add3A_522, %dma_wait3A_523] : memref<262144x96xf32, #tpu.memory_space<hbm>> -> memref<64x96xf32, #tpu.memory_space<hbm>>
        %dma_wait3A_525 = arith.constant 0 : i32
        %dma_wait3A_526 = tpu.memref_slice %arg4[%add3A_522, %dma_wait3A_525] : memref<262144x96xf32, #tpu.memory_space<hbm>> -> memref<64x96xf32, #tpu.memory_space<hbm>>
        tpu.wait_dma2 semaphore(%arg20 : memref<!tpu.dma_semaphore, #tpu.memory_space<semaphore_mem>>) src(%arg14 : memref<64x96xf32, #tpu.memory_space<vmem>>) dst(%dma_wait3A_526 : memref<64x96xf32, #tpu.memory_space<hbm>>)
      } else {
      }
      %mul3A_512 = arith.constant 64 : i32
      %mul3A_513 = arith.muli %add3A_345, %mul3A_512 : i32
      %add3A_514 = arith.addi %mul3A_2, %mul3A_513 : i32
      %dma_start3A_515 = arith.constant 0 : i32
      %dma_start3A_516 = tpu.memref_slice %arg4[%add3A_514, %dma_start3A_515] : memref<262144x96xf32, #tpu.memory_space<hbm>> -> memref<64x96xf32, #tpu.memory_space<hbm>>
      %dma_start3A_517 = arith.constant 0 : i32
      %dma_start3A_518 = tpu.memref_slice %arg4[%add3A_514, %dma_start3A_517] : memref<262144x96xf32, #tpu.memory_space<hbm>> -> memref<64x96xf32, #tpu.memory_space<hbm>>
      tpu.enqueue_dma source(%arg14 : memref<64x96xf32, #tpu.memory_space<vmem>>) target(%dma_start3A_518 : memref<64x96xf32, #tpu.memory_space<hbm>>) target_semaphore(%arg20 : memref<!tpu.dma_semaphore, #tpu.memory_space<semaphore_mem>>)
    }
    %scan3A_158 = arith.constant 64 : i32
    %add3A_159 = arith.constant 8064 : i32
    %add3A_160 = arith.addi %mul3A_2, %add3A_159 : i32
    %dma_wait3A = arith.constant 0 : i32
    %dma_wait3A_161 = tpu.memref_slice %arg4[%add3A_160, %dma_wait3A] : memref<262144x96xf32, #tpu.memory_space<hbm>> -> memref<64x96xf32, #tpu.memory_space<hbm>>
    %dma_wait3A_162 = arith.constant 0 : i32
    %dma_wait3A_163 = tpu.memref_slice %arg4[%add3A_160, %dma_wait3A_162] : memref<262144x96xf32, #tpu.memory_space<hbm>> -> memref<64x96xf32, #tpu.memory_space<hbm>>
    tpu.wait_dma2 semaphore(%arg19 : memref<!tpu.dma_semaphore, #tpu.memory_space<semaphore_mem>>) src(%arg13 : memref<64x96xf32, #tpu.memory_space<vmem>>) dst(%dma_wait3A_163 : memref<64x96xf32, #tpu.memory_space<hbm>>)
    %add3A_164 = arith.constant 8128 : i32
    %add3A_165 = arith.addi %mul3A_2, %add3A_164 : i32
    %dma_wait3A_166 = arith.constant 0 : i32
    %dma_wait3A_167 = tpu.memref_slice %arg4[%add3A_165, %dma_wait3A_166] : memref<262144x96xf32, #tpu.memory_space<hbm>> -> memref<64x96xf32, #tpu.memory_space<hbm>>
    %dma_wait3A_168 = arith.constant 0 : i32
    %dma_wait3A_169 = tpu.memref_slice %arg4[%add3A_165, %dma_wait3A_168] : memref<262144x96xf32, #tpu.memory_space<hbm>> -> memref<64x96xf32, #tpu.memory_space<hbm>>
    tpu.wait_dma2 semaphore(%arg20 : memref<!tpu.dma_semaphore, #tpu.memory_space<semaphore_mem>>) src(%arg14 : memref<64x96xf32, #tpu.memory_space<vmem>>) dst(%dma_wait3A_169 : memref<64x96xf32, #tpu.memory_space<hbm>>)
    return
  }
}

</mosaic_0001>

<sc_bundles>
// kernel: _tri_plane_sc.3.cloned.1.call-start
scs
__scs_entry_jumppad:
0x0: {  	(pc) =	sbr.rel $0x88, $3  }
0x1: {  	(tag) =	ssettag $0x0;
	lr =	simm.s32 $0x1  }
0x2: {  	[smem:$0x3F9F] =	sst lr;
	_ =	strace $0xD0000000  }
0x3: {  	_ = 	snop  }
0x4: {  	_ = 	snop  }
0x5: {  	_ = 	snop  }
0x6: {  	_ = 	snop  }
0x7: {  	_ = 	snop  }
__scs_overlays_trampoline_lowered:
0x8: {  	[smem:$0x3FAE] =	sst s0  }
0x9: {  	[smem:$0x3FAF] =	sst s1  }
0xa: {  	[smem:$0x3FB0] =	sst s2  }
0xb: {  	[smem:$0x3FB1] =	sst s3  }
0xc: {  	[smem:$0x3FB2] =	sst s4  }
0xd: {  	[smem:$0x3FB3] =	sst s5  }
0xe: {  	[smem:$0x3FB4] =	sst s6  }
0xf: {  	[smem:$0x3FB5] =	sst s7  }
0x10: {  	[smem:$0x3FB6] =	sst s8  }
0x11: {  	[smem:$0x3FB7] =	sst s9;
	s0 =	simm.s32 @!p0 $0x0  }
0x12: {  	s1 =	sld [smem:$0x3F9D];
	s0 =	simm.s32 @p0 $0x1  }
0x13: {  	[smem:$0x3FB8] =	sst s0;
	s0 =	simm.s32 @!p1 $0x0  }
0x14: {  	s2 =	sld [smem:$0x3F9C];
	s0 =	simm.s32 @p1 $0x1  }
0x15: {  	[smem:$0x3FB9] =	sst s0;
	s0 =	simm.s32 @!p2 $0x0  }
0x16: {  	s3 =	sld [smem:$0x3FDB];
	s0 =	simm.s32 @p2 $0x1  }
0x17: {  	s4 =	simm.s32 $0x1BF5;
	[smem:$0x3FBB] =	sst s0  }
0x18: {  	s0 =	sld [smem:$0x3F9E];
	_ =	swait.ge [sflag:s4], $0x0  }
0x19: {  	s7 =	sld [smem:$0x3F9F]  }
0x1a: {  	s8 =	sadd.s32 $0xFFFFE003, lr  }
0x1b: {  	s9 =	sadd.s32 $0xFFFFFEF7, lr;
	s5 =	simm.s32 $0xFFFFFFFF;
	p2 =	slt.u32 s8, $0xFFFFF086  }
0x1c: {  	p1 =	slt.u32 s9, $0xF7A;
	s5 =	simm.s32 @!p2 $0x0  }
0x1d: {  	s5 =	simm.s32 @p1 $0x1;
	p0 =	seq.s32 s7, s2  }
0x1e: {  	s7 =	smul.u32 @!p0 $0xF7A, s2;
	p2 =	seq.s32 @!p0 s5, $0x0  }
0x1f: {  	s9 =	smul.u32 $0xF7A, s1;
	s8 =	simm.s32 @!p0 $0x1BF5;
	p2 =	por !p2, p0  }
0x20: {  	[sflag:s8] =	ssyncset.s32 @!p0 $0xFFFFF086;
	s6 =	sadd.s32 @!p0 s3, s7;
	s7 =	simm.s32 @!p0 $0x108  }
0x21: {  	s3 =	sadd.s32 s3, s9;
	s6 =	sadd.s32 @!p0 $0x88, s6;
	s7 =	simm.s32 @p2 $0x1082  }
0x22: {  	[simem:s7], [sflag:s8] =	dma.local @!p0 [hbm:s6], $0xF7A  }
0x23: {  	s9 =	sor.u32 $0xD0000000, s2;
	s6 =	simm.s32 $0x108;
	_ =	swait.ge @!p0 [sflag:s8], $0x0  }
0x24: {  	s3 =	sadd.s32 $0x88, s3;
	s6 =	simm.s32 @!p1 $0x1082;
	[sflag:s4] =	ssyncset.s32 $0xFFFFF086  }
0x25: {  	[simem:s6], [sflag:s4] =	dma.local [hbm:s3], $0xF7A  }
0x26: {  	[smem:$0x3F9F] =	sst s1;
	(tag) =	ssettag s2;
	_ =	strace s9  }
0x27: {  	s1 =	sld [smem:$0x3FAF]  }
0x28: {  	s2 =	sld [smem:$0x3FB0]  }
0x29: {  	s4 =	sld [smem:$0x3FB2]  }
0x2a: {  	p0 =	seq.s32 s5, $0x0;
	s5 =	sld [smem:$0x3FB3]  }
0x2b: {  	s6 =	sld [smem:$0x3FB4]  }
0x2c: {  	s7 =	sld [smem:$0x3FB5]  }
0x2d: {  	s3 =	simm.s32 $0x108;
	s8 =	sld [smem:$0x3FB6]  }
0x2e: {  	s3 =	simm.s32 @!p0 $0x1082;
	s9 =	sld [smem:$0x3FB7]  }
0x2f: {  	lr =	sadd.s32 s0, s3;
	s0 =	sld [smem:$0x3FAE]  }
0x30: {  	s3 =	sld [smem:$0x3FB1]  }
0x31: {  	[smem:$0x3FBA] =	sst s10  }
0x32: {  	s10 =	sld [smem:$0x3FB8];
	_ =	sdelay $0x3  }
0x33: {  	p0 =	seq.s32 s10, $0x1;
	s10 =	sld [smem:$0x3FBA];
	_ =	sdelay $0x3  }
0x34: {  	[smem:$0x3FBA] =	sst s10  }
0x35: {  	s10 =	sld [smem:$0x3FB9];
	_ =	sdelay $0x3  }
0x36: {  	p1 =	seq.s32 s10, $0x1;
	s10 =	sld [smem:$0x3FBA];
	_ =	sdelay $0x3  }
0x37: {  	[smem:$0x3FBA] =	sst s10  }
0x38: {  	s10 =	sld [smem:$0x3FBB]  }
0x39: {  	_ = 	snop;
	(pc) =	sbr.ind lr, $3  }
0x3a: {  	_ = 	snop  }
0x3b: {  	_ = 	snop  }
0x3c: {  	p2 =	seq.s32 s10, $0x1;
	s10 =	sld [smem:$0x3FBA]  }
0x3d: {  	_ =	shalt  }
0x3e: {  	_ =	shalt  }
0x3f: {  	_ =	shalt  }
0x40: {  	_ =	shalt  }
0x41: {  	_ =	shalt  }
0x42: {  	_ =	shalt  }
0x43: {  	_ =	shalt  }
0x44: {  	_ =	shalt  }
0x45: {  	_ =	shalt  }
0x46: {  	_ =	shalt  }
0x47: {  	_ =	shalt  }
0x48: {  	_ =	shalt  }
0x49: {  	_ =	shalt  }
0x4a: {  	_ =	shalt  }
0x4b: {  	_ =	shalt  }
0x4c: {  	_ =	shalt  }
0x4d: {  	_ =	shalt  }
0x4e: {  	_ =	shalt  }
0x4f: {  	_ =	shalt  }
0x50: {  	_ =	shalt  }
0x51: {  	_ =	shalt  }
0x52: {  	_ =	shalt  }
0x53: {  	_ =	shalt  }
0x54: {  	_ =	shalt  }
0x55: {  	_ =	shalt  }
0x56: {  	_ =	shalt  }
0x57: {  	_ =	shalt  }
0x58: {  	_ =	shalt  }
0x59: {  	_ =	shalt  }
0x5a: {  	_ =	shalt  }
0x5b: {  	_ =	shalt  }
0x5c: {  	_ =	shalt  }
0x5d: {  	_ =	shalt  }
0x5e: {  	_ =	shalt  }
0x5f: {  	_ =	shalt  }
0x60: {  	_ =	shalt  }
0x61: {  	_ =	shalt  }
0x62: {  	_ =	shalt  }
0x63: {  	_ =	shalt  }
0x64: {  	_ =	shalt  }
0x65: {  	_ =	shalt  }
0x66: {  	_ =	shalt  }
0x67: {  	_ =	shalt  }
0x68: {  	_ =	shalt  }
0x69: {  	_ =	shalt  }
0x6a: {  	_ =	shalt  }
0x6b: {  	_ =	shalt  }
0x6c: {  	_ =	shalt  }
0x6d: {  	_ =	shalt  }
0x6e: {  	_ =	shalt  }
0x6f: {  	_ =	shalt  }
0x70: {  	_ =	shalt  }
0x71: {  	_ =	shalt  }
0x72: {  	_ =	shalt  }
0x73: {  	_ =	shalt  }
0x74: {  	_ =	shalt  }
0x75: {  	_ =	shalt  }
0x76: {  	_ =	shalt  }
0x77: {  	_ =	shalt  }
0x78: {  	_ =	shalt  }
0x79: {  	_ =	shalt  }
0x7a: {  	_ =	shalt  }
0x7b: {  	_ =	shalt  }
0x7c: {  	_ =	shalt  }
0x7d: {  	_ =	shalt  }
0x7e: {  	_ =	shalt  }
0x7f: {  	_ =	shalt  }
0x80: {  	_ =	shalt  }
0x81: {  	_ =	shalt  }
0x82: {  	_ =	shalt  }
0x83: {  	_ =	shalt  }
0x84: {  	_ =	shalt  }
0x85: {  	_ =	shalt  }
0x86: {  	_ =	shalt  }
0x87: {  	_ =	shalt  }
.Lfunc_end0:
.L_simem_size_0:
called_computation.1_lowered:
.L_overlay_start_0:
0x88: {  	s2 =	sld [smem:$0x3FD9]  }
0x89: {  	s3 =	sld [smem:$0x3FFE];
	_ =	sdelay $0x1  }
0x8a: {  	s1 =	srdreg.scid  }
0x8b: {  	s0 =	sand.u32 $0x1, s1  }
0x8c: {  	s17 =	sshll.u32 s0, $0xA;
	s2 =	sadd.s32 s3, s2  }
0x8d: {  	s2 =	sadd.s32 s2, s17  }
0x8e: {  	[smem:$0x3FC6] =	sst s2  }
0x8f: {  	_ = 	snop  }
0x90: {  	s2 =	sld [smem:$0x3FD0];
	(tm) =	ssettm $0x1  }
0x91: {  	s18 =	sld [smem:$0x3FFB];
	_ =	sdelay $0x3  }
0x92: {  	_ =	strace s18  }
0x93: {  	s3 =	sld [smem:$0x3FFC];
	_ =	sdelay $0x3  }
0x94: {  	_ =	strace s3  }
0x95: {  	s3 =	sld [smem:$0x3FFD];
	_ =	sdelay $0x3  }
0x96: {  	_ =	strace s3  }
0x97: {  	_ =	strace $0x8FFFFFFF  }
0x98: {  	s19 =	sld [smem:$0x3FDB];
	_ =	sdelay $0x1  }
0x99: {  	s4 =	simm.s32 $_scs_section_size  }
0x9a: {  	s5 =	simm.s32 $_size__tile_overlayer_lowered;
	s6 =	simm.s32 $_tile_overlayer_lowered  }
0x9b: {  	s22 =	simm.s32 $0x1BFF;
	s21 =	sshll.u32 s6, $0x1;
	s3 =	sadd.s32 s4, s19  }
0x9c: {  	s7 =	simm.s32 $0x0;
	s20 =	sshll.u32 s5, $0x1;
	s5 =	sadd.s32 s21, s3  }
0x9d: {  	[timem:s7], [sflag:s22] =	dma.local [hbm:s5], s20  }
0x9e: {  	_ =	swait.ge [sflag:s22], s20  }
0x9f: {  	s4 =	ssub.s32 $0x0, s20;
	[sflag:s22] =	ssyncset.done $0x0  }
0xa0: {  	[sflag:s22] =	ssyncadd.s32 s4;
	_ =	sdelay $0x1  }
0xa1: {  	s23 =	simm.s32 $0x1B8B  }
0xa2: {  	_ =	swait.ge [sflag:s23], $0x1  }
0xa3: {  	[sflag:s23] =	ssyncset.done $0x0  }
0xa4: {  	s25 =	simm.s32 $0x1B8E;
	s24 =	sld [smem:$0x3FFE];
	[sflag:s23] =	ssyncadd.s32 $0xFFFFFFFF  }
0xa5: {  	s26 =	simm.s32 $execute0_lowered;
	[smem:$0x3FD2] =	sst s25  }
0xa6: {  	s5 =	sshll.u32 s26, $0x1;
	_ =	strace $0x80000046;
	[dreg:$0x1] =	wrdreg $0xFFFFFFFF  }
0xa7: {  	s28 =	simm.s32 $_size_execute0_lowered;
	s3 =	sadd.s32 s3, s5;
	[dreg:$0x0] =	wrdreg $0x0  }
0xa8: {  	s5 =	sshll.u32 s28, $0x1;
	[dreg:$0x2] =	wrdreg s3  }
0xa9: {  	[dreg:$0x3] =	wrdreg s5  }
0xaa: {  	[dreg:$0x4] =	wrdreg $0xC0  }
0xab: {  	_ =	task [dreg:s7], $0x5FFFF  }
0xac: {  	[dreg:$0x1] =	wrdreg $0xFFFFFFFF  }
0xad: {  	[dreg:$0x0] =	wrdreg $0x60  }
0xae: {  	[dreg:$0x2] =	wrdreg s24  }
0xaf: {  	[dreg:$0x3] =	wrdreg s2  }
0xb0: {  	[dreg:$0x4] =	wrdreg $0x9  }
0xb1: {  	_ =	task.clear_ibuf [dreg:s7], $0x5FFFF;
	_ =	strace $0x90000046  }
0xb2: {  	s29 =	simm.s32 $0x9;
	_ =	strace $0x80000048  }
0xb3: {  	_ =	swait.ge [sflag:s29], $0x1  }
0xb4: {  	[sflag:s29] =	ssyncadd.s32 $0xFFFFFFFF  }
0xb5: {  	_ =	strace $0x90000048  }
0xb6: {  	_ =	sfence  }
0xb7: {  	s30 =	sld [smem:$0x0];
	_ =	sdelay $0x2  }
0xb8: {  	s31 =	sshll.u32 s1, $0xD;
	s1 =	sshrl.u32 s1, $0x2  }
0xb9: {  	s3 =	sand.u32 $0x4000, s31;
	s1 =	sadd.s32 s1, s30  }
0xba: {  	s0 =	sor.u32 s3, s0;
	s1 =	sshll.u32 s1, $0x11  }
0xbb: {  	s0 =	sor.u32 s1, s0  }
0xbc: {  	s0 =	sadd.s32 $0x8F2B, s0  }
0xbd: {  	[sflag:s0] =	ssyncadd.remote.s32 $0x1  }
0xbe: {  	_ =	sfence.sel $0xFFFF  }
0xbf: {  	[dreg:$0x0] =	wrdreg $0xFFFFFFFF;
	(pc) =	sbr.abs _section_cstart, $3  }
0xc0: {  	[dreg:$0x1] =	wrdreg $0xFFFFFFFF  }
0xc1: {  	_ =	task.clear_ibuf [dreg:s7], $0x2FFFF;
	_ =	strace $0x9FFFFFFF  }
0xc2: {  	(tm) =	ssettm $0x7FFFFFFF  }
0xc3: {  	_ =	shalt  }
tec
execute0_lowered:
.L_overlay_start_1:
0x0: {  	(tag) =	ssettag $0x1  }
0x1: {  	s0 =	rddreg [dreg:$0x0]  }
0x2: {  	s2 =	rddreg [dreg:$0x1]  }
0x3: {  	s1 =	srdreg.scid;
	s4 =	stileid.u32  }
0x4: {  	s3 =	simm.s32 $0x0;
	s12 =	simm.s32 $0x40;
	s13 =	simm.s32 $0x200  }
0x5: {  	s14 =	simm.s32 $0x4;
	s10 =	simm.s32 $0xB00;
	s11 =	simm.s32 $0xBB80  }
0x6: {  	s9 =	simm.s32 $0xB40;
	s15 =	simm.s32 $0xC380;
	s16 =	simm.s32 $0x1  }
0x7: {  	s17 =	simm.s32 $0x400;
	s18 =	simm.s32 $0xCB80;
	s19 =	simm.s32 $0x2  }
0x8: {  	s20 =	simm.s32 $0x4C0;
	s21 =	simm.s32 $0xE380;
	s1 =	sand.u32 $0x1, s1  }
0x9: {  	s22 =	simm.s32 $0x3;
	s4 =	sshll.u32 s4, $0xE;
	s5 =	sshll.u32 s1, $0xD  }
0xa: {  	s24 =	simm.s32 $0x0;
	[smem:$0x7FF] =	sst s3;
	s4 =	sor.u32 s5, s4  }
0xb: {  	s1 =	ssub.s32 $0x2, s1;
	_ =	strace $0x80000047;
	s6 =	sadd.s32 s4, s0  }
0xc: {  	s7 =	sshrl.u32 s1, $0x1;
	s5 =	sadd.s32 $0xC0CC00, s0;
	s29 =	sadd.s32 $0xA00, s6  }
0xd: {  	s28 =	ssub.s32 s1, s7;
	s30 =	sadd.s32 $0xA40, s6;
	[dreg:$0x3] =	wrdreg s29  }
0xe: {  	s1 =	simm.s32 $0xAB80;
	s31 =	sadd.s32 $0xAC0, s6;
	[dreg:$0x4] =	wrdreg s30  }
0xf: {  	v0 =	vlaneseq.u32;
	s7 =	simm.s32 $0xB380;
	s0 =	smax.u32 s28, $0x1;
	[dreg:$0x5] =	wrdreg s31  }
0x10: {  	v0 =	vmul.u32 $0x8, v0;
	s8 =	sadd.s32 $0xA80, s6;
	s6 =	simm.s32 $0xAC0;
	[dreg:$0x6] =	wrdreg s0  }
.LBB2_1:
0x11: {  	[dreg:$0x7] =	wrdreg s24  }
0x12: {  	s0 =	rddreg [dreg:$0x3];
	s31 =	simm.s32 $0x7  }
0x13: {  	[tilespmem:s3], [sflag:$0x7] =	stream.linear.gather [hbm4b:s0+s3], $0x200, $0x38;
	[tilespmem:$0xFB80] =	vst v63  }
0x14: {  	_ =	swait.ge [sflag:s31], $0x200  }
0x15: {  	[sflag:s31] =	ssyncset.done $0x0  }
0x16: {  	p0 =	por $0x1, $0x1;
	s23 =	simm.s32 $0x0;
	[sflag:s31] =	ssyncadd.s32 $0xFFFFFE00  }
.LBB2_2:
0x17: {  	v1 =	vmov s23  }
0x18: {  	v1 =	vshll.u32 v1, $0x3  }
0x19: {  	v1 =	vor.u32 v0, v1;
	_ =	sdelay $0x4  }
0x1a: {  	v2 =	vld.idx.msk [tilespmem:v1+s3+$0x0], $0xffff;
	_ =	sdelay $0x4  }
0x1b: {  	s24 =	sor.u32 $0x10, s23;
	v2 =	vadd.f32 $1.000000000e+00, v2  }
0x1c: {  	v3 =	vmov s24  }
0x1d: {  	v3 =	vshll.u32 v3, $0x3;
	v2 =	vmul.f32 $2.560000000e+02, v2  }
0x1e: {  	v3 =	vor.u32 v0, v3  }
0x1f: {  	v2 =	vmax.f32 v2, $0.0e+00  }
0x20: {  	v2 =	vmin.f32 v2, $5.120000000e+02  }
0x21: {  	v4 =	vtrunc.f32 v2  }
0x22: {  	v4 =	vcvt.f32.s32 v4  }
0x23: {  	v5 =	vld.idx.msk [tilespmem:v3+s3+$0x0], $0xffff  }
0x24: {  	v6 =	vcvt.s32.f32 v4;
	_ =	sdelay $0x1  }
0x25: {  	v7 =	vor.u32 $0x1, v1;
	v2 =	vsub.f32 v2, v6;
	_ =	sdelay $0x1  }
0x26: {  	[tilespmem:s23+$0x400] =	vst v2;
	v2 =	vadd.f32 $1.000000000e+00, v5;
	_ =	sdelay $0x1  }
0x27: {  	v2 =	vmul.f32 $2.560000000e+02, v2  }
0x28: {  	v41 =	vld.idx.msk [tilespmem:v7+s3+$0x0], $0xffff  }
0x29: {  	v2 =	vmax.f32 v2, $0.0e+00  }
0x2a: {  	v2 =	vmin.f32 v2, $5.120000000e+02  }
0x2b: {  	v42 =	vtrunc.f32 v2  }
0x2c: {  	v6 =	vcvt.f32.s32 v42  }
0x2d: {  	v5 =	vadd.f32 $1.000000000e+00, v41  }
0x2e: {  	v8 =	vor.u32 $0x1, v3;
	v43 =	vcvt.s32.f32 v6  }
0x2f: {  	v5 =	vmul.f32 $2.560000000e+02, v5  }
0x30: {  	v2 =	vsub.f32 v2, v43  }
0x31: {  	v5 =	vmax.f32 v5, $0.0e+00  }
0x32: {  	v5 =	vmin.f32 v5, $5.120000000e+02;
	[tilespmem:s23+$0x410] =	vst v2  }
0x33: {  	v44 =	vtrunc.f32 v5;
	v2 =	vld.idx.msk [tilespmem:v8+s3+$0x0], $0xffff  }
0x34: {  	v7 =	vcvt.f32.s32 v44;
	_ =	sdelay $0x1  }
0x35: {  	v1 =	vor.u32 $0x2, v1;
	v45 =	vcvt.s32.f32 v7;
	_ =	sdelay $0x1  }
0x36: {  	v5 =	vsub.f32 v5, v45;
	v2 =	vadd.f32 $1.000000000e+00, v2;
	_ =	sdelay $0x1  }
0x37: {  	[tilespmem:s23+$0x440] =	vst v5;
	v2 =	vmul.f32 $2.560000000e+02, v2  }
0x38: {  	v1 =	vld.idx.msk [tilespmem:v1+s3+$0x0], $0xffff  }
0x39: {  	v2 =	vmax.f32 v2, $0.0e+00  }
0x3a: {  	v2 =	vmin.f32 v2, $5.120000000e+02  }
0x3b: {  	v46 =	vtrunc.f32 v2  }
0x3c: {  	v5 =	vcvt.f32.s32 v46  }
0x3d: {  	v1 =	vadd.f32 $1.000000000e+00, v1  }
0x3e: {  	v3 =	vor.u32 $0x2, v3;
	v47 =	vcvt.s32.f32 v5  }
0x3f: {  	v1 =	vmul.f32 $2.560000000e+02, v1  }
0x40: {  	v2 =	vsub.f32 v2, v47  }
0x41: {  	v1 =	vmax.f32 v1, $0.0e+00  }
0x42: {  	v1 =	vmin.f32 v1, $5.120000000e+02;
	[tilespmem:s23+$0x450] =	vst v2  }
0x43: {  	v49 =	vmul.u32 $0x201, v7;
	v48 =	vtrunc.f32 v1;
	v2 =	vld.idx.msk [tilespmem:v3+s3+$0x0], $0xffff  }
0x44: {  	v10 =	vadd.s32 $0x1, v7;
	v58 =	vmul.u32 $0x201, v5;
	v8 =	vcvt.f32.s32 v48  }
0x45: {  	vm1 =	vlt.s32 v10, $0x200;
	v12 =	vadd.s32 v4, v49;
	v3 =	vadd.s32 $0x1, v4  }
0x46: {  	v60 =	vadd.s32 v6, v58;
	v9 =	vcvt.s32.f32 v8;
	vm0 =	vlt.s32 v3, $0x200  }
0x47: {  	v11 =	vadd.s32 $0x1, v8;
	v8 =	vmul.u32 $0x201, v8;
	v3 =	vnsel vm0, $0x200, v3  }
0x48: {  	[tilespmem:s23+$0x580] =	vst v12;
	vm12 =	vlt.s32 v11, $0x200;
	v1 =	vsub.f32 v1, v9;
	v2 =	vadd.f32 $1.000000000e+00, v2  }
0x49: {  	v10 =	vnsel vm1, $0x200, v10;
	[tilespmem:s23+$0x590] =	vst v60;
	v9 =	vadd.s32 v3, v49;
	v11 =	vnsel vm12, $0x200, v11  }
0x4a: {  	v51 =	vadd.s32 $0x40401, v8;
	[tilespmem:s23+$0x480] =	vst v1;
	v1 =	vmul.u32 $0x201, v10;
	v2 =	vmul.f32 $2.560000000e+02, v2  }
0x4b: {  	[tilespmem:s23+$0x5C0] =	vst v9;
	v11 =	vmul.u32 $0x201, v11;
	v9 =	vadd.s32 v10, v51  }
0x4c: {  	[tilespmem:s23+$0x6C0] =	vst v9;
	v50 =	vadd.s32 v4, v1;
	v1 =	vadd.s32 v3, v1;
	v2 =	vmax.f32 v2, $0.0e+00  }
0x4d: {  	v53 =	vadd.s32 $0x80802, v8;
	[tilespmem:s23+$0x640] =	vst v1;
	v1 =	vadd.s32 v7, v51;
	v2 =	vmin.f32 v2, $5.120000000e+02  }
0x4e: {  	v55 =	vadd.s32 v4, v53;
	[tilespmem:s23+$0x680] =	vst v1;
	v1 =	vadd.s32 $0x40401, v11;
	v52 =	vtrunc.f32 v2  }
0x4f: {  	[tilespmem:s23+$0x780] =	vst v55;
	v7 =	vadd.s32 v7, v1;
	v54 =	vcvt.f32.s32 v52  }
0x50: {  	v1 =	vadd.s32 v10, v1;
	[tilespmem:s23+$0x700] =	vst v7  }
0x51: {  	[tilespmem:s23+$0x740] =	vst v1;
	v1 =	vadd.s32 $0x80802, v11;
	v7 =	vadd.s32 v3, v53;
	v57 =	vcvt.s32.f32 v54  }
0x52: {  	[tilespmem:s23+$0x600] =	vst v50;
	v4 =	vadd.s32 v4, v1;
	v1 =	vadd.s32 v3, v1;
	v3 =	vadd.s32 $0x1, v5  }
0x53: {  	v56 =	vadd.s32 $0x1, v6;
	[tilespmem:s23+$0x7C0] =	vst v7;
	vm14 =	vlt.s32 v3, $0x200;
	v2 =	vsub.f32 v2, v57  }
0x54: {  	vm13 =	vlt.s32 v56, $0x200;
	[tilespmem:s23+$0x840] =	vst v1;
	v1 =	vnsel vm14, $0x200, v3  }
0x55: {  	v59 =	vnsel vm13, $0x200, v56;
	v3 =	vmul.u32 $0x201, v1;
	[tilespmem:s23+$0x490] =	vst v2;
	v2 =	vadd.s32 $0x1, v54  }
0x56: {  	[tilespmem:s23+$0x800] =	vst v4;
	v4 =	vadd.s32 v59, v58;
	v8 =	vmul.u32 $0x201, v54;
	vm15 =	vlt.s32 v2, $0x200  }
0x57: {  	[tilespmem:s23+$0x5D0] =	vst v4;
	v61 =	vadd.s32 v6, v3;
	v2 =	vnsel vm15, $0x200, v2  }
0x58: {  	v62 =	vadd.s32 $0x40401, v8;
	v3 =	vadd.s32 v59, v3;
	[tilespmem:s23+$0x610] =	vst v61;
	v2 =	vmul.u32 $0x201, v2  }
0x59: {  	[tilespmem:s23+$0x650] =	vst v3;
	v3 =	vadd.s32 v5, v62  }
0x5a: {  	[tilespmem:s23+$0x690] =	vst v3;
	v3 =	vadd.s32 v1, v62;
	v63 =	vadd.s32 $0x40401, v2  }
0x5b: {  	[tilespmem:s23+$0x6D0] =	vst v3;
	v3 =	vadd.s32 v5, v63  }
0x5c: {  	p1 =	por p0, p0;
	v1 =	vadd.s32 v1, v63;
	[tilespmem:s23+$0x710] =	vst v3;
	v3 =	vadd.s32 $0x80802, v8  }
.Ltmp0:
0x5d: {  	[tilespmem:s23+$0x750] =	vst v1;
	v1 =	vadd.s32 v6, v3;
	(pc) =	sbr.rel @p1 .LBB2_2-.Ltmp0, $4  }
0x5e: {  	v2 =	vadd.s32 $0x80802, v2;
	[tilespmem:s23+$0x790] =	vst v1;
	v1 =	vadd.s32 v59, v3  }
0x5f: {  	[tilespmem:s23+$0x7D0] =	vst v1;
	v1 =	vadd.s32 v6, v2  }
0x60: {  	[tilespmem:s23+$0x810] =	vst v1;
	v1 =	vadd.s32 v59, v2  }
0x61: {  	p0 =	por $0x0, $0x0;
	[tilespmem:s23+$0x850] =	vst v1;
	s23 =	simm.s32 $0x20  }
0x62: {  	s0 =	simm.s32 $0x580;
	s23 =	simm.s32 $0xB80  }
0x63: {  	[tilespmem:s23], [sflag:$0x1] =	stream.indirect.gather [hbm4b:s5+s12], $0x20, s0, s12, $0xb8;
	[tilespmem:$0xFB80] =	vst v63  }
0x64: {  	s24 =	simm.s32 $0x1380;
	s23 =	simm.s32 $0x5C0  }
0x65: {  	[tilespmem:s24], [sflag:$0x1] =	stream.indirect.gather [hbm4b:s5+s12], $0x20, s23, s12, $0xb8;
	[tilespmem:$0xFB80] =	vst v63  }
0x66: {  	s25 =	simm.s32 $0x600;
	s26 =	simm.s32 $0x1B80  }
0x67: {  	[tilespmem:s26], [sflag:$0x1] =	stream.indirect.gather [hbm4b:s5+s12], $0x20, s25, s12, $0xb8;
	[tilespmem:$0xFB80] =	vst v63  }
0x68: {  	s28 =	simm.s32 $0x640;
	s29 =	simm.s32 $0x2380  }
0x69: {  	[tilespmem:s29], [sflag:$0x1] =	stream.indirect.gather [hbm4b:s5+s12], $0x20, s28, s12, $0xb8;
	[tilespmem:$0xFB80] =	vst v63  }
0x6a: {  	s30 =	simm.s32 $0x680;
	s31 =	simm.s32 $0x2B80  }
0x6b: {  	[tilespmem:s31], [sflag:$0x1] =	stream.indirect.gather [hbm4b:s5+s12], $0x20, s30, s12, $0xb8;
	[tilespmem:$0xFB80] =	vst v63  }
0x6c: {  	s23 =	simm.s32 $0x6C0;
	s24 =	simm.s32 $0x3380  }
0x6d: {  	[tilespmem:s24], [sflag:$0x1] =	stream.indirect.gather [hbm4b:s5+s12], $0x20, s23, s12, $0xb8;
	[tilespmem:$0xFB80] =	vst v63  }
0x6e: {  	s25 =	simm.s32 $0x700;
	s26 =	simm.s32 $0x3B80  }
0x6f: {  	[tilespmem:s26], [sflag:$0x1] =	stream.indirect.gather [hbm4b:s5+s12], $0x20, s25, s12, $0xb8;
	[tilespmem:$0xFB80] =	vst v63  }
0x70: {  	s28 =	simm.s32 $0x740;
	s29 =	simm.s32 $0x4380  }
0x71: {  	[tilespmem:s29], [sflag:$0x1] =	stream.indirect.gather [hbm4b:s5+s12], $0x20, s28, s12, $0xb8;
	[tilespmem:$0xFB80] =	vst v63  }
0x72: {  	s30 =	simm.s32 $0x780;
	s31 =	simm.s32 $0x4B80  }
0x73: {  	[tilespmem:s31], [sflag:$0x1] =	stream.indirect.gather [hbm4b:s5+s12], $0x20, s30, s12, $0xb8;
	[tilespmem:$0xFB80] =	vst v63  }
0x74: {  	s24 =	simm.s32 $0x7C0;
	s25 =	simm.s32 $0x5380  }
0x75: {  	[tilespmem:s25], [sflag:$0x1] =	stream.indirect.gather [hbm4b:s5+s12], $0x20, s24, s12, $0xb8;
	[tilespmem:$0xFB80] =	vst v63  }
0x76: {  	s26 =	simm.s32 $0x800;
	s28 =	simm.s32 $0x5B80  }
0x77: {  	[tilespmem:s28], [sflag:$0x1] =	stream.indirect.gather [hbm4b:s5+s12], $0x20, s26, s12, $0xb8;
	[tilespmem:$0xFB80] =	vst v63  }
0x78: {  	s29 =	simm.s32 $0x840;
	s30 =	simm.s32 $0x6380  }
0x79: {  	[tilespmem:s30], [sflag:$0x1] =	stream.indirect.gather [hbm4b:s5+s12], $0x20, s29, s12, $0xb8;
	[tilespmem:$0xFB80] =	vst v63  }
0x7a: {  	s23 =	simm.s32 $0x0;
	s31 =	rddreg [dreg:$0x4]  }
0x7b: {  	[tilespmem:s13], [sflag:$0x4] =	stream.linear.gather [hbm4b:s31+s23], $0x200, $0x38;
	[tilespmem:$0xFB80] =	vst v63  }
.LBB2_4:
0x7c: {  	_ =	swait.ge [sflag:s14], $0x200  }
0x7d: {  	[sflag:s14] =	ssyncset.done $0x0  }
0x7e: {  	p0 =	por $0x1, $0x1;
	s24 =	simm.s32 $0x0;
	[sflag:s14] =	ssyncadd.s32 $0xFFFFFE00  }
.LBB2_5:
0x7f: {  	v1 =	vmov s24  }
0x80: {  	v1 =	vshll.u32 v1, $0x3  }
0x81: {  	v1 =	vor.u32 v0, v1;
	_ =	sdelay $0x4  }
0x82: {  	v2 =	vld.idx.msk [tilespmem:v1+s13+$0x0], $0xffff;
	_ =	sdelay $0x4  }
0x83: {  	s25 =	sor.u32 $0x10, s24;
	v2 =	vadd.f32 $1.000000000e+00, v2  }
0x84: {  	v3 =	vmov s25  }
0x85: {  	v3 =	vshll.u32 v3, $0x3;
	v2 =	vmul.f32 $2.560000000e+02, v2  }
0x86: {  	v3 =	vor.u32 v0, v3  }
0x87: {  	v2 =	vmax.f32 v2, $0.0e+00  }
0x88: {  	v2 =	vmin.f32 v2, $5.120000000e+02  }
0x89: {  	v4 =	vtrunc.f32 v2  }
0x8a: {  	v4 =	vcvt.f32.s32 v4  }
0x8b: {  	v5 =	vld.idx.msk [tilespmem:v3+s13+$0x0], $0xffff  }
0x8c: {  	v6 =	vcvt.s32.f32 v4;
	_ =	sdelay $0x1  }
0x8d: {  	v7 =	vor.u32 $0x1, v1;
	v2 =	vsub.f32 v2, v6;
	_ =	sdelay $0x1  }
0x8e: {  	[tilespmem:s24+$0x4C0] =	vst v2;
	v2 =	vadd.f32 $1.000000000e+00, v5;
	_ =	sdelay $0x1  }
0x8f: {  	v2 =	vmul.f32 $2.560000000e+02, v2  }
0x90: {  	v41 =	vld.idx.msk [tilespmem:v7+s13+$0x0], $0xffff  }
0x91: {  	v2 =	vmax.f32 v2, $0.0e+00  }
0x92: {  	v2 =	vmin.f32 v2, $5.120000000e+02  }
0x93: {  	v42 =	vtrunc.f32 v2  }
0x94: {  	v6 =	vcvt.f32.s32 v42  }
0x95: {  	v5 =	vadd.f32 $1.000000000e+00, v41  }
0x96: {  	v8 =	vor.u32 $0x1, v3;
	v43 =	vcvt.s32.f32 v6  }
0x97: {  	v5 =	vmul.f32 $2.560000000e+02, v5  }
0x98: {  	v2 =	vsub.f32 v2, v43  }
0x99: {  	v5 =	vmax.f32 v5, $0.0e+00  }
0x9a: {  	v5 =	vmin.f32 v5, $5.120000000e+02;
	[tilespmem:s24+$0x4D0] =	vst v2  }
0x9b: {  	v44 =	vtrunc.f32 v5;
	v2 =	vld.idx.msk [tilespmem:v8+s13+$0x0], $0xffff  }
0x9c: {  	v7 =	vcvt.f32.s32 v44;
	_ =	sdelay $0x1  }
0x9d: {  	v1 =	vor.u32 $0x2, v1;
	v45 =	vcvt.s32.f32 v7;
	_ =	sdelay $0x1  }
0x9e: {  	v5 =	vsub.f32 v5, v45;
	v2 =	vadd.f32 $1.000000000e+00, v2;
	_ =	sdelay $0x1  }
0x9f: {  	[tilespmem:s24+$0x500] =	vst v5;
	v2 =	vmul.f32 $2.560000000e+02, v2  }
0xa0: {  	v1 =	vld.idx.msk [tilespmem:v1+s13+$0x0], $0xffff  }
0xa1: {  	v2 =	vmax.f32 v2, $0.0e+00  }
0xa2: {  	v2 =	vmin.f32 v2, $5.120000000e+02  }
0xa3: {  	v46 =	vtrunc.f32 v2  }
0xa4: {  	v5 =	vcvt.f32.s32 v46  }
0xa5: {  	v1 =	vadd.f32 $1.000000000e+00, v1  }
0xa6: {  	v3 =	vor.u32 $0x2, v3;
	v47 =	vcvt.s32.f32 v5  }
0xa7: {  	v1 =	vmul.f32 $2.560000000e+02, v1  }
0xa8: {  	v2 =	vsub.f32 v2, v47  }
0xa9: {  	v1 =	vmax.f32 v1, $0.0e+00  }
0xaa: {  	v1 =	vmin.f32 v1, $5.120000000e+02;
	[tilespmem:s24+$0x510] =	vst v2  }
0xab: {  	v49 =	vmul.u32 $0x201, v7;
	v48 =	vtrunc.f32 v1;
	v2 =	vld.idx.msk [tilespmem:v3+s13+$0x0], $0xffff  }
0xac: {  	v10 =	vadd.s32 $0x1, v7;
	v58 =	vmul.u32 $0x201, v5;
	v8 =	vcvt.f32.s32 v48  }
0xad: {  	vm1 =	vlt.s32 v10, $0x200;
	v12 =	vadd.s32 v4, v49;
	v3 =	vadd.s32 $0x1, v4  }
0xae: {  	v60 =	vadd.s32 v6, v58;
	v9 =	vcvt.s32.f32 v8;
	vm0 =	vlt.s32 v3, $0x200  }
0xaf: {  	v11 =	vadd.s32 $0x1, v8;
	v8 =	vmul.u32 $0x201, v8;
	v3 =	vnsel vm0, $0x200, v3  }
0xb0: {  	[tilespmem:s24+$0x880] =	vst v12;
	vm12 =	vlt.s32 v11, $0x200;
	v1 =	vsub.f32 v1, v9;
	v2 =	vadd.f32 $1.000000000e+00, v2  }
0xb1: {  	v10 =	vnsel vm1, $0x200, v10;
	[tilespmem:s24+$0x890] =	vst v60;
	v9 =	vadd.s32 v3, v49;
	v11 =	vnsel vm12, $0x200, v11  }
0xb2: {  	v51 =	vadd.s32 $0x40401, v8;
	[tilespmem:s24+$0x540] =	vst v1;
	v1 =	vmul.u32 $0x201, v10;
	v2 =	vmul.f32 $2.560000000e+02, v2  }
0xb3: {  	[tilespmem:s24+$0x8C0] =	vst v9;
	v11 =	vmul.u32 $0x201, v11;
	v9 =	vadd.s32 v10, v51  }
0xb4: {  	[tilespmem:s24+$0x9C0] =	vst v9;
	v50 =	vadd.s32 v4, v1;
	v1 =	vadd.s32 v3, v1;
	v2 =	vmax.f32 v2, $0.0e+00  }
0xb5: {  	v53 =	vadd.s32 $0x80802, v8;
	[tilespmem:s24+$0x940] =	vst v1;
	v1 =	vadd.s32 v7, v51;
	v2 =	vmin.f32 v2, $5.120000000e+02  }
0xb6: {  	v55 =	vadd.s32 v4, v53;
	[tilespmem:s24+$0x980] =	vst v1;
	v1 =	vadd.s32 $0x40401, v11;
	v52 =	vtrunc.f32 v2  }
0xb7: {  	[tilespmem:s24+$0xA80] =	vst v55;
	v7 =	vadd.s32 v7, v1;
	v54 =	vcvt.f32.s32 v52  }
0xb8: {  	v1 =	vadd.s32 v10, v1;
	[tilespmem:s24+$0xA00] =	vst v7  }
0xb9: {  	[tilespmem:s24+$0xA40] =	vst v1;
	v1 =	vadd.s32 $0x80802, v11;
	v7 =	vadd.s32 v3, v53;
	v57 =	vcvt.s32.f32 v54  }
0xba: {  	[tilespmem:s24+$0x900] =	vst v50;
	v4 =	vadd.s32 v4, v1;
	v1 =	vadd.s32 v3, v1;
	v3 =	vadd.s32 $0x1, v5  }
0xbb: {  	v56 =	vadd.s32 $0x1, v6;
	[tilespmem:s24+$0xAC0] =	vst v7;
	vm14 =	vlt.s32 v3, $0x200;
	v2 =	vsub.f32 v2, v57  }
0xbc: {  	vm13 =	vlt.s32 v56, $0x200;
	[tilespmem:s24+$0xB40] =	vst v1;
	v1 =	vnsel vm14, $0x200, v3  }
0xbd: {  	v59 =	vnsel vm13, $0x200, v56;
	v3 =	vmul.u32 $0x201, v1;
	[tilespmem:s24+$0x550] =	vst v2;
	v2 =	vadd.s32 $0x1, v54  }
0xbe: {  	[tilespmem:s24+$0xB00] =	vst v4;
	v4 =	vadd.s32 v59, v58;
	v8 =	vmul.u32 $0x201, v54;
	vm15 =	vlt.s32 v2, $0x200  }
0xbf: {  	[tilespmem:s24+$0x8D0] =	vst v4;
	v61 =	vadd.s32 v6, v3;
	v2 =	vnsel vm15, $0x200, v2  }
0xc0: {  	v62 =	vadd.s32 $0x40401, v8;
	v3 =	vadd.s32 v59, v3;
	[tilespmem:s24+$0x910] =	vst v61;
	v2 =	vmul.u32 $0x201, v2  }
0xc1: {  	[tilespmem:s24+$0x950] =	vst v3;
	v3 =	vadd.s32 v5, v62  }
0xc2: {  	[tilespmem:s24+$0x990] =	vst v3;
	v3 =	vadd.s32 v1, v62;
	v63 =	vadd.s32 $0x40401, v2  }
0xc3: {  	[tilespmem:s24+$0x9D0] =	vst v3;
	v3 =	vadd.s32 v5, v63  }
0xc4: {  	p1 =	por p0, p0;
	v1 =	vadd.s32 v1, v63;
	[tilespmem:s24+$0xA10] =	vst v3;
	v3 =	vadd.s32 $0x80802, v8  }
.Ltmp1:
0xc5: {  	[tilespmem:s24+$0xA50] =	vst v1;
	v1 =	vadd.s32 v6, v3;
	(pc) =	sbr.rel @p1 .LBB2_5-.Ltmp1, $4  }
0xc6: {  	v2 =	vadd.s32 $0x80802, v2;
	[tilespmem:s24+$0xA90] =	vst v1;
	v1 =	vadd.s32 v59, v3  }
0xc7: {  	[tilespmem:s24+$0xAD0] =	vst v1;
	v1 =	vadd.s32 v6, v2  }
0xc8: {  	[tilespmem:s24+$0xB10] =	vst v1;
	v1 =	vadd.s32 v59, v2  }
0xc9: {  	p0 =	por $0x0, $0x0;
	[tilespmem:s24+$0xB50] =	vst v1;
	s24 =	simm.s32 $0x20  }
0xca: {  	s0 =	simm.s32 $0x880;
	s24 =	simm.s32 $0x6B80  }
0xcb: {  	[tilespmem:s24], [sflag:$0x2] =	stream.indirect.gather [hbm4b:s5+s12], $0x20, s0, s12, $0xb8;
	[tilespmem:$0xFB80] =	vst v63  }
0xcc: {  	s25 =	simm.s32 $0x8C0;
	s26 =	simm.s32 $0x7380  }
0xcd: {  	[tilespmem:s26], [sflag:$0x2] =	stream.indirect.gather [hbm4b:s5+s12], $0x20, s25, s12, $0xb8;
	[tilespmem:$0xFB80] =	vst v63  }
0xce: {  	s25 =	simm.s32 $0x900;
	s26 =	simm.s32 $0x7B80  }
0xcf: {  	[tilespmem:s26], [sflag:$0x2] =	stream.indirect.gather [hbm4b:s5+s12], $0x20, s25, s12, $0xb8;
	[tilespmem:$0xFB80] =	vst v63  }
0xd0: {  	s25 =	simm.s32 $0x940;
	s26 =	simm.s32 $0x8380  }
0xd1: {  	[tilespmem:s26], [sflag:$0x2] =	stream.indirect.gather [hbm4b:s5+s12], $0x20, s25, s12, $0xb8;
	[tilespmem:$0xFB80] =	vst v63  }
0xd2: {  	s25 =	simm.s32 $0x980;
	s26 =	simm.s32 $0x8B80  }
0xd3: {  	[tilespmem:s26], [sflag:$0x2] =	stream.indirect.gather [hbm4b:s5+s12], $0x20, s25, s12, $0xb8;
	[tilespmem:$0xFB80] =	vst v63  }
0xd4: {  	s25 =	simm.s32 $0x9C0;
	s26 =	simm.s32 $0x9380  }
0xd5: {  	[tilespmem:s26], [sflag:$0x2] =	stream.indirect.gather [hbm4b:s5+s12], $0x20, s25, s12, $0xb8;
	[tilespmem:$0xFB80] =	vst v63  }
0xd6: {  	s25 =	simm.s32 $0xA00;
	s26 =	simm.s32 $0x9B80  }
0xd7: {  	[tilespmem:s26], [sflag:$0x2] =	stream.indirect.gather [hbm4b:s5+s12], $0x20, s25, s12, $0xb8;
	[tilespmem:$0xFB80] =	vst v63  }
0xd8: {  	s24 =	simm.s32 $0xA40;
	s25 =	simm.s32 $0xA380  }
0xd9: {  	[tilespmem:s25], [sflag:$0x2] =	stream.indirect.gather [hbm4b:s5+s12], $0x20, s24, s12, $0xb8;
	[tilespmem:$0xFB80] =	vst v63  }
0xda: {  	s26 =	simm.s32 $0xA80  }
0xdb: {  	[tilespmem:s1], [sflag:$0x2] =	stream.indirect.gather [hbm4b:s5+s12], $0x20, s26, s12, $0xb8;
	[tilespmem:$0xFB80] =	vst v63  }
0xdc: {  	_ = 	snop  }
0xdd: {  	[tilespmem:s7], [sflag:$0x2] =	stream.indirect.gather [hbm4b:s5+s12], $0x20, s6, s12, $0xb8;
	[tilespmem:$0xFB80] =	vst v63  }
0xde: {  	_ = 	snop  }
0xdf: {  	[tilespmem:s11], [sflag:$0x2] =	stream.indirect.gather [hbm4b:s5+s12], $0x20, s10, s12, $0xb8;
	[tilespmem:$0xFB80] =	vst v63  }
0xe0: {  	p1 =	seq.s32 s23, $0x3F;
	s25 =	sshll.u32 s23, $0x7  }
0xe1: {  	[tilespmem:s15], [sflag:$0x2] =	stream.indirect.gather [hbm4b:s5+s12], $0x20, s9, s12, $0xb8;
	[tilespmem:$0xFB80] =	vst v63  }
0xe2: {  	s24 =	sadd.s32 @!p1 s25, s8;
	s26 =	simm.s32 @!p1 $0x0  }
0xe3: {  	[tilespmem:s26], [sflag:$0x3] =	stream.linear.gather @!p1 [hbm4b:s24+s26], $0x200, $0x38;
	[tilespmem:$0xFB80] =	vst v63  }
0xe4: {  	_ =	swait.ge [sflag:s16], $0x800  }
0xe5: {  	[sflag:s16] =	ssyncset.done $0x0  }
0xe6: {  	[sflag:s16] =	ssyncadd.s32 $0xFFFFF800  }
0xe7: {  	_ =	swait.ge [sflag:s16], $0x800  }
0xe8: {  	[sflag:s16] =	ssyncset.done $0x0  }
0xe9: {  	[sflag:s16] =	ssyncadd.s32 $0xFFFFF800  }
0xea: {  	_ =	swait.ge [sflag:s16], $0x800  }
0xeb: {  	[sflag:s16] =	ssyncset.done $0x0  }
0xec: {  	[sflag:s16] =	ssyncadd.s32 $0xFFFFF800  }
0xed: {  	_ =	swait.ge [sflag:s16], $0x800  }
0xee: {  	[sflag:s16] =	ssyncset.done $0x0  }
0xef: {  	[sflag:s16] =	ssyncadd.s32 $0xFFFFF800  }
0xf0: {  	_ =	swait.ge [sflag:s16], $0x800  }
0xf1: {  	[sflag:s16] =	ssyncset.done $0x0  }
0xf2: {  	[sflag:s16] =	ssyncadd.s32 $0xFFFFF800  }
0xf3: {  	_ =	swait.ge [sflag:s16], $0x800  }
0xf4: {  	[sflag:s16] =	ssyncset.done $0x0  }
0xf5: {  	[sflag:s16] =	ssyncadd.s32 $0xFFFFF800  }
0xf6: {  	_ =	swait.ge [sflag:s16], $0x800  }
0xf7: {  	[sflag:s16] =	ssyncset.done $0x0  }
0xf8: {  	[sflag:s16] =	ssyncadd.s32 $0xFFFFF800  }
0xf9: {  	_ =	swait.ge [sflag:s16], $0x800  }
0xfa: {  	[sflag:s16] =	ssyncset.done $0x0  }
0xfb: {  	[sflag:s16] =	ssyncadd.s32 $0xFFFFF800  }
0xfc: {  	_ =	swait.ge [sflag:s16], $0x800  }
0xfd: {  	[sflag:s16] =	ssyncset.done $0x0  }
0xfe: {  	[sflag:s16] =	ssyncadd.s32 $0xFFFFF800  }
0xff: {  	_ =	swait.ge [sflag:s16], $0x800  }
0x100: {  	[sflag:s16] =	ssyncset.done $0x0  }
0x101: {  	[sflag:s16] =	ssyncadd.s32 $0xFFFFF800  }
0x102: {  	s0 =	simm.s32 $0x0;
	_ =	swait.ge [sflag:s16], $0x800  }
0x103: {  	v4 =	vmov s0;
	s26 =	simm.s32 $0x1;
	[sflag:s16] =	ssyncset.done $0x0  }
0x104: {  	s0 =	simm.s32 $0x2;
	v5 =	vmov s26;
	[sflag:s16] =	ssyncadd.s32 $0xFFFFF800  }
0x105: {  	v6 =	vmov s0;
	_ =	swait.ge [sflag:s16], $0x800  }
0x106: {  	[sflag:s16] =	ssyncset.done $0x0  }
0x107: {  	[sflag:s16] =	ssyncadd.s32 $0xFFFFF800  }
0x108: {  	v1 =	vld.idx.msk [tilespmem:v4+s17+$0x0], $0xffff  }
0x109: {  	v3 =	vld.idx.msk [tilespmem:v5+s17+$0x0], $0xffff  }
0x10a: {  	s28 =	simm.s32 $0x63F0;
	s26 =	simm.s32 $0x3;
	v2 =	vld.idx.msk [tilespmem:v6+s17+$0x0], $0xffff  }
0x10b: {  	v8 =	vmov s26;
	v7 =	vld [tilespmem:s28+$0xFFFFA7F0]  }
0x10c: {  	v9 =	vld [tilespmem:s28+$0xFFFFAFF0]  }
0x10d: {  	v10 =	vld [tilespmem:s28+$0xFFFFB7F0]  }
0x10e: {  	v11 =	vld [tilespmem:s28+$0xFFFFBFF0]  }
0x10f: {  	v13 =	vld [tilespmem:s28+$0xFFFFA790]  }
0x110: {  	v17 =	vld.idx.msk [tilespmem:v8+s17+$0x0], $0xffff  }
0x111: {  	v8 =	vand.u32 $0x3F, v8;
	v14 =	vld [tilespmem:s28+$0xFFFFAF90]  }
0x112: {  	v15 =	vld [tilespmem:s28+$0xFFFFB790];
	v12 =	vor.u32 $0x40, v8  }
0x113: {  	v16 =	vld [tilespmem:s28+$0xFFFFBF90]  }
0x114: {  	v19 =	vld [tilespmem:s28+$0xFFFFA7B0];
	v9 =	vsub.f32 v9, v7;
	v11 =	vsub.f32 v11, v10  }
0x115: {  	v18 =	vld [tilespmem:s28+$0xFFFFAFB0]  }
0x116: {  	v20 =	vld [tilespmem:s28+$0xFFFFB7B0];
	v9 =	vmul.f32 v9, v17;
	v11 =	vmul.f32 v11, v17  }
0x117: {  	v4 =	vand.u32 $0x3C, v4;
	v12 =	vld.idx.msk [tilespmem:v12+s17+$0x0], $0xffff  }
0x118: {  	v22 =	vld [tilespmem:s28+$0xFFFFBFB0];
	v21 =	vor.u32 $0x40, v4;
	v7 =	vadd.f32 v9, v7;
	v9 =	vadd.f32 v11, v10  }
0x119: {  	v23 =	vld [tilespmem:s28+$0xFFFFA7D0];
	v6 =	vand.u32 $0x3E, v6;
	v8 =	vor.u32 $0x80, v8  }
0x11a: {  	v5 =	vand.u32 $0x3D, v5;
	v24 =	vld [tilespmem:s28+$0xFFFFAFD0];
	v25 =	vor.u32 $0x40, v6;
	v9 =	vsub.f32 v9, v7  }
0x11b: {  	v26 =	vld [tilespmem:s28+$0xFFFFB7D0];
	v14 =	vsub.f32 v14, v13;
	v16 =	vsub.f32 v16, v15;
	v11 =	vor.u32 $0x40, v5  }
0x11c: {  	v27 =	vld [tilespmem:s28+$0xFFFFBFD0];
	v18 =	vsub.f32 v18, v19;
	v9 =	vmul.f32 v9, v12  }
0x11d: {  	v14 =	vmul.f32 v14, v1;
	v16 =	vmul.f32 v16, v1;
	v10 =	vld.idx.msk [tilespmem:v21+s17+$0x0], $0xffff;
	v21 =	vsub.f32 v22, v20  }
0x11e: {  	v22 =	vmul.f32 v18, v3;
	v18 =	vld.idx.msk [tilespmem:v8+s17+$0x0], $0xffff;
	v7 =	vadd.f32 v9, v7  }
0x11f: {  	s26 =	simm.s32 $0xCC40;
	v8 =	vld.idx.msk [tilespmem:v25+s17+$0x0], $0xffff;
	v9 =	vadd.f32 v14, v13;
	v13 =	vadd.f32 v16, v15;
	v14 =	vmul.f32 v21, v3  }
0x120: {  	v11 =	vld.idx.msk [tilespmem:v11+s17+$0x0], $0xffff;
	v15 =	vadd.f32 v22, v19;
	v16 =	vsub.f32 v24, v23;
	[tilespmem:s26+$0x60] =	vst v7  }
0x121: {  	v4 =	vor.u32 $0x80, v4;
	v7 =	vadd.f32 v14, v20;
	v14 =	vsub.f32 v27, v26;
	v19 =	vld [tilespmem:s28+$0xFFFFA800]  }
0x122: {  	v5 =	vor.u32 $0x80, v5;
	v20 =	vor.u32 $0x80, v6;
	v6 =	vsub.f32 v13, v9;
	v13 =	vld [tilespmem:s28+$0xFFFFB000]  }
0x123: {  	v16 =	vmul.f32 v16, v2;
	v21 =	vld [tilespmem:s28+$0xFFFFB800];
	v7 =	vsub.f32 v7, v15;
	v14 =	vmul.f32 v14, v2  }
0x124: {  	v22 =	vld [tilespmem:s28+$0xFFFFC000];
	v6 =	vmul.f32 v6, v10  }
0x125: {  	v16 =	vadd.f32 v16, v23;
	v7 =	vmul.f32 v7, v11;
	v14 =	vadd.f32 v14, v26  }
0x126: {  	v4 =	vld.idx.msk [tilespmem:v4+s17+$0x0], $0xffff;
	v9 =	vadd.f32 v6, v9  }
0x127: {  	v6 =	vld.idx.msk [tilespmem:v5+s17+$0x0], $0xffff;
	v7 =	vadd.f32 v7, v15;
	v14 =	vsub.f32 v14, v16  }
0x128: {  	v5 =	vld.idx.msk [tilespmem:v20+s17+$0x0], $0xffff;
	[tilespmem:s26+$0xFFFFFF40] =	vst v9  }
0x129: {  	v13 =	vsub.f32 v13, v19;
	v9 =	vld [tilespmem:s28+$0xFFFFA7A0];
	[tilespmem:s26+$0xFFFFFFA0] =	vst v7;
	v7 =	vmul.f32 v14, v8;
	v14 =	vsub.f32 v22, v21  }
0x12a: {  	v15 =	vld [tilespmem:s28+$0xFFFFA7C0]  }
0x12b: {  	v13 =	vmul.f32 v13, v17;
	v20 =	vld [tilespmem:s28+$0xFFFFAFC0];
	v7 =	vadd.f32 v7, v16;
	v14 =	vmul.f32 v14, v17  }
0x12c: {  	v22 =	vld [tilespmem:s28+$0xFFFFBFC0]  }
0x12d: {  	v16 =	vld [tilespmem:s28+$0xFFFFB7C0];
	[tilespmem:s26+$0x0] =	vst v7;
	v7 =	vadd.f32 v13, v19;
	v13 =	vadd.f32 v14, v21  }
0x12e: {  	v14 =	vld [tilespmem:s28+$0xFFFFA7E0]  }
0x12f: {  	v19 =	vld [tilespmem:s28+$0xFFFFAFE0];
	v13 =	vsub.f32 v13, v7  }
0x130: {  	v21 =	vld [tilespmem:s28+$0xFFFFB7E0]  }
0x131: {  	v23 =	vld [tilespmem:s28+$0xFFFFBFE0];
	v20 =	vsub.f32 v20, v15;
	v13 =	vmul.f32 v13, v12  }
0x132: {  	v24 =	vld [tilespmem:s28+$0xFFFFAFA0];
	v22 =	vsub.f32 v22, v16  }
0x133: {  	v25 =	vld [tilespmem:s28+$0xFFFFB7A0];
	v20 =	vmul.f32 v20, v3;
	v7 =	vadd.f32 v13, v7  }
0x134: {  	v22 =	vmul.f32 v22, v3;
	v13 =	vld [tilespmem:s28+$0xFFFFBFA0]  }
0x135: {  	v15 =	vadd.f32 v20, v15;
	v19 =	vsub.f32 v19, v14;
	[tilespmem:s26+$0x70] =	vst v7  }
0x136: {  	v7 =	vadd.f32 v22, v16;
	v16 =	vsub.f32 v23, v21;
	v20 =	vld [tilespmem:s28+$0xFFFFC7F0]  }
0x137: {  	v22 =	vld [tilespmem:s28+$0xFFFFCFF0]  }
0x138: {  	v19 =	vmul.f32 v19, v2;
	v23 =	vld [tilespmem:s28+$0xFFFFD7F0];
	v7 =	vsub.f32 v7, v15;
	v16 =	vmul.f32 v16, v2  }
0x139: {  	v24 =	vsub.f32 v24, v9;
	v26 =	vld [tilespmem:s28+$0xFFFFDFF0];
	v13 =	vsub.f32 v13, v25  }
0x13a: {  	v14 =	vadd.f32 v19, v14;
	v7 =	vmul.f32 v7, v11;
	v16 =	vadd.f32 v16, v21  }
0x13b: {  	v19 =	vmul.f32 v24, v1;
	v13 =	vmul.f32 v13, v1  }
0x13c: {  	v7 =	vadd.f32 v7, v15;
	v15 =	vsub.f32 v16, v14  }
0x13d: {  	v9 =	vadd.f32 v19, v9;
	v13 =	vadd.f32 v13, v25  }
0x13e: {  	v16 =	vsub.f32 v26, v23;
	[tilespmem:s26+$0xFFFFFFB0] =	vst v7;
	v7 =	vmul.f32 v15, v8;
	v15 =	vsub.f32 v22, v20  }
0x13f: {  	v13 =	vsub.f32 v13, v9;
	v19 =	vld [tilespmem:s28+$0xFFFFC7B0]  }
0x140: {  	v21 =	vld [tilespmem:s28+$0xFFFFCFB0];
	v7 =	vadd.f32 v7, v14;
	v14 =	vmul.f32 v15, v12;
	v15 =	vmul.f32 v16, v12  }
0x141: {  	v22 =	vld [tilespmem:s28+$0xFFFFDFB0]  }
0x142: {  	v16 =	vld [tilespmem:s28+$0xFFFFD7B0];
	v13 =	vmul.f32 v13, v10;
	[tilespmem:s26+$0x10] =	vst v7;
	v7 =	vadd.f32 v14, v20;
	v14 =	vadd.f32 v15, v23  }
0x143: {  	v15 =	vld [tilespmem:s28+$0xFFFFC7D0]  }
0x144: {  	v9 =	vadd.f32 v13, v9;
	v13 =	vld [tilespmem:s28+$0xFFFFCFD0];
	v14 =	vsub.f32 v14, v7  }
0x145: {  	v20 =	vld [tilespmem:s28+$0xFFFFD7D0]  }
0x146: {  	[tilespmem:s26+$0xFFFFFF50] =	vst v9;
	v9 =	vld [tilespmem:s28+$0xFFFFDFD0];
	v14 =	vmul.f32 v14, v18  }
0x147: {  	v21 =	vsub.f32 v21, v19;
	v23 =	vld [tilespmem:s28+$0xFFFFC790]  }
0x148: {  	v22 =	vsub.f32 v22, v16;
	v24 =	vld [tilespmem:s28+$0xFFFFCF90];
	v7 =	vadd.f32 v14, v7  }
0x149: {  	v25 =	vld [tilespmem:s28+$0xFFFFDF90];
	v14 =	vmul.f32 v21, v11  }
0x14a: {  	v22 =	vmul.f32 v22, v11;
	v21 =	vld [tilespmem:s28+$0xFFFFD790];
	[tilespmem:s26+$0x80] =	vst v7  }
0x14b: {  	v13 =	vsub.f32 v13, v15;
	v7 =	vadd.f32 v14, v19;
	v14 =	vld [tilespmem:s28+$0xFFFFC800]  }
0x14c: {  	v16 =	vadd.f32 v22, v16;
	v9 =	vsub.f32 v9, v20;
	v19 =	vld [tilespmem:s28+$0xFFFFD000]  }
0x14d: {  	s0 =	simm.s32 $0x4;
	v13 =	vmul.f32 v13, v8;
	v22 =	vsub.f32 v24, v23;
	v24 =	vld [tilespmem:s28+$0xFFFFD800]  }
0x14e: {  	v26 =	vmov s0;
	s0 =	simm.s32 $0x5;
	v27 =	vld [tilespmem:s28+$0xFFFFE000];
	v9 =	vmul.f32 v9, v8;
	v16 =	vsub.f32 v16, v7  }
0x14f: {  	v13 =	vadd.f32 v13, v15;
	v15 =	vmov s0;
	v22 =	vmul.f32 v22, v10  }
0x150: {  	v25 =	vsub.f32 v25, v21;
	v9 =	vadd.f32 v9, v20;
	v16 =	vmul.f32 v16, v6  }
0x151: {  	v20 =	vadd.f32 v22, v23  }
0x152: {  	s29 =	simm.s32 $0x6470;
	v22 =	vmul.f32 v25, v10;
	v9 =	vsub.f32 v9, v13;
	v16 =	vadd.f32 v16, v7  }
0x153: {  	v59 =	vld [tilespmem:s29+$0xFFFFA7F0];
	v19 =	vsub.f32 v19, v14;
	v23 =	vsub.f32 v27, v24  }
0x154: {  	v7 =	vld.idx.msk [tilespmem:v26+s17+$0x0], $0xffff;
	v21 =	vadd.f32 v22, v21;
	v25 =	vmul.f32 v9, v5  }
0x155: {  	v9 =	vld.idx.msk [tilespmem:v15+s17+$0x0], $0xffff;
	[tilespmem:s26+$0xFFFFFFC0] =	vst v16;
	v19 =	vmul.f32 v19, v12;
	v12 =	vmul.f32 v23, v12  }
0x156: {  	v16 =	vld [tilespmem:s28+$0xFFFFC7C0];
	v21 =	vsub.f32 v21, v20;
	v13 =	vadd.f32 v25, v13  }
0x157: {  	v22 =	vld [tilespmem:s28+$0xFFFFCFC0];
	v14 =	vadd.f32 v19, v14;
	v12 =	vadd.f32 v12, v24  }
0x158: {  	v23 =	vld [tilespmem:s28+$0xFFFFD7C0]  }
0x159: {  	v19 =	vld [tilespmem:s28+$0xFFFFDFC0];
	[tilespmem:s26+$0x20] =	vst v13;
	v13 =	vmul.f32 v21, v4;
	v12 =	vsub.f32 v12, v14  }
0x15a: {  	v21 =	vld [tilespmem:s28+$0xFFFFC7E0]  }
0x15b: {  	v24 =	vld [tilespmem:s28+$0xFFFFD7E0];
	v13 =	vadd.f32 v13, v20;
	v12 =	vmul.f32 v12, v18  }
0x15c: {  	v20 =	vld [tilespmem:s28+$0xFFFFCFE0]  }
0x15d: {  	v22 =	vsub.f32 v22, v16;
	[tilespmem:s26+$0xFFFFFF60] =	vst v13;
	v13 =	vld [tilespmem:s28+$0xFFFFDFE0];
	v12 =	vadd.f32 v12, v14  }
0x15e: {  	v14 =	vsub.f32 v19, v23;
	v25 =	vld [tilespmem:s28+$0xFFFFC7A0]  }
0x15f: {  	s0 =	simm.s32 $0x6;
	v22 =	vmul.f32 v22, v11;
	v19 =	vld [tilespmem:s28+$0xFFFFCFA0];
	[tilespmem:s26+$0x90] =	vst v12  }
0x160: {  	v12 =	vand.u32 $0x3C, v26;
	v26 =	vmov s0;
	v11 =	vmul.f32 v14, v11;
	v28 =	vld [tilespmem:s28+$0xFFFFE7F0]  }
0x161: {  	v16 =	vadd.f32 v22, v16;
	v14 =	vsub.f32 v20, v21;
	v20 =	vor.u32 $0x80, v12;
	v22 =	vld [tilespmem:s28+$0xFFFFEFF0]  }
0x162: {  	v15 =	vand.u32 $0x3D, v15;
	v12 =	vor.u32 $0x40, v12;
	v31 =	vld [tilespmem:s28+$0xFFFFFFF0]  }
0x163: {  	v29 =	vor.u32 $0x80, v15;
	v11 =	vadd.f32 v11, v23;
	v23 =	vld [tilespmem:s28+$0xFFFFF7F0];
	v13 =	vsub.f32 v13, v24  }
0x164: {  	v15 =	vor.u32 $0x40, v15;
	v27 =	vld [tilespmem:s28+$0xFFFFD7A0];
	v30 =	vand.u32 $0x3E, v26  }
0x165: {  	v32 =	vmul.f32 v14, v8;
	v11 =	vsub.f32 v11, v16;
	v13 =	vmul.f32 v13, v8;
	v14 =	vld.idx.msk [tilespmem:v26+s17+$0x0], $0xffff  }
0x166: {  	v8 =	vld.idx.msk [tilespmem:v20+s17+$0x0], $0xffff;
	v20 =	vor.u32 $0x40, v30  }
0x167: {  	v21 =	vadd.f32 v32, v21;
	v26 =	vmul.f32 v11, v6;
	v24 =	vadd.f32 v13, v24;
	v13 =	vld.idx.msk [tilespmem:v12+s17+$0x0], $0xffff  }
0x168: {  	v22 =	vsub.f32 v22, v28;
	v12 =	vld.idx.msk [tilespmem:v29+s17+$0x0], $0xffff;
	v29 =	vsub.f32 v31, v23  }
0x169: {  	v34 =	vld [tilespmem:s28+$0xFFFFDFA0];
	v26 =	vadd.f32 v26, v16;
	v24 =	vsub.f32 v24, v21  }
0x16a: {  	v16 =	vld.idx.msk [tilespmem:v15+s17+$0x0], $0xffff;
	v22 =	vmul.f32 v22, v17;
	v29 =	vmul.f32 v29, v17  }
0x16b: {  	[tilespmem:s26+$0xFFFFFFD0] =	vst v26;
	v24 =	vmul.f32 v24, v5;
	v15 =	vld.idx.msk [tilespmem:v20+s17+$0x0], $0xffff  }
0x16c: {  	v22 =	vadd.f32 v22, v28;
	v20 =	vld [tilespmem:s28+$0xFFFFE7B0];
	v23 =	vadd.f32 v29, v23  }
0x16d: {  	v26 =	vld [tilespmem:s28+$0xFFFFF7B0];
	v21 =	vadd.f32 v24, v21  }
0x16e: {  	v24 =	vld [tilespmem:s28+$0xFFFFEFB0];
	v23 =	vsub.f32 v23, v22  }
0x16f: {  	[tilespmem:s26+$0x30] =	vst v21;
	v21 =	vld [tilespmem:s28+$0xFFFFFFB0]  }
0x170: {  	v23 =	vmul.f32 v23, v18;
	v28 =	vld [tilespmem:s28+$0xFFFFE7D0]  }
0x171: {  	v19 =	vsub.f32 v19, v25;
	v29 =	vld [tilespmem:s28+$0xFFFFEFD0]  }
0x172: {  	v33 =	vor.u32 $0x80, v30;
	v30 =	vld [tilespmem:s28+$0xFFFFF7D0];
	v22 =	vadd.f32 v23, v22  }
0x173: {  	v19 =	vmul.f32 v19, v10;
	v31 =	vld [tilespmem:s28+$0xFFFFFFD0];
	v23 =	vsub.f32 v34, v27  }
0x174: {  	v61 =	vld [tilespmem:s29+$0xFFFFAFF0];
	[tilespmem:s26+$0xA0] =	vst v22  }
0x175: {  	v19 =	vadd.f32 v19, v25;
	v10 =	vmul.f32 v23, v10;
	v60 =	vld [tilespmem:s28+$0xFFFFE800]  }
0x176: {  	s0 =	simm.s32 $0x7;
	v23 =	vsub.f32 v24, v20;
	v22 =	vld [tilespmem:s28+$0xFFFFF000];
	v21 =	vsub.f32 v21, v26  }
0x177: {  	v25 =	vld [tilespmem:s28+$0xFFFFF800];
	v10 =	vadd.f32 v10, v27;
	v24 =	vsub.f32 v29, v28;
	v27 =	vmov s0  }
0x178: {  	v29 =	vld [tilespmem:s28+$0x0];
	v23 =	vmul.f32 v23, v3;
	v31 =	vsub.f32 v31, v30  }
0x179: {  	v35 =	vld [tilespmem:s29+$0xFFFFB7F0];
	v21 =	vmul.f32 v21, v3;
	v10 =	vsub.f32 v10, v19;
	v24 =	vmul.f32 v24, v2  }
0x17a: {  	v20 =	vadd.f32 v23, v20;
	v23 =	vmul.f32 v31, v2;
	v31 =	vld [tilespmem:s29+$0xFFFFBFF0]  }
0x17b: {  	v26 =	vadd.f32 v21, v26;
	v21 =	vld [tilespmem:s29+$0xFFFFA790];
	v36 =	vmul.f32 v10, v4;
	v28 =	vadd.f32 v24, v28  }
0x17c: {  	v24 =	vadd.f32 v23, v30;
	v23 =	vand.u32 $0x3F, v27;
	v10 =	vld.idx.msk [tilespmem:v27+s17+$0x0], $0xffff;
	v27 =	vsub.f32 v22, v60  }
0x17d: {  	v30 =	vld [tilespmem:s29+$0xFFFFAF90];
	v26 =	vsub.f32 v26, v20;
	v29 =	vsub.f32 v29, v25;
	v37 =	vor.u32 $0x40, v23  }
0x17e: {  	v38 =	vld [tilespmem:s29+$0xFFFFBF90];
	v36 =	vadd.f32 v36, v19;
	v19 =	vsub.f32 v24, v28;
	v24 =	vmul.f32 v27, v17  }
0x17f: {  	v11 =	vld.idx.msk [tilespmem:v33+s17+$0x0], $0xffff;
	v26 =	vmul.f32 v26, v6;
	v17 =	vmul.f32 v29, v17;
	v29 =	vsub.f32 v61, v59  }
0x180: {  	v22 =	vld [tilespmem:s29+$0xFFFFB790];
	v31 =	vsub.f32 v31, v35;
	v62 =	vmul.f32 v19, v5;
	v19 =	vadd.f32 v24, v60  }
0x181: {  	v27 =	vld [tilespmem:s29+$0xFFFFAFB0];
	v25 =	vadd.f32 v17, v25;
	v20 =	vadd.f32 v26, v20  }
0x182: {  	v24 =	vld [tilespmem:s29+$0xFFFFA7B0];
	v63 =	vsub.f32 v30, v21;
	v26 =	vadd.f32 v62, v28  }
0x183: {  	v30 =	vld [tilespmem:s29+$0xFFFFBFB0];
	v28 =	vmul.f32 v29, v10;
	v29 =	vmul.f32 v31, v10;
	v31 =	vsub.f32 v25, v19  }
0x184: {  	[tilespmem:s26+$0xFFFFFF70] =	vst v36;
	v17 =	vld.idx.msk [tilespmem:v37+s17+$0x0], $0xffff  }
0x185: {  	v25 =	vld [tilespmem:s29+$0xFFFFB7B0];
	[tilespmem:s26+$0xFFFFFFE0] =	vst v20;
	v28 =	vadd.f32 v28, v59;
	v32 =	vadd.f32 v29, v35;
	v20 =	vmul.f32 v31, v18  }
0x186: {  	s31 =	simm.s32 $0x8;
	s30 =	simm.s32 $0xCC40;
	s24 =	sor.u32 $0x40, s25;
	[tilespmem:s26+$0x40] =	vst v26;
	v29 =	vmul.f32 v63, v7;
	v26 =	vld [tilespmem:s29+$0xFFFFA7D0];
	v31 =	vsub.f32 v38, v22  }
.LBB2_7:
0x187: {  	p0 =	slt.u32 s31, $0x3C;
	v18 =	vld [tilespmem:s29+$0xFFFFAFD0];
	v32 =	vsub.f32 v32, v28;
	v19 =	vadd.f32 v20, v19  }
0x188: {  	v27 =	vsub.f32 v27, v24;
	v23 =	vor.u32 $0x80, v23;
	v20 =	vmul.f32 v31, v7;
	v31 =	vld [tilespmem:s29+$0xFFFFB7D0]  }
0x189: {  	v21 =	vadd.f32 v29, v21;
	v29 =	vld [tilespmem:s29+$0xFFFFBFD0];
	v32 =	vmul.f32 v32, v17;
	[tilespmem:s26+$0xB0] =	vst v19  }
0x18a: {  	v19 =	vadd.f32 v20, v22;
	v20 =	vmul.f32 v27, v9;
	v22 =	vsub.f32 v30, v25;
	v27 =	vld [tilespmem:s28+$0xFFFFE790]  }
0x18b: {  	v28 =	vadd.f32 v32, v28;
	v30 =	vld [tilespmem:s28+$0xFFFFEF90]  }
0x18c: {  	s26 =	sadd.s32 $0x180, s26;
	v20 =	vadd.f32 v20, v24;
	v22 =	vmul.f32 v22, v9;
	v24 =	vsub.f32 v18, v26;
	v32 =	vld [tilespmem:s28+$0xFFFFF790]  }
0x18d: {  	v19 =	vsub.f32 v19, v21;
	v18 =	vld.idx.msk [tilespmem:v23+s17+$0x0], $0xffff;
	[tilespmem:s26+$0x60] =	vst v28  }
0x18e: {  	v22 =	vadd.f32 v22, v25;
	v23 =	vmul.f32 v24, v14;
	v24 =	vsub.f32 v29, v31;
	v25 =	vld [tilespmem:s29+$0xFFFFA800]  }
0x18f: {  	v19 =	vmul.f32 v19, v13;
	v28 =	vld [tilespmem:s29+$0xFFFFB000]  }
0x190: {  	v22 =	vsub.f32 v22, v20;
	v23 =	vadd.f32 v23, v26;
	v24 =	vmul.f32 v24, v14;
	v26 =	vld [tilespmem:s29+$0xFFFFB800]  }
0x191: {  	v19 =	vadd.f32 v19, v21;
	v29 =	vsub.f32 v30, v27;
	v21 =	vld [tilespmem:s29+$0xFFFFC000]  }
0x192: {  	v22 =	vmul.f32 v22, v16;
	v24 =	vadd.f32 v24, v31;
	v30 =	vld [tilespmem:s28+$0xFFFFFF90]  }
0x193: {  	[tilespmem:s26+$0xFFFFFF40] =	vst v19;
	v19 =	vmul.f32 v29, v1;
	v29 =	vld [tilespmem:s28+$0xFFFFE7C0]  }
0x194: {  	v31 =	vld [tilespmem:s29+$0xFFFFA7A0];
	v20 =	vadd.f32 v22, v20;
	v22 =	vsub.f32 v24, v23  }
0x195: {  	v24 =	vld [tilespmem:s29+$0xFFFFAFA0];
	v19 =	vadd.f32 v19, v27  }
0x196: {  	v27 =	vld [tilespmem:s29+$0xFFFFB7A0];
	[tilespmem:s26+$0xFFFFFFA0] =	vst v20;
	v20 =	vmul.f32 v22, v15;
	v22 =	vsub.f32 v28, v25;
	v21 =	vsub.f32 v21, v26  }
0x197: {  	v28 =	vld [tilespmem:s29+$0xFFFFA7C0];
	v30 =	vsub.f32 v30, v32  }
0x198: {  	v33 =	vld [tilespmem:s29+$0xFFFFAFC0];
	v20 =	vadd.f32 v20, v23;
	v22 =	vmul.f32 v22, v10;
	v21 =	vmul.f32 v21, v10  }
0x199: {  	v23 =	vld [tilespmem:s29+$0xFFFFB7C0];
	v30 =	vmul.f32 v30, v1  }
0x19a: {  	v34 =	vld [tilespmem:s29+$0xFFFFBFC0];
	[tilespmem:s26+$0x0] =	vst v20;
	v20 =	vadd.f32 v22, v25;
	v21 =	vadd.f32 v21, v26  }
0x19b: {  	v22 =	vsub.f32 v24, v31;
	v24 =	vld [tilespmem:s29+$0xFFFFA7E0];
	v25 =	vadd.f32 v30, v32  }
0x19c: {  	v26 =	vld [tilespmem:s29+$0xFFFFAFE0];
	v21 =	vsub.f32 v21, v20  }
0x19d: {  	v22 =	vmul.f32 v22, v7;
	v30 =	vsub.f32 v33, v28;
	v32 =	vld [tilespmem:s29+$0xFFFFB7E0];
	v25 =	vsub.f32 v25, v19  }
0x19e: {  	v33 =	vld [tilespmem:s29+$0xFFFFBFE0];
	v21 =	vmul.f32 v21, v17  }
0x19f: {  	v22 =	vadd.f32 v22, v31;
	v35 =	vld [tilespmem:s29+$0xFFFFBFA0];
	v30 =	vmul.f32 v30, v9;
	v31 =	vsub.f32 v34, v23  }
0x1a0: {  	v20 =	vadd.f32 v21, v20;
	v21 =	vmul.f32 v25, v4;
	v25 =	vld [tilespmem:s28+$0xFFFFEFC0]  }
0x1a1: {  	v28 =	vadd.f32 v30, v28;
	v30 =	vmul.f32 v31, v9;
	v26 =	vsub.f32 v26, v24;
	v31 =	vld [tilespmem:s28+$0xFFFFF7C0]  }
0x1a2: {  	[tilespmem:s26+$0x70] =	vst v20;
	v19 =	vadd.f32 v21, v19;
	v20 =	vld [tilespmem:s28+$0xFFFFFFC0]  }
0x1a3: {  	v21 =	vadd.f32 v30, v23;
	v23 =	vmul.f32 v26, v14;
	v26 =	vsub.f32 v33, v32;
	v30 =	vld [tilespmem:s29+$0xFFFFC7F0]  }
0x1a4: {  	v33 =	vsub.f32 v35, v27;
	v34 =	vld [tilespmem:s29+$0xFFFFCFF0];
	[tilespmem:s30+$0xFFFFFF80] =	vst v19  }
0x1a5: {  	v19 =	vsub.f32 v21, v28;
	v21 =	vadd.f32 v23, v24;
	v23 =	vmul.f32 v26, v14;
	v24 =	vld [tilespmem:s29+$0xFFFFD7F0]  }
0x1a6: {  	v25 =	vsub.f32 v25, v29;
	v26 =	vmul.f32 v33, v7;
	v33 =	vld [tilespmem:s29+$0xFFFFDFF0]  }
0x1a7: {  	v19 =	vmul.f32 v19, v16;
	v23 =	vadd.f32 v23, v32;
	v20 =	vsub.f32 v20, v31;
	v32 =	vld [tilespmem:s28+$0xFFFFE7E0]  }
0x1a8: {  	v25 =	vmul.f32 v25, v3;
	v26 =	vadd.f32 v26, v27;
	v27 =	vld [tilespmem:s28+$0xFFFFEFE0]  }
0x1a9: {  	v19 =	vadd.f32 v19, v28;
	v23 =	vsub.f32 v23, v21;
	v20 =	vmul.f32 v20, v3;
	v28 =	vld [tilespmem:s28+$0xFFFFF7E0];
	v3 =	vmovc v9  }
0x1aa: {  	v25 =	vadd.f32 v25, v29;
	v9 =	vsub.f32 v26, v22;
	v26 =	vld [tilespmem:s28+$0xFFFFFFE0]  }
0x1ab: {  	[tilespmem:s26+$0xFFFFFFB0] =	vst v19;
	v19 =	vmul.f32 v23, v15;
	v23 =	vsub.f32 v34, v30;
	v29 =	vsub.f32 v33, v24;
	v33 =	vld [tilespmem:s28+$0xFFFFE7A0]  }
0x1ac: {  	v20 =	vadd.f32 v20, v31;
	v9 =	vmul.f32 v9, v13;
	v34 =	vld [tilespmem:s29+$0xFFFFC7B0]  }
0x1ad: {  	v31 =	vld [tilespmem:s29+$0xFFFFCFB0];
	v19 =	vadd.f32 v19, v21;
	v21 =	vmul.f32 v23, v17;
	v23 =	vmul.f32 v29, v17  }
0x1ae: {  	v27 =	vsub.f32 v27, v32;
	v9 =	vadd.f32 v9, v22;
	v22 =	vld [tilespmem:s29+$0xFFFFD7B0]  }
0x1af: {  	v29 =	vld [tilespmem:s29+$0xFFFFDFB0];
	[tilespmem:s26+$0x10] =	vst v19;
	v19 =	vadd.f32 v21, v30;
	v21 =	vadd.f32 v23, v24  }
0x1b0: {  	v20 =	vsub.f32 v20, v25;
	v23 =	vmul.f32 v27, v2;
	v24 =	vsub.f32 v26, v28;
	[tilespmem:s26+$0xFFFFFF50] =	vst v9;
	v9 =	vld [tilespmem:s29+$0xFFFFC7D0]  }
0x1b1: {  	v26 =	vld [tilespmem:s29+$0xFFFFCFD0];
	v21 =	vsub.f32 v21, v19  }
0x1b2: {  	v23 =	vadd.f32 v23, v32;
	v24 =	vmul.f32 v24, v2;
	v2 =	vmovc v14;
	v27 =	vsub.f32 v31, v34;
	v30 =	vld [tilespmem:s29+$0xFFFFD7D0]  }
0x1b3: {  	v20 =	vmul.f32 v20, v6;
	v6 =	vmov v12;
	v14 =	vld [tilespmem:s29+$0xFFFFDFD0];
	v21 =	vmul.f32 v21, v18  }
0x1b4: {  	v24 =	vadd.f32 v24, v28;
	v12 =	vld [tilespmem:s29+$0xFFFFC790];
	v27 =	vmul.f32 v27, v16;
	v29 =	vsub.f32 v29, v22  }
0x1b5: {  	v20 =	vadd.f32 v20, v25;
	v28 =	vld [tilespmem:s29+$0xFFFFCF90];
	v19 =	vadd.f32 v21, v19  }
0x1b6: {  	v21 =	vld [tilespmem:s29+$0xFFFFD790];
	v25 =	vadd.f32 v27, v34;
	v27 =	vmul.f32 v29, v16;
	v26 =	vsub.f32 v26, v9  }
0x1b7: {  	v29 =	vld [tilespmem:s29+$0xFFFFDF90];
	[tilespmem:s26+$0x80] =	vst v19;
	v19 =	vsub.f32 v24, v23  }
0x1b8: {  	v22 =	vadd.f32 v27, v22;
	v24 =	vmul.f32 v26, v15;
	v14 =	vsub.f32 v14, v30;
	v26 =	vld [tilespmem:s29+$0xFFFFC800];
	[tilespmem:s30+$0xFFFFFFF0] =	vst v20  }
0x1b9: {  	v20 =	vmov s31;
	v27 =	vld [tilespmem:s29+$0xFFFFD000];
	v19 =	vmul.f32 v19, v5;
	v5 =	vmov v11  }
0x1ba: {  	s0 =	sadd.s32 $0x1, s31;
	v11 =	vsub.f32 v28, v12;
	v24 =	vadd.f32 v24, v9;
	v9 =	vmul.f32 v14, v15;
	v14 =	vld [tilespmem:s29+$0xFFFFD800]  }
0x1bb: {  	v28 =	vmov s0;
	v22 =	vsub.f32 v22, v25;
	v31 =	vld [tilespmem:s29+$0xFFFFE000];
	v19 =	vadd.f32 v19, v23  }
0x1bc: {  	v11 =	vmul.f32 v11, v13;
	v23 =	vsub.f32 v29, v21;
	v9 =	vadd.f32 v9, v30;
	v29 =	vld [tilespmem:s28+$0xFFFFEFA0]  }
0x1bd: {  	v22 =	vmul.f32 v22, v6;
	v30 =	vld [tilespmem:s28+$0xFFFFF7A0];
	[tilespmem:s30+$0x50] =	vst v19  }
0x1be: {  	v11 =	vadd.f32 v11, v12;
	v12 =	vmul.f32 v23, v13;
	v9 =	vsub.f32 v9, v24;
	v19 =	vld [tilespmem:s28+$0xFFFFFFA0];
	s28 =	smov.u32 s29  }
0x1bf: {  	v22 =	vadd.f32 v22, v25  }
0x1c0: {  	v27 =	vsub.f32 v27, v26;
	v23 =	vld.idx.msk [tilespmem:v20+s17+$0x0], $0xffff;
	v25 =	vmul.f32 v9, v5;
	v31 =	vsub.f32 v31, v14  }
0x1c1: {  	v12 =	vadd.f32 v12, v21;
	v9 =	vld.idx.msk [tilespmem:v28+s17+$0x0], $0xffff;
	[tilespmem:s26+$0xFFFFFFC0] =	vst v22;
	v21 =	vsub.f32 v29, v33  }
0x1c2: {  	v22 =	vld [tilespmem:s29+$0xFFFFC7C0];
	v24 =	vadd.f32 v25, v24;
	v25 =	vmul.f32 v27, v17;
	v17 =	vmul.f32 v31, v17  }
0x1c3: {  	v12 =	vsub.f32 v12, v11;
	v27 =	vld [tilespmem:s29+$0xFFFFCFC0];
	v21 =	vmul.f32 v21, v1;
	v19 =	vsub.f32 v19, v30  }
0x1c4: {  	v29 =	vld [tilespmem:s29+$0xFFFFD7C0];
	[tilespmem:s26+$0x20] =	vst v24;
	v24 =	vadd.f32 v25, v26;
	v14 =	vadd.f32 v17, v14  }
0x1c5: {  	v12 =	vmul.f32 v12, v8;
	v17 =	vld [tilespmem:s29+$0xFFFFDFC0];
	v21 =	vadd.f32 v21, v33;
	v19 =	vmul.f32 v19, v1;
	v1 =	vmovc v7  }
0x1c6: {  	v7 =	vmov v23;
	v25 =	vld [tilespmem:s29+$0xFFFFC7E0];
	v14 =	vsub.f32 v14, v24  }
0x1c7: {  	v11 =	vadd.f32 v12, v11;
	v12 =	vld [tilespmem:s29+$0xFFFFCFE0];
	v19 =	vadd.f32 v19, v30  }
0x1c8: {  	v23 =	vsub.f32 v27, v22;
	v26 =	vld [tilespmem:s29+$0xFFFFD7E0];
	v14 =	vmul.f32 v14, v18  }
0x1c9: {  	[tilespmem:s26+$0xFFFFFF60] =	vst v11;
	v11 =	vld [tilespmem:s29+$0xFFFFDFE0];
	v19 =	vsub.f32 v19, v21  }
0x1ca: {  	s0 =	sadd.s32 $0x2, s31;
	v27 =	vld [tilespmem:s29+$0xFFFFC7A0];
	v23 =	vmul.f32 v23, v16;
	v17 =	vsub.f32 v17, v29;
	v14 =	vadd.f32 v14, v24  }
0x1cb: {  	v20 =	vand.u32 $0x3C, v20;
	v24 =	vmov s0;
	v30 =	vld [tilespmem:s29+$0xFFFFCFA0];
	v19 =	vmul.f32 v19, v4;
	v4 =	vmovc v8  }
0x1cc: {  	v31 =	vld [tilespmem:s29+$0xFFFFD7A0];
	v22 =	vadd.f32 v23, v22;
	v8 =	vmul.f32 v17, v16;
	v12 =	vsub.f32 v12, v25;
	[tilespmem:s26+$0x90] =	vst v14  }
0x1cd: {  	v16 =	vor.u32 $0x80, v20;
	v14 =	vand.u32 $0x3D, v28;
	v17 =	vld [tilespmem:s29+$0xFFFFE7F0];
	v19 =	vadd.f32 v19, v21  }
0x1ce: {  	v8 =	vadd.f32 v8, v29;
	v12 =	vmul.f32 v12, v15;
	v11 =	vsub.f32 v11, v26;
	v21 =	vld [tilespmem:s29+$0xFFFFEFF0]  }
0x1cf: {  	v20 =	vor.u32 $0x40, v20;
	v28 =	vand.u32 $0x3E, v24;
	v23 =	vor.u32 $0x80, v14;
	v29 =	vld [tilespmem:s29+$0xFFFFF7F0];
	[tilespmem:s30+$0xFFFFFF90] =	vst v19;
	s30 =	smov.u32 s26  }
0x1d0: {  	v19 =	vsub.f32 v30, v27;
	v25 =	vadd.f32 v12, v25;
	v11 =	vmul.f32 v11, v15;
	v15 =	vld [tilespmem:s29+$0xFFFFFFF0]  }
0x1d1: {  	v30 =	vor.u32 $0x80, v28;
	v12 =	vsub.f32 v8, v22;
	v32 =	vld [tilespmem:s29+$0xFFFFDFA0]  }
0x1d2: {  	v33 =	vor.u32 $0x40, v14;
	v14 =	vld.idx.msk [tilespmem:v24+s17+$0x0], $0xffff;
	v19 =	vmul.f32 v19, v13;
	v11 =	vadd.f32 v11, v26  }
0x1d3: {  	v24 =	vor.u32 $0x40, v28;
	v8 =	vld.idx.msk [tilespmem:v16+s17+$0x0], $0xffff;
	v16 =	vmul.f32 v12, v6  }
0x1d4: {  	v20 =	vld.idx.msk [tilespmem:v20+s17+$0x0], $0xffff;
	v19 =	vadd.f32 v19, v27;
	v26 =	vsub.f32 v11, v25  }
0x1d5: {  	v21 =	vsub.f32 v21, v17;
	v12 =	vld.idx.msk [tilespmem:v23+s17+$0x0], $0xffff;
	v15 =	vsub.f32 v15, v29  }
0x1d6: {  	v22 =	vadd.f32 v16, v22;
	v11 =	vld.idx.msk [tilespmem:v30+s17+$0x0], $0xffff;
	v23 =	vsub.f32 v32, v31;
	v26 =	vmul.f32 v26, v5  }
0x1d7: {  	v21 =	vmul.f32 v21, v10;
	v16 =	vld.idx.msk [tilespmem:v33+s17+$0x0], $0xffff;
	v27 =	vmul.f32 v15, v10  }
0x1d8: {  	v15 =	vld.idx.msk [tilespmem:v24+s17+$0x0], $0xffff;
	v28 =	vmul.f32 v23, v13;
	[tilespmem:s26+$0xFFFFFFD0] =	vst v22;
	v22 =	vadd.f32 v26, v25  }
0x1d9: {  	v17 =	vadd.f32 v21, v17;
	v23 =	vld [tilespmem:s29+$0xFFFFE7B0];
	v21 =	vadd.f32 v27, v29  }
0x1da: {  	v13 =	vmov v20;
	v24 =	vadd.f32 v28, v31;
	v25 =	vld [tilespmem:s29+$0xFFFFEFB0];
	[tilespmem:s26+$0x30] =	vst v22  }
0x1db: {  	v20 =	vld [tilespmem:s29+$0xFFFFF7B0];
	v21 =	vsub.f32 v21, v17  }
0x1dc: {  	v22 =	vsub.f32 v24, v19;
	v24 =	vld [tilespmem:s29+$0xFFFFFFB0]  }
0x1dd: {  	v26 =	vld [tilespmem:s29+$0xFFFFE7D0];
	v21 =	vmul.f32 v21, v18  }
0x1de: {  	v22 =	vmul.f32 v22, v4;
	v27 =	vld [tilespmem:s29+$0xFFFFEFD0]  }
0x1df: {  	v25 =	vsub.f32 v25, v23;
	v28 =	vld [tilespmem:s29+$0xFFFFF7D0];
	v17 =	vadd.f32 v21, v17  }
0x1e0: {  	s29 =	sadd.s32 $0x80, s29;
	v19 =	vadd.f32 v22, v19;
	v21 =	vld [tilespmem:s28+$0xFFFFFFD0]  }
0x1e1: {  	v29 =	vld [tilespmem:s29+$0xFFFFA7F0];
	v22 =	vmul.f32 v25, v3;
	v24 =	vsub.f32 v24, v20;
	[tilespmem:s26+$0xA0] =	vst v17  }
0x1e2: {  	[tilespmem:s26+$0xFFFFFF70] =	vst v19;
	v17 =	vld [tilespmem:s28+$0xFFFFE800]  }
0x1e3: {  	v25 =	vadd.f32 v22, v23;
	v19 =	vmul.f32 v24, v3;
	v22 =	vsub.f32 v27, v26;
	v24 =	vld [tilespmem:s28+$0xFFFFF000]  }
0x1e4: {  	s0 =	sadd.s32 $0x3, s31;
	v27 =	vld [tilespmem:s28+$0xFFFFF800]  }
0x1e5: {  	v23 =	vmov s0;
	v22 =	vmul.f32 v22, v2;
	v21 =	vsub.f32 v21, v28;
	v30 =	vld [tilespmem:s28+$0x0]  }
0x1e6: {  	v19 =	vadd.f32 v19, v20;
	v31 =	vld [tilespmem:s29+$0xFFFFAFF0]  }
0x1e7: {  	v20 =	vld [tilespmem:s29+$0xFFFFB7F0];
	v26 =	vadd.f32 v22, v26;
	v22 =	vmul.f32 v21, v2  }
0x1e8: {  	v19 =	vsub.f32 v19, v25;
	v32 =	vld [tilespmem:s29+$0xFFFFBFF0]  }
0x1e9: {  	v21 =	vld [tilespmem:s29+$0xFFFFA790];
	v22 =	vadd.f32 v22, v28  }
0x1ea: {  	v24 =	vsub.f32 v24, v17;
	v28 =	vld.idx.msk [tilespmem:v23+s17+$0x0], $0xffff;
	v23 =	vand.u32 $0x3F, v23;
	v30 =	vsub.f32 v30, v27  }
0x1eb: {  	v35 =	vmul.f32 v19, v6;
	v33 =	vld [tilespmem:s29+$0xFFFFAF90];
	v34 =	vor.u32 $0x40, v23;
	v19 =	vsub.f32 v22, v26  }
0x1ec: {  	v36 =	vmul.f32 v24, v10;
	v22 =	vld [tilespmem:s29+$0xFFFFB790];
	v10 =	vmul.f32 v30, v10  }
0x1ed: {  	v30 =	vsub.f32 v31, v29;
	v37 =	vld [tilespmem:s29+$0xFFFFBF90];
	v31 =	vsub.f32 v32, v20;
	v32 =	vmul.f32 v19, v5  }
0x1ee: {  	v19 =	vadd.f32 v36, v17;
	v24 =	vld [tilespmem:s29+$0xFFFFA7B0];
	v36 =	vadd.f32 v10, v27  }
.Ltmp2:
0x1ef: {  	v35 =	vadd.f32 v35, v25;
	v27 =	vld [tilespmem:s29+$0xFFFFAFB0];
	v26 =	vadd.f32 v32, v26;
	(pc) =	sbr.rel @p0 .LBB2_7-.Ltmp2, $4  }
0x1f0: {  	v32 =	vmul.f32 v30, v28;
	v31 =	vmul.f32 v31, v28;
	v17 =	vld.idx.msk [tilespmem:v34+s17+$0x0], $0xffff;
	v34 =	vsub.f32 v36, v19  }
0x1f1: {  	v33 =	vsub.f32 v33, v21;
	v10 =	vmov v28;
	v25 =	vld [tilespmem:s29+$0xFFFFB7B0];
	[tilespmem:s26+$0xFFFFFFE0] =	vst v35  }
0x1f2: {  	v28 =	vadd.f32 v32, v29;
	v32 =	vadd.f32 v31, v20;
	v30 =	vld [tilespmem:s29+$0xFFFFBFB0];
	[tilespmem:s26+$0x40] =	vst v26;
	v20 =	vmul.f32 v34, v18  }
0x1f3: {  	s31 =	sadd.s32 $0x4, s31;
	v29 =	vmul.f32 v33, v7;
	v31 =	vsub.f32 v37, v22;
	v26 =	vld [tilespmem:s29+$0xFFFFA7D0]  }
0x1f4: {  	v18 =	vld [tilespmem:s29+$0xFFFFAFD0]  }
0x1f5: {  	v33 =	vld [tilespmem:s29+$0xFFFFB7D0]  }
0x1f6: {  	v27 =	vsub.f32 v27, v24;
	v34 =	vld [tilespmem:s29+$0xFFFFBFD0]  }
0x1f7: {  	v30 =	vsub.f32 v30, v25  }
0x1f8: {  	v32 =	vsub.f32 v32, v28;
	v27 =	vmul.f32 v27, v9  }
0x1f9: {  	v23 =	vor.u32 $0x80, v23;
	v30 =	vmul.f32 v30, v9  }
0x1fa: {  	v32 =	vmul.f32 v32, v17;
	v41 =	vadd.f32 v27, v24;
	v42 =	vsub.f32 v18, v26  }
0x1fb: {  	v44 =	vsub.f32 v34, v33;
	v43 =	vadd.f32 v30, v25  }
0x1fc: {  	v45 =	vadd.f32 v32, v28  }
0x1fd: {  	v46 =	vmul.f32 v42, v14;
	v47 =	vmul.f32 v44, v14;
	v25 =	vsub.f32 v43, v41  }
0x1fe: {  	s31 =	sadd.s32 $0x180, s26;
	v18 =	vld.idx.msk [tilespmem:v23+s17+$0x0], $0xffff  }
0x1ff: {  	[tilespmem:s31+$0x60] =	vst v45;
	v23 =	vadd.f32 v46, v26;
	v48 =	vadd.f32 v47, v33;
	v25 =	vmul.f32 v25, v16  }
0x200: {  	v28 =	vld [tilespmem:s29+$0xFFFFA800]  }
0x201: {  	v52 =	vmul.f32 v31, v7;
	v49 =	vld [tilespmem:s29+$0xFFFFB000];
	v51 =	vsub.f32 v48, v23;
	v24 =	vadd.f32 v25, v41  }
0x202: {  	v50 =	vld [tilespmem:s29+$0xFFFFB800]  }
0x203: {  	v21 =	vadd.f32 v29, v21;
	v22 =	vadd.f32 v52, v22;
	v53 =	vld [tilespmem:s29+$0xFFFFC000];
	v54 =	vmul.f32 v51, v15;
	[tilespmem:s31+$0xFFFFFFA0] =	vst v24  }
0x204: {  	v55 =	vld [tilespmem:s29+$0xFFFFA7C0]  }
0x205: {  	v22 =	vsub.f32 v22, v21;
	v23 =	vadd.f32 v54, v23;
	v56 =	vld [tilespmem:s29+$0xFFFFAFC0]  }
0x206: {  	v58 =	vld [tilespmem:s29+$0xFFFFB7C0]  }
0x207: {  	v22 =	vmul.f32 v22, v13;
	v60 =	vld [tilespmem:s29+$0xFFFFBFC0];
	[tilespmem:s31+$0x0] =	vst v23  }
0x208: {  	v57 =	vsub.f32 v49, v28;
	v59 =	vsub.f32 v53, v50;
	v62 =	vld [tilespmem:s29+$0xFFFFA7E0]  }
0x209: {  	v21 =	vadd.f32 v22, v21;
	v63 =	vld [tilespmem:s29+$0xFFFFAFE0]  }
0x20a: {  	v61 =	vmul.f32 v57, v10;
	v29 =	vmul.f32 v59, v10;
	v37 =	vld [tilespmem:s29+$0xFFFFB7E0]  }
0x20b: {  	[tilespmem:s31+$0xFFFFFF40] =	vst v21;
	v39 =	vld [tilespmem:s29+$0xFFFFBFE0]  }
0x20c: {  	v42 =	vld [tilespmem:s29+$0xFFFFAFA0];
	v36 =	vadd.f32 v61, v28;
	v38 =	vadd.f32 v29, v50  }
0x20d: {  	v43 =	vld [tilespmem:s29+$0xFFFFB7A0];
	v26 =	vsub.f32 v56, v55;
	v40 =	vsub.f32 v60, v58  }
0x20e: {  	v45 =	vld [tilespmem:s29+$0xFFFFBFA0];
	v28 =	vsub.f32 v38, v36  }
0x20f: {  	v41 =	vld [tilespmem:s29+$0xFFFFA7A0];
	v26 =	vmul.f32 v26, v9;
	v21 =	vmul.f32 v40, v9  }
0x210: {  	v28 =	vmul.f32 v28, v17;
	v44 =	vsub.f32 v63, v62;
	v46 =	vsub.f32 v39, v37  }
0x211: {  	v25 =	vadd.f32 v26, v55;
	v21 =	vadd.f32 v21, v58  }
0x212: {  	v22 =	vadd.f32 v28, v36  }
0x213: {  	v26 =	vmul.f32 v44, v14;
	v27 =	vmul.f32 v46, v14;
	v21 =	vsub.f32 v21, v25  }
0x214: {  	v48 =	vsub.f32 v45, v43;
	v47 =	vsub.f32 v42, v41  }
0x215: {  	[tilespmem:s31+$0x70] =	vst v22;
	v24 =	vadd.f32 v26, v62;
	v23 =	vadd.f32 v27, v37;
	v21 =	vmul.f32 v21, v16  }
0x216: {  	v52 =	vmul.f32 v48, v7;
	v22 =	vld [tilespmem:s29+$0xFFFFC7F0]  }
0x217: {  	v51 =	vmul.f32 v47, v7;
	v49 =	vld [tilespmem:s29+$0xFFFFCFF0];
	v23 =	vsub.f32 v23, v24;
	v21 =	vadd.f32 v21, v25  }
0x218: {  	v50 =	vld [tilespmem:s29+$0xFFFFD7F0]  }
0x219: {  	v56 =	vadd.f32 v52, v43;
	v53 =	vld [tilespmem:s29+$0xFFFFDFF0];
	v55 =	vadd.f32 v51, v41;
	v54 =	vmul.f32 v23, v15;
	[tilespmem:s31+$0xFFFFFFB0] =	vst v21  }
0x21a: {  	v57 =	vld [tilespmem:s29+$0xFFFFC7B0]  }
0x21b: {  	v59 =	vsub.f32 v56, v55;
	v21 =	vadd.f32 v54, v24;
	v58 =	vld [tilespmem:s29+$0xFFFFCFB0]  }
0x21c: {  	v61 =	vld [tilespmem:s29+$0xFFFFD7B0]  }
0x21d: {  	v63 =	vmul.f32 v59, v13;
	v62 =	vld [tilespmem:s29+$0xFFFFDFB0];
	[tilespmem:s31+$0x10] =	vst v21  }
0x21e: {  	v60 =	vsub.f32 v49, v22;
	v27 =	vsub.f32 v53, v50;
	v37 =	vld [tilespmem:s29+$0xFFFFC7D0]  }
0x21f: {  	v21 =	vadd.f32 v63, v55;
	v38 =	vld [tilespmem:s29+$0xFFFFCFD0]  }
0x220: {  	v36 =	vmul.f32 v60, v17;
	v27 =	vmul.f32 v27, v17;
	v39 =	vld [tilespmem:s29+$0xFFFFD7D0]  }
0x221: {  	v42 =	vld [tilespmem:s29+$0xFFFFDFD0];
	[tilespmem:s31+$0xFFFFFF50] =	vst v21  }
0x222: {  	v22 =	vadd.f32 v36, v22;
	v40 =	vadd.f32 v27, v50;
	v44 =	vld [tilespmem:s29+$0xFFFFC790]  }
0x223: {  	v45 =	vld [tilespmem:s29+$0xFFFFCF90];
	v41 =	vsub.f32 v58, v57;
	v43 =	vsub.f32 v62, v61  }
0x224: {  	v24 =	vsub.f32 v40, v22;
	v46 =	vld [tilespmem:s29+$0xFFFFD790]  }
0x225: {  	v48 =	vld [tilespmem:s29+$0xFFFFDF90];
	v27 =	vmul.f32 v41, v16;
	v21 =	vmul.f32 v43, v16  }
0x226: {  	v24 =	vmul.f32 v24, v18;
	v47 =	vsub.f32 v38, v37;
	v49 =	vsub.f32 v42, v39  }
0x227: {  	v26 =	vadd.f32 v27, v57;
	v21 =	vadd.f32 v21, v61  }
0x228: {  	v35 =	vld [tilespmem:s28+$0xFFFFFF90];
	v22 =	vadd.f32 v24, v22  }
0x229: {  	v34 =	vld [tilespmem:s28+$0xFFFFF7C0];
	v27 =	vmul.f32 v47, v15;
	v28 =	vmul.f32 v49, v15;
	v21 =	vsub.f32 v21, v26  }
0x22a: {  	v30 =	vld [tilespmem:s28+$0xFFFFE790];
	v51 =	vsub.f32 v45, v44;
	v32 =	vsub.f32 v48, v46  }
0x22b: {  	v33 =	vld [tilespmem:s28+$0xFFFFEFC0];
	[tilespmem:s31+$0x80] =	vst v22;
	v25 =	vadd.f32 v27, v37;
	v23 =	vadd.f32 v28, v39;
	v21 =	vmul.f32 v21, v12  }
0x22c: {  	v22 =	vld [tilespmem:s29+$0xFFFFC800];
	v28 =	vmul.f32 v51, v13  }
0x22d: {  	v50 =	vld [tilespmem:s29+$0xFFFFD000];
	v32 =	vmul.f32 v32, v13;
	v23 =	vsub.f32 v23, v25;
	v26 =	vadd.f32 v21, v26  }
0x22e: {  	v52 =	vld [tilespmem:s29+$0xFFFFD800]  }
0x22f: {  	v36 =	vld [tilespmem:s29+$0xFFFFE000];
	v53 =	vadd.f32 v28, v44;
	v54 =	vadd.f32 v32, v46;
	v23 =	vmul.f32 v23, v11;
	[tilespmem:s31+$0xFFFFFFC0] =	vst v26  }
0x230: {  	v55 =	vld [tilespmem:s29+$0xFFFFC7C0]  }
0x231: {  	v28 =	vsub.f32 v54, v53;
	v23 =	vadd.f32 v23, v25;
	v56 =	vld [tilespmem:s29+$0xFFFFCFC0]  }
0x232: {  	v57 =	vld [tilespmem:s29+$0xFFFFD7C0]  }
0x233: {  	v28 =	vmul.f32 v28, v8;
	v59 =	vld [tilespmem:s29+$0xFFFFDFC0];
	[tilespmem:s31+$0x20] =	vst v23  }
0x234: {  	v27 =	vsub.f32 v50, v22;
	v58 =	vsub.f32 v36, v52;
	v60 =	vld [tilespmem:s29+$0xFFFFC7E0]  }
0x235: {  	v26 =	vadd.f32 v28, v53;
	v62 =	vld [tilespmem:s29+$0xFFFFCFE0]  }
0x236: {  	v27 =	vmul.f32 v27, v17;
	v61 =	vmul.f32 v58, v17;
	v63 =	vld [tilespmem:s29+$0xFFFFD7E0]  }
0x237: {  	v40 =	vld [tilespmem:s29+$0xFFFFDFE0];
	[tilespmem:s31+$0xFFFFFF60] =	vst v26  }
0x238: {  	v22 =	vadd.f32 v27, v22;
	v17 =	vadd.f32 v61, v52;
	v26 =	vld [tilespmem:s29+$0xFFFFC7A0]  }
0x239: {  	v37 =	vld [tilespmem:s29+$0xFFFFCFA0];
	v25 =	vsub.f32 v56, v55;
	v23 =	vsub.f32 v59, v57  }
0x23a: {  	v17 =	vsub.f32 v17, v22;
	v42 =	vld [tilespmem:s29+$0xFFFFD7A0]  }
0x23b: {  	v44 =	vld [tilespmem:s29+$0xFFFFDFA0];
	v25 =	vmul.f32 v25, v16;
	v41 =	vmul.f32 v23, v16  }
0x23c: {  	v29 =	vld [tilespmem:s28+$0xFFFFEF90];
	v17 =	vmul.f32 v17, v18;
	v43 =	vsub.f32 v62, v60;
	v28 =	vsub.f32 v40, v63  }
0x23d: {  	v24 =	vld [tilespmem:s28+$0xFFFFF790];
	v25 =	vadd.f32 v25, v55;
	v16 =	vadd.f32 v41, v57  }
0x23e: {  	v21 =	vld [tilespmem:s28+$0xFFFFE7C0];
	v17 =	vadd.f32 v17, v22  }
0x23f: {  	v22 =	vld [tilespmem:s28+$0xFFFFFFC0];
	v31 =	vmul.f32 v43, v15;
	v45 =	vmul.f32 v28, v15;
	v16 =	vsub.f32 v16, v25  }
0x240: {  	[tilespmem:s31+$0x90] =	vst v17;
	v17 =	vld [tilespmem:s28+$0xFFFFEFE0];
	v47 =	vsub.f32 v37, v26;
	v32 =	vsub.f32 v44, v42  }
0x241: {  	v28 =	vld [tilespmem:s28+$0xFFFFE7E0];
	v31 =	vadd.f32 v31, v60;
	v15 =	vadd.f32 v45, v63;
	v16 =	vmul.f32 v16, v12  }
0x242: {  	v46 =	vld [tilespmem:s29+$0xFFFFE7F0];
	v36 =	vmul.f32 v47, v13  }
0x243: {  	v48 =	vld [tilespmem:s29+$0xFFFFEFF0];
	v50 =	vmul.f32 v32, v13;
	v15 =	vsub.f32 v15, v31;
	v16 =	vadd.f32 v16, v25  }
0x244: {  	v29 =	vsub.f32 v29, v30;
	v49 =	vld [tilespmem:s29+$0xFFFFF7F0]  }
0x245: {  	v52 =	vld [tilespmem:s29+$0xFFFFFFF0];
	v53 =	vadd.f32 v36, v26;
	v13 =	vadd.f32 v50, v42;
	v15 =	vmul.f32 v15, v11;
	[tilespmem:s31+$0xFFFFFFD0] =	vst v16  }
0x246: {  	v51 =	vsub.f32 v35, v24;
	v54 =	vld [tilespmem:s29+$0xFFFFE7B0]  }
0x247: {  	v55 =	vmul.f32 v29, v1;
	v13 =	vsub.f32 v13, v53;
	v15 =	vadd.f32 v15, v31;
	v56 =	vld [tilespmem:s29+$0xFFFFEFB0]  }
0x248: {  	v58 =	vld [tilespmem:s29+$0xFFFFF7B0]  }
0x249: {  	v57 =	vmul.f32 v51, v1;
	v23 =	vadd.f32 v55, v30;
	v13 =	vmul.f32 v13, v8;
	v60 =	vld [tilespmem:s29+$0xFFFFFFB0];
	[tilespmem:s31+$0x30] =	vst v15  }
0x24a: {  	v59 =	vsub.f32 v48, v46;
	v61 =	vsub.f32 v52, v49;
	v62 =	vld [tilespmem:s29+$0xFFFFE7D0]  }
0x24b: {  	v24 =	vadd.f32 v57, v24;
	v13 =	vadd.f32 v13, v53;
	v63 =	vld [tilespmem:s29+$0xFFFFEFD0]  }
0x24c: {  	v30 =	vmul.f32 v59, v10;
	v31 =	vmul.f32 v61, v10;
	v40 =	vld [tilespmem:s29+$0xFFFFF7D0]  }
0x24d: {  	v24 =	vsub.f32 v24, v23;
	v43 =	vld [tilespmem:s29+$0xFFFFFFD0];
	[tilespmem:s31+$0xFFFFFF70] =	vst v13  }
0x24e: {  	v41 =	vadd.f32 v30, v46;
	v25 =	vadd.f32 v31, v49;
	v45 =	vld [tilespmem:s29+$0xFFFFE790]  }
0x24f: {  	v24 =	vmul.f32 v24, v4;
	v47 =	vld [tilespmem:s29+$0xFFFFEF90];
	v42 =	vsub.f32 v56, v54;
	v15 =	vsub.f32 v60, v58  }
0x250: {  	v46 =	vsub.f32 v25, v41;
	v49 =	vld [tilespmem:s29+$0xFFFFF790]  }
0x251: {  	v23 =	vadd.f32 v24, v23;
	v50 =	vld [tilespmem:s29+$0xFFFFFF90];
	v44 =	vmul.f32 v42, v9;
	v15 =	vmul.f32 v15, v9  }
0x252: {  	v51 =	vld [tilespmem:s28+$0xFFFFFFE0];
	v24 =	vmul.f32 v46, v18;
	v48 =	vsub.f32 v63, v62;
	v29 =	vsub.f32 v43, v40  }
0x253: {  	v30 =	vld [tilespmem:s28+$0xFFFFF7E0];
	[tilespmem:s30+$0xFFFFFF80] =	vst v23;
	v13 =	vadd.f32 v44, v54;
	v15 =	vadd.f32 v15, v58  }
0x254: {  	v52 =	vld [tilespmem:s28+$0xFFFFE7A0];
	v16 =	vadd.f32 v24, v41  }
0x255: {  	v53 =	vld [tilespmem:s28+$0xFFFFEFA0];
	v26 =	vmul.f32 v48, v14;
	v29 =	vmul.f32 v29, v14;
	v15 =	vsub.f32 v15, v13  }
0x256: {  	v55 =	vld [tilespmem:s28+$0xFFFFFFA0];
	v56 =	vsub.f32 v47, v45;
	v57 =	vsub.f32 v50, v49  }
0x257: {  	v54 =	vld [tilespmem:s28+$0xFFFFF7A0];
	[tilespmem:s31+$0xA0] =	vst v16;
	v26 =	vadd.f32 v26, v62;
	v29 =	vadd.f32 v29, v40;
	v15 =	vmul.f32 v15, v12  }
0x258: {  	v33 =	vsub.f32 v33, v21;
	v58 =	vld [tilespmem:s29+$0xFFFFE800];
	v16 =	vmul.f32 v56, v7  }
0x259: {  	v59 =	vld [tilespmem:s29+$0xFFFFF000];
	v25 =	vmul.f32 v57, v7;
	v29 =	vsub.f32 v29, v26;
	v13 =	vadd.f32 v15, v13  }
0x25a: {  	v33 =	vmul.f32 v33, v3;
	v22 =	vsub.f32 v22, v34;
	v60 =	vld [tilespmem:s29+$0xFFFFF800]  }
0x25b: {  	v63 =	vld [tilespmem:s29+$0x0];
	v61 =	vadd.f32 v16, v45;
	v62 =	vadd.f32 v25, v49;
	v38 =	vmul.f32 v29, v11;
	[tilespmem:s31+$0xFFFFFFE0] =	vst v13  }
0x25c: {  	v21 =	vadd.f32 v33, v21;
	v3 =	vmul.f32 v22, v3;
	v39 =	vld [tilespmem:s29+$0xFFFFE7C0]  }
0x25d: {  	v16 =	vsub.f32 v62, v61;
	v26 =	vadd.f32 v38, v26;
	v40 =	vld [tilespmem:s29+$0xFFFFEFC0]  }
0x25e: {  	v17 =	vsub.f32 v17, v28;
	v3 =	vadd.f32 v3, v34;
	v41 =	vld [tilespmem:s29+$0xFFFFF7C0]  }
0x25f: {  	v23 =	vsub.f32 v51, v30;
	v24 =	vsub.f32 v53, v52;
	v16 =	vmul.f32 v16, v8;
	v42 =	vld [tilespmem:s29+$0xFFFFFFC0];
	[tilespmem:s31+$0x40] =	vst v26  }
0x260: {  	v19 =	vadd.f32 v20, v19;
	v17 =	vmul.f32 v17, v2;
	v3 =	vsub.f32 v3, v21;
	v44 =	vld [tilespmem:s29+$0xFFFFE7E0]  }
0x261: {  	v2 =	vmul.f32 v23, v2;
	v48 =	vmul.f32 v24, v1;
	v45 =	vadd.f32 v16, v61;
	v46 =	vld [tilespmem:s29+$0xFFFFEFE0]  }
0x262: {  	v47 =	vadd.f32 v17, v28;
	v43 =	vsub.f32 v55, v54;
	v49 =	vld [tilespmem:s29+$0xFFFFF7E0]  }
0x263: {  	v3 =	vmul.f32 v3, v6;
	v2 =	vadd.f32 v2, v30;
	v17 =	vadd.f32 v48, v52;
	v50 =	vld [tilespmem:s29+$0xFFFFFFE0];
	[tilespmem:s31+$0xFFFFFF80] =	vst v45  }
0x264: {  	v15 =	vsub.f32 v59, v58;
	v52 =	vsub.f32 v63, v60;
	v1 =	vmul.f32 v43, v1;
	v51 =	vld [tilespmem:s29+$0xFFFFE7A0]  }
0x265: {  	v3 =	vadd.f32 v3, v21;
	v2 =	vsub.f32 v2, v47;
	v53 =	vld [tilespmem:s29+$0xFFFFEFA0]  }
0x266: {  	v15 =	vmul.f32 v15, v10;
	v55 =	vmul.f32 v52, v10;
	v1 =	vadd.f32 v1, v54;
	v54 =	vld [tilespmem:s29+$0xFFFFF7A0]  }
0x267: {  	v56 =	vld [tilespmem:s29+$0xFFFFFFA0];
	v27 =	vsub.f32 v40, v39;
	v26 =	vsub.f32 v42, v41  }
0x268: {  	v15 =	vadd.f32 v15, v58;
	v10 =	vadd.f32 v55, v60  }
0x269: {  	v1 =	vsub.f32 v1, v17;
	v27 =	vmul.f32 v27, v9;
	v57 =	vmul.f32 v26, v9  }
0x26a: {  	v13 =	vsub.f32 v46, v44;
	v6 =	vsub.f32 v50, v49  }
0x26b: {  	v58 =	vadd.f32 v27, v39;
	v9 =	vadd.f32 v57, v41  }
0x26c: {  	v59 =	vsub.f32 v53, v51;
	v24 =	vsub.f32 v56, v54  }
0x26d: {  	v10 =	vsub.f32 v10, v15;
	v13 =	vmul.f32 v13, v14;
	v6 =	vmul.f32 v6, v14  }
0x26e: {  	v9 =	vsub.f32 v9, v58;
	v60 =	vmul.f32 v59, v7;
	v61 =	vmul.f32 v24, v7  }
0x26f: {  	v2 =	vmul.f32 v2, v5;
	v62 =	vadd.f32 v13, v44;
	v6 =	vadd.f32 v6, v49  }
0x270: {  	v1 =	vmul.f32 v1, v4;
	v63 =	vadd.f32 v60, v51;
	v7 =	vadd.f32 v61, v54  }
0x271: {  	[tilespmem:s26+$0xB0] =	vst v19;
	v2 =	vadd.f32 v2, v47;
	v10 =	vmul.f32 v10, v18;
	v6 =	vsub.f32 v6, v62  }
0x272: {  	[tilespmem:s30+$0xFFFFFFF0] =	vst v3;
	v1 =	vadd.f32 v1, v17;
	v3 =	vmul.f32 v9, v12;
	v7 =	vsub.f32 v7, v63  }
0x273: {  	[tilespmem:s30+$0x50] =	vst v2;
	v2 =	vadd.f32 v10, v15;
	v6 =	vmul.f32 v6, v11  }
0x274: {  	[tilespmem:s30+$0xFFFFFF90] =	vst v1;
	v1 =	vadd.f32 v3, v58;
	v3 =	vmul.f32 v7, v8  }
0x275: {  	[tilespmem:s31+$0xB0] =	vst v2;
	v2 =	vadd.f32 v6, v62  }
0x276: {  	[tilespmem:s31+$0xFFFFFFF0] =	vst v1;
	v1 =	vadd.f32 v3, v63  }
0x277: {  	p0 =	seq.s32 s23, $0x0;
	[tilespmem:s31+$0x50] =	vst v2  }
.Ltmp3:
0x278: {  	s0 =	simm.s32 @!p0 $0x5;
	s30 =	sadd.s32 s4, s25;
	[tilespmem:s31+$0xFFFFFF90] =	vst v1;
	(pc) =	sbr.rel @p1 .LBB2_12-.Ltmp3, $4  }
0x279: {  	s26 =	smul.u32 $0xC, s30;
	_ =	swait.ge @!p0 [sflag:s0], $0x1800  }
0x27a: {  	[sflag:s0] =	ssyncset.done @!p0 $0x0  }
0x27b: {  	s31 =	sadd.s32 s2, s26;
	[sflag:s0] =	ssyncadd.s32 @!p0 $0xFFFFE800  }
0x27c: {  	[hbm4b:s31+s3] =	stream.linear.scatter [tilespmem:s18], [sflag:$0x5], $0x1800, $0x38;
	[tilespmem:$0xFB80] =	vst v63  }
0x27d: {  	_ =	swait.ge [sflag:s22], $0x200  }
0x27e: {  	[sflag:s22] =	ssyncset.done $0x0  }
0x27f: {  	s26 =	simm.s32 $0x0;
	p1 =	por $0x1, $0x1;
	[sflag:s22] =	ssyncadd.s32 $0xFFFFFE00  }
.LBB2_10:
0x280: {  	v1 =	vmov s26  }
0x281: {  	v1 =	vshll.u32 v1, $0x3  }
0x282: {  	v1 =	vor.u32 v0, v1;
	_ =	sdelay $0x4  }
0x283: {  	v2 =	vld.idx.msk [tilespmem:v1+s3+$0x0], $0xffff;
	_ =	sdelay $0x4  }
0x284: {  	s0 =	sor.u32 $0x10, s26;
	v2 =	vadd.f32 $1.000000000e+00, v2  }
0x285: {  	v3 =	vmov s0  }
0x286: {  	v3 =	vshll.u32 v3, $0x3;
	v2 =	vmul.f32 $2.560000000e+02, v2  }
0x287: {  	v3 =	vor.u32 v0, v3  }
0x288: {  	v2 =	vmax.f32 v2, $0.0e+00  }
0x289: {  	v2 =	vmin.f32 v2, $5.120000000e+02  }
0x28a: {  	v4 =	vtrunc.f32 v2  }
0x28b: {  	v4 =	vcvt.f32.s32 v4  }
0x28c: {  	v5 =	vld.idx.msk [tilespmem:v3+s3+$0x0], $0xffff  }
0x28d: {  	v6 =	vcvt.s32.f32 v4;
	_ =	sdelay $0x1  }
0x28e: {  	v7 =	vor.u32 $0x1, v1;
	v2 =	vsub.f32 v2, v6;
	_ =	sdelay $0x1  }
0x28f: {  	[tilespmem:s26+$0x400] =	vst v2;
	v2 =	vadd.f32 $1.000000000e+00, v5;
	_ =	sdelay $0x1  }
0x290: {  	v2 =	vmul.f32 $2.560000000e+02, v2  }
0x291: {  	v41 =	vld.idx.msk [tilespmem:v7+s3+$0x0], $0xffff  }
0x292: {  	v2 =	vmax.f32 v2, $0.0e+00  }
0x293: {  	v2 =	vmin.f32 v2, $5.120000000e+02  }
0x294: {  	v42 =	vtrunc.f32 v2  }
0x295: {  	v6 =	vcvt.f32.s32 v42  }
0x296: {  	v5 =	vadd.f32 $1.000000000e+00, v41  }
0x297: {  	v8 =	vor.u32 $0x1, v3;
	v43 =	vcvt.s32.f32 v6  }
0x298: {  	v5 =	vmul.f32 $2.560000000e+02, v5  }
0x299: {  	v2 =	vsub.f32 v2, v43  }
0x29a: {  	v5 =	vmax.f32 v5, $0.0e+00  }
0x29b: {  	v5 =	vmin.f32 v5, $5.120000000e+02;
	[tilespmem:s26+$0x410] =	vst v2  }
0x29c: {  	v44 =	vtrunc.f32 v5;
	v2 =	vld.idx.msk [tilespmem:v8+s3+$0x0], $0xffff  }
0x29d: {  	v7 =	vcvt.f32.s32 v44;
	_ =	sdelay $0x1  }
0x29e: {  	v1 =	vor.u32 $0x2, v1;
	v45 =	vcvt.s32.f32 v7;
	_ =	sdelay $0x1  }
0x29f: {  	v5 =	vsub.f32 v5, v45;
	v2 =	vadd.f32 $1.000000000e+00, v2;
	_ =	sdelay $0x1  }
0x2a0: {  	[tilespmem:s26+$0x440] =	vst v5;
	v2 =	vmul.f32 $2.560000000e+02, v2  }
0x2a1: {  	v1 =	vld.idx.msk [tilespmem:v1+s3+$0x0], $0xffff  }
0x2a2: {  	v2 =	vmax.f32 v2, $0.0e+00  }
0x2a3: {  	v2 =	vmin.f32 v2, $5.120000000e+02  }
0x2a4: {  	v46 =	vtrunc.f32 v2  }
0x2a5: {  	v5 =	vcvt.f32.s32 v46  }
0x2a6: {  	v1 =	vadd.f32 $1.000000000e+00, v1  }
0x2a7: {  	v3 =	vor.u32 $0x2, v3;
	v47 =	vcvt.s32.f32 v5  }
0x2a8: {  	v1 =	vmul.f32 $2.560000000e+02, v1  }
0x2a9: {  	v2 =	vsub.f32 v2, v47  }
0x2aa: {  	v1 =	vmax.f32 v1, $0.0e+00  }
0x2ab: {  	v1 =	vmin.f32 v1, $5.120000000e+02;
	[tilespmem:s26+$0x450] =	vst v2  }
0x2ac: {  	v49 =	vmul.u32 $0x201, v7;
	v48 =	vtrunc.f32 v1;
	v2 =	vld.idx.msk [tilespmem:v3+s3+$0x0], $0xffff  }
0x2ad: {  	v10 =	vadd.s32 $0x1, v7;
	v58 =	vmul.u32 $0x201, v5;
	v8 =	vcvt.f32.s32 v48  }
0x2ae: {  	vm1 =	vlt.s32 v10, $0x200;
	v12 =	vadd.s32 v4, v49;
	v3 =	vadd.s32 $0x1, v4  }
0x2af: {  	v60 =	vadd.s32 v6, v58;
	v9 =	vcvt.s32.f32 v8;
	vm0 =	vlt.s32 v3, $0x200  }
0x2b0: {  	v11 =	vadd.s32 $0x1, v8;
	v8 =	vmul.u32 $0x201, v8;
	v3 =	vnsel vm0, $0x200, v3  }
0x2b1: {  	[tilespmem:s26+$0x580] =	vst v12;
	vm12 =	vlt.s32 v11, $0x200;
	v1 =	vsub.f32 v1, v9;
	v2 =	vadd.f32 $1.000000000e+00, v2  }
0x2b2: {  	v10 =	vnsel vm1, $0x200, v10;
	[tilespmem:s26+$0x590] =	vst v60;
	v9 =	vadd.s32 v3, v49;
	v11 =	vnsel vm12, $0x200, v11  }
0x2b3: {  	v51 =	vadd.s32 $0x40401, v8;
	[tilespmem:s26+$0x480] =	vst v1;
	v1 =	vmul.u32 $0x201, v10;
	v2 =	vmul.f32 $2.560000000e+02, v2  }
0x2b4: {  	[tilespmem:s26+$0x5C0] =	vst v9;
	v11 =	vmul.u32 $0x201, v11;
	v9 =	vadd.s32 v10, v51  }
0x2b5: {  	[tilespmem:s26+$0x6C0] =	vst v9;
	v50 =	vadd.s32 v4, v1;
	v1 =	vadd.s32 v3, v1;
	v2 =	vmax.f32 v2, $0.0e+00  }
0x2b6: {  	v53 =	vadd.s32 $0x80802, v8;
	[tilespmem:s26+$0x640] =	vst v1;
	v1 =	vadd.s32 v7, v51;
	v2 =	vmin.f32 v2, $5.120000000e+02  }
0x2b7: {  	v55 =	vadd.s32 v4, v53;
	[tilespmem:s26+$0x680] =	vst v1;
	v1 =	vadd.s32 $0x40401, v11;
	v52 =	vtrunc.f32 v2  }
0x2b8: {  	[tilespmem:s26+$0x780] =	vst v55;
	v7 =	vadd.s32 v7, v1;
	v54 =	vcvt.f32.s32 v52  }
0x2b9: {  	v1 =	vadd.s32 v10, v1;
	[tilespmem:s26+$0x700] =	vst v7  }
0x2ba: {  	[tilespmem:s26+$0x740] =	vst v1;
	v1 =	vadd.s32 $0x80802, v11;
	v7 =	vadd.s32 v3, v53;
	v57 =	vcvt.s32.f32 v54  }
0x2bb: {  	[tilespmem:s26+$0x600] =	vst v50;
	v4 =	vadd.s32 v4, v1;
	v1 =	vadd.s32 v3, v1;
	v3 =	vadd.s32 $0x1, v5  }
0x2bc: {  	v56 =	vadd.s32 $0x1, v6;
	[tilespmem:s26+$0x7C0] =	vst v7;
	vm14 =	vlt.s32 v3, $0x200;
	v2 =	vsub.f32 v2, v57  }
0x2bd: {  	vm13 =	vlt.s32 v56, $0x200;
	[tilespmem:s26+$0x840] =	vst v1;
	v1 =	vnsel vm14, $0x200, v3  }
0x2be: {  	v59 =	vnsel vm13, $0x200, v56;
	v3 =	vmul.u32 $0x201, v1;
	[tilespmem:s26+$0x490] =	vst v2;
	v2 =	vadd.s32 $0x1, v54  }
0x2bf: {  	[tilespmem:s26+$0x800] =	vst v4;
	v4 =	vadd.s32 v59, v58;
	v8 =	vmul.u32 $0x201, v54;
	vm15 =	vlt.s32 v2, $0x200  }
0x2c0: {  	[tilespmem:s26+$0x5D0] =	vst v4;
	v61 =	vadd.s32 v6, v3;
	v2 =	vnsel vm15, $0x200, v2  }
0x2c1: {  	v62 =	vadd.s32 $0x40401, v8;
	v3 =	vadd.s32 v59, v3;
	[tilespmem:s26+$0x610] =	vst v61;
	v2 =	vmul.u32 $0x201, v2  }
0x2c2: {  	[tilespmem:s26+$0x650] =	vst v3;
	v3 =	vadd.s32 v5, v62  }
0x2c3: {  	[tilespmem:s26+$0x690] =	vst v3;
	v3 =	vadd.s32 v1, v62;
	v63 =	vadd.s32 $0x40401, v2  }
0x2c4: {  	[tilespmem:s26+$0x6D0] =	vst v3;
	v3 =	vadd.s32 v5, v63  }
0x2c5: {  	p2 =	por p1, p1;
	v1 =	vadd.s32 v1, v63;
	[tilespmem:s26+$0x710] =	vst v3;
	v3 =	vadd.s32 $0x80802, v8  }
.Ltmp4:
0x2c6: {  	[tilespmem:s26+$0x750] =	vst v1;
	v1 =	vadd.s32 v6, v3;
	(pc) =	sbr.rel @p2 .LBB2_10-.Ltmp4, $4  }
0x2c7: {  	v2 =	vadd.s32 $0x80802, v2;
	[tilespmem:s26+$0x790] =	vst v1;
	v1 =	vadd.s32 v59, v3  }
0x2c8: {  	[tilespmem:s26+$0x7D0] =	vst v1;
	v1 =	vadd.s32 v6, v2  }
0x2c9: {  	[tilespmem:s26+$0x810] =	vst v1;
	v1 =	vadd.s32 v59, v2  }
0x2ca: {  	p1 =	por $0x0, $0x0;
	[tilespmem:s26+$0x850] =	vst v1;
	s26 =	simm.s32 $0x20  }
0x2cb: {  	s0 =	simm.s32 $0x580;
	s26 =	simm.s32 $0xB80  }
0x2cc: {  	[tilespmem:s26], [sflag:$0x1] =	stream.indirect.gather [hbm4b:s5+s12], $0x20, s0, s12, $0xb8;
	[tilespmem:$0xFB80] =	vst v63  }
0x2cd: {  	s30 =	simm.s32 $0x5C0;
	s31 =	simm.s32 $0x1380  }
0x2ce: {  	[tilespmem:s31], [sflag:$0x1] =	stream.indirect.gather [hbm4b:s5+s12], $0x20, s30, s12, $0xb8;
	[tilespmem:$0xFB80] =	vst v63  }
0x2cf: {  	s28 =	simm.s32 $0x600;
	s29 =	simm.s32 $0x1B80  }
0x2d0: {  	[tilespmem:s29], [sflag:$0x1] =	stream.indirect.gather [hbm4b:s5+s12], $0x20, s28, s12, $0xb8;
	[tilespmem:$0xFB80] =	vst v63  }
0x2d1: {  	s30 =	simm.s32 $0x640;
	s31 =	simm.s32 $0x2380  }
0x2d2: {  	[tilespmem:s31], [sflag:$0x1] =	stream.indirect.gather [hbm4b:s5+s12], $0x20, s30, s12, $0xb8;
	[tilespmem:$0xFB80] =	vst v63  }
0x2d3: {  	s28 =	simm.s32 $0x680;
	s29 =	simm.s32 $0x2B80  }
0x2d4: {  	[tilespmem:s29], [sflag:$0x1] =	stream.indirect.gather [hbm4b:s5+s12], $0x20, s28, s12, $0xb8;
	[tilespmem:$0xFB80] =	vst v63  }
0x2d5: {  	s30 =	simm.s32 $0x6C0;
	s31 =	simm.s32 $0x3380  }
0x2d6: {  	[tilespmem:s31], [sflag:$0x1] =	stream.indirect.gather [hbm4b:s5+s12], $0x20, s30, s12, $0xb8;
	[tilespmem:$0xFB80] =	vst v63  }
0x2d7: {  	s28 =	simm.s32 $0x700;
	s29 =	simm.s32 $0x3B80  }
0x2d8: {  	[tilespmem:s29], [sflag:$0x1] =	stream.indirect.gather [hbm4b:s5+s12], $0x20, s28, s12, $0xb8;
	[tilespmem:$0xFB80] =	vst v63  }
0x2d9: {  	s30 =	simm.s32 $0x740;
	s31 =	simm.s32 $0x4380  }
0x2da: {  	[tilespmem:s31], [sflag:$0x1] =	stream.indirect.gather [hbm4b:s5+s12], $0x20, s30, s12, $0xb8;
	[tilespmem:$0xFB80] =	vst v63  }
0x2db: {  	s28 =	simm.s32 $0x780;
	s29 =	simm.s32 $0x4B80  }
0x2dc: {  	[tilespmem:s29], [sflag:$0x1] =	stream.indirect.gather [hbm4b:s5+s12], $0x20, s28, s12, $0xb8;
	[tilespmem:$0xFB80] =	vst v63  }
0x2dd: {  	s30 =	simm.s32 $0x7C0;
	s31 =	simm.s32 $0x5380  }
0x2de: {  	[tilespmem:s31], [sflag:$0x1] =	stream.indirect.gather [hbm4b:s5+s12], $0x20, s30, s12, $0xb8;
	[tilespmem:$0xFB80] =	vst v63  }
0x2df: {  	s26 =	simm.s32 $0x800;
	s28 =	simm.s32 $0x5B80  }
0x2e0: {  	[tilespmem:s28], [sflag:$0x1] =	stream.indirect.gather [hbm4b:s5+s12], $0x20, s26, s12, $0xb8;
	[tilespmem:$0xFB80] =	vst v63  }
0x2e1: {  	s29 =	simm.s32 $0x840;
	s30 =	simm.s32 $0x6380;
	s31 =	rddreg [dreg:$0x5]  }
0x2e2: {  	[tilespmem:s30], [sflag:$0x1] =	stream.indirect.gather [hbm4b:s5+s12], $0x20, s29, s12, $0xb8;
	[tilespmem:$0xFB80] =	vst v63  }
0x2e3: {  	s0 =	sadd.s32 s25, s31  }
0x2e4: {  	[tilespmem:s13], [sflag:$0x4] =	stream.linear.gather [hbm4b:s0+s3], $0x200, $0x38;
	[tilespmem:$0xFB80] =	vst v63  }
.LBB2_12:
0x2e5: {  	_ =	swait.ge [sflag:s19], $0x800  }
0x2e6: {  	[sflag:s19] =	ssyncset.done $0x0  }
0x2e7: {  	[sflag:s19] =	ssyncadd.s32 $0xFFFFF800  }
0x2e8: {  	_ =	swait.ge [sflag:s19], $0x800  }
0x2e9: {  	[sflag:s19] =	ssyncset.done $0x0  }
0x2ea: {  	[sflag:s19] =	ssyncadd.s32 $0xFFFFF800  }
0x2eb: {  	_ =	swait.ge [sflag:s19], $0x800  }
0x2ec: {  	[sflag:s19] =	ssyncset.done $0x0  }
0x2ed: {  	[sflag:s19] =	ssyncadd.s32 $0xFFFFF800  }
0x2ee: {  	_ =	swait.ge [sflag:s19], $0x800  }
0x2ef: {  	[sflag:s19] =	ssyncset.done $0x0  }
0x2f0: {  	[sflag:s19] =	ssyncadd.s32 $0xFFFFF800  }
0x2f1: {  	_ =	swait.ge [sflag:s19], $0x800  }
0x2f2: {  	[sflag:s19] =	ssyncset.done $0x0  }
0x2f3: {  	[sflag:s19] =	ssyncadd.s32 $0xFFFFF800  }
0x2f4: {  	_ =	swait.ge [sflag:s19], $0x800  }
0x2f5: {  	[sflag:s19] =	ssyncset.done $0x0  }
0x2f6: {  	[sflag:s19] =	ssyncadd.s32 $0xFFFFF800  }
0x2f7: {  	_ =	swait.ge [sflag:s19], $0x800  }
0x2f8: {  	[sflag:s19] =	ssyncset.done $0x0  }
0x2f9: {  	[sflag:s19] =	ssyncadd.s32 $0xFFFFF800  }
0x2fa: {  	_ =	swait.ge [sflag:s19], $0x800  }
0x2fb: {  	[sflag:s19] =	ssyncset.done $0x0  }
0x2fc: {  	[sflag:s19] =	ssyncadd.s32 $0xFFFFF800  }
0x2fd: {  	_ =	swait.ge [sflag:s19], $0x800  }
0x2fe: {  	[sflag:s19] =	ssyncset.done $0x0  }
0x2ff: {  	[sflag:s19] =	ssyncadd.s32 $0xFFFFF800  }
0x300: {  	_ =	swait.ge [sflag:s19], $0x800  }
0x301: {  	[sflag:s19] =	ssyncset.done $0x0  }
0x302: {  	[sflag:s19] =	ssyncadd.s32 $0xFFFFF800  }
0x303: {  	s0 =	simm.s32 $0x0;
	_ =	swait.ge [sflag:s19], $0x800  }
0x304: {  	s26 =	simm.s32 $0x1;
	v4 =	vmov s0;
	[sflag:s19] =	ssyncset.done $0x0  }
0x305: {  	s31 =	simm.s32 $0x2;
	v5 =	vmov s26;
	[sflag:s19] =	ssyncadd.s32 $0xFFFFF800  }
0x306: {  	v6 =	vmov s31;
	_ =	swait.ge [sflag:s19], $0x800  }
0x307: {  	[sflag:s19] =	ssyncset.done $0x0  }
0x308: {  	[sflag:s19] =	ssyncadd.s32 $0xFFFFF800  }
0x309: {  	v1 =	vld.idx.msk [tilespmem:v4+s20+$0x0], $0xffff  }
0x30a: {  	v3 =	vld.idx.msk [tilespmem:v5+s20+$0x0], $0xffff  }
0x30b: {  	s25 =	simm.s32 $0x3;
	s26 =	simm.s32 $0xC3F0;
	v2 =	vld.idx.msk [tilespmem:v6+s20+$0x0], $0xffff  }
0x30c: {  	v8 =	vmov s25;
	v7 =	vld [tilespmem:s26+$0xFFFFA7F0]  }
0x30d: {  	v9 =	vld [tilespmem:s26+$0xFFFFAFF0]  }
0x30e: {  	v10 =	vld [tilespmem:s26+$0xFFFFB7F0]  }
0x30f: {  	v11 =	vld [tilespmem:s26+$0xFFFFBFF0]  }
0x310: {  	v13 =	vld [tilespmem:s26+$0xFFFFA790]  }
0x311: {  	v17 =	vld.idx.msk [tilespmem:v8+s20+$0x0], $0xffff  }
0x312: {  	v8 =	vand.u32 $0x3F, v8;
	v14 =	vld [tilespmem:s26+$0xFFFFAF90]  }
0x313: {  	v15 =	vld [tilespmem:s26+$0xFFFFB790];
	v12 =	vor.u32 $0x40, v8  }
0x314: {  	v16 =	vld [tilespmem:s26+$0xFFFFBF90]  }
0x315: {  	v19 =	vld [tilespmem:s26+$0xFFFFA7B0];
	v9 =	vsub.f32 v9, v7;
	v11 =	vsub.f32 v11, v10  }
0x316: {  	v18 =	vld [tilespmem:s26+$0xFFFFAFB0]  }
0x317: {  	v20 =	vld [tilespmem:s26+$0xFFFFB7B0];
	v9 =	vmul.f32 v9, v17;
	v11 =	vmul.f32 v11, v17  }
0x318: {  	v4 =	vand.u32 $0x3C, v4;
	v12 =	vld.idx.msk [tilespmem:v12+s20+$0x0], $0xffff  }
0x319: {  	v22 =	vld [tilespmem:s26+$0xFFFFBFB0];
	v21 =	vor.u32 $0x40, v4;
	v7 =	vadd.f32 v9, v7;
	v9 =	vadd.f32 v11, v10  }
0x31a: {  	v23 =	vld [tilespmem:s26+$0xFFFFA7D0];
	v6 =	vand.u32 $0x3E, v6;
	v8 =	vor.u32 $0x80, v8  }
0x31b: {  	v5 =	vand.u32 $0x3D, v5;
	v24 =	vld [tilespmem:s26+$0xFFFFAFD0];
	v25 =	vor.u32 $0x40, v6;
	v9 =	vsub.f32 v9, v7  }
0x31c: {  	v26 =	vld [tilespmem:s26+$0xFFFFB7D0];
	v14 =	vsub.f32 v14, v13;
	v16 =	vsub.f32 v16, v15;
	v11 =	vor.u32 $0x40, v5  }
0x31d: {  	v27 =	vld [tilespmem:s26+$0xFFFFBFD0];
	v18 =	vsub.f32 v18, v19;
	v9 =	vmul.f32 v9, v12  }
0x31e: {  	v14 =	vmul.f32 v14, v1;
	v16 =	vmul.f32 v16, v1;
	v10 =	vld.idx.msk [tilespmem:v21+s20+$0x0], $0xffff;
	v21 =	vsub.f32 v22, v20  }
0x31f: {  	v22 =	vmul.f32 v18, v3;
	v18 =	vld.idx.msk [tilespmem:v8+s20+$0x0], $0xffff;
	v7 =	vadd.f32 v9, v7  }
0x320: {  	s25 =	simm.s32 $0xE440;
	v8 =	vld.idx.msk [tilespmem:v25+s20+$0x0], $0xffff;
	v9 =	vadd.f32 v14, v13;
	v13 =	vadd.f32 v16, v15;
	v14 =	vmul.f32 v21, v3  }
0x321: {  	v11 =	vld.idx.msk [tilespmem:v11+s20+$0x0], $0xffff;
	v15 =	vadd.f32 v22, v19;
	v16 =	vsub.f32 v24, v23;
	[tilespmem:s25+$0x60] =	vst v7  }
0x322: {  	v4 =	vor.u32 $0x80, v4;
	v7 =	vadd.f32 v14, v20;
	v14 =	vsub.f32 v27, v26;
	v19 =	vld [tilespmem:s26+$0xFFFFA800]  }
0x323: {  	v5 =	vor.u32 $0x80, v5;
	v20 =	vor.u32 $0x80, v6;
	v6 =	vsub.f32 v13, v9;
	v13 =	vld [tilespmem:s26+$0xFFFFB000]  }
0x324: {  	v16 =	vmul.f32 v16, v2;
	v21 =	vld [tilespmem:s26+$0xFFFFB800];
	v7 =	vsub.f32 v7, v15;
	v14 =	vmul.f32 v14, v2  }
0x325: {  	v22 =	vld [tilespmem:s26+$0xFFFFC000];
	v6 =	vmul.f32 v6, v10  }
0x326: {  	v16 =	vadd.f32 v16, v23;
	v7 =	vmul.f32 v7, v11;
	v14 =	vadd.f32 v14, v26  }
0x327: {  	v4 =	vld.idx.msk [tilespmem:v4+s20+$0x0], $0xffff;
	v9 =	vadd.f32 v6, v9  }
0x328: {  	v6 =	vld.idx.msk [tilespmem:v5+s20+$0x0], $0xffff;
	v7 =	vadd.f32 v7, v15;
	v14 =	vsub.f32 v14, v16  }
0x329: {  	v5 =	vld.idx.msk [tilespmem:v20+s20+$0x0], $0xffff;
	[tilespmem:s25+$0xFFFFFF40] =	vst v9  }
0x32a: {  	v13 =	vsub.f32 v13, v19;
	v9 =	vld [tilespmem:s26+$0xFFFFA7A0];
	[tilespmem:s25+$0xFFFFFFA0] =	vst v7;
	v7 =	vmul.f32 v14, v8;
	v14 =	vsub.f32 v22, v21  }
0x32b: {  	v15 =	vld [tilespmem:s26+$0xFFFFA7C0]  }
0x32c: {  	v13 =	vmul.f32 v13, v17;
	v20 =	vld [tilespmem:s26+$0xFFFFAFC0];
	v7 =	vadd.f32 v7, v16;
	v14 =	vmul.f32 v14, v17  }
0x32d: {  	v22 =	vld [tilespmem:s26+$0xFFFFBFC0]  }
0x32e: {  	v16 =	vld [tilespmem:s26+$0xFFFFB7C0];
	[tilespmem:s25+$0x0] =	vst v7;
	v7 =	vadd.f32 v13, v19;
	v13 =	vadd.f32 v14, v21  }
0x32f: {  	v14 =	vld [tilespmem:s26+$0xFFFFA7E0]  }
0x330: {  	v19 =	vld [tilespmem:s26+$0xFFFFAFE0];
	v13 =	vsub.f32 v13, v7  }
0x331: {  	v21 =	vld [tilespmem:s26+$0xFFFFB7E0]  }
0x332: {  	v23 =	vld [tilespmem:s26+$0xFFFFBFE0];
	v20 =	vsub.f32 v20, v15;
	v13 =	vmul.f32 v13, v12  }
0x333: {  	v24 =	vld [tilespmem:s26+$0xFFFFAFA0];
	v22 =	vsub.f32 v22, v16  }
0x334: {  	v25 =	vld [tilespmem:s26+$0xFFFFB7A0];
	v20 =	vmul.f32 v20, v3;
	v7 =	vadd.f32 v13, v7  }
0x335: {  	v22 =	vmul.f32 v22, v3;
	v13 =	vld [tilespmem:s26+$0xFFFFBFA0]  }
0x336: {  	v15 =	vadd.f32 v20, v15;
	v19 =	vsub.f32 v19, v14;
	[tilespmem:s25+$0x70] =	vst v7  }
0x337: {  	v7 =	vadd.f32 v22, v16;
	v16 =	vsub.f32 v23, v21;
	v20 =	vld [tilespmem:s26+$0xFFFFC7F0]  }
0x338: {  	v22 =	vld [tilespmem:s26+$0xFFFFCFF0]  }
0x339: {  	v19 =	vmul.f32 v19, v2;
	v23 =	vld [tilespmem:s26+$0xFFFFD7F0];
	v7 =	vsub.f32 v7, v15;
	v16 =	vmul.f32 v16, v2  }
0x33a: {  	v24 =	vsub.f32 v24, v9;
	v26 =	vld [tilespmem:s26+$0xFFFFDFF0];
	v13 =	vsub.f32 v13, v25  }
0x33b: {  	v14 =	vadd.f32 v19, v14;
	v7 =	vmul.f32 v7, v11;
	v16 =	vadd.f32 v16, v21  }
0x33c: {  	v19 =	vmul.f32 v24, v1;
	v13 =	vmul.f32 v13, v1  }
0x33d: {  	v7 =	vadd.f32 v7, v15;
	v15 =	vsub.f32 v16, v14  }
0x33e: {  	v9 =	vadd.f32 v19, v9;
	v13 =	vadd.f32 v13, v25  }
0x33f: {  	v16 =	vsub.f32 v26, v23;
	[tilespmem:s25+$0xFFFFFFB0] =	vst v7;
	v7 =	vmul.f32 v15, v8;
	v15 =	vsub.f32 v22, v20  }
0x340: {  	v13 =	vsub.f32 v13, v9;
	v19 =	vld [tilespmem:s26+$0xFFFFC7B0]  }
0x341: {  	v21 =	vld [tilespmem:s26+$0xFFFFCFB0];
	v7 =	vadd.f32 v7, v14;
	v14 =	vmul.f32 v15, v12;
	v15 =	vmul.f32 v16, v12  }
0x342: {  	v22 =	vld [tilespmem:s26+$0xFFFFDFB0]  }
0x343: {  	v16 =	vld [tilespmem:s26+$0xFFFFD7B0];
	v13 =	vmul.f32 v13, v10;
	[tilespmem:s25+$0x10] =	vst v7;
	v7 =	vadd.f32 v14, v20;
	v14 =	vadd.f32 v15, v23  }
0x344: {  	v15 =	vld [tilespmem:s26+$0xFFFFC7D0]  }
0x345: {  	v9 =	vadd.f32 v13, v9;
	v13 =	vld [tilespmem:s26+$0xFFFFCFD0];
	v14 =	vsub.f32 v14, v7  }
0x346: {  	v20 =	vld [tilespmem:s26+$0xFFFFD7D0]  }
0x347: {  	[tilespmem:s25+$0xFFFFFF50] =	vst v9;
	v9 =	vld [tilespmem:s26+$0xFFFFDFD0];
	v14 =	vmul.f32 v14, v18  }
0x348: {  	v21 =	vsub.f32 v21, v19;
	v23 =	vld [tilespmem:s26+$0xFFFFC790]  }
0x349: {  	v22 =	vsub.f32 v22, v16;
	v24 =	vld [tilespmem:s26+$0xFFFFCF90];
	v7 =	vadd.f32 v14, v7  }
0x34a: {  	v25 =	vld [tilespmem:s26+$0xFFFFDF90];
	v14 =	vmul.f32 v21, v11  }
0x34b: {  	v22 =	vmul.f32 v22, v11;
	v21 =	vld [tilespmem:s26+$0xFFFFD790];
	[tilespmem:s25+$0x80] =	vst v7  }
0x34c: {  	v13 =	vsub.f32 v13, v15;
	v7 =	vadd.f32 v14, v19;
	v14 =	vld [tilespmem:s26+$0xFFFFC800]  }
0x34d: {  	v16 =	vadd.f32 v22, v16;
	v9 =	vsub.f32 v9, v20;
	v19 =	vld [tilespmem:s26+$0xFFFFD000]  }
0x34e: {  	s31 =	simm.s32 $0x4;
	v13 =	vmul.f32 v13, v8;
	v22 =	vsub.f32 v24, v23;
	v24 =	vld [tilespmem:s26+$0xFFFFD800]  }
0x34f: {  	v26 =	vmov s31;
	s31 =	simm.s32 $0x5;
	v27 =	vld [tilespmem:s26+$0xFFFFE000];
	v9 =	vmul.f32 v9, v8;
	v16 =	vsub.f32 v16, v7  }
0x350: {  	v13 =	vadd.f32 v13, v15;
	v15 =	vmov s31;
	v22 =	vmul.f32 v22, v10  }
0x351: {  	v25 =	vsub.f32 v25, v21;
	v9 =	vadd.f32 v9, v20;
	v16 =	vmul.f32 v16, v6  }
0x352: {  	v20 =	vadd.f32 v22, v23  }
0x353: {  	s28 =	simm.s32 $0xC470;
	v22 =	vmul.f32 v25, v10;
	v9 =	vsub.f32 v9, v13;
	v16 =	vadd.f32 v16, v7  }
0x354: {  	v60 =	vld [tilespmem:s28+$0xFFFFA7F0];
	v19 =	vsub.f32 v19, v14;
	v23 =	vsub.f32 v27, v24  }
0x355: {  	v7 =	vld.idx.msk [tilespmem:v26+s20+$0x0], $0xffff;
	v21 =	vadd.f32 v22, v21;
	v25 =	vmul.f32 v9, v5  }
0x356: {  	v9 =	vld.idx.msk [tilespmem:v15+s20+$0x0], $0xffff;
	[tilespmem:s25+$0xFFFFFFC0] =	vst v16;
	v19 =	vmul.f32 v19, v12;
	v12 =	vmul.f32 v23, v12  }
0x357: {  	v16 =	vld [tilespmem:s26+$0xFFFFC7C0];
	v21 =	vsub.f32 v21, v20;
	v13 =	vadd.f32 v25, v13  }
0x358: {  	v22 =	vld [tilespmem:s26+$0xFFFFCFC0];
	v14 =	vadd.f32 v19, v14;
	v12 =	vadd.f32 v12, v24  }
0x359: {  	v23 =	vld [tilespmem:s26+$0xFFFFD7C0]  }
0x35a: {  	v19 =	vld [tilespmem:s26+$0xFFFFDFC0];
	[tilespmem:s25+$0x20] =	vst v13;
	v13 =	vmul.f32 v21, v4;
	v12 =	vsub.f32 v12, v14  }
0x35b: {  	v21 =	vld [tilespmem:s26+$0xFFFFC7E0]  }
0x35c: {  	v24 =	vld [tilespmem:s26+$0xFFFFD7E0];
	v13 =	vadd.f32 v13, v20;
	v12 =	vmul.f32 v12, v18  }
0x35d: {  	v20 =	vld [tilespmem:s26+$0xFFFFCFE0]  }
0x35e: {  	v22 =	vsub.f32 v22, v16;
	[tilespmem:s25+$0xFFFFFF60] =	vst v13;
	v13 =	vld [tilespmem:s26+$0xFFFFDFE0];
	v12 =	vadd.f32 v12, v14  }
0x35f: {  	v14 =	vsub.f32 v19, v23;
	v25 =	vld [tilespmem:s26+$0xFFFFC7A0]  }
0x360: {  	s31 =	simm.s32 $0x6;
	v22 =	vmul.f32 v22, v11;
	v19 =	vld [tilespmem:s26+$0xFFFFCFA0];
	[tilespmem:s25+$0x90] =	vst v12  }
0x361: {  	v12 =	vand.u32 $0x3C, v26;
	v26 =	vmov s31;
	v11 =	vmul.f32 v14, v11;
	v28 =	vld [tilespmem:s26+$0xFFFFE7F0]  }
0x362: {  	v16 =	vadd.f32 v22, v16;
	v14 =	vsub.f32 v20, v21;
	v20 =	vor.u32 $0x80, v12;
	v22 =	vld [tilespmem:s26+$0xFFFFEFF0]  }
0x363: {  	v15 =	vand.u32 $0x3D, v15;
	v12 =	vor.u32 $0x40, v12;
	v31 =	vld [tilespmem:s26+$0xFFFFFFF0]  }
0x364: {  	v29 =	vor.u32 $0x80, v15;
	v11 =	vadd.f32 v11, v23;
	v23 =	vld [tilespmem:s26+$0xFFFFF7F0];
	v13 =	vsub.f32 v13, v24  }
0x365: {  	v15 =	vor.u32 $0x40, v15;
	v27 =	vld [tilespmem:s26+$0xFFFFD7A0];
	v30 =	vand.u32 $0x3E, v26  }
0x366: {  	v32 =	vmul.f32 v14, v8;
	v11 =	vsub.f32 v11, v16;
	v13 =	vmul.f32 v13, v8;
	v14 =	vld.idx.msk [tilespmem:v26+s20+$0x0], $0xffff  }
0x367: {  	v8 =	vld.idx.msk [tilespmem:v20+s20+$0x0], $0xffff;
	v20 =	vor.u32 $0x40, v30  }
0x368: {  	v21 =	vadd.f32 v32, v21;
	v26 =	vmul.f32 v11, v6;
	v24 =	vadd.f32 v13, v24;
	v13 =	vld.idx.msk [tilespmem:v12+s20+$0x0], $0xffff  }
0x369: {  	v22 =	vsub.f32 v22, v28;
	v12 =	vld.idx.msk [tilespmem:v29+s20+$0x0], $0xffff;
	v29 =	vsub.f32 v31, v23  }
0x36a: {  	v34 =	vld [tilespmem:s26+$0xFFFFDFA0];
	v26 =	vadd.f32 v26, v16;
	v24 =	vsub.f32 v24, v21  }
0x36b: {  	v16 =	vld.idx.msk [tilespmem:v15+s20+$0x0], $0xffff;
	v22 =	vmul.f32 v22, v17;
	v29 =	vmul.f32 v29, v17  }
0x36c: {  	[tilespmem:s25+$0xFFFFFFD0] =	vst v26;
	v24 =	vmul.f32 v24, v5;
	v15 =	vld.idx.msk [tilespmem:v20+s20+$0x0], $0xffff  }
0x36d: {  	v22 =	vadd.f32 v22, v28;
	v20 =	vld [tilespmem:s26+$0xFFFFE7B0];
	v23 =	vadd.f32 v29, v23  }
0x36e: {  	v26 =	vld [tilespmem:s26+$0xFFFFF7B0];
	v21 =	vadd.f32 v24, v21  }
0x36f: {  	v24 =	vld [tilespmem:s26+$0xFFFFEFB0];
	v23 =	vsub.f32 v23, v22  }
0x370: {  	[tilespmem:s25+$0x30] =	vst v21;
	v21 =	vld [tilespmem:s26+$0xFFFFFFB0]  }
0x371: {  	v23 =	vmul.f32 v23, v18;
	v28 =	vld [tilespmem:s26+$0xFFFFE7D0]  }
0x372: {  	v19 =	vsub.f32 v19, v25;
	v29 =	vld [tilespmem:s26+$0xFFFFEFD0]  }
0x373: {  	v33 =	vor.u32 $0x80, v30;
	v30 =	vld [tilespmem:s26+$0xFFFFF7D0];
	v22 =	vadd.f32 v23, v22  }
0x374: {  	v19 =	vmul.f32 v19, v10;
	v31 =	vld [tilespmem:s26+$0xFFFFFFD0];
	v23 =	vsub.f32 v34, v27  }
0x375: {  	v62 =	vld [tilespmem:s28+$0xFFFFAFF0];
	[tilespmem:s25+$0xA0] =	vst v22  }
0x376: {  	v19 =	vadd.f32 v19, v25;
	v10 =	vmul.f32 v23, v10;
	v61 =	vld [tilespmem:s26+$0xFFFFE800]  }
0x377: {  	s31 =	simm.s32 $0x7;
	v23 =	vsub.f32 v24, v20;
	v22 =	vld [tilespmem:s26+$0xFFFFF000];
	v21 =	vsub.f32 v21, v26  }
0x378: {  	v25 =	vld [tilespmem:s26+$0xFFFFF800];
	v10 =	vadd.f32 v10, v27;
	v24 =	vsub.f32 v29, v28;
	v27 =	vmov s31  }
0x379: {  	v29 =	vld [tilespmem:s26+$0x0];
	v23 =	vmul.f32 v23, v3;
	v31 =	vsub.f32 v31, v30  }
0x37a: {  	v35 =	vld [tilespmem:s28+$0xFFFFB7F0];
	v21 =	vmul.f32 v21, v3;
	v10 =	vsub.f32 v10, v19;
	v24 =	vmul.f32 v24, v2  }
0x37b: {  	v38 =	vld [tilespmem:s28+$0xFFFFBF90];
	v20 =	vadd.f32 v23, v20;
	v23 =	vmul.f32 v31, v2  }
0x37c: {  	v31 =	vld [tilespmem:s28+$0xFFFFBFF0];
	v26 =	vadd.f32 v21, v26;
	v36 =	vmul.f32 v10, v4;
	v28 =	vadd.f32 v24, v28  }
0x37d: {  	v24 =	vadd.f32 v23, v30;
	v23 =	vand.u32 $0x3F, v27;
	v10 =	vld.idx.msk [tilespmem:v27+s20+$0x0], $0xffff;
	v27 =	vsub.f32 v22, v61  }
0x37e: {  	v11 =	vld.idx.msk [tilespmem:v33+s20+$0x0], $0xffff;
	v26 =	vsub.f32 v26, v20;
	v29 =	vsub.f32 v29, v25;
	v37 =	vor.u32 $0x40, v23  }
0x37f: {  	v21 =	vld [tilespmem:s28+$0xFFFFA790];
	v36 =	vadd.f32 v36, v19;
	v19 =	vsub.f32 v24, v28;
	v24 =	vmul.f32 v27, v17  }
0x380: {  	v30 =	vld [tilespmem:s28+$0xFFFFAF90];
	v26 =	vmul.f32 v26, v6;
	v17 =	vmul.f32 v29, v17  }
0x381: {  	v22 =	vld [tilespmem:s28+$0xFFFFB790];
	v29 =	vsub.f32 v62, v60;
	v31 =	vsub.f32 v31, v35;
	v63 =	vmul.f32 v19, v5  }
0x382: {  	v27 =	vld [tilespmem:s28+$0xFFFFAFB0];
	v19 =	vadd.f32 v24, v61;
	v25 =	vadd.f32 v17, v25  }
0x383: {  	v24 =	vld [tilespmem:s28+$0xFFFFA7B0];
	v20 =	vadd.f32 v26, v20;
	v26 =	vadd.f32 v63, v28  }
0x384: {  	v17 =	vld.idx.msk [tilespmem:v37+s20+$0x0], $0xffff;
	v28 =	vmul.f32 v29, v10;
	v29 =	vmul.f32 v31, v10;
	v33 =	vsub.f32 v25, v19  }
0x385: {  	[tilespmem:s25+$0xFFFFFF70] =	vst v36;
	v30 =	vsub.f32 v30, v21;
	v31 =	vld [tilespmem:s28+$0xFFFFBFB0]  }
0x386: {  	v25 =	vld [tilespmem:s28+$0xFFFFB7B0];
	[tilespmem:s25+$0xFFFFFFE0] =	vst v20;
	v28 =	vadd.f32 v28, v60;
	v32 =	vadd.f32 v29, v35;
	v20 =	vmul.f32 v33, v18  }
0x387: {  	s30 =	simm.s32 $0x8;
	s29 =	simm.s32 $0xE440;
	[tilespmem:s25+$0x40] =	vst v26;
	v29 =	vmul.f32 v30, v7;
	v30 =	vsub.f32 v38, v22;
	v26 =	vld [tilespmem:s28+$0xFFFFA7D0]  }
.LBB2_13:
0x388: {  	p1 =	slt.u32 s30, $0x3C;
	v18 =	vld [tilespmem:s28+$0xFFFFAFD0];
	v32 =	vsub.f32 v32, v28;
	v19 =	vadd.f32 v20, v19  }
0x389: {  	v27 =	vsub.f32 v27, v24;
	v23 =	vor.u32 $0x80, v23;
	v20 =	vmul.f32 v30, v7;
	v30 =	vld [tilespmem:s28+$0xFFFFB7D0]  }
0x38a: {  	v21 =	vadd.f32 v29, v21;
	v29 =	vld [tilespmem:s28+$0xFFFFBFD0];
	v32 =	vmul.f32 v32, v17;
	[tilespmem:s25+$0xB0] =	vst v19  }
0x38b: {  	v19 =	vadd.f32 v20, v22;
	v20 =	vmul.f32 v27, v9;
	v22 =	vsub.f32 v31, v25;
	v27 =	vld [tilespmem:s26+$0xFFFFE790]  }
0x38c: {  	v28 =	vadd.f32 v32, v28;
	v31 =	vld [tilespmem:s26+$0xFFFFEF90]  }
0x38d: {  	s25 =	sadd.s32 $0x180, s25;
	v20 =	vadd.f32 v20, v24;
	v22 =	vmul.f32 v22, v9;
	v24 =	vsub.f32 v18, v26;
	v32 =	vld [tilespmem:s26+$0xFFFFF790]  }
0x38e: {  	v19 =	vsub.f32 v19, v21;
	v18 =	vld.idx.msk [tilespmem:v23+s20+$0x0], $0xffff;
	[tilespmem:s25+$0x60] =	vst v28  }
0x38f: {  	v22 =	vadd.f32 v22, v25;
	v23 =	vmul.f32 v24, v14;
	v24 =	vsub.f32 v29, v30;
	v25 =	vld [tilespmem:s28+$0xFFFFA800]  }
0x390: {  	v19 =	vmul.f32 v19, v13;
	v28 =	vld [tilespmem:s28+$0xFFFFB000]  }
0x391: {  	v22 =	vsub.f32 v22, v20;
	v23 =	vadd.f32 v23, v26;
	v24 =	vmul.f32 v24, v14;
	v26 =	vld [tilespmem:s28+$0xFFFFB800]  }
0x392: {  	v19 =	vadd.f32 v19, v21;
	v29 =	vsub.f32 v31, v27;
	v21 =	vld [tilespmem:s28+$0xFFFFC000]  }
0x393: {  	v22 =	vmul.f32 v22, v16;
	v24 =	vadd.f32 v24, v30;
	v30 =	vld [tilespmem:s26+$0xFFFFFF90]  }
0x394: {  	[tilespmem:s25+$0xFFFFFF40] =	vst v19;
	v19 =	vmul.f32 v29, v1;
	v29 =	vld [tilespmem:s26+$0xFFFFE7C0]  }
0x395: {  	v31 =	vld [tilespmem:s28+$0xFFFFA7A0];
	v20 =	vadd.f32 v22, v20;
	v22 =	vsub.f32 v24, v23  }
0x396: {  	v24 =	vld [tilespmem:s28+$0xFFFFAFA0];
	v19 =	vadd.f32 v19, v27  }
0x397: {  	v27 =	vld [tilespmem:s28+$0xFFFFB7A0];
	[tilespmem:s25+$0xFFFFFFA0] =	vst v20;
	v20 =	vmul.f32 v22, v15;
	v22 =	vsub.f32 v28, v25;
	v21 =	vsub.f32 v21, v26  }
0x398: {  	v28 =	vld [tilespmem:s28+$0xFFFFA7C0];
	v30 =	vsub.f32 v30, v32  }
0x399: {  	v33 =	vld [tilespmem:s28+$0xFFFFAFC0];
	v20 =	vadd.f32 v20, v23;
	v22 =	vmul.f32 v22, v10;
	v21 =	vmul.f32 v21, v10  }
0x39a: {  	v23 =	vld [tilespmem:s28+$0xFFFFB7C0];
	v30 =	vmul.f32 v30, v1  }
0x39b: {  	v34 =	vld [tilespmem:s28+$0xFFFFBFC0];
	[tilespmem:s25+$0x0] =	vst v20;
	v20 =	vadd.f32 v22, v25;
	v21 =	vadd.f32 v21, v26  }
0x39c: {  	v22 =	vsub.f32 v24, v31;
	v24 =	vld [tilespmem:s28+$0xFFFFA7E0];
	v25 =	vadd.f32 v30, v32  }
0x39d: {  	v26 =	vld [tilespmem:s28+$0xFFFFAFE0];
	v21 =	vsub.f32 v21, v20  }
0x39e: {  	v22 =	vmul.f32 v22, v7;
	v30 =	vsub.f32 v33, v28;
	v32 =	vld [tilespmem:s28+$0xFFFFB7E0];
	v25 =	vsub.f32 v25, v19  }
0x39f: {  	v33 =	vld [tilespmem:s28+$0xFFFFBFE0];
	v21 =	vmul.f32 v21, v17  }
0x3a0: {  	v22 =	vadd.f32 v22, v31;
	v35 =	vld [tilespmem:s28+$0xFFFFBFA0];
	v30 =	vmul.f32 v30, v9;
	v31 =	vsub.f32 v34, v23  }
0x3a1: {  	v20 =	vadd.f32 v21, v20;
	v21 =	vmul.f32 v25, v4;
	v25 =	vld [tilespmem:s26+$0xFFFFEFC0]  }
0x3a2: {  	v28 =	vadd.f32 v30, v28;
	v30 =	vmul.f32 v31, v9;
	v26 =	vsub.f32 v26, v24;
	v31 =	vld [tilespmem:s26+$0xFFFFF7C0]  }
0x3a3: {  	[tilespmem:s25+$0x70] =	vst v20;
	v19 =	vadd.f32 v21, v19;
	v20 =	vld [tilespmem:s26+$0xFFFFFFC0]  }
0x3a4: {  	v21 =	vadd.f32 v30, v23;
	v23 =	vmul.f32 v26, v14;
	v26 =	vsub.f32 v33, v32;
	v30 =	vld [tilespmem:s28+$0xFFFFC7F0]  }
0x3a5: {  	v33 =	vsub.f32 v35, v27;
	v34 =	vld [tilespmem:s28+$0xFFFFCFF0];
	[tilespmem:s29+$0xFFFFFF80] =	vst v19  }
0x3a6: {  	v19 =	vsub.f32 v21, v28;
	v21 =	vadd.f32 v23, v24;
	v23 =	vmul.f32 v26, v14;
	v24 =	vld [tilespmem:s28+$0xFFFFD7F0]  }
0x3a7: {  	v25 =	vsub.f32 v25, v29;
	v26 =	vmul.f32 v33, v7;
	v33 =	vld [tilespmem:s28+$0xFFFFDFF0]  }
0x3a8: {  	v19 =	vmul.f32 v19, v16;
	v23 =	vadd.f32 v23, v32;
	v20 =	vsub.f32 v20, v31;
	v32 =	vld [tilespmem:s26+$0xFFFFE7E0]  }
0x3a9: {  	v25 =	vmul.f32 v25, v3;
	v26 =	vadd.f32 v26, v27;
	v27 =	vld [tilespmem:s26+$0xFFFFEFE0]  }
0x3aa: {  	v19 =	vadd.f32 v19, v28;
	v23 =	vsub.f32 v23, v21;
	v20 =	vmul.f32 v20, v3;
	v28 =	vld [tilespmem:s26+$0xFFFFF7E0];
	v3 =	vmovc v9  }
0x3ab: {  	v25 =	vadd.f32 v25, v29;
	v9 =	vsub.f32 v26, v22;
	v26 =	vld [tilespmem:s26+$0xFFFFFFE0]  }
0x3ac: {  	[tilespmem:s25+$0xFFFFFFB0] =	vst v19;
	v19 =	vmul.f32 v23, v15;
	v23 =	vsub.f32 v34, v30;
	v29 =	vsub.f32 v33, v24;
	v33 =	vld [tilespmem:s26+$0xFFFFE7A0]  }
0x3ad: {  	v20 =	vadd.f32 v20, v31;
	v9 =	vmul.f32 v9, v13;
	v34 =	vld [tilespmem:s28+$0xFFFFC7B0]  }
0x3ae: {  	v31 =	vld [tilespmem:s28+$0xFFFFCFB0];
	v19 =	vadd.f32 v19, v21;
	v21 =	vmul.f32 v23, v17;
	v23 =	vmul.f32 v29, v17  }
0x3af: {  	v27 =	vsub.f32 v27, v32;
	v9 =	vadd.f32 v9, v22;
	v22 =	vld [tilespmem:s28+$0xFFFFD7B0]  }
0x3b0: {  	v29 =	vld [tilespmem:s28+$0xFFFFDFB0];
	[tilespmem:s25+$0x10] =	vst v19;
	v19 =	vadd.f32 v21, v30;
	v21 =	vadd.f32 v23, v24  }
0x3b1: {  	v20 =	vsub.f32 v20, v25;
	v23 =	vmul.f32 v27, v2;
	v24 =	vsub.f32 v26, v28;
	[tilespmem:s25+$0xFFFFFF50] =	vst v9;
	v9 =	vld [tilespmem:s28+$0xFFFFC7D0]  }
0x3b2: {  	v26 =	vld [tilespmem:s28+$0xFFFFCFD0];
	v21 =	vsub.f32 v21, v19  }
0x3b3: {  	v23 =	vadd.f32 v23, v32;
	v24 =	vmul.f32 v24, v2;
	v2 =	vmovc v14;
	v27 =	vsub.f32 v31, v34;
	v30 =	vld [tilespmem:s28+$0xFFFFD7D0]  }
0x3b4: {  	v20 =	vmul.f32 v20, v6;
	v6 =	vmov v12;
	v14 =	vld [tilespmem:s28+$0xFFFFDFD0];
	v21 =	vmul.f32 v21, v18  }
0x3b5: {  	v24 =	vadd.f32 v24, v28;
	v12 =	vld [tilespmem:s28+$0xFFFFC790];
	v27 =	vmul.f32 v27, v16;
	v29 =	vsub.f32 v29, v22  }
0x3b6: {  	v20 =	vadd.f32 v20, v25;
	v28 =	vld [tilespmem:s28+$0xFFFFCF90];
	v19 =	vadd.f32 v21, v19  }
0x3b7: {  	v21 =	vld [tilespmem:s28+$0xFFFFD790];
	v25 =	vadd.f32 v27, v34;
	v27 =	vmul.f32 v29, v16;
	v26 =	vsub.f32 v26, v9  }
0x3b8: {  	v29 =	vld [tilespmem:s28+$0xFFFFDF90];
	[tilespmem:s25+$0x80] =	vst v19;
	v19 =	vsub.f32 v24, v23  }
0x3b9: {  	v22 =	vadd.f32 v27, v22;
	v24 =	vmul.f32 v26, v15;
	v14 =	vsub.f32 v14, v30;
	v26 =	vld [tilespmem:s28+$0xFFFFC800];
	[tilespmem:s29+$0xFFFFFFF0] =	vst v20  }
0x3ba: {  	v20 =	vmov s30;
	v27 =	vld [tilespmem:s28+$0xFFFFD000];
	v19 =	vmul.f32 v19, v5;
	v5 =	vmov v11  }
0x3bb: {  	s0 =	sadd.s32 $0x1, s30;
	v11 =	vsub.f32 v28, v12;
	v24 =	vadd.f32 v24, v9;
	v9 =	vmul.f32 v14, v15;
	v14 =	vld [tilespmem:s28+$0xFFFFD800]  }
0x3bc: {  	v28 =	vmov s0;
	v22 =	vsub.f32 v22, v25;
	v31 =	vld [tilespmem:s28+$0xFFFFE000];
	v19 =	vadd.f32 v19, v23  }
0x3bd: {  	v11 =	vmul.f32 v11, v13;
	v23 =	vsub.f32 v29, v21;
	v9 =	vadd.f32 v9, v30;
	v29 =	vld [tilespmem:s26+$0xFFFFEFA0]  }
0x3be: {  	v22 =	vmul.f32 v22, v6;
	v30 =	vld [tilespmem:s26+$0xFFFFF7A0];
	[tilespmem:s29+$0x50] =	vst v19  }
0x3bf: {  	v11 =	vadd.f32 v11, v12;
	v12 =	vmul.f32 v23, v13;
	v9 =	vsub.f32 v9, v24;
	v19 =	vld [tilespmem:s26+$0xFFFFFFA0];
	s26 =	smov.u32 s28  }
0x3c0: {  	v22 =	vadd.f32 v22, v25  }
0x3c1: {  	v27 =	vsub.f32 v27, v26;
	v23 =	vld.idx.msk [tilespmem:v20+s20+$0x0], $0xffff;
	v25 =	vmul.f32 v9, v5;
	v31 =	vsub.f32 v31, v14  }
0x3c2: {  	v12 =	vadd.f32 v12, v21;
	v9 =	vld.idx.msk [tilespmem:v28+s20+$0x0], $0xffff;
	[tilespmem:s25+$0xFFFFFFC0] =	vst v22;
	v21 =	vsub.f32 v29, v33  }
0x3c3: {  	v22 =	vld [tilespmem:s28+$0xFFFFC7C0];
	v24 =	vadd.f32 v25, v24;
	v25 =	vmul.f32 v27, v17;
	v17 =	vmul.f32 v31, v17  }
0x3c4: {  	v12 =	vsub.f32 v12, v11;
	v27 =	vld [tilespmem:s28+$0xFFFFCFC0];
	v21 =	vmul.f32 v21, v1;
	v19 =	vsub.f32 v19, v30  }
0x3c5: {  	v29 =	vld [tilespmem:s28+$0xFFFFD7C0];
	[tilespmem:s25+$0x20] =	vst v24;
	v24 =	vadd.f32 v25, v26;
	v14 =	vadd.f32 v17, v14  }
0x3c6: {  	v12 =	vmul.f32 v12, v8;
	v17 =	vld [tilespmem:s28+$0xFFFFDFC0];
	v21 =	vadd.f32 v21, v33;
	v19 =	vmul.f32 v19, v1;
	v1 =	vmovc v7  }
0x3c7: {  	v7 =	vmov v23;
	v25 =	vld [tilespmem:s28+$0xFFFFC7E0];
	v14 =	vsub.f32 v14, v24  }
0x3c8: {  	v11 =	vadd.f32 v12, v11;
	v12 =	vld [tilespmem:s28+$0xFFFFCFE0];
	v19 =	vadd.f32 v19, v30  }
0x3c9: {  	v23 =	vsub.f32 v27, v22;
	v26 =	vld [tilespmem:s28+$0xFFFFD7E0];
	v14 =	vmul.f32 v14, v18  }
0x3ca: {  	[tilespmem:s25+$0xFFFFFF60] =	vst v11;
	v11 =	vld [tilespmem:s28+$0xFFFFDFE0];
	v19 =	vsub.f32 v19, v21  }
0x3cb: {  	s0 =	sadd.s32 $0x2, s30;
	v27 =	vld [tilespmem:s28+$0xFFFFC7A0];
	v23 =	vmul.f32 v23, v16;
	v17 =	vsub.f32 v17, v29;
	v14 =	vadd.f32 v14, v24  }
0x3cc: {  	v20 =	vand.u32 $0x3C, v20;
	v24 =	vmov s0;
	v30 =	vld [tilespmem:s28+$0xFFFFCFA0];
	v19 =	vmul.f32 v19, v4;
	v4 =	vmovc v8  }
0x3cd: {  	v31 =	vld [tilespmem:s28+$0xFFFFD7A0];
	v22 =	vadd.f32 v23, v22;
	v8 =	vmul.f32 v17, v16;
	v12 =	vsub.f32 v12, v25;
	[tilespmem:s25+$0x90] =	vst v14  }
0x3ce: {  	v16 =	vor.u32 $0x80, v20;
	v14 =	vand.u32 $0x3D, v28;
	v17 =	vld [tilespmem:s28+$0xFFFFE7F0];
	v19 =	vadd.f32 v19, v21  }
0x3cf: {  	v8 =	vadd.f32 v8, v29;
	v12 =	vmul.f32 v12, v15;
	v11 =	vsub.f32 v11, v26;
	v21 =	vld [tilespmem:s28+$0xFFFFEFF0]  }
0x3d0: {  	v20 =	vor.u32 $0x40, v20;
	v28 =	vand.u32 $0x3E, v24;
	v23 =	vor.u32 $0x80, v14;
	v29 =	vld [tilespmem:s28+$0xFFFFF7F0];
	[tilespmem:s29+$0xFFFFFF90] =	vst v19;
	s29 =	smov.u32 s25  }
0x3d1: {  	v19 =	vsub.f32 v30, v27;
	v25 =	vadd.f32 v12, v25;
	v11 =	vmul.f32 v11, v15;
	v15 =	vld [tilespmem:s28+$0xFFFFFFF0]  }
0x3d2: {  	v30 =	vor.u32 $0x80, v28;
	v12 =	vsub.f32 v8, v22;
	v32 =	vld [tilespmem:s28+$0xFFFFDFA0]  }
0x3d3: {  	v33 =	vor.u32 $0x40, v14;
	v14 =	vld.idx.msk [tilespmem:v24+s20+$0x0], $0xffff;
	v19 =	vmul.f32 v19, v13;
	v11 =	vadd.f32 v11, v26  }
0x3d4: {  	v24 =	vor.u32 $0x40, v28;
	v8 =	vld.idx.msk [tilespmem:v16+s20+$0x0], $0xffff;
	v16 =	vmul.f32 v12, v6  }
0x3d5: {  	v20 =	vld.idx.msk [tilespmem:v20+s20+$0x0], $0xffff;
	v19 =	vadd.f32 v19, v27;
	v26 =	vsub.f32 v11, v25  }
0x3d6: {  	v21 =	vsub.f32 v21, v17;
	v12 =	vld.idx.msk [tilespmem:v23+s20+$0x0], $0xffff;
	v15 =	vsub.f32 v15, v29  }
0x3d7: {  	v22 =	vadd.f32 v16, v22;
	v11 =	vld.idx.msk [tilespmem:v30+s20+$0x0], $0xffff;
	v23 =	vsub.f32 v32, v31;
	v26 =	vmul.f32 v26, v5  }
0x3d8: {  	v21 =	vmul.f32 v21, v10;
	v16 =	vld.idx.msk [tilespmem:v33+s20+$0x0], $0xffff;
	v27 =	vmul.f32 v15, v10  }
0x3d9: {  	v15 =	vld.idx.msk [tilespmem:v24+s20+$0x0], $0xffff;
	v28 =	vmul.f32 v23, v13;
	[tilespmem:s25+$0xFFFFFFD0] =	vst v22;
	v22 =	vadd.f32 v26, v25  }
0x3da: {  	v17 =	vadd.f32 v21, v17;
	v23 =	vld [tilespmem:s28+$0xFFFFE7B0];
	v21 =	vadd.f32 v27, v29  }
0x3db: {  	v13 =	vmov v20;
	v24 =	vadd.f32 v28, v31;
	v25 =	vld [tilespmem:s28+$0xFFFFEFB0];
	[tilespmem:s25+$0x30] =	vst v22  }
0x3dc: {  	v20 =	vld [tilespmem:s28+$0xFFFFF7B0];
	v21 =	vsub.f32 v21, v17  }
0x3dd: {  	v22 =	vsub.f32 v24, v19;
	v24 =	vld [tilespmem:s28+$0xFFFFFFB0]  }
0x3de: {  	v26 =	vld [tilespmem:s28+$0xFFFFE7D0];
	v21 =	vmul.f32 v21, v18  }
0x3df: {  	v22 =	vmul.f32 v22, v4;
	v27 =	vld [tilespmem:s28+$0xFFFFEFD0]  }
0x3e0: {  	v25 =	vsub.f32 v25, v23;
	v28 =	vld [tilespmem:s28+$0xFFFFF7D0];
	v17 =	vadd.f32 v21, v17  }
0x3e1: {  	s28 =	sadd.s32 $0x80, s28;
	v19 =	vadd.f32 v22, v19;
	v21 =	vld [tilespmem:s26+$0xFFFFFFD0]  }
0x3e2: {  	v29 =	vld [tilespmem:s28+$0xFFFFA7F0];
	v22 =	vmul.f32 v25, v3;
	v24 =	vsub.f32 v24, v20;
	[tilespmem:s25+$0xA0] =	vst v17  }
0x3e3: {  	[tilespmem:s25+$0xFFFFFF70] =	vst v19;
	v17 =	vld [tilespmem:s26+$0xFFFFE800]  }
0x3e4: {  	v25 =	vadd.f32 v22, v23;
	v19 =	vmul.f32 v24, v3;
	v22 =	vsub.f32 v27, v26;
	v24 =	vld [tilespmem:s26+$0xFFFFF000]  }
0x3e5: {  	s0 =	sadd.s32 $0x3, s30;
	v27 =	vld [tilespmem:s26+$0xFFFFF800]  }
0x3e6: {  	v23 =	vmov s0;
	v22 =	vmul.f32 v22, v2;
	v21 =	vsub.f32 v21, v28;
	v30 =	vld [tilespmem:s26+$0x0]  }
0x3e7: {  	v19 =	vadd.f32 v19, v20;
	v31 =	vld [tilespmem:s28+$0xFFFFAFF0]  }
0x3e8: {  	v20 =	vld [tilespmem:s28+$0xFFFFB7F0];
	v26 =	vadd.f32 v22, v26;
	v22 =	vmul.f32 v21, v2  }
0x3e9: {  	v19 =	vsub.f32 v19, v25;
	v32 =	vld [tilespmem:s28+$0xFFFFBFF0]  }
0x3ea: {  	v21 =	vld [tilespmem:s28+$0xFFFFA790];
	v22 =	vadd.f32 v22, v28  }
0x3eb: {  	v24 =	vsub.f32 v24, v17;
	v28 =	vld.idx.msk [tilespmem:v23+s20+$0x0], $0xffff;
	v23 =	vand.u32 $0x3F, v23;
	v30 =	vsub.f32 v30, v27  }
0x3ec: {  	v35 =	vmul.f32 v19, v6;
	v33 =	vld [tilespmem:s28+$0xFFFFAF90];
	v34 =	vor.u32 $0x40, v23;
	v19 =	vsub.f32 v22, v26  }
0x3ed: {  	v36 =	vmul.f32 v24, v10;
	v22 =	vld [tilespmem:s28+$0xFFFFB790];
	v10 =	vmul.f32 v30, v10  }
0x3ee: {  	v31 =	vsub.f32 v31, v29;
	v30 =	vld [tilespmem:s28+$0xFFFFBF90];
	v32 =	vsub.f32 v32, v20;
	v37 =	vmul.f32 v19, v5  }
0x3ef: {  	v19 =	vadd.f32 v36, v17;
	v24 =	vld [tilespmem:s28+$0xFFFFA7B0];
	v38 =	vadd.f32 v10, v27  }
.Ltmp5:
0x3f0: {  	v35 =	vadd.f32 v35, v25;
	v27 =	vld [tilespmem:s28+$0xFFFFAFB0];
	v26 =	vadd.f32 v37, v26;
	(pc) =	sbr.rel @p1 .LBB2_13-.Ltmp5, $4  }
0x3f1: {  	v32 =	vmul.f32 v32, v28;
	v17 =	vld.idx.msk [tilespmem:v34+s20+$0x0], $0xffff;
	v34 =	vmul.f32 v31, v28;
	v36 =	vsub.f32 v38, v19  }
0x3f2: {  	v33 =	vsub.f32 v33, v21;
	v10 =	vmov v28;
	v25 =	vld [tilespmem:s28+$0xFFFFB7B0];
	[tilespmem:s25+$0xFFFFFFE0] =	vst v35  }
0x3f3: {  	v32 =	vadd.f32 v32, v20;
	v31 =	vld [tilespmem:s28+$0xFFFFBFB0];
	v28 =	vadd.f32 v34, v29;
	[tilespmem:s25+$0x40] =	vst v26;
	v20 =	vmul.f32 v36, v18  }
0x3f4: {  	s30 =	sadd.s32 $0x4, s30;
	v29 =	vmul.f32 v33, v7;
	v30 =	vsub.f32 v30, v22;
	v26 =	vld [tilespmem:s28+$0xFFFFA7D0]  }
0x3f5: {  	v18 =	vld [tilespmem:s28+$0xFFFFAFD0]  }
0x3f6: {  	v33 =	vld [tilespmem:s28+$0xFFFFB7D0]  }
0x3f7: {  	v27 =	vsub.f32 v27, v24;
	v34 =	vld [tilespmem:s28+$0xFFFFBFD0]  }
0x3f8: {  	v31 =	vsub.f32 v31, v25  }
0x3f9: {  	v32 =	vsub.f32 v32, v28;
	v27 =	vmul.f32 v27, v9  }
0x3fa: {  	v23 =	vor.u32 $0x80, v23;
	v31 =	vmul.f32 v31, v9  }
0x3fb: {  	v32 =	vmul.f32 v32, v17;
	v41 =	vadd.f32 v27, v24;
	v42 =	vsub.f32 v18, v26  }
0x3fc: {  	v44 =	vsub.f32 v34, v33;
	v43 =	vadd.f32 v31, v25  }
0x3fd: {  	v45 =	vadd.f32 v32, v28  }
0x3fe: {  	v46 =	vmul.f32 v42, v14;
	v47 =	vmul.f32 v44, v14;
	v25 =	vsub.f32 v43, v41  }
0x3ff: {  	s30 =	sadd.s32 $0x180, s25;
	v18 =	vld.idx.msk [tilespmem:v23+s20+$0x0], $0xffff  }
0x400: {  	[tilespmem:s30+$0x60] =	vst v45;
	v23 =	vadd.f32 v46, v26;
	v48 =	vadd.f32 v47, v33;
	v25 =	vmul.f32 v25, v16  }
0x401: {  	v28 =	vld [tilespmem:s28+$0xFFFFA800]  }
0x402: {  	v52 =	vmul.f32 v30, v7;
	v49 =	vld [tilespmem:s28+$0xFFFFB000];
	v51 =	vsub.f32 v48, v23;
	v24 =	vadd.f32 v25, v41  }
0x403: {  	v50 =	vld [tilespmem:s28+$0xFFFFB800]  }
0x404: {  	v21 =	vadd.f32 v29, v21;
	v22 =	vadd.f32 v52, v22;
	v53 =	vld [tilespmem:s28+$0xFFFFC000];
	v54 =	vmul.f32 v51, v15;
	[tilespmem:s30+$0xFFFFFFA0] =	vst v24  }
0x405: {  	v55 =	vld [tilespmem:s28+$0xFFFFA7C0]  }
0x406: {  	v22 =	vsub.f32 v22, v21;
	v23 =	vadd.f32 v54, v23;
	v56 =	vld [tilespmem:s28+$0xFFFFAFC0]  }
0x407: {  	v58 =	vld [tilespmem:s28+$0xFFFFB7C0]  }
0x408: {  	v22 =	vmul.f32 v22, v13;
	v60 =	vld [tilespmem:s28+$0xFFFFBFC0];
	[tilespmem:s30+$0x0] =	vst v23  }
0x409: {  	v57 =	vsub.f32 v49, v28;
	v59 =	vsub.f32 v53, v50;
	v62 =	vld [tilespmem:s28+$0xFFFFA7E0]  }
0x40a: {  	v21 =	vadd.f32 v22, v21;
	v63 =	vld [tilespmem:s28+$0xFFFFAFE0]  }
0x40b: {  	v61 =	vmul.f32 v57, v10;
	v29 =	vmul.f32 v59, v10;
	v37 =	vld [tilespmem:s28+$0xFFFFB7E0]  }
0x40c: {  	[tilespmem:s30+$0xFFFFFF40] =	vst v21;
	v39 =	vld [tilespmem:s28+$0xFFFFBFE0]  }
0x40d: {  	v42 =	vld [tilespmem:s28+$0xFFFFAFA0];
	v36 =	vadd.f32 v61, v28;
	v38 =	vadd.f32 v29, v50  }
0x40e: {  	v43 =	vld [tilespmem:s28+$0xFFFFB7A0];
	v26 =	vsub.f32 v56, v55;
	v40 =	vsub.f32 v60, v58  }
0x40f: {  	v45 =	vld [tilespmem:s28+$0xFFFFBFA0];
	v28 =	vsub.f32 v38, v36  }
0x410: {  	v41 =	vld [tilespmem:s28+$0xFFFFA7A0];
	v26 =	vmul.f32 v26, v9;
	v21 =	vmul.f32 v40, v9  }
0x411: {  	v28 =	vmul.f32 v28, v17;
	v44 =	vsub.f32 v63, v62;
	v46 =	vsub.f32 v39, v37  }
0x412: {  	v25 =	vadd.f32 v26, v55;
	v21 =	vadd.f32 v21, v58  }
0x413: {  	v22 =	vadd.f32 v28, v36  }
0x414: {  	v26 =	vmul.f32 v44, v14;
	v27 =	vmul.f32 v46, v14;
	v21 =	vsub.f32 v21, v25  }
0x415: {  	v48 =	vsub.f32 v45, v43;
	v47 =	vsub.f32 v42, v41  }
0x416: {  	[tilespmem:s30+$0x70] =	vst v22;
	v24 =	vadd.f32 v26, v62;
	v23 =	vadd.f32 v27, v37;
	v21 =	vmul.f32 v21, v16  }
0x417: {  	v52 =	vmul.f32 v48, v7;
	v22 =	vld [tilespmem:s28+$0xFFFFC7F0]  }
0x418: {  	v51 =	vmul.f32 v47, v7;
	v49 =	vld [tilespmem:s28+$0xFFFFCFF0];
	v23 =	vsub.f32 v23, v24;
	v21 =	vadd.f32 v21, v25  }
0x419: {  	v50 =	vld [tilespmem:s28+$0xFFFFD7F0]  }
0x41a: {  	v56 =	vadd.f32 v52, v43;
	v53 =	vld [tilespmem:s28+$0xFFFFDFF0];
	v55 =	vadd.f32 v51, v41;
	v54 =	vmul.f32 v23, v15;
	[tilespmem:s30+$0xFFFFFFB0] =	vst v21  }
0x41b: {  	v57 =	vld [tilespmem:s28+$0xFFFFC7B0]  }
0x41c: {  	v59 =	vsub.f32 v56, v55;
	v21 =	vadd.f32 v54, v24;
	v58 =	vld [tilespmem:s28+$0xFFFFCFB0]  }
0x41d: {  	v61 =	vld [tilespmem:s28+$0xFFFFD7B0]  }
0x41e: {  	v63 =	vmul.f32 v59, v13;
	v62 =	vld [tilespmem:s28+$0xFFFFDFB0];
	[tilespmem:s30+$0x10] =	vst v21  }
0x41f: {  	v60 =	vsub.f32 v49, v22;
	v27 =	vsub.f32 v53, v50;
	v37 =	vld [tilespmem:s28+$0xFFFFC7D0]  }
0x420: {  	v21 =	vadd.f32 v63, v55;
	v38 =	vld [tilespmem:s28+$0xFFFFCFD0]  }
0x421: {  	v36 =	vmul.f32 v60, v17;
	v27 =	vmul.f32 v27, v17;
	v39 =	vld [tilespmem:s28+$0xFFFFD7D0]  }
0x422: {  	v42 =	vld [tilespmem:s28+$0xFFFFDFD0];
	[tilespmem:s30+$0xFFFFFF50] =	vst v21  }
0x423: {  	v22 =	vadd.f32 v36, v22;
	v40 =	vadd.f32 v27, v50;
	v44 =	vld [tilespmem:s28+$0xFFFFC790]  }
0x424: {  	v45 =	vld [tilespmem:s28+$0xFFFFCF90];
	v41 =	vsub.f32 v58, v57;
	v43 =	vsub.f32 v62, v61  }
0x425: {  	v24 =	vsub.f32 v40, v22;
	v46 =	vld [tilespmem:s28+$0xFFFFD790]  }
0x426: {  	v48 =	vld [tilespmem:s28+$0xFFFFDF90];
	v27 =	vmul.f32 v41, v16;
	v21 =	vmul.f32 v43, v16  }
0x427: {  	v24 =	vmul.f32 v24, v18;
	v47 =	vsub.f32 v38, v37;
	v49 =	vsub.f32 v42, v39  }
0x428: {  	v26 =	vadd.f32 v27, v57;
	v21 =	vadd.f32 v21, v61  }
0x429: {  	v35 =	vld [tilespmem:s26+$0xFFFFFF90];
	v22 =	vadd.f32 v24, v22  }
0x42a: {  	v30 =	vld [tilespmem:s26+$0xFFFFE790];
	v27 =	vmul.f32 v47, v15;
	v28 =	vmul.f32 v49, v15;
	v21 =	vsub.f32 v21, v26  }
0x42b: {  	v34 =	vld [tilespmem:s26+$0xFFFFF7C0];
	v51 =	vsub.f32 v45, v44;
	v32 =	vsub.f32 v48, v46  }
0x42c: {  	v33 =	vld [tilespmem:s26+$0xFFFFEFC0];
	[tilespmem:s30+$0x80] =	vst v22;
	v25 =	vadd.f32 v27, v37;
	v23 =	vadd.f32 v28, v39;
	v21 =	vmul.f32 v21, v12  }
0x42d: {  	v22 =	vld [tilespmem:s28+$0xFFFFC800];
	v28 =	vmul.f32 v51, v13  }
0x42e: {  	v50 =	vld [tilespmem:s28+$0xFFFFD000];
	v32 =	vmul.f32 v32, v13;
	v23 =	vsub.f32 v23, v25;
	v26 =	vadd.f32 v21, v26  }
0x42f: {  	v52 =	vld [tilespmem:s28+$0xFFFFD800]  }
0x430: {  	v36 =	vld [tilespmem:s28+$0xFFFFE000];
	v53 =	vadd.f32 v28, v44;
	v54 =	vadd.f32 v32, v46;
	v23 =	vmul.f32 v23, v11;
	[tilespmem:s30+$0xFFFFFFC0] =	vst v26  }
0x431: {  	v55 =	vld [tilespmem:s28+$0xFFFFC7C0]  }
0x432: {  	v28 =	vsub.f32 v54, v53;
	v23 =	vadd.f32 v23, v25;
	v56 =	vld [tilespmem:s28+$0xFFFFCFC0]  }
0x433: {  	v57 =	vld [tilespmem:s28+$0xFFFFD7C0]  }
0x434: {  	v28 =	vmul.f32 v28, v8;
	v59 =	vld [tilespmem:s28+$0xFFFFDFC0];
	[tilespmem:s30+$0x20] =	vst v23  }
0x435: {  	v27 =	vsub.f32 v50, v22;
	v58 =	vsub.f32 v36, v52;
	v60 =	vld [tilespmem:s28+$0xFFFFC7E0]  }
0x436: {  	v26 =	vadd.f32 v28, v53;
	v62 =	vld [tilespmem:s28+$0xFFFFCFE0]  }
0x437: {  	v27 =	vmul.f32 v27, v17;
	v61 =	vmul.f32 v58, v17;
	v63 =	vld [tilespmem:s28+$0xFFFFD7E0]  }
0x438: {  	v40 =	vld [tilespmem:s28+$0xFFFFDFE0];
	[tilespmem:s30+$0xFFFFFF60] =	vst v26  }
0x439: {  	v22 =	vadd.f32 v27, v22;
	v17 =	vadd.f32 v61, v52;
	v26 =	vld [tilespmem:s28+$0xFFFFC7A0]  }
0x43a: {  	v37 =	vld [tilespmem:s28+$0xFFFFCFA0];
	v25 =	vsub.f32 v56, v55;
	v23 =	vsub.f32 v59, v57  }
0x43b: {  	v17 =	vsub.f32 v17, v22;
	v42 =	vld [tilespmem:s28+$0xFFFFD7A0]  }
0x43c: {  	v44 =	vld [tilespmem:s28+$0xFFFFDFA0];
	v25 =	vmul.f32 v25, v16;
	v41 =	vmul.f32 v23, v16  }
0x43d: {  	v29 =	vld [tilespmem:s26+$0xFFFFEF90];
	v17 =	vmul.f32 v17, v18;
	v43 =	vsub.f32 v62, v60;
	v28 =	vsub.f32 v40, v63  }
0x43e: {  	v24 =	vld [tilespmem:s26+$0xFFFFF790];
	v25 =	vadd.f32 v25, v55;
	v16 =	vadd.f32 v41, v57  }
0x43f: {  	v21 =	vld [tilespmem:s26+$0xFFFFE7C0];
	v17 =	vadd.f32 v17, v22  }
0x440: {  	v22 =	vld [tilespmem:s26+$0xFFFFFFC0];
	v31 =	vmul.f32 v43, v15;
	v45 =	vmul.f32 v28, v15;
	v16 =	vsub.f32 v16, v25  }
0x441: {  	[tilespmem:s30+$0x90] =	vst v17;
	v17 =	vld [tilespmem:s26+$0xFFFFEFE0];
	v47 =	vsub.f32 v37, v26;
	v32 =	vsub.f32 v44, v42  }
0x442: {  	v28 =	vld [tilespmem:s26+$0xFFFFE7E0];
	v31 =	vadd.f32 v31, v60;
	v15 =	vadd.f32 v45, v63;
	v16 =	vmul.f32 v16, v12  }
0x443: {  	v46 =	vld [tilespmem:s28+$0xFFFFE7F0];
	v36 =	vmul.f32 v47, v13  }
0x444: {  	v48 =	vld [tilespmem:s28+$0xFFFFEFF0];
	v50 =	vmul.f32 v32, v13;
	v15 =	vsub.f32 v15, v31;
	v16 =	vadd.f32 v16, v25  }
0x445: {  	v29 =	vsub.f32 v29, v30;
	v49 =	vld [tilespmem:s28+$0xFFFFF7F0]  }
0x446: {  	v52 =	vld [tilespmem:s28+$0xFFFFFFF0];
	v53 =	vadd.f32 v36, v26;
	v13 =	vadd.f32 v50, v42;
	v15 =	vmul.f32 v15, v11;
	[tilespmem:s30+$0xFFFFFFD0] =	vst v16  }
0x447: {  	v51 =	vsub.f32 v35, v24;
	v54 =	vld [tilespmem:s28+$0xFFFFE7B0]  }
0x448: {  	v55 =	vmul.f32 v29, v1;
	v13 =	vsub.f32 v13, v53;
	v15 =	vadd.f32 v15, v31;
	v56 =	vld [tilespmem:s28+$0xFFFFEFB0]  }
0x449: {  	v58 =	vld [tilespmem:s28+$0xFFFFF7B0]  }
0x44a: {  	v57 =	vmul.f32 v51, v1;
	v23 =	vadd.f32 v55, v30;
	v13 =	vmul.f32 v13, v8;
	v60 =	vld [tilespmem:s28+$0xFFFFFFB0];
	[tilespmem:s30+$0x30] =	vst v15  }
0x44b: {  	v59 =	vsub.f32 v48, v46;
	v61 =	vsub.f32 v52, v49;
	v62 =	vld [tilespmem:s28+$0xFFFFE7D0]  }
0x44c: {  	v24 =	vadd.f32 v57, v24;
	v13 =	vadd.f32 v13, v53;
	v63 =	vld [tilespmem:s28+$0xFFFFEFD0]  }
0x44d: {  	v30 =	vmul.f32 v59, v10;
	v31 =	vmul.f32 v61, v10;
	v40 =	vld [tilespmem:s28+$0xFFFFF7D0]  }
0x44e: {  	v24 =	vsub.f32 v24, v23;
	v43 =	vld [tilespmem:s28+$0xFFFFFFD0];
	[tilespmem:s30+$0xFFFFFF70] =	vst v13  }
0x44f: {  	v41 =	vadd.f32 v30, v46;
	v25 =	vadd.f32 v31, v49;
	v45 =	vld [tilespmem:s28+$0xFFFFE790]  }
0x450: {  	v24 =	vmul.f32 v24, v4;
	v47 =	vld [tilespmem:s28+$0xFFFFEF90];
	v42 =	vsub.f32 v56, v54;
	v15 =	vsub.f32 v60, v58  }
0x451: {  	v46 =	vsub.f32 v25, v41;
	v49 =	vld [tilespmem:s28+$0xFFFFF790]  }
0x452: {  	v23 =	vadd.f32 v24, v23;
	v50 =	vld [tilespmem:s28+$0xFFFFFF90];
	v44 =	vmul.f32 v42, v9;
	v15 =	vmul.f32 v15, v9  }
0x453: {  	v51 =	vld [tilespmem:s26+$0xFFFFFFE0];
	v24 =	vmul.f32 v46, v18;
	v48 =	vsub.f32 v63, v62;
	v29 =	vsub.f32 v43, v40  }
0x454: {  	v30 =	vld [tilespmem:s26+$0xFFFFF7E0];
	[tilespmem:s29+$0xFFFFFF80] =	vst v23;
	v13 =	vadd.f32 v44, v54;
	v15 =	vadd.f32 v15, v58  }
0x455: {  	v52 =	vld [tilespmem:s26+$0xFFFFE7A0];
	v16 =	vadd.f32 v24, v41  }
0x456: {  	v53 =	vld [tilespmem:s26+$0xFFFFEFA0];
	v26 =	vmul.f32 v48, v14;
	v29 =	vmul.f32 v29, v14;
	v15 =	vsub.f32 v15, v13  }
0x457: {  	v55 =	vld [tilespmem:s26+$0xFFFFFFA0];
	v56 =	vsub.f32 v47, v45;
	v57 =	vsub.f32 v50, v49  }
0x458: {  	v54 =	vld [tilespmem:s26+$0xFFFFF7A0];
	[tilespmem:s30+$0xA0] =	vst v16;
	v26 =	vadd.f32 v26, v62;
	v29 =	vadd.f32 v29, v40;
	v15 =	vmul.f32 v15, v12  }
0x459: {  	v33 =	vsub.f32 v33, v21;
	v58 =	vld [tilespmem:s28+$0xFFFFE800];
	v16 =	vmul.f32 v56, v7  }
0x45a: {  	v59 =	vld [tilespmem:s28+$0xFFFFF000];
	v25 =	vmul.f32 v57, v7;
	v29 =	vsub.f32 v29, v26;
	v13 =	vadd.f32 v15, v13  }
0x45b: {  	v33 =	vmul.f32 v33, v3;
	v22 =	vsub.f32 v22, v34;
	v60 =	vld [tilespmem:s28+$0xFFFFF800]  }
0x45c: {  	v63 =	vld [tilespmem:s28+$0x0];
	v61 =	vadd.f32 v16, v45;
	v62 =	vadd.f32 v25, v49;
	v38 =	vmul.f32 v29, v11;
	[tilespmem:s30+$0xFFFFFFE0] =	vst v13  }
0x45d: {  	v21 =	vadd.f32 v33, v21;
	v3 =	vmul.f32 v22, v3;
	v39 =	vld [tilespmem:s28+$0xFFFFE7C0]  }
0x45e: {  	v16 =	vsub.f32 v62, v61;
	v26 =	vadd.f32 v38, v26;
	v40 =	vld [tilespmem:s28+$0xFFFFEFC0]  }
0x45f: {  	v17 =	vsub.f32 v17, v28;
	v3 =	vadd.f32 v3, v34;
	v41 =	vld [tilespmem:s28+$0xFFFFF7C0]  }
0x460: {  	v23 =	vsub.f32 v51, v30;
	v24 =	vsub.f32 v53, v52;
	v16 =	vmul.f32 v16, v8;
	v42 =	vld [tilespmem:s28+$0xFFFFFFC0];
	[tilespmem:s30+$0x40] =	vst v26  }
0x461: {  	v19 =	vadd.f32 v20, v19;
	v17 =	vmul.f32 v17, v2;
	v3 =	vsub.f32 v3, v21;
	v44 =	vld [tilespmem:s28+$0xFFFFE7E0]  }
0x462: {  	v2 =	vmul.f32 v23, v2;
	v48 =	vmul.f32 v24, v1;
	v45 =	vadd.f32 v16, v61;
	v46 =	vld [tilespmem:s28+$0xFFFFEFE0]  }
0x463: {  	v47 =	vadd.f32 v17, v28;
	v43 =	vsub.f32 v55, v54;
	v49 =	vld [tilespmem:s28+$0xFFFFF7E0]  }
0x464: {  	v3 =	vmul.f32 v3, v6;
	v2 =	vadd.f32 v2, v30;
	v17 =	vadd.f32 v48, v52;
	v50 =	vld [tilespmem:s28+$0xFFFFFFE0];
	[tilespmem:s30+$0xFFFFFF80] =	vst v45  }
0x465: {  	v15 =	vsub.f32 v59, v58;
	v52 =	vsub.f32 v63, v60;
	v1 =	vmul.f32 v43, v1;
	v51 =	vld [tilespmem:s28+$0xFFFFE7A0]  }
0x466: {  	v3 =	vadd.f32 v3, v21;
	v2 =	vsub.f32 v2, v47;
	v53 =	vld [tilespmem:s28+$0xFFFFEFA0]  }
0x467: {  	v15 =	vmul.f32 v15, v10;
	v55 =	vmul.f32 v52, v10;
	v1 =	vadd.f32 v1, v54;
	v54 =	vld [tilespmem:s28+$0xFFFFF7A0]  }
0x468: {  	v56 =	vld [tilespmem:s28+$0xFFFFFFA0];
	v27 =	vsub.f32 v40, v39;
	v26 =	vsub.f32 v42, v41  }
0x469: {  	v15 =	vadd.f32 v15, v58;
	v10 =	vadd.f32 v55, v60  }
0x46a: {  	v1 =	vsub.f32 v1, v17;
	v27 =	vmul.f32 v27, v9;
	v57 =	vmul.f32 v26, v9  }
0x46b: {  	v13 =	vsub.f32 v46, v44;
	v6 =	vsub.f32 v50, v49  }
0x46c: {  	v58 =	vadd.f32 v27, v39;
	v9 =	vadd.f32 v57, v41  }
0x46d: {  	v59 =	vsub.f32 v53, v51;
	v24 =	vsub.f32 v56, v54  }
0x46e: {  	v10 =	vsub.f32 v10, v15;
	v13 =	vmul.f32 v13, v14;
	v6 =	vmul.f32 v6, v14  }
0x46f: {  	v9 =	vsub.f32 v9, v58;
	v60 =	vmul.f32 v59, v7;
	v61 =	vmul.f32 v24, v7  }
0x470: {  	v2 =	vmul.f32 v2, v5;
	v62 =	vadd.f32 v13, v44;
	v6 =	vadd.f32 v6, v49  }
0x471: {  	v1 =	vmul.f32 v1, v4;
	v63 =	vadd.f32 v60, v51;
	v7 =	vadd.f32 v61, v54  }
0x472: {  	[tilespmem:s25+$0xB0] =	vst v19;
	v2 =	vadd.f32 v2, v47;
	v10 =	vmul.f32 v10, v18;
	v6 =	vsub.f32 v6, v62  }
0x473: {  	[tilespmem:s29+$0xFFFFFFF0] =	vst v3;
	v1 =	vadd.f32 v1, v17;
	v3 =	vmul.f32 v9, v12;
	v7 =	vsub.f32 v7, v63  }
0x474: {  	[tilespmem:s29+$0x50] =	vst v2;
	v2 =	vadd.f32 v10, v15;
	v6 =	vmul.f32 v6, v11  }
0x475: {  	[tilespmem:s29+$0xFFFFFF90] =	vst v1;
	v1 =	vadd.f32 v3, v58;
	v3 =	vmul.f32 v7, v8  }
0x476: {  	[tilespmem:s30+$0xB0] =	vst v2;
	v2 =	vadd.f32 v6, v62  }
0x477: {  	[tilespmem:s30+$0xFFFFFFF0] =	vst v1;
	v1 =	vadd.f32 v3, v63  }
0x478: {  	[tilespmem:s30+$0x50] =	vst v2  }
0x479: {  	s0 =	simm.s32 @!p0 $0x6;
	[tilespmem:s30+$0xFFFFFF90] =	vst v1  }
0x47a: {  	_ =	swait.ge @!p0 [sflag:s0], $0x1800  }
0x47b: {  	s23 =	sadd.s32 $0x1, s23;
	[sflag:s0] =	ssyncset.done @!p0 $0x0  }
0x47c: {  	[sflag:s0] =	ssyncadd.s32 @!p0 $0xFFFFE800;
	p0 =	sne.s32 s23, $0x40  }
.Ltmp6:
0x47d: {  	s24 =	sadd.s32 s4, s24;
	(pc) =	sbr.rel @p0 .LBB2_4-.Ltmp6, $3  }
0x47e: {  	s24 =	smul.u32 $0xC, s24;
	_ =	sdelay $0x1  }
0x47f: {  	s31 =	sadd.s32 s2, s24  }
0x480: {  	[hbm4b:s31+s3] =	stream.linear.scatter [tilespmem:s21], [sflag:$0x6], $0x1800, $0x38;
	[tilespmem:$0xFB80] =	vst v63  }
0x481: {  	s0 =	simm.s32 $0x5  }
0x482: {  	_ =	swait.ge [sflag:s0], $0x1800  }
0x483: {  	[sflag:s0] =	ssyncset.done $0x0  }
0x484: {  	s23 =	simm.s32 $0x6;
	[sflag:s0] =	ssyncadd.s32 $0xFFFFE800  }
0x485: {  	_ =	swait.ge [sflag:s23], $0x1800  }
0x486: {  	s24 =	rddreg [dreg:$0x7]  }
0x487: {  	s31 =	rddreg [dreg:$0x6];
	s24 =	sadd.s32 $0x1, s24  }
0x488: {  	p0 =	sne.s32 s24, s31  }
.Ltmp7:
0x489: {  	_ = 	snop;
	(pc) =	sbr.rel @p0 .LBB2_1-.Ltmp7, $3  }
0x48a: {  	_ =	sdelay $0x1  }
0x48b: {  	[sflag:s23] =	ssyncset.done $0x0  }
0x48c: {  	[sflag:s23] =	ssyncadd.s32 $0xFFFFE800  }
0x48d: {  	_ =	sfence.sel $0x180000  }
0x48e: {  	[bflag:$0x0] =	sbarrier.arrive $0xFFFF  }
0x48f: {  	_ =	strace $0x90000047  }
0x490: {  	s0 =	stileid.u32;
	[bflag:$0x2] =	sbarrier.arrive $0xFFFF  }
0x491: {  	p0 =	sne.s32 s0, $0x0;
	s0 =	rddreg [dreg:$0x2]  }
0x492: {  	s0 =	sadd.s32 @!p0 $0x100000, s0  }
0x493: {  	[sflag:s0] =	ssyncadd.tile.s32 @!p0 $0x1;
	_ =	shalt  }
.Lfunc_end2:
_tile_overlayer_lowered:
.L_overlay_start_2:
0x494: {  	(tag) =	ssettag $0x2  }
0x495: {  	s0 =	rddreg [dreg:$0x0];
	s2 =	stileid.u32  }
0x496: {  	s1 =	rddreg [dreg:$0x1];
	p0 =	sne.s32 s2, $0x0  }
0x497: {  	s3 =	rddreg [dreg:$0x2];
	[bflag:$0x3] =	sbarrier.arrive $0xFFFF;
	s2 =	simm.s32 @!p0 $0x1C07  }
0x498: {  	[timem:s3], [sflag:s2] =	dma.local @!p0 [hbm:s0], s1  }
0x499: {  	s0 =	simm.s32 @!p0 $0x7  }
0x49a: {  	_ =	swait.ge @!p0 [sflag:s0], s1  }
0x49b: {  	s1 =	ssub.s32 @!p0 $0x0, s1;
	[sflag:s0] =	ssyncset.done @!p0 $0x0  }
0x49c: {  	[sflag:s0] =	ssyncadd.s32 @!p0 s1  }
0x49d: {  	[bflag:$0x3] =	sbarrier.arrive $0xFFFF  }
0x49e: {  	_ =	shalt  }

// kernel: sparse-core-data-format-call.cloned.1.call-start
scs
called_computation_lowered:
.L_overlay_start_0:
0x0: {  	s2 =	sld [smem:$0x3FD9]  }
0x1: {  	s3 =	sld [smem:$0x3FFE];
	_ =	sdelay $0x1  }
0x2: {  	s1 =	srdreg.scid  }
0x3: {  	s0 =	sand.u32 $0x1, s1  }
0x4: {  	s18 =	sshll.u32 s0, $0xA;
	s2 =	sadd.s32 s3, s2  }
0x5: {  	s2 =	sadd.s32 s2, s18  }
0x6: {  	[smem:$0x3FC6] =	sst s2  }
0x7: {  	_ = 	snop  }
0x8: {  	s2 =	sld [smem:$0x3FD0];
	(tm) =	ssettm $0x1  }
0x9: {  	s19 =	sld [smem:$0x3FFB];
	_ =	sdelay $0x3  }
0xa: {  	_ =	strace s19  }
0xb: {  	s3 =	sld [smem:$0x3FFC];
	_ =	sdelay $0x3  }
0xc: {  	_ =	strace s3  }
0xd: {  	s3 =	sld [smem:$0x3FFD];
	_ =	sdelay $0x3  }
0xe: {  	_ =	strace s3  }
0xf: {  	_ =	strace $0x8FFFFFFF  }
0x10: {  	s20 =	sld [smem:$0x3FDB];
	_ =	sdelay $0x1  }
0x11: {  	s4 =	simm.s32 $_scs_section_size  }
0x12: {  	s5 =	simm.s32 $_size__tile_overlayer_lowered;
	s6 =	simm.s32 $_tile_overlayer_lowered  }
0x13: {  	s23 =	simm.s32 $0x1BFF;
	s22 =	sshll.u32 s6, $0x1;
	s3 =	sadd.s32 s4, s20  }
0x14: {  	s7 =	simm.s32 $0x0;
	s21 =	sshll.u32 s5, $0x1;
	s5 =	sadd.s32 s22, s3  }
0x15: {  	[timem:s7], [sflag:s23] =	dma.local [hbm:s5], s21  }
0x16: {  	_ =	swait.ge [sflag:s23], s21  }
0x17: {  	s4 =	ssub.s32 $0x0, s21;
	[sflag:s23] =	ssyncset.done $0x0  }
0x18: {  	[sflag:s23] =	ssyncadd.s32 s4;
	_ =	sdelay $0x1  }
0x19: {  	s24 =	simm.s32 $0x1B8B  }
0x1a: {  	_ =	swait.ge [sflag:s24], $0x1  }
0x1b: {  	[sflag:s24] =	ssyncset.done $0x0  }
0x1c: {  	s26 =	simm.s32 $0x1B8E;
	s25 =	sld [smem:$0x3FFE];
	[sflag:s24] =	ssyncadd.s32 $0xFFFFFFFF  }
0x1d: {  	s27 =	simm.s32 $execute0_lowered;
	[smem:$0x3FD2] =	sst s26  }
0x1e: {  	s5 =	sshll.u32 s27, $0x1;
	_ =	strace $0x80000049;
	[dreg:$0x1] =	wrdreg $0xFFFFFFFF  }
0x1f: {  	s28 =	simm.s32 $_size_execute0_lowered;
	s3 =	sadd.s32 s3, s5;
	[dreg:$0x0] =	wrdreg $0x0  }
0x20: {  	s5 =	sshll.u32 s28, $0x1;
	[dreg:$0x2] =	wrdreg s3  }
0x21: {  	[dreg:$0x3] =	wrdreg s5  }
0x22: {  	[dreg:$0x4] =	wrdreg $0xC0  }
0x23: {  	_ =	task [dreg:s7], $0x5FFFF  }
0x24: {  	[dreg:$0x1] =	wrdreg $0xFFFFFFFF  }
0x25: {  	[dreg:$0x0] =	wrdreg $0x60  }
0x26: {  	[dreg:$0x2] =	wrdreg s25  }
0x27: {  	[dreg:$0x3] =	wrdreg s2  }
0x28: {  	[dreg:$0x4] =	wrdreg $0x9  }
0x29: {  	_ =	task.clear_ibuf [dreg:s7], $0x5FFFF;
	_ =	strace $0x90000049  }
0x2a: {  	s29 =	simm.s32 $0x9;
	_ =	strace $0x8000004B  }
0x2b: {  	_ =	swait.ge [sflag:s29], $0x1  }
0x2c: {  	[sflag:s29] =	ssyncadd.s32 $0xFFFFFFFF  }
0x2d: {  	_ =	strace $0x9000004B  }
0x2e: {  	_ =	sfence  }
0x2f: {  	s30 =	sld [smem:$0x0];
	_ =	sdelay $0x2  }
0x30: {  	s31 =	sshll.u32 s1, $0xD;
	s1 =	sshrl.u32 s1, $0x2  }
0x31: {  	s3 =	sand.u32 $0x4000, s31;
	s1 =	sadd.s32 s1, s30  }
0x32: {  	s0 =	sor.u32 s3, s0;
	s1 =	sshll.u32 s1, $0x11  }
0x33: {  	s0 =	sor.u32 s1, s0  }
0x34: {  	s0 =	sadd.s32 $0x8F2B, s0  }
0x35: {  	[sflag:s0] =	ssyncadd.remote.s32 $0x1  }
0x36: {  	_ =	sfence.sel $0xFFFF  }
0x37: {  	[dreg:$0x0] =	wrdreg $0xFFFFFFFF;
	(pc) =	sbr.abs _section_cstart, $3  }
0x38: {  	[dreg:$0x1] =	wrdreg $0xFFFFFFFF  }
0x39: {  	_ =	task.clear_ibuf [dreg:s7], $0x2FFFF;
	_ =	strace $0x9FFFFFFF  }
0x3a: {  	(tm) =	ssettm $0x7FFFFFFF  }
0x3b: {  	_ =	shalt  }
tec
execute0_lowered:
.L_overlay_start_1:
0x0: {  	(tag) =	ssettag $0x1  }
0x1: {  	s0 =	srdreg.scid  }
0x2: {  	s5 =	rddreg [dreg:$0x0];
	s1 =	sshll.u32 s0, $0x4  }
0x3: {  	s2 =	rddreg [dreg:$0x1];
	s0 =	stileid.u32;
	s1 =	sand.u32 $0x10, s1  }
0x4: {  	s4 =	simm.s32 $0x1;
	s8 =	simm.s32 $0x2;
	s1 =	sor.u32 s0, s1  }
0x5: {  	s12 =	simm.s32 $0x0;
	s9 =	simm.s32 $0x0;
	s3 =	sshll.u32 s1, $0x7  }
0x6: {  	s11 =	simm.s32 $0x0;
	s5 =	sadd.s32 $0xA00, s5;
	s6 =	ssub.s32 $0x40000, s3  }
.Ltmp0:
0x7: {  	s1 =	rddreg [dreg:$0x2];
	s7 =	sand.u32 $0xF80, s6;
	(pc) =	sbr.rel .LBB1_1-.Ltmp0, $4  }
0x8: {  	_ =	strace $0x8000004A;
	p0 =	sne.s32 s7, $0x0;
	s7 =	simm.s32 $0x1  }
0x9: {  	[sflag:s4] =	ssyncpa.u1 $0x0;
	s6 =	sshrl.u32 s6, $0xC;
	s7 =	simm.s32 @!p0 $0x0  }
0xa: {  	s10 =	smov.u32 s3;
	[sflag:s8] =	ssyncpa.u1 $0x0;
	s6 =	sadd.s32 s7, s6  }
0xb: {  	s8 =	simm.s32 $0x200000;
	p0 =	por $0x0, $0x0;
	s7 =	sadd.s32 $0x1, s6  }
.LBB1_4:
0xc: {  	v5 =	vld [tilespmem:s14+$0xFFFFFFD0];
	[tilespmem:s16+$0x2040 ss:$0x81] =	vst.msk $0xffff, v3  }
0xd: {  	s18 =	sshll.u32 s9, $0x3;
	v58 =	vld [tilespmem:s14+$0xFFFFFFE0];
	[tilespmem:s16+$0x2850 ss:$0x81] =	vst.msk $0xffff, v4  }
0xe: {  	s17 =	sshra.s32 s17, $0x2;
	v59 =	vld [tilespmem:s14+$0xFFFFFFF0];
	[tilespmem:s16+$0x3060 ss:$0x81] =	vst.msk $0xffff, v2;
	p1 =	sgt.s32 s9, $0x3FF80;
	s19 =	sshrl.u32 s18, $0x12  }
0xf: {  	v60 =	vld [tilespmem:s14+$0x0];
	[tilespmem:s16+$0x0 ss:$0x81] =	vst.msk $0xffff, v1;
	s27 =	sshra.s32 s9, $0x1F;
	s15 =	sadd.s32 s17, s15;
	s20 =	smul.u32 $0x2AAB, s19  }
0x10: {  	v61 =	vld [tilespmem:s14+$0x10];
	s28 =	sand.u32 $0x78, s9;
	s30 =	sand.u32 $0x7, s9;
	s17 =	smov.u32 s9;
	[tilespmem:s15+$0x3870 ss:$0x81] =	vst.msk $0xffff, v0  }
0x11: {  	v62 =	vld [tilespmem:s14+$0x20];
	s17 =	simm.s32 @!p1 $0x3FF80;
	s26 =	sshrl.u32 s20, $0x14;
	s20 =	sand.u32 s27, s9;
	[tilespmem:s15+$0x810 ss:$0x81] =	vst.msk $0xffff, v5  }
0x12: {  	v63 =	vld [tilespmem:s14+$0xFFFFFFC0];
	s18 =	sand.u32 $0x3FC00, s18;
	s16 =	smul.u32 $0x60, s26;
	s17 =	ssub.s32 s17, s20;
	[tilespmem:s15+$0x1020 ss:$0x81] =	vst.msk $0xffff, v58  }
0x13: {  	s14 =	sor.u32 s28, s18;
	s18 =	sshll.u32 s30, $0x12;
	[tilespmem:s15+$0x1830 ss:$0x81] =	vst.msk $0xffff, v59;
	s29 =	ssub.s32 $0x40000, s17  }
0x14: {  	s14 =	sshrl.u32 s14, $0x3;
	[tilespmem:s15+$0x2040 ss:$0x81] =	vst.msk $0xffff, v60;
	s16 =	ssub.s32 s19, s16;
	s19 =	smul.u32 $0x180, s29  }
0x15: {  	s14 =	sadd.s32 s2, s14;
	[tilespmem:s15+$0x2850 ss:$0x81] =	vst.msk $0xffff, v61;
	s17 =	sadd.s32 $0xFFFC0080, s17;
	s16 =	sand.u32 $0xFFFF, s16  }
0x16: {  	[tilespmem:s15+$0x3060 ss:$0x81] =	vst.msk $0xffff, v62;
	p1 =	sgt.s32 s17, $0x7F;
	s17 =	sshrl.u32 s19, $0x2;
	s16 =	sshll.u32 s16, $0xF  }
0x17: {  	s31 =	sor.u32 $0x400, s18;
	[tilespmem:s15+$0x0 ss:$0x81] =	vst.msk $0xffff, v63;
	s17 =	simm.s32 @p1 $0x0;
	s14 =	sadd.s32 s16, s14  }
0x18: {  	[hbm4b:s14+s31] =	stream.strided.scatter [tilespmem:s13], [sflag:$0x2], s17, s8, s31, $0x20;
	[tilespmem:$0x10100] =	vst v63  }
.LBB1_5:
0x19: {  	p1 =	slt.u32 s11, $0x2  }
0x1a: {  	p2 =	sgt.s32 @!p1 s12, $0x3FF80  }
0x1b: {  	s13 =	smov.u32 s12;
	s14 =	sshra.s32 @!p1 s12, $0x1F;
	p2 =	por !p2, p1  }
0x1c: {  	s12 =	sand.u32 @!p1 s14, s12;
	s13 =	simm.s32 @p2 $0x3FF80  }
0x1d: {  	s12 =	ssub.s32 @!p1 s13, s12  }
0x1e: {  	s13 =	ssub.s32 @!p1 $0x40000, s12  }
0x1f: {  	s12 =	sadd.s32 @!p1 $0xFFFC0080, s12;
	s13 =	smul.u32 @!p1 $0x180, s13  }
0x20: {  	p2 =	sgt.s32 @!p1 s12, $0x7F  }
0x21: {  	s14 =	sadd.s32 $0x1000, s10;
	p2 =	por !p2, p1;
	s12 =	sshrl.u32 @!p1 s13, $0x2  }
0x22: {  	s12 =	simm.s32 @!p2 $0x0;
	p2 =	sgt.s32 s14, $0x3FFFF  }
0x23: {  	s14 =	smov.u32 @p2 s3;
	p2 =	sne.s32 s11, s7  }
.Ltmp1:
0x24: {  	_ = 	snop;
	(pc) =	sbr.rel @!p2 .LBB1_6-.Ltmp1, $4  }
0x25: {  	s13 =	simm.s32 @!p1 $0x2  }
0x26: {  	p0 =	por !p0, !p0;
	_ =	swait.ge @!p1 [sflag:s13], s12;
	s15 =	ssub.s32 @!p1 $0x0, s12  }
0x27: {  	s12 =	smov.u32 s9;
	s11 =	sadd.s32 $0x1, s11;
	[sflag:s13] =	ssyncset.done @!p1 $0x0  }
0x28: {  	s9 =	smov.u32 s10;
	s10 =	smov.u32 s14;
	[sflag:s13] =	ssyncadd.s32 @!p1 s15  }
.LBB1_1:
0x29: {  	p1 =	sge.u32 s11, s6  }
0x2a: {  	s13 =	sxor.u32 @!p1 $0xFFFFFFFF, s11;
	s14 =	sshll.u32 @!p1 s10, $0x4  }
0x2b: {  	s31 =	sadd.s32 $0xFFFFFFFF, s11;
	s13 =	sshll.u32 @!p1 s13, $0xE;
	s14 =	sand.u32 @!p1 $0x3FFFF0, s14  }
0x2c: {  	s15 =	simm.s32 @!p1 $0x0;
	s13 =	sand.u32 @!p1 $0x4000, s13;
	s14 =	sadd.s32 @!p1 s5, s14  }
0x2d: {  	[tilespmem:s13], [sflag:$0x1] =	stream.linear.gather @!p1 [hbm4b:s14+s15], $0x4000, $0x38;
	[tilespmem:$0x10100] =	vst v63  }
0x2e: {  	p1 =	sge.u32 s31, s6  }
.Ltmp2:
0x2f: {  	_ = 	snop;
	(pc) =	sbr.rel @p1 .LBB1_5-.Ltmp2, $1  }
0x30: {  	_ =	sdelay $0x3  }
0x31: {  	s13 =	simm.s32 $0x1  }
0x32: {  	_ =	swait.ge [sflag:s4], $0x4000;
	s13 =	simm.s32 @!p0 $0x0  }
0x33: {  	[sflag:s4] =	ssyncset.done $0x0;
	s14 =	sshll.u32 s13, $0xE  }
0x34: {  	[sflag:s4] =	ssyncadd.s32 $0xFFFFC000;
	s14 =	sor.u32 $0x40, s14  }
0x35: {  	s13 =	smul.u32 $0x10200, s13;
	v0 =	vld [tilespmem:s14+$0x30]  }
0x36: {  	v1 =	vld [tilespmem:s14+$0xFFFFFFD0]  }
0x37: {  	s13 =	sshrl.u32 s13, $0x2;
	v5 =	vld [tilespmem:s14+$0xFFFFFFE0]  }
0x38: {  	v6 =	vld [tilespmem:s14+$0xFFFFFFF0];
	s15 =	sor.u32 $0x8000, s13  }
0x39: {  	s31 =	sand.u32 $0x1, s11;
	v3 =	vld [tilespmem:s14+$0x0];
	s16 =	sadd.s32 $0x0, s15  }
0x3a: {  	v4 =	vld [tilespmem:s14+$0x10];
	s13 =	smul.u32 $0x10200, s31;
	[tilespmem:s16+$0x3870 ss:$0x81] =	vst.msk $0xffff, v0  }
0x3b: {  	v2 =	vld [tilespmem:s14+$0x20];
	[tilespmem:s16+$0x810 ss:$0x81] =	vst.msk $0xffff, v1  }
0x3c: {  	s13 =	sshrl.u32 s13, $0x2;
	v1 =	vld [tilespmem:s14+$0xFFFFFFC0];
	[tilespmem:s16+$0x1020 ss:$0x81] =	vst.msk $0xffff, v5;
	s14 =	sadd.s32 $0x80, s14  }
0x3d: {  	s17 =	simm.s32 $0x4;
	s18 =	simm.s32 $0x8;
	s13 =	sor.u32 $0x8000, s13;
	[tilespmem:s16+$0x1830 ss:$0x81] =	vst.msk $0xffff, v6;
	v0 =	vld [tilespmem:s14+$0x30]  }
.LBB1_3:
0x3e: {  	p1 =	sne.s32 s18, $0x1FC;
	v5 =	vld [tilespmem:s14+$0xFFFFFFD0];
	[tilespmem:s16+$0x2040 ss:$0x81] =	vst.msk $0xffff, v3  }
0x3f: {  	v6 =	vld [tilespmem:s14+$0xFFFFFFE0];
	[tilespmem:s16+$0x2850 ss:$0x81] =	vst.msk $0xffff, v4  }
0x40: {  	s19 =	sshra.s32 s17, $0x2;
	s17 =	smov.u32 s18;
	v7 =	vld [tilespmem:s14+$0xFFFFFFF0];
	[tilespmem:s16+$0x3060 ss:$0x81] =	vst.msk $0xffff, v2  }
.Ltmp3:
0x41: {  	v3 =	vld [tilespmem:s14+$0x0];
	[tilespmem:s16+$0x0 ss:$0x81] =	vst.msk $0xffff, v1;
	s16 =	sadd.s32 s19, s15;
	(pc) =	sbr.rel @p1 .LBB1_3-.Ltmp3, $4  }
0x42: {  	v4 =	vld [tilespmem:s14+$0x10];
	[tilespmem:s16+$0x3870 ss:$0x81] =	vst.msk $0xffff, v0  }
0x43: {  	[tilespmem:s16+$0x810 ss:$0x81] =	vst.msk $0xffff, v5;
	v2 =	vld [tilespmem:s14+$0x20]  }
0x44: {  	v1 =	vld [tilespmem:s14+$0xFFFFFFC0];
	[tilespmem:s16+$0x1020 ss:$0x81] =	vst.msk $0xffff, v6;
	s14 =	sadd.s32 $0x80, s14  }
0x45: {  	s18 =	sadd.s32 $0x4, s18;
	v0 =	vld [tilespmem:s14+$0x30];
	[tilespmem:s16+$0x1830 ss:$0x81] =	vst.msk $0xffff, v7  }
.Ltmp4:
0x46: {  	_ = 	snop;
	(pc) =	sbr.rel .LBB1_4-.Ltmp4, $1  }
0x47: {  	_ =	sdelay $0x3  }
.LBB1_6:
0x48: {  	_ =	sfence.sel $0x180000  }
0x49: {  	s2 =	simm.s32 $0x1;
	[bflag:$0x0] =	sbarrier.arrive $0xFFFF  }
0x4a: {  	s31 =	simm.s32 $0x2;
	[sflag:s2] =	ssyncpa.u1 $0x1  }
0x4b: {  	[sflag:s31] =	ssyncpa.u1 $0x1  }
0x4c: {  	p0 =	sne.s32 s0, $0x0;
	_ =	strace $0x9000004A  }
0x4d: {  	s0 =	sadd.s32 @!p0 $0x100000, s1;
	[bflag:$0x2] =	sbarrier.arrive $0xFFFF  }
0x4e: {  	[sflag:s0] =	ssyncadd.tile.s32 @!p0 $0x1;
	_ =	shalt  }
.Lfunc_end1:
_tile_overlayer_lowered:
.L_overlay_start_2:
0x4f: {  	(tag) =	ssettag $0x2  }
0x50: {  	s0 =	rddreg [dreg:$0x0];
	s2 =	stileid.u32  }
0x51: {  	s1 =	rddreg [dreg:$0x1];
	p0 =	sne.s32 s2, $0x0  }
0x52: {  	s3 =	rddreg [dreg:$0x2];
	[bflag:$0x3] =	sbarrier.arrive $0xFFFF;
	s2 =	simm.s32 @!p0 $0x1C01  }
0x53: {  	[timem:s3], [sflag:s2] =	dma.local @!p0 [hbm:s0], s1  }
0x54: {  	s0 =	simm.s32 @!p0 $0x1  }
0x55: {  	_ =	swait.ge @!p0 [sflag:s0], s1  }
0x56: {  	s1 =	ssub.s32 @!p0 $0x0, s1;
	[sflag:s0] =	ssyncset.done @!p0 $0x0  }
0x57: {  	[sflag:s0] =	ssyncadd.s32 @!p0 s1  }
0x58: {  	[bflag:$0x3] =	sbarrier.arrive $0xFFFF  }
0x59: {  	_ =	shalt  }

</sc_bundles>
